<compile_context>
chip_gen: v7x
topology: tpu7x:2x2x1
jax: 0.10.2.dev20260603
libtpu: 0.0.44.dev20260713+nightly
codegen_flags: <defaults>
</compile_context>

<pallas_src>
import functools

import jax
import jax.numpy as jnp
from jax import lax
from jax.experimental import pallas as pl
from jax.experimental.pallas import tpu as pltpu
from jax.experimental.pallas import tpu_sc as plsc

EMBED_DIM = 1024
ADDED_OFFSET = 50000
SINCOS = 1000
VQ_START = 56000
VQ_END = 64192
VQ_VOCAB = 8192
VQ_DIM = 256

NC, NS, L = 2, 16, 16
NW = NC * NS
NTOK = 4 * 4096
BPW = NTOK // NW
K = 16
NBUF = 6
FLAT = -(-(BPW + 2 * L) // K) * K
NROW2D = FLAT // K

RANGES = (
    (0, ADDED_OFFSET),
    (ADDED_OFFSET, ADDED_OFFSET + SINCOS),
    (ADDED_OFFSET + SINCOS, VQ_START),
    (VQ_START, VQ_END),
)


def _sc_scratch(nranges):
    return (
        [pltpu.VMEM((BPW,), jnp.int32)]
        + [pltpu.VMEM((FLAT,), jnp.int32) for _ in range(nranges)]
        + [pltpu.VMEM((FLAT,), jnp.int32) for _ in range(nranges)]
        + [pltpu.VMEM((NROW2D, K), jnp.int32) for _ in range(nranges)]
        + [pltpu.VMEM((K, EMBED_DIM), jnp.float32) for _ in range(NBUF)]
        + [pltpu.SemaphoreType.DMA for _ in range(2 * NBUF)]
    )


def _sc_common(range_ids, tables, x_hbm, out_hbm,
               ids_v, idxs, poss, pos2d, rows, gsems, ssems):
    nr = len(range_ids)
    wid = lax.axis_index("s") * NC + lax.axis_index("c")
    base = wid * BPW
    pltpu.sync_copy(x_hbm.at[pl.ds(base, BPW)], ids_v)

    lane = lax.iota(jnp.int32, L)

    def compact_step(j, cnts):
        v = ids_v[pl.ds(j * L, L)]
        p = base + j * L + lane
        new_cnts = []
        for k in range(nr):
            lo, hi = RANGES[range_ids[k]]
            m = (v >= lo) & (v < hi)
            mi = m.astype(jnp.int32)
            scan = plsc.cumsum(mi)
            dest = cnts[k] + scan - mi
            plsc.store_scatter(idxs[k], [dest], v - lo, mask=m)
            plsc.store_scatter(poss[k], [dest], p, mask=m)
            new_cnts.append(cnts[k] + scan[L - 1])
        return tuple(new_cnts)

    cnts = lax.fori_loop(
        0, BPW // L, compact_step, (jnp.int32(0),) * nr)

    for k in range(nr):
        @pl.when(cnts[k] > 0)
        def _(k=k):
            di = jnp.broadcast_to(idxs[k][pl.ds(0, L)][0], (L,))
            dp = jnp.broadcast_to(poss[k][pl.ds(0, L)][0], (L,))
            idxs[k][pl.ds(cnts[k], L)] = di
            idxs[k][pl.ds(cnts[k] + L, L)] = di
            poss[k][pl.ds(cnts[k], L)] = dp
            poss[k][pl.ds(cnts[k] + L, L)] = dp

    def repack_step(j, carry):
        for k in range(nr):
            for h in range(K // L):
                pos2d[k][j, pl.ds(h * L, L)] = poss[k][pl.ds(j * K + h * L, L)]
        return carry

    lax.fori_loop(0, NROW2D, repack_step, 0)

    def wait_sem(sem, buf):
        pltpu.make_async_copy(out_hbm.at[pl.ds(0, K)], buf, sem).wait()

    nchs = [(cnts[k] + (K - 1)) // K for k in range(nr)]
    for k in range(nr):
        nch = nchs[k]
        ngrp = (nch + (NBUF - 1)) // NBUF
        prior = [None] * NBUF
        for s in range(NBUF):
            for kp in range(k):
                used = nchs[kp] > s
                prior[s] = used if prior[s] is None else (prior[s] | used)

        def grp_step(i, carry, k=k, nch=nch, prior=prior):
            c0 = NBUF * i
            for s in range(NBUF):
                @pl.when(c0 + s < nch)
                def _(s=s):
                    busy = (i > 0) if prior[s] is None else ((i > 0) | prior[s])

                    @pl.when(busy)
                    def _():
                        wait_sem(ssems[s], rows[s])

                    pltpu.async_copy(
                        tables[k].at[idxs[k].at[pl.ds((c0 + s) * K, K)]],
                        rows[s], gsems[s])

            for s in range(NBUF):
                @pl.when(c0 + s < nch)
                def _(s=s):
                    wait_sem(gsems[s], rows[s])
                    pltpu.async_copy(
                        rows[s], out_hbm.at[pos2d[k].at[c0 + s]], ssems[s])

            return carry

        lax.fori_loop(0, ngrp, grp_step, 0)

    for s in range(NBUF):
        used = nchs[0] > s
        for k in range(1, nr):
            used = used | (nchs[k] > s)

        @pl.when(used)
        def _(s=s):
            wait_sem(ssems[s], rows[s])


_SC_MESH = plsc.VectorSubcoreMesh(core_axis_name="c", subcore_axis_name="s")
_SC_PARAMS = pltpu.CompilerParams(needs_layout_passes=False)


def _unpack_scratch(nr, scr):
    ids_v = scr[0]
    idxs = scr[1:1 + nr]
    poss = scr[1 + nr:1 + 2 * nr]
    pos2d = scr[1 + 2 * nr:1 + 3 * nr]
    rows = scr[1 + 3 * nr:1 + 3 * nr + NBUF]
    gsems = scr[1 + 3 * nr + NBUF:1 + 3 * nr + 2 * NBUF]
    ssems = scr[1 + 3 * nr + 2 * NBUF:1 + 3 * nr + 3 * NBUF]
    return ids_v, idxs, poss, pos2d, rows, gsems, ssems


@functools.partial(
    pl.kernel,
    out_type=jax.ShapeDtypeStruct((NTOK, EMBED_DIM), jnp.float32),
    mesh=_SC_MESH,
    scratch_types=_sc_scratch(3),
    compiler_params=_SC_PARAMS,
)
def _sc_text(tok_hbm, num_hbm, add_hbm, x_hbm, out_hbm, *scr):
    _sc_common((0, 1, 2), (tok_hbm, num_hbm, add_hbm), x_hbm, out_hbm,
               *_unpack_scratch(3, scr))


@functools.partial(
    pl.kernel,
    out_type=(),
    mesh=_SC_MESH,
    scratch_types=_sc_scratch(1),
    compiler_params=_SC_PARAMS,
)
def _sc_img(img_hbm, x_hbm, out_hbm, *scr):
    _sc_common((3,), (img_hbm,), x_hbm, out_hbm, *_unpack_scratch(1, scr))


def _proj_body(cb_ref, w_ref, out_ref):
    out_ref[:] = lax.dot_general(
        cb_ref[:], w_ref[:], (((1,), (1,)), ((), ())),
        preferred_element_type=jnp.float32)


def _project(cb, w):
    return pl.pallas_call(
        _proj_body,
        grid=(8,),
        in_specs=[
            pl.BlockSpec((VQ_VOCAB // 8, VQ_DIM), lambda i: (i, 0)),
            pl.BlockSpec((EMBED_DIM, VQ_DIM), lambda i: (0, 0)),
        ],
        out_specs=pl.BlockSpec((VQ_VOCAB // 8, EMBED_DIM), lambda i: (i, 0)),
        out_shape=jax.ShapeDtypeStruct((VQ_VOCAB, EMBED_DIM), jnp.float32),
    )(cb, w)


def kernel(x, token_table, added_table, numbers_table, vqgan_codebook, proj_W):
    img_table = _project(vqgan_codebook, proj_W)
    xf = x.reshape(-1).astype(jnp.int32)
    out = _sc_text(token_table, numbers_table, added_table, xf)
    out_ref = jax.new_ref(out)
    _sc_img(img_table, xf, out_ref)
    return out_ref[...].reshape(x.shape[0], x.shape[1], EMBED_DIM)

# --- scband reference (transcript-rebuilt; emitter-appended) ---
"""Pipeline reference for scband-clevrthree-dembedding-with-sin-cos-numbers-90452011253991 (READ-ONLY COPY).

The authoritative reference and input builder live on the scoring server;
editing this copy changes nothing except your own understanding.
"""

import jax, jax.numpy as jnp
import numpy as np

VOCAB = 50000
EMBED_DIM = 1024
ADDED_OFFSET = 50000
SINCOS = 1000
VQ_START = 56000
VQ_END = 64192
VQ_VOCAB = 8192
VQ_DIM = 256
IMG_OFFSET = 56000
ADDED_SIZE = IMG_OFFSET - ADDED_OFFSET - SINCOS  # 5000
B, S = 4, 4096


def get_sin_cos_positional_embedding(num_positions, embedding_dim):
    position = np.arange(num_positions)[:, np.newaxis]
    dim = np.arange(embedding_dim)[np.newaxis, :]
    angle_rates = 1 / np.power(10000, 2 * (dim // 2) / np.float32(embedding_dim))
    pe = np.zeros((num_positions, embedding_dim))
    pe[:, 0::2] = np.sin(position * angle_rates[:, 0::2])
    pe[:, 1::2] = np.cos(position * angle_rates[:, 1::2])
    return pe


def setup_inputs(seed: int = 0) -> dict:
    key = jax.random.key(seed)
    k1, k2, k3, k4, k5 = jax.random.split(key, 5)
    x = jax.random.randint(k1, (B, S), 0, VQ_END, dtype=jnp.int64 if jax.config.jax_enable_x64 else jnp.int32)
    token_table = jax.random.normal(k2, (VOCAB, EMBED_DIM), dtype=jnp.float32) * 0.02
    added_table = jax.random.normal(k3, (ADDED_SIZE, EMBED_DIM), dtype=jnp.float32) * 0.02
    numbers_table = jnp.asarray(get_sin_cos_positional_embedding(SINCOS, EMBED_DIM), dtype=jnp.float32)
    vqgan_codebook = jax.random.normal(k4, (VQ_VOCAB, VQ_DIM), dtype=jnp.float32) * 0.02
    proj_W = jax.random.normal(k5, (EMBED_DIM, VQ_DIM), dtype=jnp.float32) * 0.02
    return {"x": x, "token_table": token_table, "added_table": added_table,
            "numbers_table": numbers_table, "vqgan_codebook": vqgan_codebook, "proj_W": proj_W}


def reference(x, token_table, added_table, numbers_table, vqgan_codebook, proj_W):
    text_mask = (x >= 0) & (x < ADDED_OFFSET)
    number_mask = (x >= ADDED_OFFSET) & (x < ADDED_OFFSET + SINCOS)
    three_d_mask = (x >= ADDED_OFFSET + SINCOS) & (x < VQ_START)
    image_mask = (x >= VQ_START) & (x < VQ_END)

    # torch: masked copy, then shift, then clamp negatives to 0 ==
    # where(mask, x - offset, 0) since shifted in-mask values are >= 0
    text_tokens = jnp.where(text_mask, x, 0)
    numbers_tokens = jnp.where(number_mask, x - ADDED_OFFSET, 0)
    three_d_tokens = jnp.where(three_d_mask, x - (ADDED_OFFSET + SINCOS), 0)
    image_tokens = jnp.where(image_mask, x - IMG_OFFSET, 0)

    text_embeddings = jnp.take(token_table, text_tokens, axis=0)
    image_embeddings = jnp.take(vqgan_codebook, image_tokens, axis=0)
    image_embeddings = image_embeddings @ proj_W.T  # Linear(vq_dim -> embed_dim, bias=False)
    numbers_embeddings = jnp.take(numbers_table, numbers_tokens, axis=0)
    three_d_embeddings = jnp.take(added_table, three_d_tokens, axis=0)

    embeddings = jnp.zeros((x.shape[0], x.shape[1], EMBED_DIM), dtype=jnp.float32)
    embeddings = jnp.where(text_mask[..., None], text_embeddings, embeddings)
    embeddings = jnp.where(image_mask[..., None], image_embeddings, embeddings)
    embeddings = jnp.where(number_mask[..., None], numbers_embeddings, embeddings)
    embeddings = jnp.where(three_d_mask[..., None], three_d_embeddings, embeddings)
    return embeddings

if __name__ == "__main__":
    import jax
    _d = setup_inputs()
    print(jax.jit(kernel)(*tuple(_d.values())))

</pallas_src>

<mosaic_0001>
#map = affine_map<(d0, d1) -> (0, 0)>
#map1 = affine_map<(d0, d1) -> (0)>
module attributes {stable_mosaic.version = 14 : i64} {
  func.func @_sc_text(%arg0: i32, %arg1: i32, %arg2: memref<50000x1024xf32, #tpu.memory_space<hbm>>, %arg3: memref<1000x1024xf32, #tpu.memory_space<hbm>>, %arg4: memref<5000x1024xf32, #tpu.memory_space<hbm>>, %arg5: memref<16384xi32, #tpu.memory_space<hbm>>, %arg6: memref<16384x1024xf32, #tpu.memory_space<hbm>>, %arg7: memref<512xi32, #tpu.memory_space<vmem>>, %arg8: memref<544xi32, #tpu.memory_space<vmem>>, %arg9: memref<544xi32, #tpu.memory_space<vmem>>, %arg10: memref<544xi32, #tpu.memory_space<vmem>>, %arg11: memref<544xi32, #tpu.memory_space<vmem>>, %arg12: memref<544xi32, #tpu.memory_space<vmem>>, %arg13: memref<544xi32, #tpu.memory_space<vmem>>, %arg14: memref<34x16xi32, #tpu.memory_space<vmem>>, %arg15: memref<34x16xi32, #tpu.memory_space<vmem>>, %arg16: memref<34x16xi32, #tpu.memory_space<vmem>>, %arg17: memref<16x1024xf32, #tpu.memory_space<vmem>>, %arg18: memref<16x1024xf32, #tpu.memory_space<vmem>>, %arg19: memref<16x1024xf32, #tpu.memory_space<vmem>>, %arg20: memref<16x1024xf32, #tpu.memory_space<vmem>>, %arg21: memref<16x1024xf32, #tpu.memory_space<vmem>>, %arg22: memref<16x1024xf32, #tpu.memory_space<vmem>>, %arg23: memref<!tpu.dma_semaphore, #tpu.memory_space<semaphore_mem>>, %arg24: memref<!tpu.dma_semaphore, #tpu.memory_space<semaphore_mem>>, %arg25: memref<!tpu.dma_semaphore, #tpu.memory_space<semaphore_mem>>, %arg26: memref<!tpu.dma_semaphore, #tpu.memory_space<semaphore_mem>>, %arg27: memref<!tpu.dma_semaphore, #tpu.memory_space<semaphore_mem>>, %arg28: memref<!tpu.dma_semaphore, #tpu.memory_space<semaphore_mem>>, %arg29: memref<!tpu.dma_semaphore, #tpu.memory_space<semaphore_mem>>, %arg30: memref<!tpu.dma_semaphore, #tpu.memory_space<semaphore_mem>>, %arg31: memref<!tpu.dma_semaphore, #tpu.memory_space<semaphore_mem>>, %arg32: memref<!tpu.dma_semaphore, #tpu.memory_space<semaphore_mem>>, %arg33: memref<!tpu.dma_semaphore, #tpu.memory_space<semaphore_mem>>, %arg34: memref<!tpu.dma_semaphore, #tpu.memory_space<semaphore_mem>>) attributes {dimension_semantics = [#tpu.dimension_semantics<core_parallel>, #tpu.dimension_semantics<subcore_parallel>], iteration_bounds = array<i64: 2, 16>, scalar_prefetch = 0 : i64, scratch_operands = 28 : i64, tpu.core_type = #tpu.core_type<sc_vector_subcore>, window_params = [{transform_indices = #map}, {transform_indices = #map}, {transform_indices = #map}, {transform_indices = #map1}, {transform_indices = #map}]} {
    %mul3A = arith.constant 2 : i32
    %mul3A_0 = arith.muli %arg1, %mul3A : i32
    %add3A = arith.addi %mul3A_0, %arg0 : i32
    %mul3A_1 = arith.constant 512 : i32
    %mul3A_2 = arith.muli %add3A, %mul3A_1 : i32
    "tpu.region"() ({
      %run_scoped3A = tpu.sem_alloc : memref<!tpu.dma_semaphore, #tpu.memory_space<semaphore_mem>>
      %dma_start3A = tpu.memref_slice %arg5[%mul3A_2] : memref<16384xi32, #tpu.memory_space<hbm>> -> memref<512xi32, #tpu.memory_space<hbm>>
      %dma_start3A_313 = tpu.memref_slice %arg5[%mul3A_2] : memref<16384xi32, #tpu.memory_space<hbm>> -> memref<512xi32, #tpu.memory_space<hbm>>
      tpu.enqueue_dma source(%dma_start3A_313 : memref<512xi32, #tpu.memory_space<hbm>>) target(%arg7 : memref<512xi32, #tpu.memory_space<vmem>>) target_semaphore(%run_scoped3A : memref<!tpu.dma_semaphore, #tpu.memory_space<semaphore_mem>>)
      %dma_wait3A = tpu.memref_slice %arg5[%mul3A_2] : memref<16384xi32, #tpu.memory_space<hbm>> -> memref<512xi32, #tpu.memory_space<hbm>>
      %dma_wait3A_314 = tpu.memref_slice %arg5[%mul3A_2] : memref<16384xi32, #tpu.memory_space<hbm>> -> memref<512xi32, #tpu.memory_space<hbm>>
      tpu.wait_dma2 semaphore(%run_scoped3A : memref<!tpu.dma_semaphore, #tpu.memory_space<semaphore_mem>>) src(%dma_wait3A_314 : memref<512xi32, #tpu.memory_space<hbm>>) dst(%arg7 : memref<512xi32, #tpu.memory_space<vmem>>)
      tpu.yield
    }) : () -> ()
    %iota3A = tpu.iota {dimensions = array<i32: 0>} : vector<16xi32>
    %scan3A = arith.constant 0 : i32
    %scan3A_3 = arith.constant 0 : i32
    %scan3A_4 = arith.constant 0 : i32
    %scan3A_5 = arith.constant 0 : i32
    %scan3A_6 = arith.constant 32 : i32
    %scan3A_7 = arith.addi %scan3A_5, %scan3A_6 : i32
    %scan3A_8 = arith.constant 1 : i32
    %scan3A_9:3 = scf.for %scan3A_313 = %scan3A_5 to %scan3A_7 step %scan3A_8 iter_args(%scan3A_314 = %scan3A, %scan3A_315 = %scan3A_3, %scan3A_316 = %scan3A_4) -> (i32, i32, i32)  : i32 {
      %mul3A_317 = arith.constant 16 : i32
      %mul3A_318 = arith.muli %scan3A_313, %mul3A_317 : i32
      %get3A = arith.index_cast %mul3A_318 : i32 to index
      %get3A_319 = tpu.vector_load %arg7[%get3A] {strides = array<i32>} : memref<512xi32, #tpu.memory_space<vmem>>, vector<16xi32>,
      %mul3A_320 = arith.constant 16 : i32
      %mul3A_321 = arith.muli %scan3A_313, %mul3A_320 : i32
      %add3A_322 = arith.addi %mul3A_2, %mul3A_321 : i32
      %add3A_323 = vector.broadcast %add3A_322 : i32 to vector<16xi32>
      %add3A_324 = arith.addi %add3A_323, %iota3A : vector<16xi32>
      %ge3A = arith.constant 0 : i32
      %ge3A_325 = vector.broadcast %ge3A : i32 to vector<16xi32>
      %ge3A_326 = arith.cmpi sge, %get3A_319, %ge3A_325 : vector<16xi32>
      %lt3A = arith.constant 50000 : i32
      %lt3A_327 = vector.broadcast %lt3A : i32 to vector<16xi32>
      %lt3A_328 = arith.cmpi slt, %get3A_319, %lt3A_327 : vector<16xi32>
      %and3A_329 = arith.andi %ge3A_326, %lt3A_328 : vector<16xi1>
      %convert_element_type3A_330 = arith.extui %and3A_329 : vector<16xi1> to vector<16xi32>
      %broadcast_in_dim3A = arith.constant true
      %broadcast_in_dim3A_331 = vector.broadcast %broadcast_in_dim3A : i1 to vector<16xi1>
      %masked_cumsum3A = tpu.scan <sum>, %convert_element_type3A_330 masked %broadcast_in_dim3A_331 : vector<16xi32>, vector<16xi1> -> vector<16xi32>
      %add3A_332 = vector.broadcast %scan3A_314 : i32 to vector<16xi32>
      %add3A_333 = arith.addi %add3A_332, %masked_cumsum3A : vector<16xi32>
      %sub3A_334 = arith.subi %add3A_333, %convert_element_type3A_330 : vector<16xi32>
      %sub3A_335 = arith.constant 0 : i32
      %sub3A_336 = vector.broadcast %sub3A_335 : i32 to vector<16xi32>
      %sub3A_337 = arith.subi %get3A_319, %sub3A_336 : vector<16xi32>
      tpu.vector_store_idx %arg8[%sub3A_334], %sub3A_337 masked %and3A_329 : memref<544xi32, #tpu.memory_space<vmem>>[vector<16xi32>], vector<16xi32>, vector<16xi1>
      tpu.vector_store_idx %arg11[%sub3A_334], %add3A_324 masked %and3A_329 : memref<544xi32, #tpu.memory_space<vmem>>[vector<16xi32>], vector<16xi32>, vector<16xi1>
      %slice3A = vector.extract_strided_slice %masked_cumsum3A {offsets = [15], sizes = [1], strides = [1]} : vector<16xi32> to vector<1xi32>
      %squeeze3A = vector.extract %slice3A[0] : i32 from vector<1xi32>
      %add3A_338 = arith.addi %scan3A_314, %squeeze3A : i32
      %ge3A_339 = arith.constant 50000 : i32
      %ge3A_340 = vector.broadcast %ge3A_339 : i32 to vector<16xi32>
      %ge3A_341 = arith.cmpi sge, %get3A_319, %ge3A_340 : vector<16xi32>
      %lt3A_342 = arith.constant 51000 : i32
      %lt3A_343 = vector.broadcast %lt3A_342 : i32 to vector<16xi32>
      %lt3A_344 = arith.cmpi slt, %get3A_319, %lt3A_343 : vector<16xi32>
      %and3A_345 = arith.andi %ge3A_341, %lt3A_344 : vector<16xi1>
      %convert_element_type3A_346 = arith.extui %and3A_345 : vector<16xi1> to vector<16xi32>
      %broadcast_in_dim3A_347 = arith.constant true
      %broadcast_in_dim3A_348 = vector.broadcast %broadcast_in_dim3A_347 : i1 to vector<16xi1>
      %masked_cumsum3A_349 = tpu.scan <sum>, %convert_element_type3A_346 masked %broadcast_in_dim3A_348 : vector<16xi32>, vector<16xi1> -> vector<16xi32>
      %add3A_350 = vector.broadcast %scan3A_315 : i32 to vector<16xi32>
      %add3A_351 = arith.addi %add3A_350, %masked_cumsum3A_349 : vector<16xi32>
      %sub3A_352 = arith.subi %add3A_351, %convert_element_type3A_346 : vector<16xi32>
      %sub3A_353 = arith.constant 50000 : i32
      %sub3A_354 = vector.broadcast %sub3A_353 : i32 to vector<16xi32>
      %sub3A_355 = arith.subi %get3A_319, %sub3A_354 : vector<16xi32>
      tpu.vector_store_idx %arg9[%sub3A_352], %sub3A_355 masked %and3A_345 : memref<544xi32, #tpu.memory_space<vmem>>[vector<16xi32>], vector<16xi32>, vector<16xi1>
      tpu.vector_store_idx %arg12[%sub3A_352], %add3A_324 masked %and3A_345 : memref<544xi32, #tpu.memory_space<vmem>>[vector<16xi32>], vector<16xi32>, vector<16xi1>
      %slice3A_356 = vector.extract_strided_slice %masked_cumsum3A_349 {offsets = [15], sizes = [1], strides = [1]} : vector<16xi32> to vector<1xi32>
      %squeeze3A_357 = vector.extract %slice3A_356[0] : i32 from vector<1xi32>
      %add3A_358 = arith.addi %scan3A_315, %squeeze3A_357 : i32
      %ge3A_359 = arith.constant 51000 : i32
      %ge3A_360 = vector.broadcast %ge3A_359 : i32 to vector<16xi32>
      %ge3A_361 = arith.cmpi sge, %get3A_319, %ge3A_360 : vector<16xi32>
      %lt3A_362 = arith.constant 56000 : i32
      %lt3A_363 = vector.broadcast %lt3A_362 : i32 to vector<16xi32>
      %lt3A_364 = arith.cmpi slt, %get3A_319, %lt3A_363 : vector<16xi32>
      %and3A_365 = arith.andi %ge3A_361, %lt3A_364 : vector<16xi1>
      %convert_element_type3A_366 = arith.extui %and3A_365 : vector<16xi1> to vector<16xi32>
      %broadcast_in_dim3A_367 = arith.constant true
      %broadcast_in_dim3A_368 = vector.broadcast %broadcast_in_dim3A_367 : i1 to vector<16xi1>
      %masked_cumsum3A_369 = tpu.scan <sum>, %convert_element_type3A_366 masked %broadcast_in_dim3A_368 : vector<16xi32>, vector<16xi1> -> vector<16xi32>
      %add3A_370 = vector.broadcast %scan3A_316 : i32 to vector<16xi32>
      %add3A_371 = arith.addi %add3A_370, %masked_cumsum3A_369 : vector<16xi32>
      %sub3A_372 = arith.subi %add3A_371, %convert_element_type3A_366 : vector<16xi32>
      %sub3A_373 = arith.constant 51000 : i32
      %sub3A_374 = vector.broadcast %sub3A_373 : i32 to vector<16xi32>
      %sub3A_375 = arith.subi %get3A_319, %sub3A_374 : vector<16xi32>
      tpu.vector_store_idx %arg10[%sub3A_372], %sub3A_375 masked %and3A_365 : memref<544xi32, #tpu.memory_space<vmem>>[vector<16xi32>], vector<16xi32>, vector<16xi1>
      tpu.vector_store_idx %arg13[%sub3A_372], %add3A_324 masked %and3A_365 : memref<544xi32, #tpu.memory_space<vmem>>[vector<16xi32>], vector<16xi32>, vector<16xi1>
      %slice3A_376 = vector.extract_strided_slice %masked_cumsum3A_369 {offsets = [15], sizes = [1], strides = [1]} : vector<16xi32> to vector<1xi32>
      %squeeze3A_377 = vector.extract %slice3A_376[0] : i32 from vector<1xi32>
      %add3A_378 = arith.addi %scan3A_316, %squeeze3A_377 : i32
      scf.yield %add3A_338, %add3A_358, %add3A_378 : i32, i32, i32
    }
    %scan3A_10 = arith.constant 32 : i32
    %gt3A = arith.constant 0 : i32
    %gt3A_11 = arith.cmpi sgt, %scan3A_9#0, %gt3A : i32
    %convert_element_type3A = arith.extui %gt3A_11 : i1 to i32
    %cond3A = arith.constant 0 : i32
    %cond3A_12 = arith.cmpi ne, %convert_element_type3A, %cond3A : i32
    scf.if %cond3A_12 {
      %get3A = arith.constant 0 : index
      %get3A_313 = tpu.vector_load %arg8[%get3A] {strides = array<i32>} : memref<544xi32, #tpu.memory_space<vmem>>, vector<16xi32>,
      %slice3A = vector.extract_strided_slice %get3A_313 {offsets = [0], sizes = [1], strides = [1]} : vector<16xi32> to vector<1xi32>
      %squeeze3A = vector.extract %slice3A[0] : i32 from vector<1xi32>
      %broadcast_in_dim3A = vector.broadcast %squeeze3A : i32 to vector<16xi32>
      %get3A_314 = arith.constant 0 : index
      %get3A_315 = tpu.vector_load %arg11[%get3A_314] {strides = array<i32>} : memref<544xi32, #tpu.memory_space<vmem>>, vector<16xi32>,
      %slice3A_316 = vector.extract_strided_slice %get3A_315 {offsets = [0], sizes = [1], strides = [1]} : vector<16xi32> to vector<1xi32>
      %squeeze3A_317 = vector.extract %slice3A_316[0] : i32 from vector<1xi32>
      %broadcast_in_dim3A_318 = vector.broadcast %squeeze3A_317 : i32 to vector<16xi32>
      %swap3A = arith.index_cast %scan3A_9#0 : i32 to index
      %swap3A_319 = tpu.vector_load %arg8[%swap3A] {strides = array<i32>} : memref<544xi32, #tpu.memory_space<vmem>>, vector<16xi32>,
      tpu.vector_store %arg8[%swap3A], %broadcast_in_dim3A {strides = array<i32>} : memref<544xi32, #tpu.memory_space<vmem>>, vector<16xi32>,
      %add3A_320 = arith.constant 16 : i32
      %add3A_321 = arith.addi %scan3A_9#0, %add3A_320 : i32
      %swap3A_322 = arith.index_cast %add3A_321 : i32 to index
      %swap3A_323 = tpu.vector_load %arg8[%swap3A_322] {strides = array<i32>} : memref<544xi32, #tpu.memory_space<vmem>>, vector<16xi32>,
      tpu.vector_store %arg8[%swap3A_322], %broadcast_in_dim3A {strides = array<i32>} : memref<544xi32, #tpu.memory_space<vmem>>, vector<16xi32>,
      %swap3A_324 = arith.index_cast %scan3A_9#0 : i32 to index
      %swap3A_325 = tpu.vector_load %arg11[%swap3A_324] {strides = array<i32>} : memref<544xi32, #tpu.memory_space<vmem>>, vector<16xi32>,
      tpu.vector_store %arg11[%swap3A_324], %broadcast_in_dim3A_318 {strides = array<i32>} : memref<544xi32, #tpu.memory_space<vmem>>, vector<16xi32>,
      %add3A_326 = arith.constant 16 : i32
      %add3A_327 = arith.addi %scan3A_9#0, %add3A_326 : i32
      %swap3A_328 = arith.index_cast %add3A_327 : i32 to index
      %swap3A_329 = tpu.vector_load %arg11[%swap3A_328] {strides = array<i32>} : memref<544xi32, #tpu.memory_space<vmem>>, vector<16xi32>,
      tpu.vector_store %arg11[%swap3A_328], %broadcast_in_dim3A_318 {strides = array<i32>} : memref<544xi32, #tpu.memory_space<vmem>>, vector<16xi32>,
    } else {
    }
    %gt3A_13 = arith.constant 0 : i32
    %gt3A_14 = arith.cmpi sgt, %scan3A_9#1, %gt3A_13 : i32
    %convert_element_type3A_15 = arith.extui %gt3A_14 : i1 to i32
    %cond3A_16 = arith.constant 0 : i32
    %cond3A_17 = arith.cmpi ne, %convert_element_type3A_15, %cond3A_16 : i32
    scf.if %cond3A_17 {
      %get3A = arith.constant 0 : index
      %get3A_313 = tpu.vector_load %arg9[%get3A] {strides = array<i32>} : memref<544xi32, #tpu.memory_space<vmem>>, vector<16xi32>,
      %slice3A = vector.extract_strided_slice %get3A_313 {offsets = [0], sizes = [1], strides = [1]} : vector<16xi32> to vector<1xi32>
      %squeeze3A = vector.extract %slice3A[0] : i32 from vector<1xi32>
      %broadcast_in_dim3A = vector.broadcast %squeeze3A : i32 to vector<16xi32>
      %get3A_314 = arith.constant 0 : index
      %get3A_315 = tpu.vector_load %arg12[%get3A_314] {strides = array<i32>} : memref<544xi32, #tpu.memory_space<vmem>>, vector<16xi32>,
      %slice3A_316 = vector.extract_strided_slice %get3A_315 {offsets = [0], sizes = [1], strides = [1]} : vector<16xi32> to vector<1xi32>
      %squeeze3A_317 = vector.extract %slice3A_316[0] : i32 from vector<1xi32>
      %broadcast_in_dim3A_318 = vector.broadcast %squeeze3A_317 : i32 to vector<16xi32>
      %swap3A = arith.index_cast %scan3A_9#1 : i32 to index
      %swap3A_319 = tpu.vector_load %arg9[%swap3A] {strides = array<i32>} : memref<544xi32, #tpu.memory_space<vmem>>, vector<16xi32>,
      tpu.vector_store %arg9[%swap3A], %broadcast_in_dim3A {strides = array<i32>} : memref<544xi32, #tpu.memory_space<vmem>>, vector<16xi32>,
      %add3A_320 = arith.constant 16 : i32
      %add3A_321 = arith.addi %scan3A_9#1, %add3A_320 : i32
      %swap3A_322 = arith.index_cast %add3A_321 : i32 to index
      %swap3A_323 = tpu.vector_load %arg9[%swap3A_322] {strides = array<i32>} : memref<544xi32, #tpu.memory_space<vmem>>, vector<16xi32>,
      tpu.vector_store %arg9[%swap3A_322], %broadcast_in_dim3A {strides = array<i32>} : memref<544xi32, #tpu.memory_space<vmem>>, vector<16xi32>,
      %swap3A_324 = arith.index_cast %scan3A_9#1 : i32 to index
      %swap3A_325 = tpu.vector_load %arg12[%swap3A_324] {strides = array<i32>} : memref<544xi32, #tpu.memory_space<vmem>>, vector<16xi32>,
      tpu.vector_store %arg12[%swap3A_324], %broadcast_in_dim3A_318 {strides = array<i32>} : memref<544xi32, #tpu.memory_space<vmem>>, vector<16xi32>,
      %add3A_326 = arith.constant 16 : i32
      %add3A_327 = arith.addi %scan3A_9#1, %add3A_326 : i32
      %swap3A_328 = arith.index_cast %add3A_327 : i32 to index
      %swap3A_329 = tpu.vector_load %arg12[%swap3A_328] {strides = array<i32>} : memref<544xi32, #tpu.memory_space<vmem>>, vector<16xi32>,
      tpu.vector_store %arg12[%swap3A_328], %broadcast_in_dim3A_318 {strides = array<i32>} : memref<544xi32, #tpu.memory_space<vmem>>, vector<16xi32>,
    } else {
    }
    %gt3A_18 = arith.constant 0 : i32
    %gt3A_19 = arith.cmpi sgt, %scan3A_9#2, %gt3A_18 : i32
    %convert_element_type3A_20 = arith.extui %gt3A_19 : i1 to i32
    %cond3A_21 = arith.constant 0 : i32
    %cond3A_22 = arith.cmpi ne, %convert_element_type3A_20, %cond3A_21 : i32
    scf.if %cond3A_22 {
      %get3A = arith.constant 0 : index
      %get3A_313 = tpu.vector_load %arg10[%get3A] {strides = array<i32>} : memref<544xi32, #tpu.memory_space<vmem>>, vector<16xi32>,
      %slice3A = vector.extract_strided_slice %get3A_313 {offsets = [0], sizes = [1], strides = [1]} : vector<16xi32> to vector<1xi32>
      %squeeze3A = vector.extract %slice3A[0] : i32 from vector<1xi32>
      %broadcast_in_dim3A = vector.broadcast %squeeze3A : i32 to vector<16xi32>
      %get3A_314 = arith.constant 0 : index
      %get3A_315 = tpu.vector_load %arg13[%get3A_314] {strides = array<i32>} : memref<544xi32, #tpu.memory_space<vmem>>, vector<16xi32>,
      %slice3A_316 = vector.extract_strided_slice %get3A_315 {offsets = [0], sizes = [1], strides = [1]} : vector<16xi32> to vector<1xi32>
      %squeeze3A_317 = vector.extract %slice3A_316[0] : i32 from vector<1xi32>
      %broadcast_in_dim3A_318 = vector.broadcast %squeeze3A_317 : i32 to vector<16xi32>
      %swap3A = arith.index_cast %scan3A_9#2 : i32 to index
      %swap3A_319 = tpu.vector_load %arg10[%swap3A] {strides = array<i32>} : memref<544xi32, #tpu.memory_space<vmem>>, vector<16xi32>,
      tpu.vector_store %arg10[%swap3A], %broadcast_in_dim3A {strides = array<i32>} : memref<544xi32, #tpu.memory_space<vmem>>, vector<16xi32>,
      %add3A_320 = arith.constant 16 : i32
      %add3A_321 = arith.addi %scan3A_9#2, %add3A_320 : i32
      %swap3A_322 = arith.index_cast %add3A_321 : i32 to index
      %swap3A_323 = tpu.vector_load %arg10[%swap3A_322] {strides = array<i32>} : memref<544xi32, #tpu.memory_space<vmem>>, vector<16xi32>,
      tpu.vector_store %arg10[%swap3A_322], %broadcast_in_dim3A {strides = array<i32>} : memref<544xi32, #tpu.memory_space<vmem>>, vector<16xi32>,
      %swap3A_324 = arith.index_cast %scan3A_9#2 : i32 to index
      %swap3A_325 = tpu.vector_load %arg13[%swap3A_324] {strides = array<i32>} : memref<544xi32, #tpu.memory_space<vmem>>, vector<16xi32>,
      tpu.vector_store %arg13[%swap3A_324], %broadcast_in_dim3A_318 {strides = array<i32>} : memref<544xi32, #tpu.memory_space<vmem>>, vector<16xi32>,
      %add3A_326 = arith.constant 16 : i32
      %add3A_327 = arith.addi %scan3A_9#2, %add3A_326 : i32
      %swap3A_328 = arith.index_cast %add3A_327 : i32 to index
      %swap3A_329 = tpu.vector_load %arg13[%swap3A_328] {strides = array<i32>} : memref<544xi32, #tpu.memory_space<vmem>>, vector<16xi32>,
      tpu.vector_store %arg13[%swap3A_328], %broadcast_in_dim3A_318 {strides = array<i32>} : memref<544xi32, #tpu.memory_space<vmem>>, vector<16xi32>,
    } else {
    }
    %scan3A_23 = arith.constant 0 : i32
    %scan3A_24 = arith.constant 0 : i32
    %scan3A_25 = arith.constant 34 : i32
    %scan3A_26 = arith.addi %scan3A_24, %scan3A_25 : i32
    %scan3A_27 = arith.constant 1 : i32
    scf.for %scan3A_313 = %scan3A_24 to %scan3A_26 step %scan3A_27  : i32 {
      %mul3A_314 = arith.constant 16 : i32
      %mul3A_315 = arith.muli %scan3A_313, %mul3A_314 : i32
      %add3A_316 = arith.constant 0 : i32
      %add3A_317 = arith.addi %mul3A_315, %add3A_316 : i32
      %get3A = arith.index_cast %add3A_317 : i32 to index
      %get3A_318 = tpu.vector_load %arg11[%get3A] {strides = array<i32>} : memref<544xi32, #tpu.memory_space<vmem>>, vector<16xi32>,
      %swap3A = arith.index_cast %scan3A_313 : i32 to index
      %swap3A_319 = arith.constant 0 : index
      %swap3A_320 = tpu.vector_load %arg14[%swap3A, %swap3A_319] {strides = array<i32>} : memref<34x16xi32, #tpu.memory_space<vmem>>, vector<16xi32>,
      tpu.vector_store %arg14[%swap3A, %swap3A_319], %get3A_318 {strides = array<i32>} : memref<34x16xi32, #tpu.memory_space<vmem>>, vector<16xi32>,
      %mul3A_321 = arith.constant 16 : i32
      %mul3A_322 = arith.muli %scan3A_313, %mul3A_321 : i32
      %add3A_323 = arith.constant 0 : i32
      %add3A_324 = arith.addi %mul3A_322, %add3A_323 : i32
      %get3A_325 = arith.index_cast %add3A_324 : i32 to index
      %get3A_326 = tpu.vector_load %arg12[%get3A_325] {strides = array<i32>} : memref<544xi32, #tpu.memory_space<vmem>>, vector<16xi32>,
      %swap3A_327 = arith.index_cast %scan3A_313 : i32 to index
      %swap3A_328 = arith.constant 0 : index
      %swap3A_329 = tpu.vector_load %arg15[%swap3A_327, %swap3A_328] {strides = array<i32>} : memref<34x16xi32, #tpu.memory_space<vmem>>, vector<16xi32>,
      tpu.vector_store %arg15[%swap3A_327, %swap3A_328], %get3A_326 {strides = array<i32>} : memref<34x16xi32, #tpu.memory_space<vmem>>, vector<16xi32>,
      %mul3A_330 = arith.constant 16 : i32
      %mul3A_331 = arith.muli %scan3A_313, %mul3A_330 : i32
      %add3A_332 = arith.constant 0 : i32
      %add3A_333 = arith.addi %mul3A_331, %add3A_332 : i32
      %get3A_334 = arith.index_cast %add3A_333 : i32 to index
      %get3A_335 = tpu.vector_load %arg13[%get3A_334] {strides = array<i32>} : memref<544xi32, #tpu.memory_space<vmem>>, vector<16xi32>,
      %swap3A_336 = arith.index_cast %scan3A_313 : i32 to index
      %swap3A_337 = arith.constant 0 : index
      %swap3A_338 = tpu.vector_load %arg16[%swap3A_336, %swap3A_337] {strides = array<i32>} : memref<34x16xi32, #tpu.memory_space<vmem>>, vector<16xi32>,
      tpu.vector_store %arg16[%swap3A_336, %swap3A_337], %get3A_335 {strides = array<i32>} : memref<34x16xi32, #tpu.memory_space<vmem>>, vector<16xi32>,
    }
    %scan3A_28 = arith.constant 34 : i32
    %add3A_29 = arith.constant 15 : i32
    %add3A_30 = arith.addi %scan3A_9#0, %add3A_29 : i32
    %jit3A = arith.constant 16 : i32
    %div3A = arith.divsi %add3A_30, %jit3A : i32
    %sign3A = arith.constant 0 : i32
    %sign3A_31 = arith.cmpi sgt, %add3A_30, %sign3A : i32
    %sign3A_32 = arith.extui %sign3A_31 : i1 to i32
    %sign3A_33 = arith.constant 0 : i32
    %sign3A_34 = arith.cmpi slt, %add3A_30, %sign3A_33 : i32
    %sign3A_35 = arith.extui %sign3A_34 : i1 to i32
    %sign3A_36 = arith.subi %sign3A_32, %sign3A_35 : i32
    %sign3A_37 = arith.constant 0 : i32
    %sign3A_38 = arith.cmpi sgt, %jit3A, %sign3A_37 : i32
    %sign3A_39 = arith.extui %sign3A_38 : i1 to i32
    %sign3A_40 = arith.constant 0 : i32
    %sign3A_41 = arith.cmpi slt, %jit3A, %sign3A_40 : i32
    %sign3A_42 = arith.extui %sign3A_41 : i1 to i32
    %sign3A_43 = arith.subi %sign3A_39, %sign3A_42 : i32
    %ne3A = arith.cmpi ne, %sign3A_36, %sign3A_43 : i32
    %rem3A = arith.remsi %add3A_30, %jit3A : i32
    %ne3A_44 = arith.constant 0 : i32
    %ne3A_45 = arith.cmpi ne, %rem3A, %ne3A_44 : i32
    %and3A = arith.andi %ne3A, %ne3A_45 : i1
    %sub3A = arith.constant 1 : i32
    %sub3A_46 = arith.subi %div3A, %sub3A : i32
    %select_n3A = arith.select %and3A, %sub3A_46, %div3A : i32
    %add3A_47 = arith.constant 15 : i32
    %add3A_48 = arith.addi %scan3A_9#1, %add3A_47 : i32
    %jit3A_49 = arith.constant 16 : i32
    %div3A_50 = arith.divsi %add3A_48, %jit3A_49 : i32
    %sign3A_51 = arith.constant 0 : i32
    %sign3A_52 = arith.cmpi sgt, %add3A_48, %sign3A_51 : i32
    %sign3A_53 = arith.extui %sign3A_52 : i1 to i32
    %sign3A_54 = arith.constant 0 : i32
    %sign3A_55 = arith.cmpi slt, %add3A_48, %sign3A_54 : i32
    %sign3A_56 = arith.extui %sign3A_55 : i1 to i32
    %sign3A_57 = arith.subi %sign3A_53, %sign3A_56 : i32
    %sign3A_58 = arith.constant 0 : i32
    %sign3A_59 = arith.cmpi sgt, %jit3A_49, %sign3A_58 : i32
    %sign3A_60 = arith.extui %sign3A_59 : i1 to i32
    %sign3A_61 = arith.constant 0 : i32
    %sign3A_62 = arith.cmpi slt, %jit3A_49, %sign3A_61 : i32
    %sign3A_63 = arith.extui %sign3A_62 : i1 to i32
    %sign3A_64 = arith.subi %sign3A_60, %sign3A_63 : i32
    %ne3A_65 = arith.cmpi ne, %sign3A_57, %sign3A_64 : i32
    %rem3A_66 = arith.remsi %add3A_48, %jit3A_49 : i32
    %ne3A_67 = arith.constant 0 : i32
    %ne3A_68 = arith.cmpi ne, %rem3A_66, %ne3A_67 : i32
    %and3A_69 = arith.andi %ne3A_65, %ne3A_68 : i1
    %sub3A_70 = arith.constant 1 : i32
    %sub3A_71 = arith.subi %div3A_50, %sub3A_70 : i32
    %select_n3A_72 = arith.select %and3A_69, %sub3A_71, %div3A_50 : i32
    %add3A_73 = arith.constant 15 : i32
    %add3A_74 = arith.addi %scan3A_9#2, %add3A_73 : i32
    %jit3A_75 = arith.constant 16 : i32
    %div3A_76 = arith.divsi %add3A_74, %jit3A_75 : i32
    %sign3A_77 = arith.constant 0 : i32
    %sign3A_78 = arith.cmpi sgt, %add3A_74, %sign3A_77 : i32
    %sign3A_79 = arith.extui %sign3A_78 : i1 to i32
    %sign3A_80 = arith.constant 0 : i32
    %sign3A_81 = arith.cmpi slt, %add3A_74, %sign3A_80 : i32
    %sign3A_82 = arith.extui %sign3A_81 : i1 to i32
    %sign3A_83 = arith.subi %sign3A_79, %sign3A_82 : i32
    %sign3A_84 = arith.constant 0 : i32
    %sign3A_85 = arith.cmpi sgt, %jit3A_75, %sign3A_84 : i32
    %sign3A_86 = arith.extui %sign3A_85 : i1 to i32
    %sign3A_87 = arith.constant 0 : i32
    %sign3A_88 = arith.cmpi slt, %jit3A_75, %sign3A_87 : i32
    %sign3A_89 = arith.extui %sign3A_88 : i1 to i32
    %sign3A_90 = arith.subi %sign3A_86, %sign3A_89 : i32
    %ne3A_91 = arith.cmpi ne, %sign3A_83, %sign3A_90 : i32
    %rem3A_92 = arith.remsi %add3A_74, %jit3A_75 : i32
    %ne3A_93 = arith.constant 0 : i32
    %ne3A_94 = arith.cmpi ne, %rem3A_92, %ne3A_93 : i32
    %and3A_95 = arith.andi %ne3A_91, %ne3A_94 : i1
    %sub3A_96 = arith.constant 1 : i32
    %sub3A_97 = arith.subi %div3A_76, %sub3A_96 : i32
    %select_n3A_98 = arith.select %and3A_95, %sub3A_97, %div3A_76 : i32
    %add3A_99 = arith.constant 5 : i32
    %add3A_100 = arith.addi %select_n3A, %add3A_99 : i32
    %jit3A_101 = arith.constant 6 : i32
    %div3A_102 = arith.divsi %add3A_100, %jit3A_101 : i32
    %sign3A_103 = arith.constant 0 : i32
    %sign3A_104 = arith.cmpi sgt, %add3A_100, %sign3A_103 : i32
    %sign3A_105 = arith.extui %sign3A_104 : i1 to i32
    %sign3A_106 = arith.constant 0 : i32
    %sign3A_107 = arith.cmpi slt, %add3A_100, %sign3A_106 : i32
    %sign3A_108 = arith.extui %sign3A_107 : i1 to i32
    %sign3A_109 = arith.subi %sign3A_105, %sign3A_108 : i32
    %sign3A_110 = arith.constant 0 : i32
    %sign3A_111 = arith.cmpi sgt, %jit3A_101, %sign3A_110 : i32
    %sign3A_112 = arith.extui %sign3A_111 : i1 to i32
    %sign3A_113 = arith.constant 0 : i32
    %sign3A_114 = arith.cmpi slt, %jit3A_101, %sign3A_113 : i32
    %sign3A_115 = arith.extui %sign3A_114 : i1 to i32
    %sign3A_116 = arith.subi %sign3A_112, %sign3A_115 : i32
    %ne3A_117 = arith.cmpi ne, %sign3A_109, %sign3A_116 : i32
    %rem3A_118 = arith.remsi %add3A_100, %jit3A_101 : i32
    %ne3A_119 = arith.constant 0 : i32
    %ne3A_120 = arith.cmpi ne, %rem3A_118, %ne3A_119 : i32
    %and3A_121 = arith.andi %ne3A_117, %ne3A_120 : i1
    %sub3A_122 = arith.constant 1 : i32
    %sub3A_123 = arith.subi %div3A_102, %sub3A_122 : i32
    %select_n3A_124 = arith.select %and3A_121, %sub3A_123, %div3A_102 : i32
    %while3A = arith.constant 0 : i32
    %while3A_125 = arith.constant 0 : i32
    %while3A_126 = arith.subi %select_n3A_124, %while3A_125 : i32
    %while3A_127 = arith.addi %while3A_125, %while3A_126 : i32
    %while3A_128 = arith.constant 1 : i32
    %while3A_129 = arith.divsi %while3A_126, %while3A_128 : i32
    %while3A_130 = arith.muli %while3A_129, %while3A_128 : i32
    %while3A_131 = arith.addi %while3A_125, %while3A_130 : i32
    %while3A_132 = arith.constant 1 : i32
    scf.for %while3A_313 = %while3A_125 to %while3A_131 step %while3A_132  : i32 {
      %mul3A_314 = arith.constant 6 : i32
      %mul3A_315 = arith.muli %mul3A_314, %while3A_313 : i32
      %add3A_316 = arith.constant 0 : i32
      %add3A_317 = arith.addi %mul3A_315, %add3A_316 : i32
      %lt3A = arith.cmpi slt, %add3A_317, %select_n3A : i32
      %convert_element_type3A_318 = arith.extui %lt3A : i1 to i32
      %cond3A_319 = arith.constant 0 : i32
      %cond3A_320 = arith.cmpi ne, %convert_element_type3A_318, %cond3A_319 : i32
      scf.if %cond3A_320 {
        %gt3A_387 = arith.constant 0 : i32
        %gt3A_388 = arith.cmpi sgt, %while3A_313, %gt3A_387 : i32
        %convert_element_type3A_389 = arith.extui %gt3A_388 : i1 to i32
        %cond3A_390 = arith.constant 0 : i32
        %cond3A_391 = arith.cmpi ne, %convert_element_type3A_389, %cond3A_390 : i32
        scf.if %cond3A_391 {
          %dma_wait3A = arith.constant 0 : i32
          %dma_wait3A_399 = arith.constant 0 : i32
          %dma_wait3A_400 = tpu.memref_slice %arg6[%dma_wait3A, %dma_wait3A_399] : memref<16384x1024xf32, #tpu.memory_space<hbm>> -> memref<16x1024xf32, #tpu.memory_space<hbm>>
          %dma_wait3A_401 = arith.constant 0 : i32
          %dma_wait3A_402 = arith.constant 0 : i32
          %dma_wait3A_403 = tpu.memref_slice %arg6[%dma_wait3A_401, %dma_wait3A_402] : memref<16384x1024xf32, #tpu.memory_space<hbm>> -> memref<16x1024xf32, #tpu.memory_space<hbm>>
          tpu.wait_dma2 semaphore(%arg29 : memref<!tpu.dma_semaphore, #tpu.memory_space<semaphore_mem>>) src(%dma_wait3A_403 : memref<16x1024xf32, #tpu.memory_space<hbm>>) dst(%arg17 : memref<16x1024xf32, #tpu.memory_space<vmem>>)
        } else {
        }
        %add3A_392 = arith.constant 0 : i32
        %add3A_393 = arith.addi %mul3A_315, %add3A_392 : i32
        %mul3A_394 = arith.constant 16 : i32
        %mul3A_395 = arith.muli %add3A_393, %mul3A_394 : i32
        %dma_start3A = tpu.memref_slice %arg8[%mul3A_395] : memref<544xi32, #tpu.memory_space<vmem>> -> memref<16xi32, #tpu.memory_space<vmem>>
        %dma_start3A_396 = arith.constant 0 : i32
        %dma_start3A_397 = arith.constant 0 : i32
        %dma_start3A_398 = tpu.memref_slice %arg2[%dma_start3A_396, %dma_start3A_397] : memref<50000x1024xf32, #tpu.memory_space<hbm>> -> memref<50000x1024xf32, #tpu.memory_space<hbm>>
        tpu.enqueue_indirect_dma source(%dma_start3A_398 : memref<50000x1024xf32, #tpu.memory_space<hbm>>) target(%arg17 : memref<16x1024xf32, #tpu.memory_space<vmem>>) offsets(%dma_start3A : memref<16xi32, #tpu.memory_space<vmem>>) semaphore(%arg23 : memref<!tpu.dma_semaphore, #tpu.memory_space<semaphore_mem>>)
      } else {
      }
      %add3A_321 = arith.constant 1 : i32
      %add3A_322 = arith.addi %mul3A_315, %add3A_321 : i32
      %lt3A_323 = arith.cmpi slt, %add3A_322, %select_n3A : i32
      %convert_element_type3A_324 = arith.extui %lt3A_323 : i1 to i32
      %cond3A_325 = arith.constant 0 : i32
      %cond3A_326 = arith.cmpi ne, %convert_element_type3A_324, %cond3A_325 : i32
      scf.if %cond3A_326 {
        %gt3A_387 = arith.constant 0 : i32
        %gt3A_388 = arith.cmpi sgt, %while3A_313, %gt3A_387 : i32
        %convert_element_type3A_389 = arith.extui %gt3A_388 : i1 to i32
        %cond3A_390 = arith.constant 0 : i32
        %cond3A_391 = arith.cmpi ne, %convert_element_type3A_389, %cond3A_390 : i32
        scf.if %cond3A_391 {
          %dma_wait3A = arith.constant 0 : i32
          %dma_wait3A_399 = arith.constant 0 : i32
          %dma_wait3A_400 = tpu.memref_slice %arg6[%dma_wait3A, %dma_wait3A_399] : memref<16384x1024xf32, #tpu.memory_space<hbm>> -> memref<16x1024xf32, #tpu.memory_space<hbm>>
          %dma_wait3A_401 = arith.constant 0 : i32
          %dma_wait3A_402 = arith.constant 0 : i32
          %dma_wait3A_403 = tpu.memref_slice %arg6[%dma_wait3A_401, %dma_wait3A_402] : memref<16384x1024xf32, #tpu.memory_space<hbm>> -> memref<16x1024xf32, #tpu.memory_space<hbm>>
          tpu.wait_dma2 semaphore(%arg30 : memref<!tpu.dma_semaphore, #tpu.memory_space<semaphore_mem>>) src(%dma_wait3A_403 : memref<16x1024xf32, #tpu.memory_space<hbm>>) dst(%arg18 : memref<16x1024xf32, #tpu.memory_space<vmem>>)
        } else {
        }
        %add3A_392 = arith.constant 1 : i32
        %add3A_393 = arith.addi %mul3A_315, %add3A_392 : i32
        %mul3A_394 = arith.constant 16 : i32
        %mul3A_395 = arith.muli %add3A_393, %mul3A_394 : i32
        %dma_start3A = tpu.memref_slice %arg8[%mul3A_395] : memref<544xi32, #tpu.memory_space<vmem>> -> memref<16xi32, #tpu.memory_space<vmem>>
        %dma_start3A_396 = arith.constant 0 : i32
        %dma_start3A_397 = arith.constant 0 : i32
        %dma_start3A_398 = tpu.memref_slice %arg2[%dma_start3A_396, %dma_start3A_397] : memref<50000x1024xf32, #tpu.memory_space<hbm>> -> memref<50000x1024xf32, #tpu.memory_space<hbm>>
        tpu.enqueue_indirect_dma source(%dma_start3A_398 : memref<50000x1024xf32, #tpu.memory_space<hbm>>) target(%arg18 : memref<16x1024xf32, #tpu.memory_space<vmem>>) offsets(%dma_start3A : memref<16xi32, #tpu.memory_space<vmem>>) semaphore(%arg24 : memref<!tpu.dma_semaphore, #tpu.memory_space<semaphore_mem>>)
      } else {
      }
      %add3A_327 = arith.constant 2 : i32
      %add3A_328 = arith.addi %mul3A_315, %add3A_327 : i32
      %lt3A_329 = arith.cmpi slt, %add3A_328, %select_n3A : i32
      %convert_element_type3A_330 = arith.extui %lt3A_329 : i1 to i32
      %cond3A_331 = arith.constant 0 : i32
      %cond3A_332 = arith.cmpi ne, %convert_element_type3A_330, %cond3A_331 : i32
      scf.if %cond3A_332 {
        %gt3A_387 = arith.constant 0 : i32
        %gt3A_388 = arith.cmpi sgt, %while3A_313, %gt3A_387 : i32
        %convert_element_type3A_389 = arith.extui %gt3A_388 : i1 to i32
        %cond3A_390 = arith.constant 0 : i32
        %cond3A_391 = arith.cmpi ne, %convert_element_type3A_389, %cond3A_390 : i32
        scf.if %cond3A_391 {
          %dma_wait3A = arith.constant 0 : i32
          %dma_wait3A_399 = arith.constant 0 : i32
          %dma_wait3A_400 = tpu.memref_slice %arg6[%dma_wait3A, %dma_wait3A_399] : memref<16384x1024xf32, #tpu.memory_space<hbm>> -> memref<16x1024xf32, #tpu.memory_space<hbm>>
          %dma_wait3A_401 = arith.constant 0 : i32
          %dma_wait3A_402 = arith.constant 0 : i32
          %dma_wait3A_403 = tpu.memref_slice %arg6[%dma_wait3A_401, %dma_wait3A_402] : memref<16384x1024xf32, #tpu.memory_space<hbm>> -> memref<16x1024xf32, #tpu.memory_space<hbm>>
          tpu.wait_dma2 semaphore(%arg31 : memref<!tpu.dma_semaphore, #tpu.memory_space<semaphore_mem>>) src(%dma_wait3A_403 : memref<16x1024xf32, #tpu.memory_space<hbm>>) dst(%arg19 : memref<16x1024xf32, #tpu.memory_space<vmem>>)
        } else {
        }
        %add3A_392 = arith.constant 2 : i32
        %add3A_393 = arith.addi %mul3A_315, %add3A_392 : i32
        %mul3A_394 = arith.constant 16 : i32
        %mul3A_395 = arith.muli %add3A_393, %mul3A_394 : i32
        %dma_start3A = tpu.memref_slice %arg8[%mul3A_395] : memref<544xi32, #tpu.memory_space<vmem>> -> memref<16xi32, #tpu.memory_space<vmem>>
        %dma_start3A_396 = arith.constant 0 : i32
        %dma_start3A_397 = arith.constant 0 : i32
        %dma_start3A_398 = tpu.memref_slice %arg2[%dma_start3A_396, %dma_start3A_397] : memref<50000x1024xf32, #tpu.memory_space<hbm>> -> memref<50000x1024xf32, #tpu.memory_space<hbm>>
        tpu.enqueue_indirect_dma source(%dma_start3A_398 : memref<50000x1024xf32, #tpu.memory_space<hbm>>) target(%arg19 : memref<16x1024xf32, #tpu.memory_space<vmem>>) offsets(%dma_start3A : memref<16xi32, #tpu.memory_space<vmem>>) semaphore(%arg25 : memref<!tpu.dma_semaphore, #tpu.memory_space<semaphore_mem>>)
      } else {
      }
      %add3A_333 = arith.constant 3 : i32
      %add3A_334 = arith.addi %mul3A_315, %add3A_333 : i32
      %lt3A_335 = arith.cmpi slt, %add3A_334, %select_n3A : i32
      %convert_element_type3A_336 = arith.extui %lt3A_335 : i1 to i32
      %cond3A_337 = arith.constant 0 : i32
      %cond3A_338 = arith.cmpi ne, %convert_element_type3A_336, %cond3A_337 : i32
      scf.if %cond3A_338 {
        %gt3A_387 = arith.constant 0 : i32
        %gt3A_388 = arith.cmpi sgt, %while3A_313, %gt3A_387 : i32
        %convert_element_type3A_389 = arith.extui %gt3A_388 : i1 to i32
        %cond3A_390 = arith.constant 0 : i32
        %cond3A_391 = arith.cmpi ne, %convert_element_type3A_389, %cond3A_390 : i32
        scf.if %cond3A_391 {
          %dma_wait3A = arith.constant 0 : i32
          %dma_wait3A_399 = arith.constant 0 : i32
          %dma_wait3A_400 = tpu.memref_slice %arg6[%dma_wait3A, %dma_wait3A_399] : memref<16384x1024xf32, #tpu.memory_space<hbm>> -> memref<16x1024xf32, #tpu.memory_space<hbm>>
          %dma_wait3A_401 = arith.constant 0 : i32
          %dma_wait3A_402 = arith.constant 0 : i32
          %dma_wait3A_403 = tpu.memref_slice %arg6[%dma_wait3A_401, %dma_wait3A_402] : memref<16384x1024xf32, #tpu.memory_space<hbm>> -> memref<16x1024xf32, #tpu.memory_space<hbm>>
          tpu.wait_dma2 semaphore(%arg32 : memref<!tpu.dma_semaphore, #tpu.memory_space<semaphore_mem>>) src(%dma_wait3A_403 : memref<16x1024xf32, #tpu.memory_space<hbm>>) dst(%arg20 : memref<16x1024xf32, #tpu.memory_space<vmem>>)
        } else {
        }
        %add3A_392 = arith.constant 3 : i32
        %add3A_393 = arith.addi %mul3A_315, %add3A_392 : i32
        %mul3A_394 = arith.constant 16 : i32
        %mul3A_395 = arith.muli %add3A_393, %mul3A_394 : i32
        %dma_start3A = tpu.memref_slice %arg8[%mul3A_395] : memref<544xi32, #tpu.memory_space<vmem>> -> memref<16xi32, #tpu.memory_space<vmem>>
        %dma_start3A_396 = arith.constant 0 : i32
        %dma_start3A_397 = arith.constant 0 : i32
        %dma_start3A_398 = tpu.memref_slice %arg2[%dma_start3A_396, %dma_start3A_397] : memref<50000x1024xf32, #tpu.memory_space<hbm>> -> memref<50000x1024xf32, #tpu.memory_space<hbm>>
        tpu.enqueue_indirect_dma source(%dma_start3A_398 : memref<50000x1024xf32, #tpu.memory_space<hbm>>) target(%arg20 : memref<16x1024xf32, #tpu.memory_space<vmem>>) offsets(%dma_start3A : memref<16xi32, #tpu.memory_space<vmem>>) semaphore(%arg26 : memref<!tpu.dma_semaphore, #tpu.memory_space<semaphore_mem>>)
      } else {
      }
      %add3A_339 = arith.constant 4 : i32
      %add3A_340 = arith.addi %mul3A_315, %add3A_339 : i32
      %lt3A_341 = arith.cmpi slt, %add3A_340, %select_n3A : i32
      %convert_element_type3A_342 = arith.extui %lt3A_341 : i1 to i32
      %cond3A_343 = arith.constant 0 : i32
      %cond3A_344 = arith.cmpi ne, %convert_element_type3A_342, %cond3A_343 : i32
      scf.if %cond3A_344 {
        %gt3A_387 = arith.constant 0 : i32
        %gt3A_388 = arith.cmpi sgt, %while3A_313, %gt3A_387 : i32
        %convert_element_type3A_389 = arith.extui %gt3A_388 : i1 to i32
        %cond3A_390 = arith.constant 0 : i32
        %cond3A_391 = arith.cmpi ne, %convert_element_type3A_389, %cond3A_390 : i32
        scf.if %cond3A_391 {
          %dma_wait3A = arith.constant 0 : i32
          %dma_wait3A_399 = arith.constant 0 : i32
          %dma_wait3A_400 = tpu.memref_slice %arg6[%dma_wait3A, %dma_wait3A_399] : memref<16384x1024xf32, #tpu.memory_space<hbm>> -> memref<16x1024xf32, #tpu.memory_space<hbm>>
          %dma_wait3A_401 = arith.constant 0 : i32
          %dma_wait3A_402 = arith.constant 0 : i32
          %dma_wait3A_403 = tpu.memref_slice %arg6[%dma_wait3A_401, %dma_wait3A_402] : memref<16384x1024xf32, #tpu.memory_space<hbm>> -> memref<16x1024xf32, #tpu.memory_space<hbm>>
          tpu.wait_dma2 semaphore(%arg33 : memref<!tpu.dma_semaphore, #tpu.memory_space<semaphore_mem>>) src(%dma_wait3A_403 : memref<16x1024xf32, #tpu.memory_space<hbm>>) dst(%arg21 : memref<16x1024xf32, #tpu.memory_space<vmem>>)
        } else {
        }
        %add3A_392 = arith.constant 4 : i32
        %add3A_393 = arith.addi %mul3A_315, %add3A_392 : i32
        %mul3A_394 = arith.constant 16 : i32
        %mul3A_395 = arith.muli %add3A_393, %mul3A_394 : i32
        %dma_start3A = tpu.memref_slice %arg8[%mul3A_395] : memref<544xi32, #tpu.memory_space<vmem>> -> memref<16xi32, #tpu.memory_space<vmem>>
        %dma_start3A_396 = arith.constant 0 : i32
        %dma_start3A_397 = arith.constant 0 : i32
        %dma_start3A_398 = tpu.memref_slice %arg2[%dma_start3A_396, %dma_start3A_397] : memref<50000x1024xf32, #tpu.memory_space<hbm>> -> memref<50000x1024xf32, #tpu.memory_space<hbm>>
        tpu.enqueue_indirect_dma source(%dma_start3A_398 : memref<50000x1024xf32, #tpu.memory_space<hbm>>) target(%arg21 : memref<16x1024xf32, #tpu.memory_space<vmem>>) offsets(%dma_start3A : memref<16xi32, #tpu.memory_space<vmem>>) semaphore(%arg27 : memref<!tpu.dma_semaphore, #tpu.memory_space<semaphore_mem>>)
      } else {
      }
      %add3A_345 = arith.constant 5 : i32
      %add3A_346 = arith.addi %mul3A_315, %add3A_345 : i32
      %lt3A_347 = arith.cmpi slt, %add3A_346, %select_n3A : i32
      %convert_element_type3A_348 = arith.extui %lt3A_347 : i1 to i32
      %cond3A_349 = arith.constant 0 : i32
      %cond3A_350 = arith.cmpi ne, %convert_element_type3A_348, %cond3A_349 : i32
      scf.if %cond3A_350 {
        %gt3A_387 = arith.constant 0 : i32
        %gt3A_388 = arith.cmpi sgt, %while3A_313, %gt3A_387 : i32
        %convert_element_type3A_389 = arith.extui %gt3A_388 : i1 to i32
        %cond3A_390 = arith.constant 0 : i32
        %cond3A_391 = arith.cmpi ne, %convert_element_type3A_389, %cond3A_390 : i32
        scf.if %cond3A_391 {
          %dma_wait3A = arith.constant 0 : i32
          %dma_wait3A_399 = arith.constant 0 : i32
          %dma_wait3A_400 = tpu.memref_slice %arg6[%dma_wait3A, %dma_wait3A_399] : memref<16384x1024xf32, #tpu.memory_space<hbm>> -> memref<16x1024xf32, #tpu.memory_space<hbm>>
          %dma_wait3A_401 = arith.constant 0 : i32
          %dma_wait3A_402 = arith.constant 0 : i32
          %dma_wait3A_403 = tpu.memref_slice %arg6[%dma_wait3A_401, %dma_wait3A_402] : memref<16384x1024xf32, #tpu.memory_space<hbm>> -> memref<16x1024xf32, #tpu.memory_space<hbm>>
          tpu.wait_dma2 semaphore(%arg34 : memref<!tpu.dma_semaphore, #tpu.memory_space<semaphore_mem>>) src(%dma_wait3A_403 : memref<16x1024xf32, #tpu.memory_space<hbm>>) dst(%arg22 : memref<16x1024xf32, #tpu.memory_space<vmem>>)
        } else {
        }
        %add3A_392 = arith.constant 5 : i32
        %add3A_393 = arith.addi %mul3A_315, %add3A_392 : i32
        %mul3A_394 = arith.constant 16 : i32
        %mul3A_395 = arith.muli %add3A_393, %mul3A_394 : i32
        %dma_start3A = tpu.memref_slice %arg8[%mul3A_395] : memref<544xi32, #tpu.memory_space<vmem>> -> memref<16xi32, #tpu.memory_space<vmem>>
        %dma_start3A_396 = arith.constant 0 : i32
        %dma_start3A_397 = arith.constant 0 : i32
        %dma_start3A_398 = tpu.memref_slice %arg2[%dma_start3A_396, %dma_start3A_397] : memref<50000x1024xf32, #tpu.memory_space<hbm>> -> memref<50000x1024xf32, #tpu.memory_space<hbm>>
        tpu.enqueue_indirect_dma source(%dma_start3A_398 : memref<50000x1024xf32, #tpu.memory_space<hbm>>) target(%arg22 : memref<16x1024xf32, #tpu.memory_space<vmem>>) offsets(%dma_start3A : memref<16xi32, #tpu.memory_space<vmem>>) semaphore(%arg28 : memref<!tpu.dma_semaphore, #tpu.memory_space<semaphore_mem>>)
      } else {
      }
      %add3A_351 = arith.constant 0 : i32
      %add3A_352 = arith.addi %mul3A_315, %add3A_351 : i32
      %lt3A_353 = arith.cmpi slt, %add3A_352, %select_n3A : i32
      %convert_element_type3A_354 = arith.extui %lt3A_353 : i1 to i32
      %cond3A_355 = arith.constant 0 : i32
      %cond3A_356 = arith.cmpi ne, %convert_element_type3A_354, %cond3A_355 : i32
      scf.if %cond3A_356 {
        %dma_wait3A = arith.constant 0 : i32
        %dma_wait3A_387 = arith.constant 0 : i32
        %dma_wait3A_388 = tpu.memref_slice %arg6[%dma_wait3A, %dma_wait3A_387] : memref<16384x1024xf32, #tpu.memory_space<hbm>> -> memref<16x1024xf32, #tpu.memory_space<hbm>>
        %dma_wait3A_389 = arith.constant 0 : i32
        %dma_wait3A_390 = arith.constant 0 : i32
        %dma_wait3A_391 = tpu.memref_slice %arg6[%dma_wait3A_389, %dma_wait3A_390] : memref<16384x1024xf32, #tpu.memory_space<hbm>> -> memref<16x1024xf32, #tpu.memory_space<hbm>>
        tpu.wait_dma2 semaphore(%arg23 : memref<!tpu.dma_semaphore, #tpu.memory_space<semaphore_mem>>) src(%dma_wait3A_391 : memref<16x1024xf32, #tpu.memory_space<hbm>>) dst(%arg17 : memref<16x1024xf32, #tpu.memory_space<vmem>>)
        %add3A_392 = arith.constant 0 : i32
        %add3A_393 = arith.addi %mul3A_315, %add3A_392 : i32
        %dma_start3A = arith.constant 0 : i32
        %dma_start3A_394 = tpu.memref_slice %arg14[%add3A_393, %dma_start3A] : memref<34x16xi32, #tpu.memory_space<vmem>> -> memref<1x16xi32, #tpu.memory_space<vmem>>
        %dma_start3A_395 = tpu.memref_squeeze %dma_start3A_394 : memref<1x16xi32, #tpu.memory_space<vmem>> -> memref<16xi32, #tpu.memory_space<vmem>>
        %dma_start3A_396 = arith.constant 0 : i32
        %dma_start3A_397 = arith.constant 0 : i32
        %dma_start3A_398 = tpu.memref_slice %arg6[%dma_start3A_396, %dma_start3A_397] : memref<16384x1024xf32, #tpu.memory_space<hbm>> -> memref<16384x1024xf32, #tpu.memory_space<hbm>>
        tpu.enqueue_indirect_dma source(%arg17 : memref<16x1024xf32, #tpu.memory_space<vmem>>) target(%dma_start3A_398 : memref<16384x1024xf32, #tpu.memory_space<hbm>>) offsets(%dma_start3A_395 : memref<16xi32, #tpu.memory_space<vmem>>) semaphore(%arg29 : memref<!tpu.dma_semaphore, #tpu.memory_space<semaphore_mem>>)
      } else {
      }
      %add3A_357 = arith.constant 1 : i32
      %add3A_358 = arith.addi %mul3A_315, %add3A_357 : i32
      %lt3A_359 = arith.cmpi slt, %add3A_358, %select_n3A : i32
      %convert_element_type3A_360 = arith.extui %lt3A_359 : i1 to i32
      %cond3A_361 = arith.constant 0 : i32
      %cond3A_362 = arith.cmpi ne, %convert_element_type3A_360, %cond3A_361 : i32
      scf.if %cond3A_362 {
        %dma_wait3A = arith.constant 0 : i32
        %dma_wait3A_387 = arith.constant 0 : i32
        %dma_wait3A_388 = tpu.memref_slice %arg6[%dma_wait3A, %dma_wait3A_387] : memref<16384x1024xf32, #tpu.memory_space<hbm>> -> memref<16x1024xf32, #tpu.memory_space<hbm>>
        %dma_wait3A_389 = arith.constant 0 : i32
        %dma_wait3A_390 = arith.constant 0 : i32
        %dma_wait3A_391 = tpu.memref_slice %arg6[%dma_wait3A_389, %dma_wait3A_390] : memref<16384x1024xf32, #tpu.memory_space<hbm>> -> memref<16x1024xf32, #tpu.memory_space<hbm>>
        tpu.wait_dma2 semaphore(%arg24 : memref<!tpu.dma_semaphore, #tpu.memory_space<semaphore_mem>>) src(%dma_wait3A_391 : memref<16x1024xf32, #tpu.memory_space<hbm>>) dst(%arg18 : memref<16x1024xf32, #tpu.memory_space<vmem>>)
        %add3A_392 = arith.constant 1 : i32
        %add3A_393 = arith.addi %mul3A_315, %add3A_392 : i32
        %dma_start3A = arith.constant 0 : i32
        %dma_start3A_394 = tpu.memref_slice %arg14[%add3A_393, %dma_start3A] : memref<34x16xi32, #tpu.memory_space<vmem>> -> memref<1x16xi32, #tpu.memory_space<vmem>>
        %dma_start3A_395 = tpu.memref_squeeze %dma_start3A_394 : memref<1x16xi32, #tpu.memory_space<vmem>> -> memref<16xi32, #tpu.memory_space<vmem>>
        %dma_start3A_396 = arith.constant 0 : i32
        %dma_start3A_397 = arith.constant 0 : i32
        %dma_start3A_398 = tpu.memref_slice %arg6[%dma_start3A_396, %dma_start3A_397] : memref<16384x1024xf32, #tpu.memory_space<hbm>> -> memref<16384x1024xf32, #tpu.memory_space<hbm>>
        tpu.enqueue_indirect_dma source(%arg18 : memref<16x1024xf32, #tpu.memory_space<vmem>>) target(%dma_start3A_398 : memref<16384x1024xf32, #tpu.memory_space<hbm>>) offsets(%dma_start3A_395 : memref<16xi32, #tpu.memory_space<vmem>>) semaphore(%arg30 : memref<!tpu.dma_semaphore, #tpu.memory_space<semaphore_mem>>)
      } else {
      }
      %add3A_363 = arith.constant 2 : i32
      %add3A_364 = arith.addi %mul3A_315, %add3A_363 : i32
      %lt3A_365 = arith.cmpi slt, %add3A_364, %select_n3A : i32
      %convert_element_type3A_366 = arith.extui %lt3A_365 : i1 to i32
      %cond3A_367 = arith.constant 0 : i32
      %cond3A_368 = arith.cmpi ne, %convert_element_type3A_366, %cond3A_367 : i32
      scf.if %cond3A_368 {
        %dma_wait3A = arith.constant 0 : i32
        %dma_wait3A_387 = arith.constant 0 : i32
        %dma_wait3A_388 = tpu.memref_slice %arg6[%dma_wait3A, %dma_wait3A_387] : memref<16384x1024xf32, #tpu.memory_space<hbm>> -> memref<16x1024xf32, #tpu.memory_space<hbm>>
        %dma_wait3A_389 = arith.constant 0 : i32
        %dma_wait3A_390 = arith.constant 0 : i32
        %dma_wait3A_391 = tpu.memref_slice %arg6[%dma_wait3A_389, %dma_wait3A_390] : memref<16384x1024xf32, #tpu.memory_space<hbm>> -> memref<16x1024xf32, #tpu.memory_space<hbm>>
        tpu.wait_dma2 semaphore(%arg25 : memref<!tpu.dma_semaphore, #tpu.memory_space<semaphore_mem>>) src(%dma_wait3A_391 : memref<16x1024xf32, #tpu.memory_space<hbm>>) dst(%arg19 : memref<16x1024xf32, #tpu.memory_space<vmem>>)
        %add3A_392 = arith.constant 2 : i32
        %add3A_393 = arith.addi %mul3A_315, %add3A_392 : i32
        %dma_start3A = arith.constant 0 : i32
        %dma_start3A_394 = tpu.memref_slice %arg14[%add3A_393, %dma_start3A] : memref<34x16xi32, #tpu.memory_space<vmem>> -> memref<1x16xi32, #tpu.memory_space<vmem>>
        %dma_start3A_395 = tpu.memref_squeeze %dma_start3A_394 : memref<1x16xi32, #tpu.memory_space<vmem>> -> memref<16xi32, #tpu.memory_space<vmem>>
        %dma_start3A_396 = arith.constant 0 : i32
        %dma_start3A_397 = arith.constant 0 : i32
        %dma_start3A_398 = tpu.memref_slice %arg6[%dma_start3A_396, %dma_start3A_397] : memref<16384x1024xf32, #tpu.memory_space<hbm>> -> memref<16384x1024xf32, #tpu.memory_space<hbm>>
        tpu.enqueue_indirect_dma source(%arg19 : memref<16x1024xf32, #tpu.memory_space<vmem>>) target(%dma_start3A_398 : memref<16384x1024xf32, #tpu.memory_space<hbm>>) offsets(%dma_start3A_395 : memref<16xi32, #tpu.memory_space<vmem>>) semaphore(%arg31 : memref<!tpu.dma_semaphore, #tpu.memory_space<semaphore_mem>>)
      } else {
      }
      %add3A_369 = arith.constant 3 : i32
      %add3A_370 = arith.addi %mul3A_315, %add3A_369 : i32
      %lt3A_371 = arith.cmpi slt, %add3A_370, %select_n3A : i32
      %convert_element_type3A_372 = arith.extui %lt3A_371 : i1 to i32
      %cond3A_373 = arith.constant 0 : i32
      %cond3A_374 = arith.cmpi ne, %convert_element_type3A_372, %cond3A_373 : i32
      scf.if %cond3A_374 {
        %dma_wait3A = arith.constant 0 : i32
        %dma_wait3A_387 = arith.constant 0 : i32
        %dma_wait3A_388 = tpu.memref_slice %arg6[%dma_wait3A, %dma_wait3A_387] : memref<16384x1024xf32, #tpu.memory_space<hbm>> -> memref<16x1024xf32, #tpu.memory_space<hbm>>
        %dma_wait3A_389 = arith.constant 0 : i32
        %dma_wait3A_390 = arith.constant 0 : i32
        %dma_wait3A_391 = tpu.memref_slice %arg6[%dma_wait3A_389, %dma_wait3A_390] : memref<16384x1024xf32, #tpu.memory_space<hbm>> -> memref<16x1024xf32, #tpu.memory_space<hbm>>
        tpu.wait_dma2 semaphore(%arg26 : memref<!tpu.dma_semaphore, #tpu.memory_space<semaphore_mem>>) src(%dma_wait3A_391 : memref<16x1024xf32, #tpu.memory_space<hbm>>) dst(%arg20 : memref<16x1024xf32, #tpu.memory_space<vmem>>)
        %add3A_392 = arith.constant 3 : i32
        %add3A_393 = arith.addi %mul3A_315, %add3A_392 : i32
        %dma_start3A = arith.constant 0 : i32
        %dma_start3A_394 = tpu.memref_slice %arg14[%add3A_393, %dma_start3A] : memref<34x16xi32, #tpu.memory_space<vmem>> -> memref<1x16xi32, #tpu.memory_space<vmem>>
        %dma_start3A_395 = tpu.memref_squeeze %dma_start3A_394 : memref<1x16xi32, #tpu.memory_space<vmem>> -> memref<16xi32, #tpu.memory_space<vmem>>
        %dma_start3A_396 = arith.constant 0 : i32
        %dma_start3A_397 = arith.constant 0 : i32
        %dma_start3A_398 = tpu.memref_slice %arg6[%dma_start3A_396, %dma_start3A_397] : memref<16384x1024xf32, #tpu.memory_space<hbm>> -> memref<16384x1024xf32, #tpu.memory_space<hbm>>
        tpu.enqueue_indirect_dma source(%arg20 : memref<16x1024xf32, #tpu.memory_space<vmem>>) target(%dma_start3A_398 : memref<16384x1024xf32, #tpu.memory_space<hbm>>) offsets(%dma_start3A_395 : memref<16xi32, #tpu.memory_space<vmem>>) semaphore(%arg32 : memref<!tpu.dma_semaphore, #tpu.memory_space<semaphore_mem>>)
      } else {
      }
      %add3A_375 = arith.constant 4 : i32
      %add3A_376 = arith.addi %mul3A_315, %add3A_375 : i32
      %lt3A_377 = arith.cmpi slt, %add3A_376, %select_n3A : i32
      %convert_element_type3A_378 = arith.extui %lt3A_377 : i1 to i32
      %cond3A_379 = arith.constant 0 : i32
      %cond3A_380 = arith.cmpi ne, %convert_element_type3A_378, %cond3A_379 : i32
      scf.if %cond3A_380 {
        %dma_wait3A = arith.constant 0 : i32
        %dma_wait3A_387 = arith.constant 0 : i32
        %dma_wait3A_388 = tpu.memref_slice %arg6[%dma_wait3A, %dma_wait3A_387] : memref<16384x1024xf32, #tpu.memory_space<hbm>> -> memref<16x1024xf32, #tpu.memory_space<hbm>>
        %dma_wait3A_389 = arith.constant 0 : i32
        %dma_wait3A_390 = arith.constant 0 : i32
        %dma_wait3A_391 = tpu.memref_slice %arg6[%dma_wait3A_389, %dma_wait3A_390] : memref<16384x1024xf32, #tpu.memory_space<hbm>> -> memref<16x1024xf32, #tpu.memory_space<hbm>>
        tpu.wait_dma2 semaphore(%arg27 : memref<!tpu.dma_semaphore, #tpu.memory_space<semaphore_mem>>) src(%dma_wait3A_391 : memref<16x1024xf32, #tpu.memory_space<hbm>>) dst(%arg21 : memref<16x1024xf32, #tpu.memory_space<vmem>>)
        %add3A_392 = arith.constant 4 : i32
        %add3A_393 = arith.addi %mul3A_315, %add3A_392 : i32
        %dma_start3A = arith.constant 0 : i32
        %dma_start3A_394 = tpu.memref_slice %arg14[%add3A_393, %dma_start3A] : memref<34x16xi32, #tpu.memory_space<vmem>> -> memref<1x16xi32, #tpu.memory_space<vmem>>
        %dma_start3A_395 = tpu.memref_squeeze %dma_start3A_394 : memref<1x16xi32, #tpu.memory_space<vmem>> -> memref<16xi32, #tpu.memory_space<vmem>>
        %dma_start3A_396 = arith.constant 0 : i32
        %dma_start3A_397 = arith.constant 0 : i32
        %dma_start3A_398 = tpu.memref_slice %arg6[%dma_start3A_396, %dma_start3A_397] : memref<16384x1024xf32, #tpu.memory_space<hbm>> -> memref<16384x1024xf32, #tpu.memory_space<hbm>>
        tpu.enqueue_indirect_dma source(%arg21 : memref<16x1024xf32, #tpu.memory_space<vmem>>) target(%dma_start3A_398 : memref<16384x1024xf32, #tpu.memory_space<hbm>>) offsets(%dma_start3A_395 : memref<16xi32, #tpu.memory_space<vmem>>) semaphore(%arg33 : memref<!tpu.dma_semaphore, #tpu.memory_space<semaphore_mem>>)
      } else {
      }
      %add3A_381 = arith.constant 5 : i32
      %add3A_382 = arith.addi %mul3A_315, %add3A_381 : i32
      %lt3A_383 = arith.cmpi slt, %add3A_382, %select_n3A : i32
      %convert_element_type3A_384 = arith.extui %lt3A_383 : i1 to i32
      %cond3A_385 = arith.constant 0 : i32
      %cond3A_386 = arith.cmpi ne, %convert_element_type3A_384, %cond3A_385 : i32
      scf.if %cond3A_386 {
        %dma_wait3A = arith.constant 0 : i32
        %dma_wait3A_387 = arith.constant 0 : i32
        %dma_wait3A_388 = tpu.memref_slice %arg6[%dma_wait3A, %dma_wait3A_387] : memref<16384x1024xf32, #tpu.memory_space<hbm>> -> memref<16x1024xf32, #tpu.memory_space<hbm>>
        %dma_wait3A_389 = arith.constant 0 : i32
        %dma_wait3A_390 = arith.constant 0 : i32
        %dma_wait3A_391 = tpu.memref_slice %arg6[%dma_wait3A_389, %dma_wait3A_390] : memref<16384x1024xf32, #tpu.memory_space<hbm>> -> memref<16x1024xf32, #tpu.memory_space<hbm>>
        tpu.wait_dma2 semaphore(%arg28 : memref<!tpu.dma_semaphore, #tpu.memory_space<semaphore_mem>>) src(%dma_wait3A_391 : memref<16x1024xf32, #tpu.memory_space<hbm>>) dst(%arg22 : memref<16x1024xf32, #tpu.memory_space<vmem>>)
        %add3A_392 = arith.constant 5 : i32
        %add3A_393 = arith.addi %mul3A_315, %add3A_392 : i32
        %dma_start3A = arith.constant 0 : i32
        %dma_start3A_394 = tpu.memref_slice %arg14[%add3A_393, %dma_start3A] : memref<34x16xi32, #tpu.memory_space<vmem>> -> memref<1x16xi32, #tpu.memory_space<vmem>>
        %dma_start3A_395 = tpu.memref_squeeze %dma_start3A_394 : memref<1x16xi32, #tpu.memory_space<vmem>> -> memref<16xi32, #tpu.memory_space<vmem>>
        %dma_start3A_396 = arith.constant 0 : i32
        %dma_start3A_397 = arith.constant 0 : i32
        %dma_start3A_398 = tpu.memref_slice %arg6[%dma_start3A_396, %dma_start3A_397] : memref<16384x1024xf32, #tpu.memory_space<hbm>> -> memref<16384x1024xf32, #tpu.memory_space<hbm>>
        tpu.enqueue_indirect_dma source(%arg22 : memref<16x1024xf32, #tpu.memory_space<vmem>>) target(%dma_start3A_398 : memref<16384x1024xf32, #tpu.memory_space<hbm>>) offsets(%dma_start3A_395 : memref<16xi32, #tpu.memory_space<vmem>>) semaphore(%arg34 : memref<!tpu.dma_semaphore, #tpu.memory_space<semaphore_mem>>)
      } else {
      }
    }
    %while3A_133 = arith.constant 1 : i32
    scf.for %while3A_313 = %while3A_131 to %while3A_127 step %while3A_133  : i32 {
      %mul3A_314 = arith.constant 6 : i32
      %mul3A_315 = arith.muli %mul3A_314, %while3A_313 : i32
      %add3A_316 = arith.constant 0 : i32
      %add3A_317 = arith.addi %mul3A_315, %add3A_316 : i32
      %lt3A = arith.cmpi slt, %add3A_317, %select_n3A : i32
      %convert_element_type3A_318 = arith.extui %lt3A : i1 to i32
      %cond3A_319 = arith.constant 0 : i32
      %cond3A_320 = arith.cmpi ne, %convert_element_type3A_318, %cond3A_319 : i32
      scf.if %cond3A_320 {
        %gt3A_387 = arith.constant 0 : i32
        %gt3A_388 = arith.cmpi sgt, %while3A_313, %gt3A_387 : i32
        %convert_element_type3A_389 = arith.extui %gt3A_388 : i1 to i32
        %cond3A_390 = arith.constant 0 : i32
        %cond3A_391 = arith.cmpi ne, %convert_element_type3A_389, %cond3A_390 : i32
        scf.if %cond3A_391 {
          %dma_wait3A = arith.constant 0 : i32
          %dma_wait3A_399 = arith.constant 0 : i32
          %dma_wait3A_400 = tpu.memref_slice %arg6[%dma_wait3A, %dma_wait3A_399] : memref<16384x1024xf32, #tpu.memory_space<hbm>> -> memref<16x1024xf32, #tpu.memory_space<hbm>>
          %dma_wait3A_401 = arith.constant 0 : i32
          %dma_wait3A_402 = arith.constant 0 : i32
          %dma_wait3A_403 = tpu.memref_slice %arg6[%dma_wait3A_401, %dma_wait3A_402] : memref<16384x1024xf32, #tpu.memory_space<hbm>> -> memref<16x1024xf32, #tpu.memory_space<hbm>>
          tpu.wait_dma2 semaphore(%arg29 : memref<!tpu.dma_semaphore, #tpu.memory_space<semaphore_mem>>) src(%dma_wait3A_403 : memref<16x1024xf32, #tpu.memory_space<hbm>>) dst(%arg17 : memref<16x1024xf32, #tpu.memory_space<vmem>>)
        } else {
        }
        %add3A_392 = arith.constant 0 : i32
        %add3A_393 = arith.addi %mul3A_315, %add3A_392 : i32
        %mul3A_394 = arith.constant 16 : i32
        %mul3A_395 = arith.muli %add3A_393, %mul3A_394 : i32
        %dma_start3A = tpu.memref_slice %arg8[%mul3A_395] : memref<544xi32, #tpu.memory_space<vmem>> -> memref<16xi32, #tpu.memory_space<vmem>>
        %dma_start3A_396 = arith.constant 0 : i32
        %dma_start3A_397 = arith.constant 0 : i32
        %dma_start3A_398 = tpu.memref_slice %arg2[%dma_start3A_396, %dma_start3A_397] : memref<50000x1024xf32, #tpu.memory_space<hbm>> -> memref<50000x1024xf32, #tpu.memory_space<hbm>>
        tpu.enqueue_indirect_dma source(%dma_start3A_398 : memref<50000x1024xf32, #tpu.memory_space<hbm>>) target(%arg17 : memref<16x1024xf32, #tpu.memory_space<vmem>>) offsets(%dma_start3A : memref<16xi32, #tpu.memory_space<vmem>>) semaphore(%arg23 : memref<!tpu.dma_semaphore, #tpu.memory_space<semaphore_mem>>)
      } else {
      }
      %add3A_321 = arith.constant 1 : i32
      %add3A_322 = arith.addi %mul3A_315, %add3A_321 : i32
      %lt3A_323 = arith.cmpi slt, %add3A_322, %select_n3A : i32
      %convert_element_type3A_324 = arith.extui %lt3A_323 : i1 to i32
      %cond3A_325 = arith.constant 0 : i32
      %cond3A_326 = arith.cmpi ne, %convert_element_type3A_324, %cond3A_325 : i32
      scf.if %cond3A_326 {
        %gt3A_387 = arith.constant 0 : i32
        %gt3A_388 = arith.cmpi sgt, %while3A_313, %gt3A_387 : i32
        %convert_element_type3A_389 = arith.extui %gt3A_388 : i1 to i32
        %cond3A_390 = arith.constant 0 : i32
        %cond3A_391 = arith.cmpi ne, %convert_element_type3A_389, %cond3A_390 : i32
        scf.if %cond3A_391 {
          %dma_wait3A = arith.constant 0 : i32
          %dma_wait3A_399 = arith.constant 0 : i32
          %dma_wait3A_400 = tpu.memref_slice %arg6[%dma_wait3A, %dma_wait3A_399] : memref<16384x1024xf32, #tpu.memory_space<hbm>> -> memref<16x1024xf32, #tpu.memory_space<hbm>>
          %dma_wait3A_401 = arith.constant 0 : i32
          %dma_wait3A_402 = arith.constant 0 : i32
          %dma_wait3A_403 = tpu.memref_slice %arg6[%dma_wait3A_401, %dma_wait3A_402] : memref<16384x1024xf32, #tpu.memory_space<hbm>> -> memref<16x1024xf32, #tpu.memory_space<hbm>>
          tpu.wait_dma2 semaphore(%arg30 : memref<!tpu.dma_semaphore, #tpu.memory_space<semaphore_mem>>) src(%dma_wait3A_403 : memref<16x1024xf32, #tpu.memory_space<hbm>>) dst(%arg18 : memref<16x1024xf32, #tpu.memory_space<vmem>>)
        } else {
        }
        %add3A_392 = arith.constant 1 : i32
        %add3A_393 = arith.addi %mul3A_315, %add3A_392 : i32
        %mul3A_394 = arith.constant 16 : i32
        %mul3A_395 = arith.muli %add3A_393, %mul3A_394 : i32
        %dma_start3A = tpu.memref_slice %arg8[%mul3A_395] : memref<544xi32, #tpu.memory_space<vmem>> -> memref<16xi32, #tpu.memory_space<vmem>>
        %dma_start3A_396 = arith.constant 0 : i32
        %dma_start3A_397 = arith.constant 0 : i32
        %dma_start3A_398 = tpu.memref_slice %arg2[%dma_start3A_396, %dma_start3A_397] : memref<50000x1024xf32, #tpu.memory_space<hbm>> -> memref<50000x1024xf32, #tpu.memory_space<hbm>>
        tpu.enqueue_indirect_dma source(%dma_start3A_398 : memref<50000x1024xf32, #tpu.memory_space<hbm>>) target(%arg18 : memref<16x1024xf32, #tpu.memory_space<vmem>>) offsets(%dma_start3A : memref<16xi32, #tpu.memory_space<vmem>>) semaphore(%arg24 : memref<!tpu.dma_semaphore, #tpu.memory_space<semaphore_mem>>)
      } else {
      }
      %add3A_327 = arith.constant 2 : i32
      %add3A_328 = arith.addi %mul3A_315, %add3A_327 : i32
      %lt3A_329 = arith.cmpi slt, %add3A_328, %select_n3A : i32
      %convert_element_type3A_330 = arith.extui %lt3A_329 : i1 to i32
      %cond3A_331 = arith.constant 0 : i32
      %cond3A_332 = arith.cmpi ne, %convert_element_type3A_330, %cond3A_331 : i32
      scf.if %cond3A_332 {
        %gt3A_387 = arith.constant 0 : i32
        %gt3A_388 = arith.cmpi sgt, %while3A_313, %gt3A_387 : i32
        %convert_element_type3A_389 = arith.extui %gt3A_388 : i1 to i32
        %cond3A_390 = arith.constant 0 : i32
        %cond3A_391 = arith.cmpi ne, %convert_element_type3A_389, %cond3A_390 : i32
        scf.if %cond3A_391 {
          %dma_wait3A = arith.constant 0 : i32
          %dma_wait3A_399 = arith.constant 0 : i32
          %dma_wait3A_400 = tpu.memref_slice %arg6[%dma_wait3A, %dma_wait3A_399] : memref<16384x1024xf32, #tpu.memory_space<hbm>> -> memref<16x1024xf32, #tpu.memory_space<hbm>>
          %dma_wait3A_401 = arith.constant 0 : i32
          %dma_wait3A_402 = arith.constant 0 : i32
          %dma_wait3A_403 = tpu.memref_slice %arg6[%dma_wait3A_401, %dma_wait3A_402] : memref<16384x1024xf32, #tpu.memory_space<hbm>> -> memref<16x1024xf32, #tpu.memory_space<hbm>>
          tpu.wait_dma2 semaphore(%arg31 : memref<!tpu.dma_semaphore, #tpu.memory_space<semaphore_mem>>) src(%dma_wait3A_403 : memref<16x1024xf32, #tpu.memory_space<hbm>>) dst(%arg19 : memref<16x1024xf32, #tpu.memory_space<vmem>>)
        } else {
        }
        %add3A_392 = arith.constant 2 : i32
        %add3A_393 = arith.addi %mul3A_315, %add3A_392 : i32
        %mul3A_394 = arith.constant 16 : i32
        %mul3A_395 = arith.muli %add3A_393, %mul3A_394 : i32
        %dma_start3A = tpu.memref_slice %arg8[%mul3A_395] : memref<544xi32, #tpu.memory_space<vmem>> -> memref<16xi32, #tpu.memory_space<vmem>>
        %dma_start3A_396 = arith.constant 0 : i32
        %dma_start3A_397 = arith.constant 0 : i32
        %dma_start3A_398 = tpu.memref_slice %arg2[%dma_start3A_396, %dma_start3A_397] : memref<50000x1024xf32, #tpu.memory_space<hbm>> -> memref<50000x1024xf32, #tpu.memory_space<hbm>>
        tpu.enqueue_indirect_dma source(%dma_start3A_398 : memref<50000x1024xf32, #tpu.memory_space<hbm>>) target(%arg19 : memref<16x1024xf32, #tpu.memory_space<vmem>>) offsets(%dma_start3A : memref<16xi32, #tpu.memory_space<vmem>>) semaphore(%arg25 : memref<!tpu.dma_semaphore, #tpu.memory_space<semaphore_mem>>)
      } else {
      }
      %add3A_333 = arith.constant 3 : i32
      %add3A_334 = arith.addi %mul3A_315, %add3A_333 : i32
      %lt3A_335 = arith.cmpi slt, %add3A_334, %select_n3A : i32
      %convert_element_type3A_336 = arith.extui %lt3A_335 : i1 to i32
      %cond3A_337 = arith.constant 0 : i32
      %cond3A_338 = arith.cmpi ne, %convert_element_type3A_336, %cond3A_337 : i32
      scf.if %cond3A_338 {
        %gt3A_387 = arith.constant 0 : i32
        %gt3A_388 = arith.cmpi sgt, %while3A_313, %gt3A_387 : i32
        %convert_element_type3A_389 = arith.extui %gt3A_388 : i1 to i32
        %cond3A_390 = arith.constant 0 : i32
        %cond3A_391 = arith.cmpi ne, %convert_element_type3A_389, %cond3A_390 : i32
        scf.if %cond3A_391 {
          %dma_wait3A = arith.constant 0 : i32
          %dma_wait3A_399 = arith.constant 0 : i32
          %dma_wait3A_400 = tpu.memref_slice %arg6[%dma_wait3A, %dma_wait3A_399] : memref<16384x1024xf32, #tpu.memory_space<hbm>> -> memref<16x1024xf32, #tpu.memory_space<hbm>>
          %dma_wait3A_401 = arith.constant 0 : i32
          %dma_wait3A_402 = arith.constant 0 : i32
          %dma_wait3A_403 = tpu.memref_slice %arg6[%dma_wait3A_401, %dma_wait3A_402] : memref<16384x1024xf32, #tpu.memory_space<hbm>> -> memref<16x1024xf32, #tpu.memory_space<hbm>>
          tpu.wait_dma2 semaphore(%arg32 : memref<!tpu.dma_semaphore, #tpu.memory_space<semaphore_mem>>) src(%dma_wait3A_403 : memref<16x1024xf32, #tpu.memory_space<hbm>>) dst(%arg20 : memref<16x1024xf32, #tpu.memory_space<vmem>>)
        } else {
        }
        %add3A_392 = arith.constant 3 : i32
        %add3A_393 = arith.addi %mul3A_315, %add3A_392 : i32
        %mul3A_394 = arith.constant 16 : i32
        %mul3A_395 = arith.muli %add3A_393, %mul3A_394 : i32
        %dma_start3A = tpu.memref_slice %arg8[%mul3A_395] : memref<544xi32, #tpu.memory_space<vmem>> -> memref<16xi32, #tpu.memory_space<vmem>>
        %dma_start3A_396 = arith.constant 0 : i32
        %dma_start3A_397 = arith.constant 0 : i32
        %dma_start3A_398 = tpu.memref_slice %arg2[%dma_start3A_396, %dma_start3A_397] : memref<50000x1024xf32, #tpu.memory_space<hbm>> -> memref<50000x1024xf32, #tpu.memory_space<hbm>>
        tpu.enqueue_indirect_dma source(%dma_start3A_398 : memref<50000x1024xf32, #tpu.memory_space<hbm>>) target(%arg20 : memref<16x1024xf32, #tpu.memory_space<vmem>>) offsets(%dma_start3A : memref<16xi32, #tpu.memory_space<vmem>>) semaphore(%arg26 : memref<!tpu.dma_semaphore, #tpu.memory_space<semaphore_mem>>)
      } else {
      }
      %add3A_339 = arith.constant 4 : i32
      %add3A_340 = arith.addi %mul3A_315, %add3A_339 : i32
      %lt3A_341 = arith.cmpi slt, %add3A_340, %select_n3A : i32
      %convert_element_type3A_342 = arith.extui %lt3A_341 : i1 to i32
      %cond3A_343 = arith.constant 0 : i32
      %cond3A_344 = arith.cmpi ne, %convert_element_type3A_342, %cond3A_343 : i32
      scf.if %cond3A_344 {
        %gt3A_387 = arith.constant 0 : i32
        %gt3A_388 = arith.cmpi sgt, %while3A_313, %gt3A_387 : i32
        %convert_element_type3A_389 = arith.extui %gt3A_388 : i1 to i32
        %cond3A_390 = arith.constant 0 : i32
        %cond3A_391 = arith.cmpi ne, %convert_element_type3A_389, %cond3A_390 : i32
        scf.if %cond3A_391 {
          %dma_wait3A = arith.constant 0 : i32
          %dma_wait3A_399 = arith.constant 0 : i32
          %dma_wait3A_400 = tpu.memref_slice %arg6[%dma_wait3A, %dma_wait3A_399] : memref<16384x1024xf32, #tpu.memory_space<hbm>> -> memref<16x1024xf32, #tpu.memory_space<hbm>>
          %dma_wait3A_401 = arith.constant 0 : i32
          %dma_wait3A_402 = arith.constant 0 : i32
          %dma_wait3A_403 = tpu.memref_slice %arg6[%dma_wait3A_401, %dma_wait3A_402] : memref<16384x1024xf32, #tpu.memory_space<hbm>> -> memref<16x1024xf32, #tpu.memory_space<hbm>>
          tpu.wait_dma2 semaphore(%arg33 : memref<!tpu.dma_semaphore, #tpu.memory_space<semaphore_mem>>) src(%dma_wait3A_403 : memref<16x1024xf32, #tpu.memory_space<hbm>>) dst(%arg21 : memref<16x1024xf32, #tpu.memory_space<vmem>>)
        } else {
        }
        %add3A_392 = arith.constant 4 : i32
        %add3A_393 = arith.addi %mul3A_315, %add3A_392 : i32
        %mul3A_394 = arith.constant 16 : i32
        %mul3A_395 = arith.muli %add3A_393, %mul3A_394 : i32
        %dma_start3A = tpu.memref_slice %arg8[%mul3A_395] : memref<544xi32, #tpu.memory_space<vmem>> -> memref<16xi32, #tpu.memory_space<vmem>>
        %dma_start3A_396 = arith.constant 0 : i32
        %dma_start3A_397 = arith.constant 0 : i32
        %dma_start3A_398 = tpu.memref_slice %arg2[%dma_start3A_396, %dma_start3A_397] : memref<50000x1024xf32, #tpu.memory_space<hbm>> -> memref<50000x1024xf32, #tpu.memory_space<hbm>>
        tpu.enqueue_indirect_dma source(%dma_start3A_398 : memref<50000x1024xf32, #tpu.memory_space<hbm>>) target(%arg21 : memref<16x1024xf32, #tpu.memory_space<vmem>>) offsets(%dma_start3A : memref<16xi32, #tpu.memory_space<vmem>>) semaphore(%arg27 : memref<!tpu.dma_semaphore, #tpu.memory_space<semaphore_mem>>)
      } else {
      }
      %add3A_345 = arith.constant 5 : i32
      %add3A_346 = arith.addi %mul3A_315, %add3A_345 : i32
      %lt3A_347 = arith.cmpi slt, %add3A_346, %select_n3A : i32
      %convert_element_type3A_348 = arith.extui %lt3A_347 : i1 to i32
      %cond3A_349 = arith.constant 0 : i32
      %cond3A_350 = arith.cmpi ne, %convert_element_type3A_348, %cond3A_349 : i32
      scf.if %cond3A_350 {
        %gt3A_387 = arith.constant 0 : i32
        %gt3A_388 = arith.cmpi sgt, %while3A_313, %gt3A_387 : i32
        %convert_element_type3A_389 = arith.extui %gt3A_388 : i1 to i32
        %cond3A_390 = arith.constant 0 : i32
        %cond3A_391 = arith.cmpi ne, %convert_element_type3A_389, %cond3A_390 : i32
        scf.if %cond3A_391 {
          %dma_wait3A = arith.constant 0 : i32
          %dma_wait3A_399 = arith.constant 0 : i32
          %dma_wait3A_400 = tpu.memref_slice %arg6[%dma_wait3A, %dma_wait3A_399] : memref<16384x1024xf32, #tpu.memory_space<hbm>> -> memref<16x1024xf32, #tpu.memory_space<hbm>>
          %dma_wait3A_401 = arith.constant 0 : i32
          %dma_wait3A_402 = arith.constant 0 : i32
          %dma_wait3A_403 = tpu.memref_slice %arg6[%dma_wait3A_401, %dma_wait3A_402] : memref<16384x1024xf32, #tpu.memory_space<hbm>> -> memref<16x1024xf32, #tpu.memory_space<hbm>>
          tpu.wait_dma2 semaphore(%arg34 : memref<!tpu.dma_semaphore, #tpu.memory_space<semaphore_mem>>) src(%dma_wait3A_403 : memref<16x1024xf32, #tpu.memory_space<hbm>>) dst(%arg22 : memref<16x1024xf32, #tpu.memory_space<vmem>>)
        } else {
        }
        %add3A_392 = arith.constant 5 : i32
        %add3A_393 = arith.addi %mul3A_315, %add3A_392 : i32
        %mul3A_394 = arith.constant 16 : i32
        %mul3A_395 = arith.muli %add3A_393, %mul3A_394 : i32
        %dma_start3A = tpu.memref_slice %arg8[%mul3A_395] : memref<544xi32, #tpu.memory_space<vmem>> -> memref<16xi32, #tpu.memory_space<vmem>>
        %dma_start3A_396 = arith.constant 0 : i32
        %dma_start3A_397 = arith.constant 0 : i32
        %dma_start3A_398 = tpu.memref_slice %arg2[%dma_start3A_396, %dma_start3A_397] : memref<50000x1024xf32, #tpu.memory_space<hbm>> -> memref<50000x1024xf32, #tpu.memory_space<hbm>>
        tpu.enqueue_indirect_dma source(%dma_start3A_398 : memref<50000x1024xf32, #tpu.memory_space<hbm>>) target(%arg22 : memref<16x1024xf32, #tpu.memory_space<vmem>>) offsets(%dma_start3A : memref<16xi32, #tpu.memory_space<vmem>>) semaphore(%arg28 : memref<!tpu.dma_semaphore, #tpu.memory_space<semaphore_mem>>)
      } else {
      }
      %add3A_351 = arith.constant 0 : i32
      %add3A_352 = arith.addi %mul3A_315, %add3A_351 : i32
      %lt3A_353 = arith.cmpi slt, %add3A_352, %select_n3A : i32
      %convert_element_type3A_354 = arith.extui %lt3A_353 : i1 to i32
      %cond3A_355 = arith.constant 0 : i32
      %cond3A_356 = arith.cmpi ne, %convert_element_type3A_354, %cond3A_355 : i32
      scf.if %cond3A_356 {
        %dma_wait3A = arith.constant 0 : i32
        %dma_wait3A_387 = arith.constant 0 : i32
        %dma_wait3A_388 = tpu.memref_slice %arg6[%dma_wait3A, %dma_wait3A_387] : memref<16384x1024xf32, #tpu.memory_space<hbm>> -> memref<16x1024xf32, #tpu.memory_space<hbm>>
        %dma_wait3A_389 = arith.constant 0 : i32
        %dma_wait3A_390 = arith.constant 0 : i32
        %dma_wait3A_391 = tpu.memref_slice %arg6[%dma_wait3A_389, %dma_wait3A_390] : memref<16384x1024xf32, #tpu.memory_space<hbm>> -> memref<16x1024xf32, #tpu.memory_space<hbm>>
        tpu.wait_dma2 semaphore(%arg23 : memref<!tpu.dma_semaphore, #tpu.memory_space<semaphore_mem>>) src(%dma_wait3A_391 : memref<16x1024xf32, #tpu.memory_space<hbm>>) dst(%arg17 : memref<16x1024xf32, #tpu.memory_space<vmem>>)
        %add3A_392 = arith.constant 0 : i32
        %add3A_393 = arith.addi %mul3A_315, %add3A_392 : i32
        %dma_start3A = arith.constant 0 : i32
        %dma_start3A_394 = tpu.memref_slice %arg14[%add3A_393, %dma_start3A] : memref<34x16xi32, #tpu.memory_space<vmem>> -> memref<1x16xi32, #tpu.memory_space<vmem>>
        %dma_start3A_395 = tpu.memref_squeeze %dma_start3A_394 : memref<1x16xi32, #tpu.memory_space<vmem>> -> memref<16xi32, #tpu.memory_space<vmem>>
        %dma_start3A_396 = arith.constant 0 : i32
        %dma_start3A_397 = arith.constant 0 : i32
        %dma_start3A_398 = tpu.memref_slice %arg6[%dma_start3A_396, %dma_start3A_397] : memref<16384x1024xf32, #tpu.memory_space<hbm>> -> memref<16384x1024xf32, #tpu.memory_space<hbm>>
        tpu.enqueue_indirect_dma source(%arg17 : memref<16x1024xf32, #tpu.memory_space<vmem>>) target(%dma_start3A_398 : memref<16384x1024xf32, #tpu.memory_space<hbm>>) offsets(%dma_start3A_395 : memref<16xi32, #tpu.memory_space<vmem>>) semaphore(%arg29 : memref<!tpu.dma_semaphore, #tpu.memory_space<semaphore_mem>>)
      } else {
      }
      %add3A_357 = arith.constant 1 : i32
      %add3A_358 = arith.addi %mul3A_315, %add3A_357 : i32
      %lt3A_359 = arith.cmpi slt, %add3A_358, %select_n3A : i32
      %convert_element_type3A_360 = arith.extui %lt3A_359 : i1 to i32
      %cond3A_361 = arith.constant 0 : i32
      %cond3A_362 = arith.cmpi ne, %convert_element_type3A_360, %cond3A_361 : i32
      scf.if %cond3A_362 {
        %dma_wait3A = arith.constant 0 : i32
        %dma_wait3A_387 = arith.constant 0 : i32
        %dma_wait3A_388 = tpu.memref_slice %arg6[%dma_wait3A, %dma_wait3A_387] : memref<16384x1024xf32, #tpu.memory_space<hbm>> -> memref<16x1024xf32, #tpu.memory_space<hbm>>
        %dma_wait3A_389 = arith.constant 0 : i32
        %dma_wait3A_390 = arith.constant 0 : i32
        %dma_wait3A_391 = tpu.memref_slice %arg6[%dma_wait3A_389, %dma_wait3A_390] : memref<16384x1024xf32, #tpu.memory_space<hbm>> -> memref<16x1024xf32, #tpu.memory_space<hbm>>
        tpu.wait_dma2 semaphore(%arg24 : memref<!tpu.dma_semaphore, #tpu.memory_space<semaphore_mem>>) src(%dma_wait3A_391 : memref<16x1024xf32, #tpu.memory_space<hbm>>) dst(%arg18 : memref<16x1024xf32, #tpu.memory_space<vmem>>)
        %add3A_392 = arith.constant 1 : i32
        %add3A_393 = arith.addi %mul3A_315, %add3A_392 : i32
        %dma_start3A = arith.constant 0 : i32
        %dma_start3A_394 = tpu.memref_slice %arg14[%add3A_393, %dma_start3A] : memref<34x16xi32, #tpu.memory_space<vmem>> -> memref<1x16xi32, #tpu.memory_space<vmem>>
        %dma_start3A_395 = tpu.memref_squeeze %dma_start3A_394 : memref<1x16xi32, #tpu.memory_space<vmem>> -> memref<16xi32, #tpu.memory_space<vmem>>
        %dma_start3A_396 = arith.constant 0 : i32
        %dma_start3A_397 = arith.constant 0 : i32
        %dma_start3A_398 = tpu.memref_slice %arg6[%dma_start3A_396, %dma_start3A_397] : memref<16384x1024xf32, #tpu.memory_space<hbm>> -> memref<16384x1024xf32, #tpu.memory_space<hbm>>
        tpu.enqueue_indirect_dma source(%arg18 : memref<16x1024xf32, #tpu.memory_space<vmem>>) target(%dma_start3A_398 : memref<16384x1024xf32, #tpu.memory_space<hbm>>) offsets(%dma_start3A_395 : memref<16xi32, #tpu.memory_space<vmem>>) semaphore(%arg30 : memref<!tpu.dma_semaphore, #tpu.memory_space<semaphore_mem>>)
      } else {
      }
      %add3A_363 = arith.constant 2 : i32
      %add3A_364 = arith.addi %mul3A_315, %add3A_363 : i32
      %lt3A_365 = arith.cmpi slt, %add3A_364, %select_n3A : i32
      %convert_element_type3A_366 = arith.extui %lt3A_365 : i1 to i32
      %cond3A_367 = arith.constant 0 : i32
      %cond3A_368 = arith.cmpi ne, %convert_element_type3A_366, %cond3A_367 : i32
      scf.if %cond3A_368 {
        %dma_wait3A = arith.constant 0 : i32
        %dma_wait3A_387 = arith.constant 0 : i32
        %dma_wait3A_388 = tpu.memref_slice %arg6[%dma_wait3A, %dma_wait3A_387] : memref<16384x1024xf32, #tpu.memory_space<hbm>> -> memref<16x1024xf32, #tpu.memory_space<hbm>>
        %dma_wait3A_389 = arith.constant 0 : i32
        %dma_wait3A_390 = arith.constant 0 : i32
        %dma_wait3A_391 = tpu.memref_slice %arg6[%dma_wait3A_389, %dma_wait3A_390] : memref<16384x1024xf32, #tpu.memory_space<hbm>> -> memref<16x1024xf32, #tpu.memory_space<hbm>>
        tpu.wait_dma2 semaphore(%arg25 : memref<!tpu.dma_semaphore, #tpu.memory_space<semaphore_mem>>) src(%dma_wait3A_391 : memref<16x1024xf32, #tpu.memory_space<hbm>>) dst(%arg19 : memref<16x1024xf32, #tpu.memory_space<vmem>>)
        %add3A_392 = arith.constant 2 : i32
        %add3A_393 = arith.addi %mul3A_315, %add3A_392 : i32
        %dma_start3A = arith.constant 0 : i32
        %dma_start3A_394 = tpu.memref_slice %arg14[%add3A_393, %dma_start3A] : memref<34x16xi32, #tpu.memory_space<vmem>> -> memref<1x16xi32, #tpu.memory_space<vmem>>
        %dma_start3A_395 = tpu.memref_squeeze %dma_start3A_394 : memref<1x16xi32, #tpu.memory_space<vmem>> -> memref<16xi32, #tpu.memory_space<vmem>>
        %dma_start3A_396 = arith.constant 0 : i32
        %dma_start3A_397 = arith.constant 0 : i32
        %dma_start3A_398 = tpu.memref_slice %arg6[%dma_start3A_396, %dma_start3A_397] : memref<16384x1024xf32, #tpu.memory_space<hbm>> -> memref<16384x1024xf32, #tpu.memory_space<hbm>>
        tpu.enqueue_indirect_dma source(%arg19 : memref<16x1024xf32, #tpu.memory_space<vmem>>) target(%dma_start3A_398 : memref<16384x1024xf32, #tpu.memory_space<hbm>>) offsets(%dma_start3A_395 : memref<16xi32, #tpu.memory_space<vmem>>) semaphore(%arg31 : memref<!tpu.dma_semaphore, #tpu.memory_space<semaphore_mem>>)
      } else {
      }
      %add3A_369 = arith.constant 3 : i32
      %add3A_370 = arith.addi %mul3A_315, %add3A_369 : i32
      %lt3A_371 = arith.cmpi slt, %add3A_370, %select_n3A : i32
      %convert_element_type3A_372 = arith.extui %lt3A_371 : i1 to i32
      %cond3A_373 = arith.constant 0 : i32
      %cond3A_374 = arith.cmpi ne, %convert_element_type3A_372, %cond3A_373 : i32
      scf.if %cond3A_374 {
        %dma_wait3A = arith.constant 0 : i32
        %dma_wait3A_387 = arith.constant 0 : i32
        %dma_wait3A_388 = tpu.memref_slice %arg6[%dma_wait3A, %dma_wait3A_387] : memref<16384x1024xf32, #tpu.memory_space<hbm>> -> memref<16x1024xf32, #tpu.memory_space<hbm>>
        %dma_wait3A_389 = arith.constant 0 : i32
        %dma_wait3A_390 = arith.constant 0 : i32
        %dma_wait3A_391 = tpu.memref_slice %arg6[%dma_wait3A_389, %dma_wait3A_390] : memref<16384x1024xf32, #tpu.memory_space<hbm>> -> memref<16x1024xf32, #tpu.memory_space<hbm>>
        tpu.wait_dma2 semaphore(%arg26 : memref<!tpu.dma_semaphore, #tpu.memory_space<semaphore_mem>>) src(%dma_wait3A_391 : memref<16x1024xf32, #tpu.memory_space<hbm>>) dst(%arg20 : memref<16x1024xf32, #tpu.memory_space<vmem>>)
        %add3A_392 = arith.constant 3 : i32
        %add3A_393 = arith.addi %mul3A_315, %add3A_392 : i32
        %dma_start3A = arith.constant 0 : i32
        %dma_start3A_394 = tpu.memref_slice %arg14[%add3A_393, %dma_start3A] : memref<34x16xi32, #tpu.memory_space<vmem>> -> memref<1x16xi32, #tpu.memory_space<vmem>>
        %dma_start3A_395 = tpu.memref_squeeze %dma_start3A_394 : memref<1x16xi32, #tpu.memory_space<vmem>> -> memref<16xi32, #tpu.memory_space<vmem>>
        %dma_start3A_396 = arith.constant 0 : i32
        %dma_start3A_397 = arith.constant 0 : i32
        %dma_start3A_398 = tpu.memref_slice %arg6[%dma_start3A_396, %dma_start3A_397] : memref<16384x1024xf32, #tpu.memory_space<hbm>> -> memref<16384x1024xf32, #tpu.memory_space<hbm>>
        tpu.enqueue_indirect_dma source(%arg20 : memref<16x1024xf32, #tpu.memory_space<vmem>>) target(%dma_start3A_398 : memref<16384x1024xf32, #tpu.memory_space<hbm>>) offsets(%dma_start3A_395 : memref<16xi32, #tpu.memory_space<vmem>>) semaphore(%arg32 : memref<!tpu.dma_semaphore, #tpu.memory_space<semaphore_mem>>)
      } else {
      }
      %add3A_375 = arith.constant 4 : i32
      %add3A_376 = arith.addi %mul3A_315, %add3A_375 : i32
      %lt3A_377 = arith.cmpi slt, %add3A_376, %select_n3A : i32
      %convert_element_type3A_378 = arith.extui %lt3A_377 : i1 to i32
      %cond3A_379 = arith.constant 0 : i32
      %cond3A_380 = arith.cmpi ne, %convert_element_type3A_378, %cond3A_379 : i32
      scf.if %cond3A_380 {
        %dma_wait3A = arith.constant 0 : i32
        %dma_wait3A_387 = arith.constant 0 : i32
        %dma_wait3A_388 = tpu.memref_slice %arg6[%dma_wait3A, %dma_wait3A_387] : memref<16384x1024xf32, #tpu.memory_space<hbm>> -> memref<16x1024xf32, #tpu.memory_space<hbm>>
        %dma_wait3A_389 = arith.constant 0 : i32
        %dma_wait3A_390 = arith.constant 0 : i32
        %dma_wait3A_391 = tpu.memref_slice %arg6[%dma_wait3A_389, %dma_wait3A_390] : memref<16384x1024xf32, #tpu.memory_space<hbm>> -> memref<16x1024xf32, #tpu.memory_space<hbm>>
        tpu.wait_dma2 semaphore(%arg27 : memref<!tpu.dma_semaphore, #tpu.memory_space<semaphore_mem>>) src(%dma_wait3A_391 : memref<16x1024xf32, #tpu.memory_space<hbm>>) dst(%arg21 : memref<16x1024xf32, #tpu.memory_space<vmem>>)
        %add3A_392 = arith.constant 4 : i32
        %add3A_393 = arith.addi %mul3A_315, %add3A_392 : i32
        %dma_start3A = arith.constant 0 : i32
        %dma_start3A_394 = tpu.memref_slice %arg14[%add3A_393, %dma_start3A] : memref<34x16xi32, #tpu.memory_space<vmem>> -> memref<1x16xi32, #tpu.memory_space<vmem>>
        %dma_start3A_395 = tpu.memref_squeeze %dma_start3A_394 : memref<1x16xi32, #tpu.memory_space<vmem>> -> memref<16xi32, #tpu.memory_space<vmem>>
        %dma_start3A_396 = arith.constant 0 : i32
        %dma_start3A_397 = arith.constant 0 : i32
        %dma_start3A_398 = tpu.memref_slice %arg6[%dma_start3A_396, %dma_start3A_397] : memref<16384x1024xf32, #tpu.memory_space<hbm>> -> memref<16384x1024xf32, #tpu.memory_space<hbm>>
        tpu.enqueue_indirect_dma source(%arg21 : memref<16x1024xf32, #tpu.memory_space<vmem>>) target(%dma_start3A_398 : memref<16384x1024xf32, #tpu.memory_space<hbm>>) offsets(%dma_start3A_395 : memref<16xi32, #tpu.memory_space<vmem>>) semaphore(%arg33 : memref<!tpu.dma_semaphore, #tpu.memory_space<semaphore_mem>>)
      } else {
      }
      %add3A_381 = arith.constant 5 : i32
      %add3A_382 = arith.addi %mul3A_315, %add3A_381 : i32
      %lt3A_383 = arith.cmpi slt, %add3A_382, %select_n3A : i32
      %convert_element_type3A_384 = arith.extui %lt3A_383 : i1 to i32
      %cond3A_385 = arith.constant 0 : i32
      %cond3A_386 = arith.cmpi ne, %convert_element_type3A_384, %cond3A_385 : i32
      scf.if %cond3A_386 {
        %dma_wait3A = arith.constant 0 : i32
        %dma_wait3A_387 = arith.constant 0 : i32
        %dma_wait3A_388 = tpu.memref_slice %arg6[%dma_wait3A, %dma_wait3A_387] : memref<16384x1024xf32, #tpu.memory_space<hbm>> -> memref<16x1024xf32, #tpu.memory_space<hbm>>
        %dma_wait3A_389 = arith.constant 0 : i32
        %dma_wait3A_390 = arith.constant 0 : i32
        %dma_wait3A_391 = tpu.memref_slice %arg6[%dma_wait3A_389, %dma_wait3A_390] : memref<16384x1024xf32, #tpu.memory_space<hbm>> -> memref<16x1024xf32, #tpu.memory_space<hbm>>
        tpu.wait_dma2 semaphore(%arg28 : memref<!tpu.dma_semaphore, #tpu.memory_space<semaphore_mem>>) src(%dma_wait3A_391 : memref<16x1024xf32, #tpu.memory_space<hbm>>) dst(%arg22 : memref<16x1024xf32, #tpu.memory_space<vmem>>)
        %add3A_392 = arith.constant 5 : i32
        %add3A_393 = arith.addi %mul3A_315, %add3A_392 : i32
        %dma_start3A = arith.constant 0 : i32
        %dma_start3A_394 = tpu.memref_slice %arg14[%add3A_393, %dma_start3A] : memref<34x16xi32, #tpu.memory_space<vmem>> -> memref<1x16xi32, #tpu.memory_space<vmem>>
        %dma_start3A_395 = tpu.memref_squeeze %dma_start3A_394 : memref<1x16xi32, #tpu.memory_space<vmem>> -> memref<16xi32, #tpu.memory_space<vmem>>
        %dma_start3A_396 = arith.constant 0 : i32
        %dma_start3A_397 = arith.constant 0 : i32
        %dma_start3A_398 = tpu.memref_slice %arg6[%dma_start3A_396, %dma_start3A_397] : memref<16384x1024xf32, #tpu.memory_space<hbm>> -> memref<16384x1024xf32, #tpu.memory_space<hbm>>
        tpu.enqueue_indirect_dma source(%arg22 : memref<16x1024xf32, #tpu.memory_space<vmem>>) target(%dma_start3A_398 : memref<16384x1024xf32, #tpu.memory_space<hbm>>) offsets(%dma_start3A_395 : memref<16xi32, #tpu.memory_space<vmem>>) semaphore(%arg34 : memref<!tpu.dma_semaphore, #tpu.memory_space<semaphore_mem>>)
      } else {
      }
    }
    %add3A_134 = arith.constant 5 : i32
    %add3A_135 = arith.addi %select_n3A_72, %add3A_134 : i32
    %jit3A_136 = arith.constant 6 : i32
    %div3A_137 = arith.divsi %add3A_135, %jit3A_136 : i32
    %sign3A_138 = arith.constant 0 : i32
    %sign3A_139 = arith.cmpi sgt, %add3A_135, %sign3A_138 : i32
    %sign3A_140 = arith.extui %sign3A_139 : i1 to i32
    %sign3A_141 = arith.constant 0 : i32
    %sign3A_142 = arith.cmpi slt, %add3A_135, %sign3A_141 : i32
    %sign3A_143 = arith.extui %sign3A_142 : i1 to i32
    %sign3A_144 = arith.subi %sign3A_140, %sign3A_143 : i32
    %sign3A_145 = arith.constant 0 : i32
    %sign3A_146 = arith.cmpi sgt, %jit3A_136, %sign3A_145 : i32
    %sign3A_147 = arith.extui %sign3A_146 : i1 to i32
    %sign3A_148 = arith.constant 0 : i32
    %sign3A_149 = arith.cmpi slt, %jit3A_136, %sign3A_148 : i32
    %sign3A_150 = arith.extui %sign3A_149 : i1 to i32
    %sign3A_151 = arith.subi %sign3A_147, %sign3A_150 : i32
    %ne3A_152 = arith.cmpi ne, %sign3A_144, %sign3A_151 : i32
    %rem3A_153 = arith.remsi %add3A_135, %jit3A_136 : i32
    %ne3A_154 = arith.constant 0 : i32
    %ne3A_155 = arith.cmpi ne, %rem3A_153, %ne3A_154 : i32
    %and3A_156 = arith.andi %ne3A_152, %ne3A_155 : i1
    %sub3A_157 = arith.constant 1 : i32
    %sub3A_158 = arith.subi %div3A_137, %sub3A_157 : i32
    %select_n3A_159 = arith.select %and3A_156, %sub3A_158, %div3A_137 : i32
    %gt3A_160 = arith.constant 0 : i32
    %gt3A_161 = arith.cmpi sgt, %select_n3A, %gt3A_160 : i32
    %gt3A_162 = arith.constant 1 : i32
    %gt3A_163 = arith.cmpi sgt, %select_n3A, %gt3A_162 : i32
    %gt3A_164 = arith.constant 2 : i32
    %gt3A_165 = arith.cmpi sgt, %select_n3A, %gt3A_164 : i32
    %gt3A_166 = arith.constant 3 : i32
    %gt3A_167 = arith.cmpi sgt, %select_n3A, %gt3A_166 : i32
    %gt3A_168 = arith.constant 4 : i32
    %gt3A_169 = arith.cmpi sgt, %select_n3A, %gt3A_168 : i32
    %gt3A_170 = arith.constant 5 : i32
    %gt3A_171 = arith.cmpi sgt, %select_n3A, %gt3A_170 : i32
    %while3A_172 = arith.constant 0 : i32
    %while3A_173 = arith.constant 0 : i32
    %while3A_174 = arith.subi %select_n3A_159, %while3A_173 : i32
    %while3A_175 = arith.addi %while3A_173, %while3A_174 : i32
    %while3A_176 = arith.constant 1 : i32
    %while3A_177 = arith.divsi %while3A_174, %while3A_176 : i32
    %while3A_178 = arith.muli %while3A_177, %while3A_176 : i32
    %while3A_179 = arith.addi %while3A_173, %while3A_178 : i32
    %while3A_180 = arith.constant 1 : i32
    scf.for %while3A_313 = %while3A_173 to %while3A_179 step %while3A_180  : i32 {
      %mul3A_314 = arith.constant 6 : i32
      %mul3A_315 = arith.muli %mul3A_314, %while3A_313 : i32
      %add3A_316 = arith.constant 0 : i32
      %add3A_317 = arith.addi %mul3A_315, %add3A_316 : i32
      %lt3A = arith.cmpi slt, %add3A_317, %select_n3A_72 : i32
      %convert_element_type3A_318 = arith.extui %lt3A : i1 to i32
      %cond3A_319 = arith.constant 0 : i32
      %cond3A_320 = arith.cmpi ne, %convert_element_type3A_318, %cond3A_319 : i32
      scf.if %cond3A_320 {
        %gt3A_387 = arith.constant 0 : i32
        %gt3A_388 = arith.cmpi sgt, %while3A_313, %gt3A_387 : i32
        %or3A_389 = arith.ori %gt3A_388, %gt3A_161 : i1
        %convert_element_type3A_390 = arith.extui %or3A_389 : i1 to i32
        %cond3A_391 = arith.constant 0 : i32
        %cond3A_392 = arith.cmpi ne, %convert_element_type3A_390, %cond3A_391 : i32
        scf.if %cond3A_392 {
          %dma_wait3A = arith.constant 0 : i32
          %dma_wait3A_400 = arith.constant 0 : i32
          %dma_wait3A_401 = tpu.memref_slice %arg6[%dma_wait3A, %dma_wait3A_400] : memref<16384x1024xf32, #tpu.memory_space<hbm>> -> memref<16x1024xf32, #tpu.memory_space<hbm>>
          %dma_wait3A_402 = arith.constant 0 : i32
          %dma_wait3A_403 = arith.constant 0 : i32
          %dma_wait3A_404 = tpu.memref_slice %arg6[%dma_wait3A_402, %dma_wait3A_403] : memref<16384x1024xf32, #tpu.memory_space<hbm>> -> memref<16x1024xf32, #tpu.memory_space<hbm>>
          tpu.wait_dma2 semaphore(%arg29 : memref<!tpu.dma_semaphore, #tpu.memory_space<semaphore_mem>>) src(%dma_wait3A_404 : memref<16x1024xf32, #tpu.memory_space<hbm>>) dst(%arg17 : memref<16x1024xf32, #tpu.memory_space<vmem>>)
        } else {
        }
        %add3A_393 = arith.constant 0 : i32
        %add3A_394 = arith.addi %mul3A_315, %add3A_393 : i32
        %mul3A_395 = arith.constant 16 : i32
        %mul3A_396 = arith.muli %add3A_394, %mul3A_395 : i32
        %dma_start3A = tpu.memref_slice %arg9[%mul3A_396] : memref<544xi32, #tpu.memory_space<vmem>> -> memref<16xi32, #tpu.memory_space<vmem>>
        %dma_start3A_397 = arith.constant 0 : i32
        %dma_start3A_398 = arith.constant 0 : i32
        %dma_start3A_399 = tpu.memref_slice %arg3[%dma_start3A_397, %dma_start3A_398] : memref<1000x1024xf32, #tpu.memory_space<hbm>> -> memref<1000x1024xf32, #tpu.memory_space<hbm>>
        tpu.enqueue_indirect_dma source(%dma_start3A_399 : memref<1000x1024xf32, #tpu.memory_space<hbm>>) target(%arg17 : memref<16x1024xf32, #tpu.memory_space<vmem>>) offsets(%dma_start3A : memref<16xi32, #tpu.memory_space<vmem>>) semaphore(%arg23 : memref<!tpu.dma_semaphore, #tpu.memory_space<semaphore_mem>>)
      } else {
      }
      %add3A_321 = arith.constant 1 : i32
      %add3A_322 = arith.addi %mul3A_315, %add3A_321 : i32
      %lt3A_323 = arith.cmpi slt, %add3A_322, %select_n3A_72 : i32
      %convert_element_type3A_324 = arith.extui %lt3A_323 : i1 to i32
      %cond3A_325 = arith.constant 0 : i32
      %cond3A_326 = arith.cmpi ne, %convert_element_type3A_324, %cond3A_325 : i32
      scf.if %cond3A_326 {
        %gt3A_387 = arith.constant 0 : i32
        %gt3A_388 = arith.cmpi sgt, %while3A_313, %gt3A_387 : i32
        %or3A_389 = arith.ori %gt3A_388, %gt3A_163 : i1
        %convert_element_type3A_390 = arith.extui %or3A_389 : i1 to i32
        %cond3A_391 = arith.constant 0 : i32
        %cond3A_392 = arith.cmpi ne, %convert_element_type3A_390, %cond3A_391 : i32
        scf.if %cond3A_392 {
          %dma_wait3A = arith.constant 0 : i32
          %dma_wait3A_400 = arith.constant 0 : i32
          %dma_wait3A_401 = tpu.memref_slice %arg6[%dma_wait3A, %dma_wait3A_400] : memref<16384x1024xf32, #tpu.memory_space<hbm>> -> memref<16x1024xf32, #tpu.memory_space<hbm>>
          %dma_wait3A_402 = arith.constant 0 : i32
          %dma_wait3A_403 = arith.constant 0 : i32
          %dma_wait3A_404 = tpu.memref_slice %arg6[%dma_wait3A_402, %dma_wait3A_403] : memref<16384x1024xf32, #tpu.memory_space<hbm>> -> memref<16x1024xf32, #tpu.memory_space<hbm>>
          tpu.wait_dma2 semaphore(%arg30 : memref<!tpu.dma_semaphore, #tpu.memory_space<semaphore_mem>>) src(%dma_wait3A_404 : memref<16x1024xf32, #tpu.memory_space<hbm>>) dst(%arg18 : memref<16x1024xf32, #tpu.memory_space<vmem>>)
        } else {
        }
        %add3A_393 = arith.constant 1 : i32
        %add3A_394 = arith.addi %mul3A_315, %add3A_393 : i32
        %mul3A_395 = arith.constant 16 : i32
        %mul3A_396 = arith.muli %add3A_394, %mul3A_395 : i32
        %dma_start3A = tpu.memref_slice %arg9[%mul3A_396] : memref<544xi32, #tpu.memory_space<vmem>> -> memref<16xi32, #tpu.memory_space<vmem>>
        %dma_start3A_397 = arith.constant 0 : i32
        %dma_start3A_398 = arith.constant 0 : i32
        %dma_start3A_399 = tpu.memref_slice %arg3[%dma_start3A_397, %dma_start3A_398] : memref<1000x1024xf32, #tpu.memory_space<hbm>> -> memref<1000x1024xf32, #tpu.memory_space<hbm>>
        tpu.enqueue_indirect_dma source(%dma_start3A_399 : memref<1000x1024xf32, #tpu.memory_space<hbm>>) target(%arg18 : memref<16x1024xf32, #tpu.memory_space<vmem>>) offsets(%dma_start3A : memref<16xi32, #tpu.memory_space<vmem>>) semaphore(%arg24 : memref<!tpu.dma_semaphore, #tpu.memory_space<semaphore_mem>>)
      } else {
      }
      %add3A_327 = arith.constant 2 : i32
      %add3A_328 = arith.addi %mul3A_315, %add3A_327 : i32
      %lt3A_329 = arith.cmpi slt, %add3A_328, %select_n3A_72 : i32
      %convert_element_type3A_330 = arith.extui %lt3A_329 : i1 to i32
      %cond3A_331 = arith.constant 0 : i32
      %cond3A_332 = arith.cmpi ne, %convert_element_type3A_330, %cond3A_331 : i32
      scf.if %cond3A_332 {
        %gt3A_387 = arith.constant 0 : i32
        %gt3A_388 = arith.cmpi sgt, %while3A_313, %gt3A_387 : i32
        %or3A_389 = arith.ori %gt3A_388, %gt3A_165 : i1
        %convert_element_type3A_390 = arith.extui %or3A_389 : i1 to i32
        %cond3A_391 = arith.constant 0 : i32
        %cond3A_392 = arith.cmpi ne, %convert_element_type3A_390, %cond3A_391 : i32
        scf.if %cond3A_392 {
          %dma_wait3A = arith.constant 0 : i32
          %dma_wait3A_400 = arith.constant 0 : i32
          %dma_wait3A_401 = tpu.memref_slice %arg6[%dma_wait3A, %dma_wait3A_400] : memref<16384x1024xf32, #tpu.memory_space<hbm>> -> memref<16x1024xf32, #tpu.memory_space<hbm>>
          %dma_wait3A_402 = arith.constant 0 : i32
          %dma_wait3A_403 = arith.constant 0 : i32
          %dma_wait3A_404 = tpu.memref_slice %arg6[%dma_wait3A_402, %dma_wait3A_403] : memref<16384x1024xf32, #tpu.memory_space<hbm>> -> memref<16x1024xf32, #tpu.memory_space<hbm>>
          tpu.wait_dma2 semaphore(%arg31 : memref<!tpu.dma_semaphore, #tpu.memory_space<semaphore_mem>>) src(%dma_wait3A_404 : memref<16x1024xf32, #tpu.memory_space<hbm>>) dst(%arg19 : memref<16x1024xf32, #tpu.memory_space<vmem>>)
        } else {
        }
        %add3A_393 = arith.constant 2 : i32
        %add3A_394 = arith.addi %mul3A_315, %add3A_393 : i32
        %mul3A_395 = arith.constant 16 : i32
        %mul3A_396 = arith.muli %add3A_394, %mul3A_395 : i32
        %dma_start3A = tpu.memref_slice %arg9[%mul3A_396] : memref<544xi32, #tpu.memory_space<vmem>> -> memref<16xi32, #tpu.memory_space<vmem>>
        %dma_start3A_397 = arith.constant 0 : i32
        %dma_start3A_398 = arith.constant 0 : i32
        %dma_start3A_399 = tpu.memref_slice %arg3[%dma_start3A_397, %dma_start3A_398] : memref<1000x1024xf32, #tpu.memory_space<hbm>> -> memref<1000x1024xf32, #tpu.memory_space<hbm>>
        tpu.enqueue_indirect_dma source(%dma_start3A_399 : memref<1000x1024xf32, #tpu.memory_space<hbm>>) target(%arg19 : memref<16x1024xf32, #tpu.memory_space<vmem>>) offsets(%dma_start3A : memref<16xi32, #tpu.memory_space<vmem>>) semaphore(%arg25 : memref<!tpu.dma_semaphore, #tpu.memory_space<semaphore_mem>>)
      } else {
      }
      %add3A_333 = arith.constant 3 : i32
      %add3A_334 = arith.addi %mul3A_315, %add3A_333 : i32
      %lt3A_335 = arith.cmpi slt, %add3A_334, %select_n3A_72 : i32
      %convert_element_type3A_336 = arith.extui %lt3A_335 : i1 to i32
      %cond3A_337 = arith.constant 0 : i32
      %cond3A_338 = arith.cmpi ne, %convert_element_type3A_336, %cond3A_337 : i32
      scf.if %cond3A_338 {
        %gt3A_387 = arith.constant 0 : i32
        %gt3A_388 = arith.cmpi sgt, %while3A_313, %gt3A_387 : i32
        %or3A_389 = arith.ori %gt3A_388, %gt3A_167 : i1
        %convert_element_type3A_390 = arith.extui %or3A_389 : i1 to i32
        %cond3A_391 = arith.constant 0 : i32
        %cond3A_392 = arith.cmpi ne, %convert_element_type3A_390, %cond3A_391 : i32
        scf.if %cond3A_392 {
          %dma_wait3A = arith.constant 0 : i32
          %dma_wait3A_400 = arith.constant 0 : i32
          %dma_wait3A_401 = tpu.memref_slice %arg6[%dma_wait3A, %dma_wait3A_400] : memref<16384x1024xf32, #tpu.memory_space<hbm>> -> memref<16x1024xf32, #tpu.memory_space<hbm>>
          %dma_wait3A_402 = arith.constant 0 : i32
          %dma_wait3A_403 = arith.constant 0 : i32
          %dma_wait3A_404 = tpu.memref_slice %arg6[%dma_wait3A_402, %dma_wait3A_403] : memref<16384x1024xf32, #tpu.memory_space<hbm>> -> memref<16x1024xf32, #tpu.memory_space<hbm>>
          tpu.wait_dma2 semaphore(%arg32 : memref<!tpu.dma_semaphore, #tpu.memory_space<semaphore_mem>>) src(%dma_wait3A_404 : memref<16x1024xf32, #tpu.memory_space<hbm>>) dst(%arg20 : memref<16x1024xf32, #tpu.memory_space<vmem>>)
        } else {
        }
        %add3A_393 = arith.constant 3 : i32
        %add3A_394 = arith.addi %mul3A_315, %add3A_393 : i32
        %mul3A_395 = arith.constant 16 : i32
        %mul3A_396 = arith.muli %add3A_394, %mul3A_395 : i32
        %dma_start3A = tpu.memref_slice %arg9[%mul3A_396] : memref<544xi32, #tpu.memory_space<vmem>> -> memref<16xi32, #tpu.memory_space<vmem>>
        %dma_start3A_397 = arith.constant 0 : i32
        %dma_start3A_398 = arith.constant 0 : i32
        %dma_start3A_399 = tpu.memref_slice %arg3[%dma_start3A_397, %dma_start3A_398] : memref<1000x1024xf32, #tpu.memory_space<hbm>> -> memref<1000x1024xf32, #tpu.memory_space<hbm>>
        tpu.enqueue_indirect_dma source(%dma_start3A_399 : memref<1000x1024xf32, #tpu.memory_space<hbm>>) target(%arg20 : memref<16x1024xf32, #tpu.memory_space<vmem>>) offsets(%dma_start3A : memref<16xi32, #tpu.memory_space<vmem>>) semaphore(%arg26 : memref<!tpu.dma_semaphore, #tpu.memory_space<semaphore_mem>>)
      } else {
      }
      %add3A_339 = arith.constant 4 : i32
      %add3A_340 = arith.addi %mul3A_315, %add3A_339 : i32
      %lt3A_341 = arith.cmpi slt, %add3A_340, %select_n3A_72 : i32
      %convert_element_type3A_342 = arith.extui %lt3A_341 : i1 to i32
      %cond3A_343 = arith.constant 0 : i32
      %cond3A_344 = arith.cmpi ne, %convert_element_type3A_342, %cond3A_343 : i32
      scf.if %cond3A_344 {
        %gt3A_387 = arith.constant 0 : i32
        %gt3A_388 = arith.cmpi sgt, %while3A_313, %gt3A_387 : i32
        %or3A_389 = arith.ori %gt3A_388, %gt3A_169 : i1
        %convert_element_type3A_390 = arith.extui %or3A_389 : i1 to i32
        %cond3A_391 = arith.constant 0 : i32
        %cond3A_392 = arith.cmpi ne, %convert_element_type3A_390, %cond3A_391 : i32
        scf.if %cond3A_392 {
          %dma_wait3A = arith.constant 0 : i32
          %dma_wait3A_400 = arith.constant 0 : i32
          %dma_wait3A_401 = tpu.memref_slice %arg6[%dma_wait3A, %dma_wait3A_400] : memref<16384x1024xf32, #tpu.memory_space<hbm>> -> memref<16x1024xf32, #tpu.memory_space<hbm>>
          %dma_wait3A_402 = arith.constant 0 : i32
          %dma_wait3A_403 = arith.constant 0 : i32
          %dma_wait3A_404 = tpu.memref_slice %arg6[%dma_wait3A_402, %dma_wait3A_403] : memref<16384x1024xf32, #tpu.memory_space<hbm>> -> memref<16x1024xf32, #tpu.memory_space<hbm>>
          tpu.wait_dma2 semaphore(%arg33 : memref<!tpu.dma_semaphore, #tpu.memory_space<semaphore_mem>>) src(%dma_wait3A_404 : memref<16x1024xf32, #tpu.memory_space<hbm>>) dst(%arg21 : memref<16x1024xf32, #tpu.memory_space<vmem>>)
        } else {
        }
        %add3A_393 = arith.constant 4 : i32
        %add3A_394 = arith.addi %mul3A_315, %add3A_393 : i32
        %mul3A_395 = arith.constant 16 : i32
        %mul3A_396 = arith.muli %add3A_394, %mul3A_395 : i32
        %dma_start3A = tpu.memref_slice %arg9[%mul3A_396] : memref<544xi32, #tpu.memory_space<vmem>> -> memref<16xi32, #tpu.memory_space<vmem>>
        %dma_start3A_397 = arith.constant 0 : i32
        %dma_start3A_398 = arith.constant 0 : i32
        %dma_start3A_399 = tpu.memref_slice %arg3[%dma_start3A_397, %dma_start3A_398] : memref<1000x1024xf32, #tpu.memory_space<hbm>> -> memref<1000x1024xf32, #tpu.memory_space<hbm>>
        tpu.enqueue_indirect_dma source(%dma_start3A_399 : memref<1000x1024xf32, #tpu.memory_space<hbm>>) target(%arg21 : memref<16x1024xf32, #tpu.memory_space<vmem>>) offsets(%dma_start3A : memref<16xi32, #tpu.memory_space<vmem>>) semaphore(%arg27 : memref<!tpu.dma_semaphore, #tpu.memory_space<semaphore_mem>>)
      } else {
      }
      %add3A_345 = arith.constant 5 : i32
      %add3A_346 = arith.addi %mul3A_315, %add3A_345 : i32
      %lt3A_347 = arith.cmpi slt, %add3A_346, %select_n3A_72 : i32
      %convert_element_type3A_348 = arith.extui %lt3A_347 : i1 to i32
      %cond3A_349 = arith.constant 0 : i32
      %cond3A_350 = arith.cmpi ne, %convert_element_type3A_348, %cond3A_349 : i32
      scf.if %cond3A_350 {
        %gt3A_387 = arith.constant 0 : i32
        %gt3A_388 = arith.cmpi sgt, %while3A_313, %gt3A_387 : i32
        %or3A_389 = arith.ori %gt3A_388, %gt3A_171 : i1
        %convert_element_type3A_390 = arith.extui %or3A_389 : i1 to i32
        %cond3A_391 = arith.constant 0 : i32
        %cond3A_392 = arith.cmpi ne, %convert_element_type3A_390, %cond3A_391 : i32
        scf.if %cond3A_392 {
          %dma_wait3A = arith.constant 0 : i32
          %dma_wait3A_400 = arith.constant 0 : i32
          %dma_wait3A_401 = tpu.memref_slice %arg6[%dma_wait3A, %dma_wait3A_400] : memref<16384x1024xf32, #tpu.memory_space<hbm>> -> memref<16x1024xf32, #tpu.memory_space<hbm>>
          %dma_wait3A_402 = arith.constant 0 : i32
          %dma_wait3A_403 = arith.constant 0 : i32
          %dma_wait3A_404 = tpu.memref_slice %arg6[%dma_wait3A_402, %dma_wait3A_403] : memref<16384x1024xf32, #tpu.memory_space<hbm>> -> memref<16x1024xf32, #tpu.memory_space<hbm>>
          tpu.wait_dma2 semaphore(%arg34 : memref<!tpu.dma_semaphore, #tpu.memory_space<semaphore_mem>>) src(%dma_wait3A_404 : memref<16x1024xf32, #tpu.memory_space<hbm>>) dst(%arg22 : memref<16x1024xf32, #tpu.memory_space<vmem>>)
        } else {
        }
        %add3A_393 = arith.constant 5 : i32
        %add3A_394 = arith.addi %mul3A_315, %add3A_393 : i32
        %mul3A_395 = arith.constant 16 : i32
        %mul3A_396 = arith.muli %add3A_394, %mul3A_395 : i32
        %dma_start3A = tpu.memref_slice %arg9[%mul3A_396] : memref<544xi32, #tpu.memory_space<vmem>> -> memref<16xi32, #tpu.memory_space<vmem>>
        %dma_start3A_397 = arith.constant 0 : i32
        %dma_start3A_398 = arith.constant 0 : i32
        %dma_start3A_399 = tpu.memref_slice %arg3[%dma_start3A_397, %dma_start3A_398] : memref<1000x1024xf32, #tpu.memory_space<hbm>> -> memref<1000x1024xf32, #tpu.memory_space<hbm>>
        tpu.enqueue_indirect_dma source(%dma_start3A_399 : memref<1000x1024xf32, #tpu.memory_space<hbm>>) target(%arg22 : memref<16x1024xf32, #tpu.memory_space<vmem>>) offsets(%dma_start3A : memref<16xi32, #tpu.memory_space<vmem>>) semaphore(%arg28 : memref<!tpu.dma_semaphore, #tpu.memory_space<semaphore_mem>>)
      } else {
      }
      %add3A_351 = arith.constant 0 : i32
      %add3A_352 = arith.addi %mul3A_315, %add3A_351 : i32
      %lt3A_353 = arith.cmpi slt, %add3A_352, %select_n3A_72 : i32
      %convert_element_type3A_354 = arith.extui %lt3A_353 : i1 to i32
      %cond3A_355 = arith.constant 0 : i32
      %cond3A_356 = arith.cmpi ne, %convert_element_type3A_354, %cond3A_355 : i32
      scf.if %cond3A_356 {
        %dma_wait3A = arith.constant 0 : i32
        %dma_wait3A_387 = arith.constant 0 : i32
        %dma_wait3A_388 = tpu.memref_slice %arg6[%dma_wait3A, %dma_wait3A_387] : memref<16384x1024xf32, #tpu.memory_space<hbm>> -> memref<16x1024xf32, #tpu.memory_space<hbm>>
        %dma_wait3A_389 = arith.constant 0 : i32
        %dma_wait3A_390 = arith.constant 0 : i32
        %dma_wait3A_391 = tpu.memref_slice %arg6[%dma_wait3A_389, %dma_wait3A_390] : memref<16384x1024xf32, #tpu.memory_space<hbm>> -> memref<16x1024xf32, #tpu.memory_space<hbm>>
        tpu.wait_dma2 semaphore(%arg23 : memref<!tpu.dma_semaphore, #tpu.memory_space<semaphore_mem>>) src(%dma_wait3A_391 : memref<16x1024xf32, #tpu.memory_space<hbm>>) dst(%arg17 : memref<16x1024xf32, #tpu.memory_space<vmem>>)
        %add3A_392 = arith.constant 0 : i32
        %add3A_393 = arith.addi %mul3A_315, %add3A_392 : i32
        %dma_start3A = arith.constant 0 : i32
        %dma_start3A_394 = tpu.memref_slice %arg15[%add3A_393, %dma_start3A] : memref<34x16xi32, #tpu.memory_space<vmem>> -> memref<1x16xi32, #tpu.memory_space<vmem>>
        %dma_start3A_395 = tpu.memref_squeeze %dma_start3A_394 : memref<1x16xi32, #tpu.memory_space<vmem>> -> memref<16xi32, #tpu.memory_space<vmem>>
        %dma_start3A_396 = arith.constant 0 : i32
        %dma_start3A_397 = arith.constant 0 : i32
        %dma_start3A_398 = tpu.memref_slice %arg6[%dma_start3A_396, %dma_start3A_397] : memref<16384x1024xf32, #tpu.memory_space<hbm>> -> memref<16384x1024xf32, #tpu.memory_space<hbm>>
        tpu.enqueue_indirect_dma source(%arg17 : memref<16x1024xf32, #tpu.memory_space<vmem>>) target(%dma_start3A_398 : memref<16384x1024xf32, #tpu.memory_space<hbm>>) offsets(%dma_start3A_395 : memref<16xi32, #tpu.memory_space<vmem>>) semaphore(%arg29 : memref<!tpu.dma_semaphore, #tpu.memory_space<semaphore_mem>>)
      } else {
      }
      %add3A_357 = arith.constant 1 : i32
      %add3A_358 = arith.addi %mul3A_315, %add3A_357 : i32
      %lt3A_359 = arith.cmpi slt, %add3A_358, %select_n3A_72 : i32
      %convert_element_type3A_360 = arith.extui %lt3A_359 : i1 to i32
      %cond3A_361 = arith.constant 0 : i32
      %cond3A_362 = arith.cmpi ne, %convert_element_type3A_360, %cond3A_361 : i32
      scf.if %cond3A_362 {
        %dma_wait3A = arith.constant 0 : i32
        %dma_wait3A_387 = arith.constant 0 : i32
        %dma_wait3A_388 = tpu.memref_slice %arg6[%dma_wait3A, %dma_wait3A_387] : memref<16384x1024xf32, #tpu.memory_space<hbm>> -> memref<16x1024xf32, #tpu.memory_space<hbm>>
        %dma_wait3A_389 = arith.constant 0 : i32
        %dma_wait3A_390 = arith.constant 0 : i32
        %dma_wait3A_391 = tpu.memref_slice %arg6[%dma_wait3A_389, %dma_wait3A_390] : memref<16384x1024xf32, #tpu.memory_space<hbm>> -> memref<16x1024xf32, #tpu.memory_space<hbm>>
        tpu.wait_dma2 semaphore(%arg24 : memref<!tpu.dma_semaphore, #tpu.memory_space<semaphore_mem>>) src(%dma_wait3A_391 : memref<16x1024xf32, #tpu.memory_space<hbm>>) dst(%arg18 : memref<16x1024xf32, #tpu.memory_space<vmem>>)
        %add3A_392 = arith.constant 1 : i32
        %add3A_393 = arith.addi %mul3A_315, %add3A_392 : i32
        %dma_start3A = arith.constant 0 : i32
        %dma_start3A_394 = tpu.memref_slice %arg15[%add3A_393, %dma_start3A] : memref<34x16xi32, #tpu.memory_space<vmem>> -> memref<1x16xi32, #tpu.memory_space<vmem>>
        %dma_start3A_395 = tpu.memref_squeeze %dma_start3A_394 : memref<1x16xi32, #tpu.memory_space<vmem>> -> memref<16xi32, #tpu.memory_space<vmem>>
        %dma_start3A_396 = arith.constant 0 : i32
        %dma_start3A_397 = arith.constant 0 : i32
        %dma_start3A_398 = tpu.memref_slice %arg6[%dma_start3A_396, %dma_start3A_397] : memref<16384x1024xf32, #tpu.memory_space<hbm>> -> memref<16384x1024xf32, #tpu.memory_space<hbm>>
        tpu.enqueue_indirect_dma source(%arg18 : memref<16x1024xf32, #tpu.memory_space<vmem>>) target(%dma_start3A_398 : memref<16384x1024xf32, #tpu.memory_space<hbm>>) offsets(%dma_start3A_395 : memref<16xi32, #tpu.memory_space<vmem>>) semaphore(%arg30 : memref<!tpu.dma_semaphore, #tpu.memory_space<semaphore_mem>>)
      } else {
      }
      %add3A_363 = arith.constant 2 : i32
      %add3A_364 = arith.addi %mul3A_315, %add3A_363 : i32
      %lt3A_365 = arith.cmpi slt, %add3A_364, %select_n3A_72 : i32
      %convert_element_type3A_366 = arith.extui %lt3A_365 : i1 to i32
      %cond3A_367 = arith.constant 0 : i32
      %cond3A_368 = arith.cmpi ne, %convert_element_type3A_366, %cond3A_367 : i32
      scf.if %cond3A_368 {
        %dma_wait3A = arith.constant 0 : i32
        %dma_wait3A_387 = arith.constant 0 : i32
        %dma_wait3A_388 = tpu.memref_slice %arg6[%dma_wait3A, %dma_wait3A_387] : memref<16384x1024xf32, #tpu.memory_space<hbm>> -> memref<16x1024xf32, #tpu.memory_space<hbm>>
        %dma_wait3A_389 = arith.constant 0 : i32
        %dma_wait3A_390 = arith.constant 0 : i32
        %dma_wait3A_391 = tpu.memref_slice %arg6[%dma_wait3A_389, %dma_wait3A_390] : memref<16384x1024xf32, #tpu.memory_space<hbm>> -> memref<16x1024xf32, #tpu.memory_space<hbm>>
        tpu.wait_dma2 semaphore(%arg25 : memref<!tpu.dma_semaphore, #tpu.memory_space<semaphore_mem>>) src(%dma_wait3A_391 : memref<16x1024xf32, #tpu.memory_space<hbm>>) dst(%arg19 : memref<16x1024xf32, #tpu.memory_space<vmem>>)
        %add3A_392 = arith.constant 2 : i32
        %add3A_393 = arith.addi %mul3A_315, %add3A_392 : i32
        %dma_start3A = arith.constant 0 : i32
        %dma_start3A_394 = tpu.memref_slice %arg15[%add3A_393, %dma_start3A] : memref<34x16xi32, #tpu.memory_space<vmem>> -> memref<1x16xi32, #tpu.memory_space<vmem>>
        %dma_start3A_395 = tpu.memref_squeeze %dma_start3A_394 : memref<1x16xi32, #tpu.memory_space<vmem>> -> memref<16xi32, #tpu.memory_space<vmem>>
        %dma_start3A_396 = arith.constant 0 : i32
        %dma_start3A_397 = arith.constant 0 : i32
        %dma_start3A_398 = tpu.memref_slice %arg6[%dma_start3A_396, %dma_start3A_397] : memref<16384x1024xf32, #tpu.memory_space<hbm>> -> memref<16384x1024xf32, #tpu.memory_space<hbm>>
        tpu.enqueue_indirect_dma source(%arg19 : memref<16x1024xf32, #tpu.memory_space<vmem>>) target(%dma_start3A_398 : memref<16384x1024xf32, #tpu.memory_space<hbm>>) offsets(%dma_start3A_395 : memref<16xi32, #tpu.memory_space<vmem>>) semaphore(%arg31 : memref<!tpu.dma_semaphore, #tpu.memory_space<semaphore_mem>>)
      } else {
      }
      %add3A_369 = arith.constant 3 : i32
      %add3A_370 = arith.addi %mul3A_315, %add3A_369 : i32
      %lt3A_371 = arith.cmpi slt, %add3A_370, %select_n3A_72 : i32
      %convert_element_type3A_372 = arith.extui %lt3A_371 : i1 to i32
      %cond3A_373 = arith.constant 0 : i32
      %cond3A_374 = arith.cmpi ne, %convert_element_type3A_372, %cond3A_373 : i32
      scf.if %cond3A_374 {
        %dma_wait3A = arith.constant 0 : i32
        %dma_wait3A_387 = arith.constant 0 : i32
        %dma_wait3A_388 = tpu.memref_slice %arg6[%dma_wait3A, %dma_wait3A_387] : memref<16384x1024xf32, #tpu.memory_space<hbm>> -> memref<16x1024xf32, #tpu.memory_space<hbm>>
        %dma_wait3A_389 = arith.constant 0 : i32
        %dma_wait3A_390 = arith.constant 0 : i32
        %dma_wait3A_391 = tpu.memref_slice %arg6[%dma_wait3A_389, %dma_wait3A_390] : memref<16384x1024xf32, #tpu.memory_space<hbm>> -> memref<16x1024xf32, #tpu.memory_space<hbm>>
        tpu.wait_dma2 semaphore(%arg26 : memref<!tpu.dma_semaphore, #tpu.memory_space<semaphore_mem>>) src(%dma_wait3A_391 : memref<16x1024xf32, #tpu.memory_space<hbm>>) dst(%arg20 : memref<16x1024xf32, #tpu.memory_space<vmem>>)
        %add3A_392 = arith.constant 3 : i32
        %add3A_393 = arith.addi %mul3A_315, %add3A_392 : i32
        %dma_start3A = arith.constant 0 : i32
        %dma_start3A_394 = tpu.memref_slice %arg15[%add3A_393, %dma_start3A] : memref<34x16xi32, #tpu.memory_space<vmem>> -> memref<1x16xi32, #tpu.memory_space<vmem>>
        %dma_start3A_395 = tpu.memref_squeeze %dma_start3A_394 : memref<1x16xi32, #tpu.memory_space<vmem>> -> memref<16xi32, #tpu.memory_space<vmem>>
        %dma_start3A_396 = arith.constant 0 : i32
        %dma_start3A_397 = arith.constant 0 : i32
        %dma_start3A_398 = tpu.memref_slice %arg6[%dma_start3A_396, %dma_start3A_397] : memref<16384x1024xf32, #tpu.memory_space<hbm>> -> memref<16384x1024xf32, #tpu.memory_space<hbm>>
        tpu.enqueue_indirect_dma source(%arg20 : memref<16x1024xf32, #tpu.memory_space<vmem>>) target(%dma_start3A_398 : memref<16384x1024xf32, #tpu.memory_space<hbm>>) offsets(%dma_start3A_395 : memref<16xi32, #tpu.memory_space<vmem>>) semaphore(%arg32 : memref<!tpu.dma_semaphore, #tpu.memory_space<semaphore_mem>>)
      } else {
      }
      %add3A_375 = arith.constant 4 : i32
      %add3A_376 = arith.addi %mul3A_315, %add3A_375 : i32
      %lt3A_377 = arith.cmpi slt, %add3A_376, %select_n3A_72 : i32
      %convert_element_type3A_378 = arith.extui %lt3A_377 : i1 to i32
      %cond3A_379 = arith.constant 0 : i32
      %cond3A_380 = arith.cmpi ne, %convert_element_type3A_378, %cond3A_379 : i32
      scf.if %cond3A_380 {
        %dma_wait3A = arith.constant 0 : i32
        %dma_wait3A_387 = arith.constant 0 : i32
        %dma_wait3A_388 = tpu.memref_slice %arg6[%dma_wait3A, %dma_wait3A_387] : memref<16384x1024xf32, #tpu.memory_space<hbm>> -> memref<16x1024xf32, #tpu.memory_space<hbm>>
        %dma_wait3A_389 = arith.constant 0 : i32
        %dma_wait3A_390 = arith.constant 0 : i32
        %dma_wait3A_391 = tpu.memref_slice %arg6[%dma_wait3A_389, %dma_wait3A_390] : memref<16384x1024xf32, #tpu.memory_space<hbm>> -> memref<16x1024xf32, #tpu.memory_space<hbm>>
        tpu.wait_dma2 semaphore(%arg27 : memref<!tpu.dma_semaphore, #tpu.memory_space<semaphore_mem>>) src(%dma_wait3A_391 : memref<16x1024xf32, #tpu.memory_space<hbm>>) dst(%arg21 : memref<16x1024xf32, #tpu.memory_space<vmem>>)
        %add3A_392 = arith.constant 4 : i32
        %add3A_393 = arith.addi %mul3A_315, %add3A_392 : i32
        %dma_start3A = arith.constant 0 : i32
        %dma_start3A_394 = tpu.memref_slice %arg15[%add3A_393, %dma_start3A] : memref<34x16xi32, #tpu.memory_space<vmem>> -> memref<1x16xi32, #tpu.memory_space<vmem>>
        %dma_start3A_395 = tpu.memref_squeeze %dma_start3A_394 : memref<1x16xi32, #tpu.memory_space<vmem>> -> memref<16xi32, #tpu.memory_space<vmem>>
        %dma_start3A_396 = arith.constant 0 : i32
        %dma_start3A_397 = arith.constant 0 : i32
        %dma_start3A_398 = tpu.memref_slice %arg6[%dma_start3A_396, %dma_start3A_397] : memref<16384x1024xf32, #tpu.memory_space<hbm>> -> memref<16384x1024xf32, #tpu.memory_space<hbm>>
        tpu.enqueue_indirect_dma source(%arg21 : memref<16x1024xf32, #tpu.memory_space<vmem>>) target(%dma_start3A_398 : memref<16384x1024xf32, #tpu.memory_space<hbm>>) offsets(%dma_start3A_395 : memref<16xi32, #tpu.memory_space<vmem>>) semaphore(%arg33 : memref<!tpu.dma_semaphore, #tpu.memory_space<semaphore_mem>>)
      } else {
      }
      %add3A_381 = arith.constant 5 : i32
      %add3A_382 = arith.addi %mul3A_315, %add3A_381 : i32
      %lt3A_383 = arith.cmpi slt, %add3A_382, %select_n3A_72 : i32
      %convert_element_type3A_384 = arith.extui %lt3A_383 : i1 to i32
      %cond3A_385 = arith.constant 0 : i32
      %cond3A_386 = arith.cmpi ne, %convert_element_type3A_384, %cond3A_385 : i32
      scf.if %cond3A_386 {
        %dma_wait3A = arith.constant 0 : i32
        %dma_wait3A_387 = arith.constant 0 : i32
        %dma_wait3A_388 = tpu.memref_slice %arg6[%dma_wait3A, %dma_wait3A_387] : memref<16384x1024xf32, #tpu.memory_space<hbm>> -> memref<16x1024xf32, #tpu.memory_space<hbm>>
        %dma_wait3A_389 = arith.constant 0 : i32
        %dma_wait3A_390 = arith.constant 0 : i32
        %dma_wait3A_391 = tpu.memref_slice %arg6[%dma_wait3A_389, %dma_wait3A_390] : memref<16384x1024xf32, #tpu.memory_space<hbm>> -> memref<16x1024xf32, #tpu.memory_space<hbm>>
        tpu.wait_dma2 semaphore(%arg28 : memref<!tpu.dma_semaphore, #tpu.memory_space<semaphore_mem>>) src(%dma_wait3A_391 : memref<16x1024xf32, #tpu.memory_space<hbm>>) dst(%arg22 : memref<16x1024xf32, #tpu.memory_space<vmem>>)
        %add3A_392 = arith.constant 5 : i32
        %add3A_393 = arith.addi %mul3A_315, %add3A_392 : i32
        %dma_start3A = arith.constant 0 : i32
        %dma_start3A_394 = tpu.memref_slice %arg15[%add3A_393, %dma_start3A] : memref<34x16xi32, #tpu.memory_space<vmem>> -> memref<1x16xi32, #tpu.memory_space<vmem>>
        %dma_start3A_395 = tpu.memref_squeeze %dma_start3A_394 : memref<1x16xi32, #tpu.memory_space<vmem>> -> memref<16xi32, #tpu.memory_space<vmem>>
        %dma_start3A_396 = arith.constant 0 : i32
        %dma_start3A_397 = arith.constant 0 : i32
        %dma_start3A_398 = tpu.memref_slice %arg6[%dma_start3A_396, %dma_start3A_397] : memref<16384x1024xf32, #tpu.memory_space<hbm>> -> memref<16384x1024xf32, #tpu.memory_space<hbm>>
        tpu.enqueue_indirect_dma source(%arg22 : memref<16x1024xf32, #tpu.memory_space<vmem>>) target(%dma_start3A_398 : memref<16384x1024xf32, #tpu.memory_space<hbm>>) offsets(%dma_start3A_395 : memref<16xi32, #tpu.memory_space<vmem>>) semaphore(%arg34 : memref<!tpu.dma_semaphore, #tpu.memory_space<semaphore_mem>>)
      } else {
      }
    }
    %while3A_181 = arith.constant 1 : i32
    scf.for %while3A_313 = %while3A_179 to %while3A_175 step %while3A_181  : i32 {
      %mul3A_314 = arith.constant 6 : i32
      %mul3A_315 = arith.muli %mul3A_314, %while3A_313 : i32
      %add3A_316 = arith.constant 0 : i32
      %add3A_317 = arith.addi %mul3A_315, %add3A_316 : i32
      %lt3A = arith.cmpi slt, %add3A_317, %select_n3A_72 : i32
      %convert_element_type3A_318 = arith.extui %lt3A : i1 to i32
      %cond3A_319 = arith.constant 0 : i32
      %cond3A_320 = arith.cmpi ne, %convert_element_type3A_318, %cond3A_319 : i32
      scf.if %cond3A_320 {
        %gt3A_387 = arith.constant 0 : i32
        %gt3A_388 = arith.cmpi sgt, %while3A_313, %gt3A_387 : i32
        %or3A_389 = arith.ori %gt3A_388, %gt3A_161 : i1
        %convert_element_type3A_390 = arith.extui %or3A_389 : i1 to i32
        %cond3A_391 = arith.constant 0 : i32
        %cond3A_392 = arith.cmpi ne, %convert_element_type3A_390, %cond3A_391 : i32
        scf.if %cond3A_392 {
          %dma_wait3A = arith.constant 0 : i32
          %dma_wait3A_400 = arith.constant 0 : i32
          %dma_wait3A_401 = tpu.memref_slice %arg6[%dma_wait3A, %dma_wait3A_400] : memref<16384x1024xf32, #tpu.memory_space<hbm>> -> memref<16x1024xf32, #tpu.memory_space<hbm>>
          %dma_wait3A_402 = arith.constant 0 : i32
          %dma_wait3A_403 = arith.constant 0 : i32
          %dma_wait3A_404 = tpu.memref_slice %arg6[%dma_wait3A_402, %dma_wait3A_403] : memref<16384x1024xf32, #tpu.memory_space<hbm>> -> memref<16x1024xf32, #tpu.memory_space<hbm>>
          tpu.wait_dma2 semaphore(%arg29 : memref<!tpu.dma_semaphore, #tpu.memory_space<semaphore_mem>>) src(%dma_wait3A_404 : memref<16x1024xf32, #tpu.memory_space<hbm>>) dst(%arg17 : memref<16x1024xf32, #tpu.memory_space<vmem>>)
        } else {
        }
        %add3A_393 = arith.constant 0 : i32
        %add3A_394 = arith.addi %mul3A_315, %add3A_393 : i32
        %mul3A_395 = arith.constant 16 : i32
        %mul3A_396 = arith.muli %add3A_394, %mul3A_395 : i32
        %dma_start3A = tpu.memref_slice %arg9[%mul3A_396] : memref<544xi32, #tpu.memory_space<vmem>> -> memref<16xi32, #tpu.memory_space<vmem>>
        %dma_start3A_397 = arith.constant 0 : i32
        %dma_start3A_398 = arith.constant 0 : i32
        %dma_start3A_399 = tpu.memref_slice %arg3[%dma_start3A_397, %dma_start3A_398] : memref<1000x1024xf32, #tpu.memory_space<hbm>> -> memref<1000x1024xf32, #tpu.memory_space<hbm>>
        tpu.enqueue_indirect_dma source(%dma_start3A_399 : memref<1000x1024xf32, #tpu.memory_space<hbm>>) target(%arg17 : memref<16x1024xf32, #tpu.memory_space<vmem>>) offsets(%dma_start3A : memref<16xi32, #tpu.memory_space<vmem>>) semaphore(%arg23 : memref<!tpu.dma_semaphore, #tpu.memory_space<semaphore_mem>>)
      } else {
      }
      %add3A_321 = arith.constant 1 : i32
      %add3A_322 = arith.addi %mul3A_315, %add3A_321 : i32
      %lt3A_323 = arith.cmpi slt, %add3A_322, %select_n3A_72 : i32
      %convert_element_type3A_324 = arith.extui %lt3A_323 : i1 to i32
      %cond3A_325 = arith.constant 0 : i32
      %cond3A_326 = arith.cmpi ne, %convert_element_type3A_324, %cond3A_325 : i32
      scf.if %cond3A_326 {
        %gt3A_387 = arith.constant 0 : i32
        %gt3A_388 = arith.cmpi sgt, %while3A_313, %gt3A_387 : i32
        %or3A_389 = arith.ori %gt3A_388, %gt3A_163 : i1
        %convert_element_type3A_390 = arith.extui %or3A_389 : i1 to i32
        %cond3A_391 = arith.constant 0 : i32
        %cond3A_392 = arith.cmpi ne, %convert_element_type3A_390, %cond3A_391 : i32
        scf.if %cond3A_392 {
          %dma_wait3A = arith.constant 0 : i32
          %dma_wait3A_400 = arith.constant 0 : i32
          %dma_wait3A_401 = tpu.memref_slice %arg6[%dma_wait3A, %dma_wait3A_400] : memref<16384x1024xf32, #tpu.memory_space<hbm>> -> memref<16x1024xf32, #tpu.memory_space<hbm>>
          %dma_wait3A_402 = arith.constant 0 : i32
          %dma_wait3A_403 = arith.constant 0 : i32
          %dma_wait3A_404 = tpu.memref_slice %arg6[%dma_wait3A_402, %dma_wait3A_403] : memref<16384x1024xf32, #tpu.memory_space<hbm>> -> memref<16x1024xf32, #tpu.memory_space<hbm>>
          tpu.wait_dma2 semaphore(%arg30 : memref<!tpu.dma_semaphore, #tpu.memory_space<semaphore_mem>>) src(%dma_wait3A_404 : memref<16x1024xf32, #tpu.memory_space<hbm>>) dst(%arg18 : memref<16x1024xf32, #tpu.memory_space<vmem>>)
        } else {
        }
        %add3A_393 = arith.constant 1 : i32
        %add3A_394 = arith.addi %mul3A_315, %add3A_393 : i32
        %mul3A_395 = arith.constant 16 : i32
        %mul3A_396 = arith.muli %add3A_394, %mul3A_395 : i32
        %dma_start3A = tpu.memref_slice %arg9[%mul3A_396] : memref<544xi32, #tpu.memory_space<vmem>> -> memref<16xi32, #tpu.memory_space<vmem>>
        %dma_start3A_397 = arith.constant 0 : i32
        %dma_start3A_398 = arith.constant 0 : i32
        %dma_start3A_399 = tpu.memref_slice %arg3[%dma_start3A_397, %dma_start3A_398] : memref<1000x1024xf32, #tpu.memory_space<hbm>> -> memref<1000x1024xf32, #tpu.memory_space<hbm>>
        tpu.enqueue_indirect_dma source(%dma_start3A_399 : memref<1000x1024xf32, #tpu.memory_space<hbm>>) target(%arg18 : memref<16x1024xf32, #tpu.memory_space<vmem>>) offsets(%dma_start3A : memref<16xi32, #tpu.memory_space<vmem>>) semaphore(%arg24 : memref<!tpu.dma_semaphore, #tpu.memory_space<semaphore_mem>>)
      } else {
      }
      %add3A_327 = arith.constant 2 : i32
      %add3A_328 = arith.addi %mul3A_315, %add3A_327 : i32
      %lt3A_329 = arith.cmpi slt, %add3A_328, %select_n3A_72 : i32
      %convert_element_type3A_330 = arith.extui %lt3A_329 : i1 to i32
      %cond3A_331 = arith.constant 0 : i32
      %cond3A_332 = arith.cmpi ne, %convert_element_type3A_330, %cond3A_331 : i32
      scf.if %cond3A_332 {
        %gt3A_387 = arith.constant 0 : i32
        %gt3A_388 = arith.cmpi sgt, %while3A_313, %gt3A_387 : i32
        %or3A_389 = arith.ori %gt3A_388, %gt3A_165 : i1
        %convert_element_type3A_390 = arith.extui %or3A_389 : i1 to i32
        %cond3A_391 = arith.constant 0 : i32
        %cond3A_392 = arith.cmpi ne, %convert_element_type3A_390, %cond3A_391 : i32
        scf.if %cond3A_392 {
          %dma_wait3A = arith.constant 0 : i32
          %dma_wait3A_400 = arith.constant 0 : i32
          %dma_wait3A_401 = tpu.memref_slice %arg6[%dma_wait3A, %dma_wait3A_400] : memref<16384x1024xf32, #tpu.memory_space<hbm>> -> memref<16x1024xf32, #tpu.memory_space<hbm>>
          %dma_wait3A_402 = arith.constant 0 : i32
          %dma_wait3A_403 = arith.constant 0 : i32
          %dma_wait3A_404 = tpu.memref_slice %arg6[%dma_wait3A_402, %dma_wait3A_403] : memref<16384x1024xf32, #tpu.memory_space<hbm>> -> memref<16x1024xf32, #tpu.memory_space<hbm>>
          tpu.wait_dma2 semaphore(%arg31 : memref<!tpu.dma_semaphore, #tpu.memory_space<semaphore_mem>>) src(%dma_wait3A_404 : memref<16x1024xf32, #tpu.memory_space<hbm>>) dst(%arg19 : memref<16x1024xf32, #tpu.memory_space<vmem>>)
        } else {
        }
        %add3A_393 = arith.constant 2 : i32
        %add3A_394 = arith.addi %mul3A_315, %add3A_393 : i32
        %mul3A_395 = arith.constant 16 : i32
        %mul3A_396 = arith.muli %add3A_394, %mul3A_395 : i32
        %dma_start3A = tpu.memref_slice %arg9[%mul3A_396] : memref<544xi32, #tpu.memory_space<vmem>> -> memref<16xi32, #tpu.memory_space<vmem>>
        %dma_start3A_397 = arith.constant 0 : i32
        %dma_start3A_398 = arith.constant 0 : i32
        %dma_start3A_399 = tpu.memref_slice %arg3[%dma_start3A_397, %dma_start3A_398] : memref<1000x1024xf32, #tpu.memory_space<hbm>> -> memref<1000x1024xf32, #tpu.memory_space<hbm>>
        tpu.enqueue_indirect_dma source(%dma_start3A_399 : memref<1000x1024xf32, #tpu.memory_space<hbm>>) target(%arg19 : memref<16x1024xf32, #tpu.memory_space<vmem>>) offsets(%dma_start3A : memref<16xi32, #tpu.memory_space<vmem>>) semaphore(%arg25 : memref<!tpu.dma_semaphore, #tpu.memory_space<semaphore_mem>>)
      } else {
      }
      %add3A_333 = arith.constant 3 : i32
      %add3A_334 = arith.addi %mul3A_315, %add3A_333 : i32
      %lt3A_335 = arith.cmpi slt, %add3A_334, %select_n3A_72 : i32
      %convert_element_type3A_336 = arith.extui %lt3A_335 : i1 to i32
      %cond3A_337 = arith.constant 0 : i32
      %cond3A_338 = arith.cmpi ne, %convert_element_type3A_336, %cond3A_337 : i32
      scf.if %cond3A_338 {
        %gt3A_387 = arith.constant 0 : i32
        %gt3A_388 = arith.cmpi sgt, %while3A_313, %gt3A_387 : i32
        %or3A_389 = arith.ori %gt3A_388, %gt3A_167 : i1
        %convert_element_type3A_390 = arith.extui %or3A_389 : i1 to i32
        %cond3A_391 = arith.constant 0 : i32
        %cond3A_392 = arith.cmpi ne, %convert_element_type3A_390, %cond3A_391 : i32
        scf.if %cond3A_392 {
          %dma_wait3A = arith.constant 0 : i32
          %dma_wait3A_400 = arith.constant 0 : i32
          %dma_wait3A_401 = tpu.memref_slice %arg6[%dma_wait3A, %dma_wait3A_400] : memref<16384x1024xf32, #tpu.memory_space<hbm>> -> memref<16x1024xf32, #tpu.memory_space<hbm>>
          %dma_wait3A_402 = arith.constant 0 : i32
          %dma_wait3A_403 = arith.constant 0 : i32
          %dma_wait3A_404 = tpu.memref_slice %arg6[%dma_wait3A_402, %dma_wait3A_403] : memref<16384x1024xf32, #tpu.memory_space<hbm>> -> memref<16x1024xf32, #tpu.memory_space<hbm>>
          tpu.wait_dma2 semaphore(%arg32 : memref<!tpu.dma_semaphore, #tpu.memory_space<semaphore_mem>>) src(%dma_wait3A_404 : memref<16x1024xf32, #tpu.memory_space<hbm>>) dst(%arg20 : memref<16x1024xf32, #tpu.memory_space<vmem>>)
        } else {
        }
        %add3A_393 = arith.constant 3 : i32
        %add3A_394 = arith.addi %mul3A_315, %add3A_393 : i32
        %mul3A_395 = arith.constant 16 : i32
        %mul3A_396 = arith.muli %add3A_394, %mul3A_395 : i32
        %dma_start3A = tpu.memref_slice %arg9[%mul3A_396] : memref<544xi32, #tpu.memory_space<vmem>> -> memref<16xi32, #tpu.memory_space<vmem>>
        %dma_start3A_397 = arith.constant 0 : i32
        %dma_start3A_398 = arith.constant 0 : i32
        %dma_start3A_399 = tpu.memref_slice %arg3[%dma_start3A_397, %dma_start3A_398] : memref<1000x1024xf32, #tpu.memory_space<hbm>> -> memref<1000x1024xf32, #tpu.memory_space<hbm>>
        tpu.enqueue_indirect_dma source(%dma_start3A_399 : memref<1000x1024xf32, #tpu.memory_space<hbm>>) target(%arg20 : memref<16x1024xf32, #tpu.memory_space<vmem>>) offsets(%dma_start3A : memref<16xi32, #tpu.memory_space<vmem>>) semaphore(%arg26 : memref<!tpu.dma_semaphore, #tpu.memory_space<semaphore_mem>>)
      } else {
      }
      %add3A_339 = arith.constant 4 : i32
      %add3A_340 = arith.addi %mul3A_315, %add3A_339 : i32
      %lt3A_341 = arith.cmpi slt, %add3A_340, %select_n3A_72 : i32
      %convert_element_type3A_342 = arith.extui %lt3A_341 : i1 to i32
      %cond3A_343 = arith.constant 0 : i32
      %cond3A_344 = arith.cmpi ne, %convert_element_type3A_342, %cond3A_343 : i32
      scf.if %cond3A_344 {
        %gt3A_387 = arith.constant 0 : i32
        %gt3A_388 = arith.cmpi sgt, %while3A_313, %gt3A_387 : i32
        %or3A_389 = arith.ori %gt3A_388, %gt3A_169 : i1
        %convert_element_type3A_390 = arith.extui %or3A_389 : i1 to i32
        %cond3A_391 = arith.constant 0 : i32
        %cond3A_392 = arith.cmpi ne, %convert_element_type3A_390, %cond3A_391 : i32
        scf.if %cond3A_392 {
          %dma_wait3A = arith.constant 0 : i32
          %dma_wait3A_400 = arith.constant 0 : i32
          %dma_wait3A_401 = tpu.memref_slice %arg6[%dma_wait3A, %dma_wait3A_400] : memref<16384x1024xf32, #tpu.memory_space<hbm>> -> memref<16x1024xf32, #tpu.memory_space<hbm>>
          %dma_wait3A_402 = arith.constant 0 : i32
          %dma_wait3A_403 = arith.constant 0 : i32
          %dma_wait3A_404 = tpu.memref_slice %arg6[%dma_wait3A_402, %dma_wait3A_403] : memref<16384x1024xf32, #tpu.memory_space<hbm>> -> memref<16x1024xf32, #tpu.memory_space<hbm>>
          tpu.wait_dma2 semaphore(%arg33 : memref<!tpu.dma_semaphore, #tpu.memory_space<semaphore_mem>>) src(%dma_wait3A_404 : memref<16x1024xf32, #tpu.memory_space<hbm>>) dst(%arg21 : memref<16x1024xf32, #tpu.memory_space<vmem>>)
        } else {
        }
        %add3A_393 = arith.constant 4 : i32
        %add3A_394 = arith.addi %mul3A_315, %add3A_393 : i32
        %mul3A_395 = arith.constant 16 : i32
        %mul3A_396 = arith.muli %add3A_394, %mul3A_395 : i32
        %dma_start3A = tpu.memref_slice %arg9[%mul3A_396] : memref<544xi32, #tpu.memory_space<vmem>> -> memref<16xi32, #tpu.memory_space<vmem>>
        %dma_start3A_397 = arith.constant 0 : i32
        %dma_start3A_398 = arith.constant 0 : i32
        %dma_start3A_399 = tpu.memref_slice %arg3[%dma_start3A_397, %dma_start3A_398] : memref<1000x1024xf32, #tpu.memory_space<hbm>> -> memref<1000x1024xf32, #tpu.memory_space<hbm>>
        tpu.enqueue_indirect_dma source(%dma_start3A_399 : memref<1000x1024xf32, #tpu.memory_space<hbm>>) target(%arg21 : memref<16x1024xf32, #tpu.memory_space<vmem>>) offsets(%dma_start3A : memref<16xi32, #tpu.memory_space<vmem>>) semaphore(%arg27 : memref<!tpu.dma_semaphore, #tpu.memory_space<semaphore_mem>>)
      } else {
      }
      %add3A_345 = arith.constant 5 : i32
      %add3A_346 = arith.addi %mul3A_315, %add3A_345 : i32
      %lt3A_347 = arith.cmpi slt, %add3A_346, %select_n3A_72 : i32
      %convert_element_type3A_348 = arith.extui %lt3A_347 : i1 to i32
      %cond3A_349 = arith.constant 0 : i32
      %cond3A_350 = arith.cmpi ne, %convert_element_type3A_348, %cond3A_349 : i32
      scf.if %cond3A_350 {
        %gt3A_387 = arith.constant 0 : i32
        %gt3A_388 = arith.cmpi sgt, %while3A_313, %gt3A_387 : i32
        %or3A_389 = arith.ori %gt3A_388, %gt3A_171 : i1
        %convert_element_type3A_390 = arith.extui %or3A_389 : i1 to i32
        %cond3A_391 = arith.constant 0 : i32
        %cond3A_392 = arith.cmpi ne, %convert_element_type3A_390, %cond3A_391 : i32
        scf.if %cond3A_392 {
          %dma_wait3A = arith.constant 0 : i32
          %dma_wait3A_400 = arith.constant 0 : i32
          %dma_wait3A_401 = tpu.memref_slice %arg6[%dma_wait3A, %dma_wait3A_400] : memref<16384x1024xf32, #tpu.memory_space<hbm>> -> memref<16x1024xf32, #tpu.memory_space<hbm>>
          %dma_wait3A_402 = arith.constant 0 : i32
          %dma_wait3A_403 = arith.constant 0 : i32
          %dma_wait3A_404 = tpu.memref_slice %arg6[%dma_wait3A_402, %dma_wait3A_403] : memref<16384x1024xf32, #tpu.memory_space<hbm>> -> memref<16x1024xf32, #tpu.memory_space<hbm>>
          tpu.wait_dma2 semaphore(%arg34 : memref<!tpu.dma_semaphore, #tpu.memory_space<semaphore_mem>>) src(%dma_wait3A_404 : memref<16x1024xf32, #tpu.memory_space<hbm>>) dst(%arg22 : memref<16x1024xf32, #tpu.memory_space<vmem>>)
        } else {
        }
        %add3A_393 = arith.constant 5 : i32
        %add3A_394 = arith.addi %mul3A_315, %add3A_393 : i32
        %mul3A_395 = arith.constant 16 : i32
        %mul3A_396 = arith.muli %add3A_394, %mul3A_395 : i32
        %dma_start3A = tpu.memref_slice %arg9[%mul3A_396] : memref<544xi32, #tpu.memory_space<vmem>> -> memref<16xi32, #tpu.memory_space<vmem>>
        %dma_start3A_397 = arith.constant 0 : i32
        %dma_start3A_398 = arith.constant 0 : i32
        %dma_start3A_399 = tpu.memref_slice %arg3[%dma_start3A_397, %dma_start3A_398] : memref<1000x1024xf32, #tpu.memory_space<hbm>> -> memref<1000x1024xf32, #tpu.memory_space<hbm>>
        tpu.enqueue_indirect_dma source(%dma_start3A_399 : memref<1000x1024xf32, #tpu.memory_space<hbm>>) target(%arg22 : memref<16x1024xf32, #tpu.memory_space<vmem>>) offsets(%dma_start3A : memref<16xi32, #tpu.memory_space<vmem>>) semaphore(%arg28 : memref<!tpu.dma_semaphore, #tpu.memory_space<semaphore_mem>>)
      } else {
      }
      %add3A_351 = arith.constant 0 : i32
      %add3A_352 = arith.addi %mul3A_315, %add3A_351 : i32
      %lt3A_353 = arith.cmpi slt, %add3A_352, %select_n3A_72 : i32
      %convert_element_type3A_354 = arith.extui %lt3A_353 : i1 to i32
      %cond3A_355 = arith.constant 0 : i32
      %cond3A_356 = arith.cmpi ne, %convert_element_type3A_354, %cond3A_355 : i32
      scf.if %cond3A_356 {
        %dma_wait3A = arith.constant 0 : i32
        %dma_wait3A_387 = arith.constant 0 : i32
        %dma_wait3A_388 = tpu.memref_slice %arg6[%dma_wait3A, %dma_wait3A_387] : memref<16384x1024xf32, #tpu.memory_space<hbm>> -> memref<16x1024xf32, #tpu.memory_space<hbm>>
        %dma_wait3A_389 = arith.constant 0 : i32
        %dma_wait3A_390 = arith.constant 0 : i32
        %dma_wait3A_391 = tpu.memref_slice %arg6[%dma_wait3A_389, %dma_wait3A_390] : memref<16384x1024xf32, #tpu.memory_space<hbm>> -> memref<16x1024xf32, #tpu.memory_space<hbm>>
        tpu.wait_dma2 semaphore(%arg23 : memref<!tpu.dma_semaphore, #tpu.memory_space<semaphore_mem>>) src(%dma_wait3A_391 : memref<16x1024xf32, #tpu.memory_space<hbm>>) dst(%arg17 : memref<16x1024xf32, #tpu.memory_space<vmem>>)
        %add3A_392 = arith.constant 0 : i32
        %add3A_393 = arith.addi %mul3A_315, %add3A_392 : i32
        %dma_start3A = arith.constant 0 : i32
        %dma_start3A_394 = tpu.memref_slice %arg15[%add3A_393, %dma_start3A] : memref<34x16xi32, #tpu.memory_space<vmem>> -> memref<1x16xi32, #tpu.memory_space<vmem>>
        %dma_start3A_395 = tpu.memref_squeeze %dma_start3A_394 : memref<1x16xi32, #tpu.memory_space<vmem>> -> memref<16xi32, #tpu.memory_space<vmem>>
        %dma_start3A_396 = arith.constant 0 : i32
        %dma_start3A_397 = arith.constant 0 : i32
        %dma_start3A_398 = tpu.memref_slice %arg6[%dma_start3A_396, %dma_start3A_397] : memref<16384x1024xf32, #tpu.memory_space<hbm>> -> memref<16384x1024xf32, #tpu.memory_space<hbm>>
        tpu.enqueue_indirect_dma source(%arg17 : memref<16x1024xf32, #tpu.memory_space<vmem>>) target(%dma_start3A_398 : memref<16384x1024xf32, #tpu.memory_space<hbm>>) offsets(%dma_start3A_395 : memref<16xi32, #tpu.memory_space<vmem>>) semaphore(%arg29 : memref<!tpu.dma_semaphore, #tpu.memory_space<semaphore_mem>>)
      } else {
      }
      %add3A_357 = arith.constant 1 : i32
      %add3A_358 = arith.addi %mul3A_315, %add3A_357 : i32
      %lt3A_359 = arith.cmpi slt, %add3A_358, %select_n3A_72 : i32
      %convert_element_type3A_360 = arith.extui %lt3A_359 : i1 to i32
      %cond3A_361 = arith.constant 0 : i32
      %cond3A_362 = arith.cmpi ne, %convert_element_type3A_360, %cond3A_361 : i32
      scf.if %cond3A_362 {
        %dma_wait3A = arith.constant 0 : i32
        %dma_wait3A_387 = arith.constant 0 : i32
        %dma_wait3A_388 = tpu.memref_slice %arg6[%dma_wait3A, %dma_wait3A_387] : memref<16384x1024xf32, #tpu.memory_space<hbm>> -> memref<16x1024xf32, #tpu.memory_space<hbm>>
        %dma_wait3A_389 = arith.constant 0 : i32
        %dma_wait3A_390 = arith.constant 0 : i32
        %dma_wait3A_391 = tpu.memref_slice %arg6[%dma_wait3A_389, %dma_wait3A_390] : memref<16384x1024xf32, #tpu.memory_space<hbm>> -> memref<16x1024xf32, #tpu.memory_space<hbm>>
        tpu.wait_dma2 semaphore(%arg24 : memref<!tpu.dma_semaphore, #tpu.memory_space<semaphore_mem>>) src(%dma_wait3A_391 : memref<16x1024xf32, #tpu.memory_space<hbm>>) dst(%arg18 : memref<16x1024xf32, #tpu.memory_space<vmem>>)
        %add3A_392 = arith.constant 1 : i32
        %add3A_393 = arith.addi %mul3A_315, %add3A_392 : i32
        %dma_start3A = arith.constant 0 : i32
        %dma_start3A_394 = tpu.memref_slice %arg15[%add3A_393, %dma_start3A] : memref<34x16xi32, #tpu.memory_space<vmem>> -> memref<1x16xi32, #tpu.memory_space<vmem>>
        %dma_start3A_395 = tpu.memref_squeeze %dma_start3A_394 : memref<1x16xi32, #tpu.memory_space<vmem>> -> memref<16xi32, #tpu.memory_space<vmem>>
        %dma_start3A_396 = arith.constant 0 : i32
        %dma_start3A_397 = arith.constant 0 : i32
        %dma_start3A_398 = tpu.memref_slice %arg6[%dma_start3A_396, %dma_start3A_397] : memref<16384x1024xf32, #tpu.memory_space<hbm>> -> memref<16384x1024xf32, #tpu.memory_space<hbm>>
        tpu.enqueue_indirect_dma source(%arg18 : memref<16x1024xf32, #tpu.memory_space<vmem>>) target(%dma_start3A_398 : memref<16384x1024xf32, #tpu.memory_space<hbm>>) offsets(%dma_start3A_395 : memref<16xi32, #tpu.memory_space<vmem>>) semaphore(%arg30 : memref<!tpu.dma_semaphore, #tpu.memory_space<semaphore_mem>>)
      } else {
      }
      %add3A_363 = arith.constant 2 : i32
      %add3A_364 = arith.addi %mul3A_315, %add3A_363 : i32
      %lt3A_365 = arith.cmpi slt, %add3A_364, %select_n3A_72 : i32
      %convert_element_type3A_366 = arith.extui %lt3A_365 : i1 to i32
      %cond3A_367 = arith.constant 0 : i32
      %cond3A_368 = arith.cmpi ne, %convert_element_type3A_366, %cond3A_367 : i32
      scf.if %cond3A_368 {
        %dma_wait3A = arith.constant 0 : i32
        %dma_wait3A_387 = arith.constant 0 : i32
        %dma_wait3A_388 = tpu.memref_slice %arg6[%dma_wait3A, %dma_wait3A_387] : memref<16384x1024xf32, #tpu.memory_space<hbm>> -> memref<16x1024xf32, #tpu.memory_space<hbm>>
        %dma_wait3A_389 = arith.constant 0 : i32
        %dma_wait3A_390 = arith.constant 0 : i32
        %dma_wait3A_391 = tpu.memref_slice %arg6[%dma_wait3A_389, %dma_wait3A_390] : memref<16384x1024xf32, #tpu.memory_space<hbm>> -> memref<16x1024xf32, #tpu.memory_space<hbm>>
        tpu.wait_dma2 semaphore(%arg25 : memref<!tpu.dma_semaphore, #tpu.memory_space<semaphore_mem>>) src(%dma_wait3A_391 : memref<16x1024xf32, #tpu.memory_space<hbm>>) dst(%arg19 : memref<16x1024xf32, #tpu.memory_space<vmem>>)
        %add3A_392 = arith.constant 2 : i32
        %add3A_393 = arith.addi %mul3A_315, %add3A_392 : i32
        %dma_start3A = arith.constant 0 : i32
        %dma_start3A_394 = tpu.memref_slice %arg15[%add3A_393, %dma_start3A] : memref<34x16xi32, #tpu.memory_space<vmem>> -> memref<1x16xi32, #tpu.memory_space<vmem>>
        %dma_start3A_395 = tpu.memref_squeeze %dma_start3A_394 : memref<1x16xi32, #tpu.memory_space<vmem>> -> memref<16xi32, #tpu.memory_space<vmem>>
        %dma_start3A_396 = arith.constant 0 : i32
        %dma_start3A_397 = arith.constant 0 : i32
        %dma_start3A_398 = tpu.memref_slice %arg6[%dma_start3A_396, %dma_start3A_397] : memref<16384x1024xf32, #tpu.memory_space<hbm>> -> memref<16384x1024xf32, #tpu.memory_space<hbm>>
        tpu.enqueue_indirect_dma source(%arg19 : memref<16x1024xf32, #tpu.memory_space<vmem>>) target(%dma_start3A_398 : memref<16384x1024xf32, #tpu.memory_space<hbm>>) offsets(%dma_start3A_395 : memref<16xi32, #tpu.memory_space<vmem>>) semaphore(%arg31 : memref<!tpu.dma_semaphore, #tpu.memory_space<semaphore_mem>>)
      } else {
      }
      %add3A_369 = arith.constant 3 : i32
      %add3A_370 = arith.addi %mul3A_315, %add3A_369 : i32
      %lt3A_371 = arith.cmpi slt, %add3A_370, %select_n3A_72 : i32
      %convert_element_type3A_372 = arith.extui %lt3A_371 : i1 to i32
      %cond3A_373 = arith.constant 0 : i32
      %cond3A_374 = arith.cmpi ne, %convert_element_type3A_372, %cond3A_373 : i32
      scf.if %cond3A_374 {
        %dma_wait3A = arith.constant 0 : i32
        %dma_wait3A_387 = arith.constant 0 : i32
        %dma_wait3A_388 = tpu.memref_slice %arg6[%dma_wait3A, %dma_wait3A_387] : memref<16384x1024xf32, #tpu.memory_space<hbm>> -> memref<16x1024xf32, #tpu.memory_space<hbm>>
        %dma_wait3A_389 = arith.constant 0 : i32
        %dma_wait3A_390 = arith.constant 0 : i32
        %dma_wait3A_391 = tpu.memref_slice %arg6[%dma_wait3A_389, %dma_wait3A_390] : memref<16384x1024xf32, #tpu.memory_space<hbm>> -> memref<16x1024xf32, #tpu.memory_space<hbm>>
        tpu.wait_dma2 semaphore(%arg26 : memref<!tpu.dma_semaphore, #tpu.memory_space<semaphore_mem>>) src(%dma_wait3A_391 : memref<16x1024xf32, #tpu.memory_space<hbm>>) dst(%arg20 : memref<16x1024xf32, #tpu.memory_space<vmem>>)
        %add3A_392 = arith.constant 3 : i32
        %add3A_393 = arith.addi %mul3A_315, %add3A_392 : i32
        %dma_start3A = arith.constant 0 : i32
        %dma_start3A_394 = tpu.memref_slice %arg15[%add3A_393, %dma_start3A] : memref<34x16xi32, #tpu.memory_space<vmem>> -> memref<1x16xi32, #tpu.memory_space<vmem>>
        %dma_start3A_395 = tpu.memref_squeeze %dma_start3A_394 : memref<1x16xi32, #tpu.memory_space<vmem>> -> memref<16xi32, #tpu.memory_space<vmem>>
        %dma_start3A_396 = arith.constant 0 : i32
        %dma_start3A_397 = arith.constant 0 : i32
        %dma_start3A_398 = tpu.memref_slice %arg6[%dma_start3A_396, %dma_start3A_397] : memref<16384x1024xf32, #tpu.memory_space<hbm>> -> memref<16384x1024xf32, #tpu.memory_space<hbm>>
        tpu.enqueue_indirect_dma source(%arg20 : memref<16x1024xf32, #tpu.memory_space<vmem>>) target(%dma_start3A_398 : memref<16384x1024xf32, #tpu.memory_space<hbm>>) offsets(%dma_start3A_395 : memref<16xi32, #tpu.memory_space<vmem>>) semaphore(%arg32 : memref<!tpu.dma_semaphore, #tpu.memory_space<semaphore_mem>>)
      } else {
      }
      %add3A_375 = arith.constant 4 : i32
      %add3A_376 = arith.addi %mul3A_315, %add3A_375 : i32
      %lt3A_377 = arith.cmpi slt, %add3A_376, %select_n3A_72 : i32
      %convert_element_type3A_378 = arith.extui %lt3A_377 : i1 to i32
      %cond3A_379 = arith.constant 0 : i32
      %cond3A_380 = arith.cmpi ne, %convert_element_type3A_378, %cond3A_379 : i32
      scf.if %cond3A_380 {
        %dma_wait3A = arith.constant 0 : i32
        %dma_wait3A_387 = arith.constant 0 : i32
        %dma_wait3A_388 = tpu.memref_slice %arg6[%dma_wait3A, %dma_wait3A_387] : memref<16384x1024xf32, #tpu.memory_space<hbm>> -> memref<16x1024xf32, #tpu.memory_space<hbm>>
        %dma_wait3A_389 = arith.constant 0 : i32
        %dma_wait3A_390 = arith.constant 0 : i32
        %dma_wait3A_391 = tpu.memref_slice %arg6[%dma_wait3A_389, %dma_wait3A_390] : memref<16384x1024xf32, #tpu.memory_space<hbm>> -> memref<16x1024xf32, #tpu.memory_space<hbm>>
        tpu.wait_dma2 semaphore(%arg27 : memref<!tpu.dma_semaphore, #tpu.memory_space<semaphore_mem>>) src(%dma_wait3A_391 : memref<16x1024xf32, #tpu.memory_space<hbm>>) dst(%arg21 : memref<16x1024xf32, #tpu.memory_space<vmem>>)
        %add3A_392 = arith.constant 4 : i32
        %add3A_393 = arith.addi %mul3A_315, %add3A_392 : i32
        %dma_start3A = arith.constant 0 : i32
        %dma_start3A_394 = tpu.memref_slice %arg15[%add3A_393, %dma_start3A] : memref<34x16xi32, #tpu.memory_space<vmem>> -> memref<1x16xi32, #tpu.memory_space<vmem>>
        %dma_start3A_395 = tpu.memref_squeeze %dma_start3A_394 : memref<1x16xi32, #tpu.memory_space<vmem>> -> memref<16xi32, #tpu.memory_space<vmem>>
        %dma_start3A_396 = arith.constant 0 : i32
        %dma_start3A_397 = arith.constant 0 : i32
        %dma_start3A_398 = tpu.memref_slice %arg6[%dma_start3A_396, %dma_start3A_397] : memref<16384x1024xf32, #tpu.memory_space<hbm>> -> memref<16384x1024xf32, #tpu.memory_space<hbm>>
        tpu.enqueue_indirect_dma source(%arg21 : memref<16x1024xf32, #tpu.memory_space<vmem>>) target(%dma_start3A_398 : memref<16384x1024xf32, #tpu.memory_space<hbm>>) offsets(%dma_start3A_395 : memref<16xi32, #tpu.memory_space<vmem>>) semaphore(%arg33 : memref<!tpu.dma_semaphore, #tpu.memory_space<semaphore_mem>>)
      } else {
      }
      %add3A_381 = arith.constant 5 : i32
      %add3A_382 = arith.addi %mul3A_315, %add3A_381 : i32
      %lt3A_383 = arith.cmpi slt, %add3A_382, %select_n3A_72 : i32
      %convert_element_type3A_384 = arith.extui %lt3A_383 : i1 to i32
      %cond3A_385 = arith.constant 0 : i32
      %cond3A_386 = arith.cmpi ne, %convert_element_type3A_384, %cond3A_385 : i32
      scf.if %cond3A_386 {
        %dma_wait3A = arith.constant 0 : i32
        %dma_wait3A_387 = arith.constant 0 : i32
        %dma_wait3A_388 = tpu.memref_slice %arg6[%dma_wait3A, %dma_wait3A_387] : memref<16384x1024xf32, #tpu.memory_space<hbm>> -> memref<16x1024xf32, #tpu.memory_space<hbm>>
        %dma_wait3A_389 = arith.constant 0 : i32
        %dma_wait3A_390 = arith.constant 0 : i32
        %dma_wait3A_391 = tpu.memref_slice %arg6[%dma_wait3A_389, %dma_wait3A_390] : memref<16384x1024xf32, #tpu.memory_space<hbm>> -> memref<16x1024xf32, #tpu.memory_space<hbm>>
        tpu.wait_dma2 semaphore(%arg28 : memref<!tpu.dma_semaphore, #tpu.memory_space<semaphore_mem>>) src(%dma_wait3A_391 : memref<16x1024xf32, #tpu.memory_space<hbm>>) dst(%arg22 : memref<16x1024xf32, #tpu.memory_space<vmem>>)
        %add3A_392 = arith.constant 5 : i32
        %add3A_393 = arith.addi %mul3A_315, %add3A_392 : i32
        %dma_start3A = arith.constant 0 : i32
        %dma_start3A_394 = tpu.memref_slice %arg15[%add3A_393, %dma_start3A] : memref<34x16xi32, #tpu.memory_space<vmem>> -> memref<1x16xi32, #tpu.memory_space<vmem>>
        %dma_start3A_395 = tpu.memref_squeeze %dma_start3A_394 : memref<1x16xi32, #tpu.memory_space<vmem>> -> memref<16xi32, #tpu.memory_space<vmem>>
        %dma_start3A_396 = arith.constant 0 : i32
        %dma_start3A_397 = arith.constant 0 : i32
        %dma_start3A_398 = tpu.memref_slice %arg6[%dma_start3A_396, %dma_start3A_397] : memref<16384x1024xf32, #tpu.memory_space<hbm>> -> memref<16384x1024xf32, #tpu.memory_space<hbm>>
        tpu.enqueue_indirect_dma source(%arg22 : memref<16x1024xf32, #tpu.memory_space<vmem>>) target(%dma_start3A_398 : memref<16384x1024xf32, #tpu.memory_space<hbm>>) offsets(%dma_start3A_395 : memref<16xi32, #tpu.memory_space<vmem>>) semaphore(%arg34 : memref<!tpu.dma_semaphore, #tpu.memory_space<semaphore_mem>>)
      } else {
      }
    }
    %add3A_182 = arith.constant 5 : i32
    %add3A_183 = arith.addi %select_n3A_98, %add3A_182 : i32
    %jit3A_184 = arith.constant 6 : i32
    %div3A_185 = arith.divsi %add3A_183, %jit3A_184 : i32
    %sign3A_186 = arith.constant 0 : i32
    %sign3A_187 = arith.cmpi sgt, %add3A_183, %sign3A_186 : i32
    %sign3A_188 = arith.extui %sign3A_187 : i1 to i32
    %sign3A_189 = arith.constant 0 : i32
    %sign3A_190 = arith.cmpi slt, %add3A_183, %sign3A_189 : i32
    %sign3A_191 = arith.extui %sign3A_190 : i1 to i32
    %sign3A_192 = arith.subi %sign3A_188, %sign3A_191 : i32
    %sign3A_193 = arith.constant 0 : i32
    %sign3A_194 = arith.cmpi sgt, %jit3A_184, %sign3A_193 : i32
    %sign3A_195 = arith.extui %sign3A_194 : i1 to i32
    %sign3A_196 = arith.constant 0 : i32
    %sign3A_197 = arith.cmpi slt, %jit3A_184, %sign3A_196 : i32
    %sign3A_198 = arith.extui %sign3A_197 : i1 to i32
    %sign3A_199 = arith.subi %sign3A_195, %sign3A_198 : i32
    %ne3A_200 = arith.cmpi ne, %sign3A_192, %sign3A_199 : i32
    %rem3A_201 = arith.remsi %add3A_183, %jit3A_184 : i32
    %ne3A_202 = arith.constant 0 : i32
    %ne3A_203 = arith.cmpi ne, %rem3A_201, %ne3A_202 : i32
    %and3A_204 = arith.andi %ne3A_200, %ne3A_203 : i1
    %sub3A_205 = arith.constant 1 : i32
    %sub3A_206 = arith.subi %div3A_185, %sub3A_205 : i32
    %select_n3A_207 = arith.select %and3A_204, %sub3A_206, %div3A_185 : i32
    %gt3A_208 = arith.constant 0 : i32
    %gt3A_209 = arith.cmpi sgt, %select_n3A, %gt3A_208 : i32
    %gt3A_210 = arith.constant 0 : i32
    %gt3A_211 = arith.cmpi sgt, %select_n3A_72, %gt3A_210 : i32
    %or3A = arith.ori %gt3A_209, %gt3A_211 : i1
    %gt3A_212 = arith.constant 1 : i32
    %gt3A_213 = arith.cmpi sgt, %select_n3A, %gt3A_212 : i32
    %gt3A_214 = arith.constant 1 : i32
    %gt3A_215 = arith.cmpi sgt, %select_n3A_72, %gt3A_214 : i32
    %or3A_216 = arith.ori %gt3A_213, %gt3A_215 : i1
    %gt3A_217 = arith.constant 2 : i32
    %gt3A_218 = arith.cmpi sgt, %select_n3A, %gt3A_217 : i32
    %gt3A_219 = arith.constant 2 : i32
    %gt3A_220 = arith.cmpi sgt, %select_n3A_72, %gt3A_219 : i32
    %or3A_221 = arith.ori %gt3A_218, %gt3A_220 : i1
    %gt3A_222 = arith.constant 3 : i32
    %gt3A_223 = arith.cmpi sgt, %select_n3A, %gt3A_222 : i32
    %gt3A_224 = arith.constant 3 : i32
    %gt3A_225 = arith.cmpi sgt, %select_n3A_72, %gt3A_224 : i32
    %or3A_226 = arith.ori %gt3A_223, %gt3A_225 : i1
    %gt3A_227 = arith.constant 4 : i32
    %gt3A_228 = arith.cmpi sgt, %select_n3A, %gt3A_227 : i32
    %gt3A_229 = arith.constant 4 : i32
    %gt3A_230 = arith.cmpi sgt, %select_n3A_72, %gt3A_229 : i32
    %or3A_231 = arith.ori %gt3A_228, %gt3A_230 : i1
    %gt3A_232 = arith.constant 5 : i32
    %gt3A_233 = arith.cmpi sgt, %select_n3A, %gt3A_232 : i32
    %gt3A_234 = arith.constant 5 : i32
    %gt3A_235 = arith.cmpi sgt, %select_n3A_72, %gt3A_234 : i32
    %or3A_236 = arith.ori %gt3A_233, %gt3A_235 : i1
    %while3A_237 = arith.constant 0 : i32
    %while3A_238 = arith.constant 0 : i32
    %while3A_239 = arith.subi %select_n3A_207, %while3A_238 : i32
    %while3A_240 = arith.addi %while3A_238, %while3A_239 : i32
    %while3A_241 = arith.constant 1 : i32
    %while3A_242 = arith.divsi %while3A_239, %while3A_241 : i32
    %while3A_243 = arith.muli %while3A_242, %while3A_241 : i32
    %while3A_244 = arith.addi %while3A_238, %while3A_243 : i32
    %while3A_245 = arith.constant 1 : i32
    scf.for %while3A_313 = %while3A_238 to %while3A_244 step %while3A_245  : i32 {
      %mul3A_314 = arith.constant 6 : i32
      %mul3A_315 = arith.muli %mul3A_314, %while3A_313 : i32
      %add3A_316 = arith.constant 0 : i32
      %add3A_317 = arith.addi %mul3A_315, %add3A_316 : i32
      %lt3A = arith.cmpi slt, %add3A_317, %select_n3A_98 : i32
      %convert_element_type3A_318 = arith.extui %lt3A : i1 to i32
      %cond3A_319 = arith.constant 0 : i32
      %cond3A_320 = arith.cmpi ne, %convert_element_type3A_318, %cond3A_319 : i32
      scf.if %cond3A_320 {
        %gt3A_387 = arith.constant 0 : i32
        %gt3A_388 = arith.cmpi sgt, %while3A_313, %gt3A_387 : i32
        %or3A_389 = arith.ori %gt3A_388, %or3A : i1
        %convert_element_type3A_390 = arith.extui %or3A_389 : i1 to i32
        %cond3A_391 = arith.constant 0 : i32
        %cond3A_392 = arith.cmpi ne, %convert_element_type3A_390, %cond3A_391 : i32
        scf.if %cond3A_392 {
          %dma_wait3A = arith.constant 0 : i32
          %dma_wait3A_400 = arith.constant 0 : i32
          %dma_wait3A_401 = tpu.memref_slice %arg6[%dma_wait3A, %dma_wait3A_400] : memref<16384x1024xf32, #tpu.memory_space<hbm>> -> memref<16x1024xf32, #tpu.memory_space<hbm>>
          %dma_wait3A_402 = arith.constant 0 : i32
          %dma_wait3A_403 = arith.constant 0 : i32
          %dma_wait3A_404 = tpu.memref_slice %arg6[%dma_wait3A_402, %dma_wait3A_403] : memref<16384x1024xf32, #tpu.memory_space<hbm>> -> memref<16x1024xf32, #tpu.memory_space<hbm>>
          tpu.wait_dma2 semaphore(%arg29 : memref<!tpu.dma_semaphore, #tpu.memory_space<semaphore_mem>>) src(%dma_wait3A_404 : memref<16x1024xf32, #tpu.memory_space<hbm>>) dst(%arg17 : memref<16x1024xf32, #tpu.memory_space<vmem>>)
        } else {
        }
        %add3A_393 = arith.constant 0 : i32
        %add3A_394 = arith.addi %mul3A_315, %add3A_393 : i32
        %mul3A_395 = arith.constant 16 : i32
        %mul3A_396 = arith.muli %add3A_394, %mul3A_395 : i32
        %dma_start3A = tpu.memref_slice %arg10[%mul3A_396] : memref<544xi32, #tpu.memory_space<vmem>> -> memref<16xi32, #tpu.memory_space<vmem>>
        %dma_start3A_397 = arith.constant 0 : i32
        %dma_start3A_398 = arith.constant 0 : i32
        %dma_start3A_399 = tpu.memref_slice %arg4[%dma_start3A_397, %dma_start3A_398] : memref<5000x1024xf32, #tpu.memory_space<hbm>> -> memref<5000x1024xf32, #tpu.memory_space<hbm>>
        tpu.enqueue_indirect_dma source(%dma_start3A_399 : memref<5000x1024xf32, #tpu.memory_space<hbm>>) target(%arg17 : memref<16x1024xf32, #tpu.memory_space<vmem>>) offsets(%dma_start3A : memref<16xi32, #tpu.memory_space<vmem>>) semaphore(%arg23 : memref<!tpu.dma_semaphore, #tpu.memory_space<semaphore_mem>>)
      } else {
      }
      %add3A_321 = arith.constant 1 : i32
      %add3A_322 = arith.addi %mul3A_315, %add3A_321 : i32
      %lt3A_323 = arith.cmpi slt, %add3A_322, %select_n3A_98 : i32
      %convert_element_type3A_324 = arith.extui %lt3A_323 : i1 to i32
      %cond3A_325 = arith.constant 0 : i32
      %cond3A_326 = arith.cmpi ne, %convert_element_type3A_324, %cond3A_325 : i32
      scf.if %cond3A_326 {
        %gt3A_387 = arith.constant 0 : i32
        %gt3A_388 = arith.cmpi sgt, %while3A_313, %gt3A_387 : i32
        %or3A_389 = arith.ori %gt3A_388, %or3A_216 : i1
        %convert_element_type3A_390 = arith.extui %or3A_389 : i1 to i32
        %cond3A_391 = arith.constant 0 : i32
        %cond3A_392 = arith.cmpi ne, %convert_element_type3A_390, %cond3A_391 : i32
        scf.if %cond3A_392 {
          %dma_wait3A = arith.constant 0 : i32
          %dma_wait3A_400 = arith.constant 0 : i32
          %dma_wait3A_401 = tpu.memref_slice %arg6[%dma_wait3A, %dma_wait3A_400] : memref<16384x1024xf32, #tpu.memory_space<hbm>> -> memref<16x1024xf32, #tpu.memory_space<hbm>>
          %dma_wait3A_402 = arith.constant 0 : i32
          %dma_wait3A_403 = arith.constant 0 : i32
          %dma_wait3A_404 = tpu.memref_slice %arg6[%dma_wait3A_402, %dma_wait3A_403] : memref<16384x1024xf32, #tpu.memory_space<hbm>> -> memref<16x1024xf32, #tpu.memory_space<hbm>>
          tpu.wait_dma2 semaphore(%arg30 : memref<!tpu.dma_semaphore, #tpu.memory_space<semaphore_mem>>) src(%dma_wait3A_404 : memref<16x1024xf32, #tpu.memory_space<hbm>>) dst(%arg18 : memref<16x1024xf32, #tpu.memory_space<vmem>>)
        } else {
        }
        %add3A_393 = arith.constant 1 : i32
        %add3A_394 = arith.addi %mul3A_315, %add3A_393 : i32
        %mul3A_395 = arith.constant 16 : i32
        %mul3A_396 = arith.muli %add3A_394, %mul3A_395 : i32
        %dma_start3A = tpu.memref_slice %arg10[%mul3A_396] : memref<544xi32, #tpu.memory_space<vmem>> -> memref<16xi32, #tpu.memory_space<vmem>>
        %dma_start3A_397 = arith.constant 0 : i32
        %dma_start3A_398 = arith.constant 0 : i32
        %dma_start3A_399 = tpu.memref_slice %arg4[%dma_start3A_397, %dma_start3A_398] : memref<5000x1024xf32, #tpu.memory_space<hbm>> -> memref<5000x1024xf32, #tpu.memory_space<hbm>>
        tpu.enqueue_indirect_dma source(%dma_start3A_399 : memref<5000x1024xf32, #tpu.memory_space<hbm>>) target(%arg18 : memref<16x1024xf32, #tpu.memory_space<vmem>>) offsets(%dma_start3A : memref<16xi32, #tpu.memory_space<vmem>>) semaphore(%arg24 : memref<!tpu.dma_semaphore, #tpu.memory_space<semaphore_mem>>)
      } else {
      }
      %add3A_327 = arith.constant 2 : i32
      %add3A_328 = arith.addi %mul3A_315, %add3A_327 : i32
      %lt3A_329 = arith.cmpi slt, %add3A_328, %select_n3A_98 : i32
      %convert_element_type3A_330 = arith.extui %lt3A_329 : i1 to i32
      %cond3A_331 = arith.constant 0 : i32
      %cond3A_332 = arith.cmpi ne, %convert_element_type3A_330, %cond3A_331 : i32
      scf.if %cond3A_332 {
        %gt3A_387 = arith.constant 0 : i32
        %gt3A_388 = arith.cmpi sgt, %while3A_313, %gt3A_387 : i32
        %or3A_389 = arith.ori %gt3A_388, %or3A_221 : i1
        %convert_element_type3A_390 = arith.extui %or3A_389 : i1 to i32
        %cond3A_391 = arith.constant 0 : i32
        %cond3A_392 = arith.cmpi ne, %convert_element_type3A_390, %cond3A_391 : i32
        scf.if %cond3A_392 {
          %dma_wait3A = arith.constant 0 : i32
          %dma_wait3A_400 = arith.constant 0 : i32
          %dma_wait3A_401 = tpu.memref_slice %arg6[%dma_wait3A, %dma_wait3A_400] : memref<16384x1024xf32, #tpu.memory_space<hbm>> -> memref<16x1024xf32, #tpu.memory_space<hbm>>
          %dma_wait3A_402 = arith.constant 0 : i32
          %dma_wait3A_403 = arith.constant 0 : i32
          %dma_wait3A_404 = tpu.memref_slice %arg6[%dma_wait3A_402, %dma_wait3A_403] : memref<16384x1024xf32, #tpu.memory_space<hbm>> -> memref<16x1024xf32, #tpu.memory_space<hbm>>
          tpu.wait_dma2 semaphore(%arg31 : memref<!tpu.dma_semaphore, #tpu.memory_space<semaphore_mem>>) src(%dma_wait3A_404 : memref<16x1024xf32, #tpu.memory_space<hbm>>) dst(%arg19 : memref<16x1024xf32, #tpu.memory_space<vmem>>)
        } else {
        }
        %add3A_393 = arith.constant 2 : i32
        %add3A_394 = arith.addi %mul3A_315, %add3A_393 : i32
        %mul3A_395 = arith.constant 16 : i32
        %mul3A_396 = arith.muli %add3A_394, %mul3A_395 : i32
        %dma_start3A = tpu.memref_slice %arg10[%mul3A_396] : memref<544xi32, #tpu.memory_space<vmem>> -> memref<16xi32, #tpu.memory_space<vmem>>
        %dma_start3A_397 = arith.constant 0 : i32
        %dma_start3A_398 = arith.constant 0 : i32
        %dma_start3A_399 = tpu.memref_slice %arg4[%dma_start3A_397, %dma_start3A_398] : memref<5000x1024xf32, #tpu.memory_space<hbm>> -> memref<5000x1024xf32, #tpu.memory_space<hbm>>
        tpu.enqueue_indirect_dma source(%dma_start3A_399 : memref<5000x1024xf32, #tpu.memory_space<hbm>>) target(%arg19 : memref<16x1024xf32, #tpu.memory_space<vmem>>) offsets(%dma_start3A : memref<16xi32, #tpu.memory_space<vmem>>) semaphore(%arg25 : memref<!tpu.dma_semaphore, #tpu.memory_space<semaphore_mem>>)
      } else {
      }
      %add3A_333 = arith.constant 3 : i32
      %add3A_334 = arith.addi %mul3A_315, %add3A_333 : i32
      %lt3A_335 = arith.cmpi slt, %add3A_334, %select_n3A_98 : i32
      %convert_element_type3A_336 = arith.extui %lt3A_335 : i1 to i32
      %cond3A_337 = arith.constant 0 : i32
      %cond3A_338 = arith.cmpi ne, %convert_element_type3A_336, %cond3A_337 : i32
      scf.if %cond3A_338 {
        %gt3A_387 = arith.constant 0 : i32
        %gt3A_388 = arith.cmpi sgt, %while3A_313, %gt3A_387 : i32
        %or3A_389 = arith.ori %gt3A_388, %or3A_226 : i1
        %convert_element_type3A_390 = arith.extui %or3A_389 : i1 to i32
        %cond3A_391 = arith.constant 0 : i32
        %cond3A_392 = arith.cmpi ne, %convert_element_type3A_390, %cond3A_391 : i32
        scf.if %cond3A_392 {
          %dma_wait3A = arith.constant 0 : i32
          %dma_wait3A_400 = arith.constant 0 : i32
          %dma_wait3A_401 = tpu.memref_slice %arg6[%dma_wait3A, %dma_wait3A_400] : memref<16384x1024xf32, #tpu.memory_space<hbm>> -> memref<16x1024xf32, #tpu.memory_space<hbm>>
          %dma_wait3A_402 = arith.constant 0 : i32
          %dma_wait3A_403 = arith.constant 0 : i32
          %dma_wait3A_404 = tpu.memref_slice %arg6[%dma_wait3A_402, %dma_wait3A_403] : memref<16384x1024xf32, #tpu.memory_space<hbm>> -> memref<16x1024xf32, #tpu.memory_space<hbm>>
          tpu.wait_dma2 semaphore(%arg32 : memref<!tpu.dma_semaphore, #tpu.memory_space<semaphore_mem>>) src(%dma_wait3A_404 : memref<16x1024xf32, #tpu.memory_space<hbm>>) dst(%arg20 : memref<16x1024xf32, #tpu.memory_space<vmem>>)
        } else {
        }
        %add3A_393 = arith.constant 3 : i32
        %add3A_394 = arith.addi %mul3A_315, %add3A_393 : i32
        %mul3A_395 = arith.constant 16 : i32
        %mul3A_396 = arith.muli %add3A_394, %mul3A_395 : i32
        %dma_start3A = tpu.memref_slice %arg10[%mul3A_396] : memref<544xi32, #tpu.memory_space<vmem>> -> memref<16xi32, #tpu.memory_space<vmem>>
        %dma_start3A_397 = arith.constant 0 : i32
        %dma_start3A_398 = arith.constant 0 : i32
        %dma_start3A_399 = tpu.memref_slice %arg4[%dma_start3A_397, %dma_start3A_398] : memref<5000x1024xf32, #tpu.memory_space<hbm>> -> memref<5000x1024xf32, #tpu.memory_space<hbm>>
        tpu.enqueue_indirect_dma source(%dma_start3A_399 : memref<5000x1024xf32, #tpu.memory_space<hbm>>) target(%arg20 : memref<16x1024xf32, #tpu.memory_space<vmem>>) offsets(%dma_start3A : memref<16xi32, #tpu.memory_space<vmem>>) semaphore(%arg26 : memref<!tpu.dma_semaphore, #tpu.memory_space<semaphore_mem>>)
      } else {
      }
      %add3A_339 = arith.constant 4 : i32
      %add3A_340 = arith.addi %mul3A_315, %add3A_339 : i32
      %lt3A_341 = arith.cmpi slt, %add3A_340, %select_n3A_98 : i32
      %convert_element_type3A_342 = arith.extui %lt3A_341 : i1 to i32
      %cond3A_343 = arith.constant 0 : i32
      %cond3A_344 = arith.cmpi ne, %convert_element_type3A_342, %cond3A_343 : i32
      scf.if %cond3A_344 {
        %gt3A_387 = arith.constant 0 : i32
        %gt3A_388 = arith.cmpi sgt, %while3A_313, %gt3A_387 : i32
        %or3A_389 = arith.ori %gt3A_388, %or3A_231 : i1
        %convert_element_type3A_390 = arith.extui %or3A_389 : i1 to i32
        %cond3A_391 = arith.constant 0 : i32
        %cond3A_392 = arith.cmpi ne, %convert_element_type3A_390, %cond3A_391 : i32
        scf.if %cond3A_392 {
          %dma_wait3A = arith.constant 0 : i32
          %dma_wait3A_400 = arith.constant 0 : i32
          %dma_wait3A_401 = tpu.memref_slice %arg6[%dma_wait3A, %dma_wait3A_400] : memref<16384x1024xf32, #tpu.memory_space<hbm>> -> memref<16x1024xf32, #tpu.memory_space<hbm>>
          %dma_wait3A_402 = arith.constant 0 : i32
          %dma_wait3A_403 = arith.constant 0 : i32
          %dma_wait3A_404 = tpu.memref_slice %arg6[%dma_wait3A_402, %dma_wait3A_403] : memref<16384x1024xf32, #tpu.memory_space<hbm>> -> memref<16x1024xf32, #tpu.memory_space<hbm>>
          tpu.wait_dma2 semaphore(%arg33 : memref<!tpu.dma_semaphore, #tpu.memory_space<semaphore_mem>>) src(%dma_wait3A_404 : memref<16x1024xf32, #tpu.memory_space<hbm>>) dst(%arg21 : memref<16x1024xf32, #tpu.memory_space<vmem>>)
        } else {
        }
        %add3A_393 = arith.constant 4 : i32
        %add3A_394 = arith.addi %mul3A_315, %add3A_393 : i32
        %mul3A_395 = arith.constant 16 : i32
        %mul3A_396 = arith.muli %add3A_394, %mul3A_395 : i32
        %dma_start3A = tpu.memref_slice %arg10[%mul3A_396] : memref<544xi32, #tpu.memory_space<vmem>> -> memref<16xi32, #tpu.memory_space<vmem>>
        %dma_start3A_397 = arith.constant 0 : i32
        %dma_start3A_398 = arith.constant 0 : i32
        %dma_start3A_399 = tpu.memref_slice %arg4[%dma_start3A_397, %dma_start3A_398] : memref<5000x1024xf32, #tpu.memory_space<hbm>> -> memref<5000x1024xf32, #tpu.memory_space<hbm>>
        tpu.enqueue_indirect_dma source(%dma_start3A_399 : memref<5000x1024xf32, #tpu.memory_space<hbm>>) target(%arg21 : memref<16x1024xf32, #tpu.memory_space<vmem>>) offsets(%dma_start3A : memref<16xi32, #tpu.memory_space<vmem>>) semaphore(%arg27 : memref<!tpu.dma_semaphore, #tpu.memory_space<semaphore_mem>>)
      } else {
      }
      %add3A_345 = arith.constant 5 : i32
      %add3A_346 = arith.addi %mul3A_315, %add3A_345 : i32
      %lt3A_347 = arith.cmpi slt, %add3A_346, %select_n3A_98 : i32
      %convert_element_type3A_348 = arith.extui %lt3A_347 : i1 to i32
      %cond3A_349 = arith.constant 0 : i32
      %cond3A_350 = arith.cmpi ne, %convert_element_type3A_348, %cond3A_349 : i32
      scf.if %cond3A_350 {
        %gt3A_387 = arith.constant 0 : i32
        %gt3A_388 = arith.cmpi sgt, %while3A_313, %gt3A_387 : i32
        %or3A_389 = arith.ori %gt3A_388, %or3A_236 : i1
        %convert_element_type3A_390 = arith.extui %or3A_389 : i1 to i32
        %cond3A_391 = arith.constant 0 : i32
        %cond3A_392 = arith.cmpi ne, %convert_element_type3A_390, %cond3A_391 : i32
        scf.if %cond3A_392 {
          %dma_wait3A = arith.constant 0 : i32
          %dma_wait3A_400 = arith.constant 0 : i32
          %dma_wait3A_401 = tpu.memref_slice %arg6[%dma_wait3A, %dma_wait3A_400] : memref<16384x1024xf32, #tpu.memory_space<hbm>> -> memref<16x1024xf32, #tpu.memory_space<hbm>>
          %dma_wait3A_402 = arith.constant 0 : i32
          %dma_wait3A_403 = arith.constant 0 : i32
          %dma_wait3A_404 = tpu.memref_slice %arg6[%dma_wait3A_402, %dma_wait3A_403] : memref<16384x1024xf32, #tpu.memory_space<hbm>> -> memref<16x1024xf32, #tpu.memory_space<hbm>>
          tpu.wait_dma2 semaphore(%arg34 : memref<!tpu.dma_semaphore, #tpu.memory_space<semaphore_mem>>) src(%dma_wait3A_404 : memref<16x1024xf32, #tpu.memory_space<hbm>>) dst(%arg22 : memref<16x1024xf32, #tpu.memory_space<vmem>>)
        } else {
        }
        %add3A_393 = arith.constant 5 : i32
        %add3A_394 = arith.addi %mul3A_315, %add3A_393 : i32
        %mul3A_395 = arith.constant 16 : i32
        %mul3A_396 = arith.muli %add3A_394, %mul3A_395 : i32
        %dma_start3A = tpu.memref_slice %arg10[%mul3A_396] : memref<544xi32, #tpu.memory_space<vmem>> -> memref<16xi32, #tpu.memory_space<vmem>>
        %dma_start3A_397 = arith.constant 0 : i32
        %dma_start3A_398 = arith.constant 0 : i32
        %dma_start3A_399 = tpu.memref_slice %arg4[%dma_start3A_397, %dma_start3A_398] : memref<5000x1024xf32, #tpu.memory_space<hbm>> -> memref<5000x1024xf32, #tpu.memory_space<hbm>>
        tpu.enqueue_indirect_dma source(%dma_start3A_399 : memref<5000x1024xf32, #tpu.memory_space<hbm>>) target(%arg22 : memref<16x1024xf32, #tpu.memory_space<vmem>>) offsets(%dma_start3A : memref<16xi32, #tpu.memory_space<vmem>>) semaphore(%arg28 : memref<!tpu.dma_semaphore, #tpu.memory_space<semaphore_mem>>)
      } else {
      }
      %add3A_351 = arith.constant 0 : i32
      %add3A_352 = arith.addi %mul3A_315, %add3A_351 : i32
      %lt3A_353 = arith.cmpi slt, %add3A_352, %select_n3A_98 : i32
      %convert_element_type3A_354 = arith.extui %lt3A_353 : i1 to i32
      %cond3A_355 = arith.constant 0 : i32
      %cond3A_356 = arith.cmpi ne, %convert_element_type3A_354, %cond3A_355 : i32
      scf.if %cond3A_356 {
        %dma_wait3A = arith.constant 0 : i32
        %dma_wait3A_387 = arith.constant 0 : i32
        %dma_wait3A_388 = tpu.memref_slice %arg6[%dma_wait3A, %dma_wait3A_387] : memref<16384x1024xf32, #tpu.memory_space<hbm>> -> memref<16x1024xf32, #tpu.memory_space<hbm>>
        %dma_wait3A_389 = arith.constant 0 : i32
        %dma_wait3A_390 = arith.constant 0 : i32
        %dma_wait3A_391 = tpu.memref_slice %arg6[%dma_wait3A_389, %dma_wait3A_390] : memref<16384x1024xf32, #tpu.memory_space<hbm>> -> memref<16x1024xf32, #tpu.memory_space<hbm>>
        tpu.wait_dma2 semaphore(%arg23 : memref<!tpu.dma_semaphore, #tpu.memory_space<semaphore_mem>>) src(%dma_wait3A_391 : memref<16x1024xf32, #tpu.memory_space<hbm>>) dst(%arg17 : memref<16x1024xf32, #tpu.memory_space<vmem>>)
        %add3A_392 = arith.constant 0 : i32
        %add3A_393 = arith.addi %mul3A_315, %add3A_392 : i32
        %dma_start3A = arith.constant 0 : i32
        %dma_start3A_394 = tpu.memref_slice %arg16[%add3A_393, %dma_start3A] : memref<34x16xi32, #tpu.memory_space<vmem>> -> memref<1x16xi32, #tpu.memory_space<vmem>>
        %dma_start3A_395 = tpu.memref_squeeze %dma_start3A_394 : memref<1x16xi32, #tpu.memory_space<vmem>> -> memref<16xi32, #tpu.memory_space<vmem>>
        %dma_start3A_396 = arith.constant 0 : i32
        %dma_start3A_397 = arith.constant 0 : i32
        %dma_start3A_398 = tpu.memref_slice %arg6[%dma_start3A_396, %dma_start3A_397] : memref<16384x1024xf32, #tpu.memory_space<hbm>> -> memref<16384x1024xf32, #tpu.memory_space<hbm>>
        tpu.enqueue_indirect_dma source(%arg17 : memref<16x1024xf32, #tpu.memory_space<vmem>>) target(%dma_start3A_398 : memref<16384x1024xf32, #tpu.memory_space<hbm>>) offsets(%dma_start3A_395 : memref<16xi32, #tpu.memory_space<vmem>>) semaphore(%arg29 : memref<!tpu.dma_semaphore, #tpu.memory_space<semaphore_mem>>)
      } else {
      }
      %add3A_357 = arith.constant 1 : i32
      %add3A_358 = arith.addi %mul3A_315, %add3A_357 : i32
      %lt3A_359 = arith.cmpi slt, %add3A_358, %select_n3A_98 : i32
      %convert_element_type3A_360 = arith.extui %lt3A_359 : i1 to i32
      %cond3A_361 = arith.constant 0 : i32
      %cond3A_362 = arith.cmpi ne, %convert_element_type3A_360, %cond3A_361 : i32
      scf.if %cond3A_362 {
        %dma_wait3A = arith.constant 0 : i32
        %dma_wait3A_387 = arith.constant 0 : i32
        %dma_wait3A_388 = tpu.memref_slice %arg6[%dma_wait3A, %dma_wait3A_387] : memref<16384x1024xf32, #tpu.memory_space<hbm>> -> memref<16x1024xf32, #tpu.memory_space<hbm>>
        %dma_wait3A_389 = arith.constant 0 : i32
        %dma_wait3A_390 = arith.constant 0 : i32
        %dma_wait3A_391 = tpu.memref_slice %arg6[%dma_wait3A_389, %dma_wait3A_390] : memref<16384x1024xf32, #tpu.memory_space<hbm>> -> memref<16x1024xf32, #tpu.memory_space<hbm>>
        tpu.wait_dma2 semaphore(%arg24 : memref<!tpu.dma_semaphore, #tpu.memory_space<semaphore_mem>>) src(%dma_wait3A_391 : memref<16x1024xf32, #tpu.memory_space<hbm>>) dst(%arg18 : memref<16x1024xf32, #tpu.memory_space<vmem>>)
        %add3A_392 = arith.constant 1 : i32
        %add3A_393 = arith.addi %mul3A_315, %add3A_392 : i32
        %dma_start3A = arith.constant 0 : i32
        %dma_start3A_394 = tpu.memref_slice %arg16[%add3A_393, %dma_start3A] : memref<34x16xi32, #tpu.memory_space<vmem>> -> memref<1x16xi32, #tpu.memory_space<vmem>>
        %dma_start3A_395 = tpu.memref_squeeze %dma_start3A_394 : memref<1x16xi32, #tpu.memory_space<vmem>> -> memref<16xi32, #tpu.memory_space<vmem>>
        %dma_start3A_396 = arith.constant 0 : i32
        %dma_start3A_397 = arith.constant 0 : i32
        %dma_start3A_398 = tpu.memref_slice %arg6[%dma_start3A_396, %dma_start3A_397] : memref<16384x1024xf32, #tpu.memory_space<hbm>> -> memref<16384x1024xf32, #tpu.memory_space<hbm>>
        tpu.enqueue_indirect_dma source(%arg18 : memref<16x1024xf32, #tpu.memory_space<vmem>>) target(%dma_start3A_398 : memref<16384x1024xf32, #tpu.memory_space<hbm>>) offsets(%dma_start3A_395 : memref<16xi32, #tpu.memory_space<vmem>>) semaphore(%arg30 : memref<!tpu.dma_semaphore, #tpu.memory_space<semaphore_mem>>)
      } else {
      }
      %add3A_363 = arith.constant 2 : i32
      %add3A_364 = arith.addi %mul3A_315, %add3A_363 : i32
      %lt3A_365 = arith.cmpi slt, %add3A_364, %select_n3A_98 : i32
      %convert_element_type3A_366 = arith.extui %lt3A_365 : i1 to i32
      %cond3A_367 = arith.constant 0 : i32
      %cond3A_368 = arith.cmpi ne, %convert_element_type3A_366, %cond3A_367 : i32
      scf.if %cond3A_368 {
        %dma_wait3A = arith.constant 0 : i32
        %dma_wait3A_387 = arith.constant 0 : i32
        %dma_wait3A_388 = tpu.memref_slice %arg6[%dma_wait3A, %dma_wait3A_387] : memref<16384x1024xf32, #tpu.memory_space<hbm>> -> memref<16x1024xf32, #tpu.memory_space<hbm>>
        %dma_wait3A_389 = arith.constant 0 : i32
        %dma_wait3A_390 = arith.constant 0 : i32
        %dma_wait3A_391 = tpu.memref_slice %arg6[%dma_wait3A_389, %dma_wait3A_390] : memref<16384x1024xf32, #tpu.memory_space<hbm>> -> memref<16x1024xf32, #tpu.memory_space<hbm>>
        tpu.wait_dma2 semaphore(%arg25 : memref<!tpu.dma_semaphore, #tpu.memory_space<semaphore_mem>>) src(%dma_wait3A_391 : memref<16x1024xf32, #tpu.memory_space<hbm>>) dst(%arg19 : memref<16x1024xf32, #tpu.memory_space<vmem>>)
        %add3A_392 = arith.constant 2 : i32
        %add3A_393 = arith.addi %mul3A_315, %add3A_392 : i32
        %dma_start3A = arith.constant 0 : i32
        %dma_start3A_394 = tpu.memref_slice %arg16[%add3A_393, %dma_start3A] : memref<34x16xi32, #tpu.memory_space<vmem>> -> memref<1x16xi32, #tpu.memory_space<vmem>>
        %dma_start3A_395 = tpu.memref_squeeze %dma_start3A_394 : memref<1x16xi32, #tpu.memory_space<vmem>> -> memref<16xi32, #tpu.memory_space<vmem>>
        %dma_start3A_396 = arith.constant 0 : i32
        %dma_start3A_397 = arith.constant 0 : i32
        %dma_start3A_398 = tpu.memref_slice %arg6[%dma_start3A_396, %dma_start3A_397] : memref<16384x1024xf32, #tpu.memory_space<hbm>> -> memref<16384x1024xf32, #tpu.memory_space<hbm>>
        tpu.enqueue_indirect_dma source(%arg19 : memref<16x1024xf32, #tpu.memory_space<vmem>>) target(%dma_start3A_398 : memref<16384x1024xf32, #tpu.memory_space<hbm>>) offsets(%dma_start3A_395 : memref<16xi32, #tpu.memory_space<vmem>>) semaphore(%arg31 : memref<!tpu.dma_semaphore, #tpu.memory_space<semaphore_mem>>)
      } else {
      }
      %add3A_369 = arith.constant 3 : i32
      %add3A_370 = arith.addi %mul3A_315, %add3A_369 : i32
      %lt3A_371 = arith.cmpi slt, %add3A_370, %select_n3A_98 : i32
      %convert_element_type3A_372 = arith.extui %lt3A_371 : i1 to i32
      %cond3A_373 = arith.constant 0 : i32
      %cond3A_374 = arith.cmpi ne, %convert_element_type3A_372, %cond3A_373 : i32
      scf.if %cond3A_374 {
        %dma_wait3A = arith.constant 0 : i32
        %dma_wait3A_387 = arith.constant 0 : i32
        %dma_wait3A_388 = tpu.memref_slice %arg6[%dma_wait3A, %dma_wait3A_387] : memref<16384x1024xf32, #tpu.memory_space<hbm>> -> memref<16x1024xf32, #tpu.memory_space<hbm>>
        %dma_wait3A_389 = arith.constant 0 : i32
        %dma_wait3A_390 = arith.constant 0 : i32
        %dma_wait3A_391 = tpu.memref_slice %arg6[%dma_wait3A_389, %dma_wait3A_390] : memref<16384x1024xf32, #tpu.memory_space<hbm>> -> memref<16x1024xf32, #tpu.memory_space<hbm>>
        tpu.wait_dma2 semaphore(%arg26 : memref<!tpu.dma_semaphore, #tpu.memory_space<semaphore_mem>>) src(%dma_wait3A_391 : memref<16x1024xf32, #tpu.memory_space<hbm>>) dst(%arg20 : memref<16x1024xf32, #tpu.memory_space<vmem>>)
        %add3A_392 = arith.constant 3 : i32
        %add3A_393 = arith.addi %mul3A_315, %add3A_392 : i32
        %dma_start3A = arith.constant 0 : i32
        %dma_start3A_394 = tpu.memref_slice %arg16[%add3A_393, %dma_start3A] : memref<34x16xi32, #tpu.memory_space<vmem>> -> memref<1x16xi32, #tpu.memory_space<vmem>>
        %dma_start3A_395 = tpu.memref_squeeze %dma_start3A_394 : memref<1x16xi32, #tpu.memory_space<vmem>> -> memref<16xi32, #tpu.memory_space<vmem>>
        %dma_start3A_396 = arith.constant 0 : i32
        %dma_start3A_397 = arith.constant 0 : i32
        %dma_start3A_398 = tpu.memref_slice %arg6[%dma_start3A_396, %dma_start3A_397] : memref<16384x1024xf32, #tpu.memory_space<hbm>> -> memref<16384x1024xf32, #tpu.memory_space<hbm>>
        tpu.enqueue_indirect_dma source(%arg20 : memref<16x1024xf32, #tpu.memory_space<vmem>>) target(%dma_start3A_398 : memref<16384x1024xf32, #tpu.memory_space<hbm>>) offsets(%dma_start3A_395 : memref<16xi32, #tpu.memory_space<vmem>>) semaphore(%arg32 : memref<!tpu.dma_semaphore, #tpu.memory_space<semaphore_mem>>)
      } else {
      }
      %add3A_375 = arith.constant 4 : i32
      %add3A_376 = arith.addi %mul3A_315, %add3A_375 : i32
      %lt3A_377 = arith.cmpi slt, %add3A_376, %select_n3A_98 : i32
      %convert_element_type3A_378 = arith.extui %lt3A_377 : i1 to i32
      %cond3A_379 = arith.constant 0 : i32
      %cond3A_380 = arith.cmpi ne, %convert_element_type3A_378, %cond3A_379 : i32
      scf.if %cond3A_380 {
        %dma_wait3A = arith.constant 0 : i32
        %dma_wait3A_387 = arith.constant 0 : i32
        %dma_wait3A_388 = tpu.memref_slice %arg6[%dma_wait3A, %dma_wait3A_387] : memref<16384x1024xf32, #tpu.memory_space<hbm>> -> memref<16x1024xf32, #tpu.memory_space<hbm>>
        %dma_wait3A_389 = arith.constant 0 : i32
        %dma_wait3A_390 = arith.constant 0 : i32
        %dma_wait3A_391 = tpu.memref_slice %arg6[%dma_wait3A_389, %dma_wait3A_390] : memref<16384x1024xf32, #tpu.memory_space<hbm>> -> memref<16x1024xf32, #tpu.memory_space<hbm>>
        tpu.wait_dma2 semaphore(%arg27 : memref<!tpu.dma_semaphore, #tpu.memory_space<semaphore_mem>>) src(%dma_wait3A_391 : memref<16x1024xf32, #tpu.memory_space<hbm>>) dst(%arg21 : memref<16x1024xf32, #tpu.memory_space<vmem>>)
        %add3A_392 = arith.constant 4 : i32
        %add3A_393 = arith.addi %mul3A_315, %add3A_392 : i32
        %dma_start3A = arith.constant 0 : i32
        %dma_start3A_394 = tpu.memref_slice %arg16[%add3A_393, %dma_start3A] : memref<34x16xi32, #tpu.memory_space<vmem>> -> memref<1x16xi32, #tpu.memory_space<vmem>>
        %dma_start3A_395 = tpu.memref_squeeze %dma_start3A_394 : memref<1x16xi32, #tpu.memory_space<vmem>> -> memref<16xi32, #tpu.memory_space<vmem>>
        %dma_start3A_396 = arith.constant 0 : i32
        %dma_start3A_397 = arith.constant 0 : i32
        %dma_start3A_398 = tpu.memref_slice %arg6[%dma_start3A_396, %dma_start3A_397] : memref<16384x1024xf32, #tpu.memory_space<hbm>> -> memref<16384x1024xf32, #tpu.memory_space<hbm>>
        tpu.enqueue_indirect_dma source(%arg21 : memref<16x1024xf32, #tpu.memory_space<vmem>>) target(%dma_start3A_398 : memref<16384x1024xf32, #tpu.memory_space<hbm>>) offsets(%dma_start3A_395 : memref<16xi32, #tpu.memory_space<vmem>>) semaphore(%arg33 : memref<!tpu.dma_semaphore, #tpu.memory_space<semaphore_mem>>)
      } else {
      }
      %add3A_381 = arith.constant 5 : i32
      %add3A_382 = arith.addi %mul3A_315, %add3A_381 : i32
      %lt3A_383 = arith.cmpi slt, %add3A_382, %select_n3A_98 : i32
      %convert_element_type3A_384 = arith.extui %lt3A_383 : i1 to i32
      %cond3A_385 = arith.constant 0 : i32
      %cond3A_386 = arith.cmpi ne, %convert_element_type3A_384, %cond3A_385 : i32
      scf.if %cond3A_386 {
        %dma_wait3A = arith.constant 0 : i32
        %dma_wait3A_387 = arith.constant 0 : i32
        %dma_wait3A_388 = tpu.memref_slice %arg6[%dma_wait3A, %dma_wait3A_387] : memref<16384x1024xf32, #tpu.memory_space<hbm>> -> memref<16x1024xf32, #tpu.memory_space<hbm>>
        %dma_wait3A_389 = arith.constant 0 : i32
        %dma_wait3A_390 = arith.constant 0 : i32
        %dma_wait3A_391 = tpu.memref_slice %arg6[%dma_wait3A_389, %dma_wait3A_390] : memref<16384x1024xf32, #tpu.memory_space<hbm>> -> memref<16x1024xf32, #tpu.memory_space<hbm>>
        tpu.wait_dma2 semaphore(%arg28 : memref<!tpu.dma_semaphore, #tpu.memory_space<semaphore_mem>>) src(%dma_wait3A_391 : memref<16x1024xf32, #tpu.memory_space<hbm>>) dst(%arg22 : memref<16x1024xf32, #tpu.memory_space<vmem>>)
        %add3A_392 = arith.constant 5 : i32
        %add3A_393 = arith.addi %mul3A_315, %add3A_392 : i32
        %dma_start3A = arith.constant 0 : i32
        %dma_start3A_394 = tpu.memref_slice %arg16[%add3A_393, %dma_start3A] : memref<34x16xi32, #tpu.memory_space<vmem>> -> memref<1x16xi32, #tpu.memory_space<vmem>>
        %dma_start3A_395 = tpu.memref_squeeze %dma_start3A_394 : memref<1x16xi32, #tpu.memory_space<vmem>> -> memref<16xi32, #tpu.memory_space<vmem>>
        %dma_start3A_396 = arith.constant 0 : i32
        %dma_start3A_397 = arith.constant 0 : i32
        %dma_start3A_398 = tpu.memref_slice %arg6[%dma_start3A_396, %dma_start3A_397] : memref<16384x1024xf32, #tpu.memory_space<hbm>> -> memref<16384x1024xf32, #tpu.memory_space<hbm>>
        tpu.enqueue_indirect_dma source(%arg22 : memref<16x1024xf32, #tpu.memory_space<vmem>>) target(%dma_start3A_398 : memref<16384x1024xf32, #tpu.memory_space<hbm>>) offsets(%dma_start3A_395 : memref<16xi32, #tpu.memory_space<vmem>>) semaphore(%arg34 : memref<!tpu.dma_semaphore, #tpu.memory_space<semaphore_mem>>)
      } else {
      }
    }
    %while3A_246 = arith.constant 1 : i32
    scf.for %while3A_313 = %while3A_244 to %while3A_240 step %while3A_246  : i32 {
      %mul3A_314 = arith.constant 6 : i32
      %mul3A_315 = arith.muli %mul3A_314, %while3A_313 : i32
      %add3A_316 = arith.constant 0 : i32
      %add3A_317 = arith.addi %mul3A_315, %add3A_316 : i32
      %lt3A = arith.cmpi slt, %add3A_317, %select_n3A_98 : i32
      %convert_element_type3A_318 = arith.extui %lt3A : i1 to i32
      %cond3A_319 = arith.constant 0 : i32
      %cond3A_320 = arith.cmpi ne, %convert_element_type3A_318, %cond3A_319 : i32
      scf.if %cond3A_320 {
        %gt3A_387 = arith.constant 0 : i32
        %gt3A_388 = arith.cmpi sgt, %while3A_313, %gt3A_387 : i32
        %or3A_389 = arith.ori %gt3A_388, %or3A : i1
        %convert_element_type3A_390 = arith.extui %or3A_389 : i1 to i32
        %cond3A_391 = arith.constant 0 : i32
        %cond3A_392 = arith.cmpi ne, %convert_element_type3A_390, %cond3A_391 : i32
        scf.if %cond3A_392 {
          %dma_wait3A = arith.constant 0 : i32
          %dma_wait3A_400 = arith.constant 0 : i32
          %dma_wait3A_401 = tpu.memref_slice %arg6[%dma_wait3A, %dma_wait3A_400] : memref<16384x1024xf32, #tpu.memory_space<hbm>> -> memref<16x1024xf32, #tpu.memory_space<hbm>>
          %dma_wait3A_402 = arith.constant 0 : i32
          %dma_wait3A_403 = arith.constant 0 : i32
          %dma_wait3A_404 = tpu.memref_slice %arg6[%dma_wait3A_402, %dma_wait3A_403] : memref<16384x1024xf32, #tpu.memory_space<hbm>> -> memref<16x1024xf32, #tpu.memory_space<hbm>>
          tpu.wait_dma2 semaphore(%arg29 : memref<!tpu.dma_semaphore, #tpu.memory_space<semaphore_mem>>) src(%dma_wait3A_404 : memref<16x1024xf32, #tpu.memory_space<hbm>>) dst(%arg17 : memref<16x1024xf32, #tpu.memory_space<vmem>>)
        } else {
        }
        %add3A_393 = arith.constant 0 : i32
        %add3A_394 = arith.addi %mul3A_315, %add3A_393 : i32
        %mul3A_395 = arith.constant 16 : i32
        %mul3A_396 = arith.muli %add3A_394, %mul3A_395 : i32
        %dma_start3A = tpu.memref_slice %arg10[%mul3A_396] : memref<544xi32, #tpu.memory_space<vmem>> -> memref<16xi32, #tpu.memory_space<vmem>>
        %dma_start3A_397 = arith.constant 0 : i32
        %dma_start3A_398 = arith.constant 0 : i32
        %dma_start3A_399 = tpu.memref_slice %arg4[%dma_start3A_397, %dma_start3A_398] : memref<5000x1024xf32, #tpu.memory_space<hbm>> -> memref<5000x1024xf32, #tpu.memory_space<hbm>>
        tpu.enqueue_indirect_dma source(%dma_start3A_399 : memref<5000x1024xf32, #tpu.memory_space<hbm>>) target(%arg17 : memref<16x1024xf32, #tpu.memory_space<vmem>>) offsets(%dma_start3A : memref<16xi32, #tpu.memory_space<vmem>>) semaphore(%arg23 : memref<!tpu.dma_semaphore, #tpu.memory_space<semaphore_mem>>)
      } else {
      }
      %add3A_321 = arith.constant 1 : i32
      %add3A_322 = arith.addi %mul3A_315, %add3A_321 : i32
      %lt3A_323 = arith.cmpi slt, %add3A_322, %select_n3A_98 : i32
      %convert_element_type3A_324 = arith.extui %lt3A_323 : i1 to i32
      %cond3A_325 = arith.constant 0 : i32
      %cond3A_326 = arith.cmpi ne, %convert_element_type3A_324, %cond3A_325 : i32
      scf.if %cond3A_326 {
        %gt3A_387 = arith.constant 0 : i32
        %gt3A_388 = arith.cmpi sgt, %while3A_313, %gt3A_387 : i32
        %or3A_389 = arith.ori %gt3A_388, %or3A_216 : i1
        %convert_element_type3A_390 = arith.extui %or3A_389 : i1 to i32
        %cond3A_391 = arith.constant 0 : i32
        %cond3A_392 = arith.cmpi ne, %convert_element_type3A_390, %cond3A_391 : i32
        scf.if %cond3A_392 {
          %dma_wait3A = arith.constant 0 : i32
          %dma_wait3A_400 = arith.constant 0 : i32
          %dma_wait3A_401 = tpu.memref_slice %arg6[%dma_wait3A, %dma_wait3A_400] : memref<16384x1024xf32, #tpu.memory_space<hbm>> -> memref<16x1024xf32, #tpu.memory_space<hbm>>
          %dma_wait3A_402 = arith.constant 0 : i32
          %dma_wait3A_403 = arith.constant 0 : i32
          %dma_wait3A_404 = tpu.memref_slice %arg6[%dma_wait3A_402, %dma_wait3A_403] : memref<16384x1024xf32, #tpu.memory_space<hbm>> -> memref<16x1024xf32, #tpu.memory_space<hbm>>
          tpu.wait_dma2 semaphore(%arg30 : memref<!tpu.dma_semaphore, #tpu.memory_space<semaphore_mem>>) src(%dma_wait3A_404 : memref<16x1024xf32, #tpu.memory_space<hbm>>) dst(%arg18 : memref<16x1024xf32, #tpu.memory_space<vmem>>)
        } else {
        }
        %add3A_393 = arith.constant 1 : i32
        %add3A_394 = arith.addi %mul3A_315, %add3A_393 : i32
        %mul3A_395 = arith.constant 16 : i32
        %mul3A_396 = arith.muli %add3A_394, %mul3A_395 : i32
        %dma_start3A = tpu.memref_slice %arg10[%mul3A_396] : memref<544xi32, #tpu.memory_space<vmem>> -> memref<16xi32, #tpu.memory_space<vmem>>
        %dma_start3A_397 = arith.constant 0 : i32
        %dma_start3A_398 = arith.constant 0 : i32
        %dma_start3A_399 = tpu.memref_slice %arg4[%dma_start3A_397, %dma_start3A_398] : memref<5000x1024xf32, #tpu.memory_space<hbm>> -> memref<5000x1024xf32, #tpu.memory_space<hbm>>
        tpu.enqueue_indirect_dma source(%dma_start3A_399 : memref<5000x1024xf32, #tpu.memory_space<hbm>>) target(%arg18 : memref<16x1024xf32, #tpu.memory_space<vmem>>) offsets(%dma_start3A : memref<16xi32, #tpu.memory_space<vmem>>) semaphore(%arg24 : memref<!tpu.dma_semaphore, #tpu.memory_space<semaphore_mem>>)
      } else {
      }
      %add3A_327 = arith.constant 2 : i32
      %add3A_328 = arith.addi %mul3A_315, %add3A_327 : i32
      %lt3A_329 = arith.cmpi slt, %add3A_328, %select_n3A_98 : i32
      %convert_element_type3A_330 = arith.extui %lt3A_329 : i1 to i32
      %cond3A_331 = arith.constant 0 : i32
      %cond3A_332 = arith.cmpi ne, %convert_element_type3A_330, %cond3A_331 : i32
      scf.if %cond3A_332 {
        %gt3A_387 = arith.constant 0 : i32
        %gt3A_388 = arith.cmpi sgt, %while3A_313, %gt3A_387 : i32
        %or3A_389 = arith.ori %gt3A_388, %or3A_221 : i1
        %convert_element_type3A_390 = arith.extui %or3A_389 : i1 to i32
        %cond3A_391 = arith.constant 0 : i32
        %cond3A_392 = arith.cmpi ne, %convert_element_type3A_390, %cond3A_391 : i32
        scf.if %cond3A_392 {
          %dma_wait3A = arith.constant 0 : i32
          %dma_wait3A_400 = arith.constant 0 : i32
          %dma_wait3A_401 = tpu.memref_slice %arg6[%dma_wait3A, %dma_wait3A_400] : memref<16384x1024xf32, #tpu.memory_space<hbm>> -> memref<16x1024xf32, #tpu.memory_space<hbm>>
          %dma_wait3A_402 = arith.constant 0 : i32
          %dma_wait3A_403 = arith.constant 0 : i32
          %dma_wait3A_404 = tpu.memref_slice %arg6[%dma_wait3A_402, %dma_wait3A_403] : memref<16384x1024xf32, #tpu.memory_space<hbm>> -> memref<16x1024xf32, #tpu.memory_space<hbm>>
          tpu.wait_dma2 semaphore(%arg31 : memref<!tpu.dma_semaphore, #tpu.memory_space<semaphore_mem>>) src(%dma_wait3A_404 : memref<16x1024xf32, #tpu.memory_space<hbm>>) dst(%arg19 : memref<16x1024xf32, #tpu.memory_space<vmem>>)
        } else {
        }
        %add3A_393 = arith.constant 2 : i32
        %add3A_394 = arith.addi %mul3A_315, %add3A_393 : i32
        %mul3A_395 = arith.constant 16 : i32
        %mul3A_396 = arith.muli %add3A_394, %mul3A_395 : i32
        %dma_start3A = tpu.memref_slice %arg10[%mul3A_396] : memref<544xi32, #tpu.memory_space<vmem>> -> memref<16xi32, #tpu.memory_space<vmem>>
        %dma_start3A_397 = arith.constant 0 : i32
        %dma_start3A_398 = arith.constant 0 : i32
        %dma_start3A_399 = tpu.memref_slice %arg4[%dma_start3A_397, %dma_start3A_398] : memref<5000x1024xf32, #tpu.memory_space<hbm>> -> memref<5000x1024xf32, #tpu.memory_space<hbm>>
        tpu.enqueue_indirect_dma source(%dma_start3A_399 : memref<5000x1024xf32, #tpu.memory_space<hbm>>) target(%arg19 : memref<16x1024xf32, #tpu.memory_space<vmem>>) offsets(%dma_start3A : memref<16xi32, #tpu.memory_space<vmem>>) semaphore(%arg25 : memref<!tpu.dma_semaphore, #tpu.memory_space<semaphore_mem>>)
      } else {
      }
      %add3A_333 = arith.constant 3 : i32
      %add3A_334 = arith.addi %mul3A_315, %add3A_333 : i32
      %lt3A_335 = arith.cmpi slt, %add3A_334, %select_n3A_98 : i32
      %convert_element_type3A_336 = arith.extui %lt3A_335 : i1 to i32
      %cond3A_337 = arith.constant 0 : i32
      %cond3A_338 = arith.cmpi ne, %convert_element_type3A_336, %cond3A_337 : i32
      scf.if %cond3A_338 {
        %gt3A_387 = arith.constant 0 : i32
        %gt3A_388 = arith.cmpi sgt, %while3A_313, %gt3A_387 : i32
        %or3A_389 = arith.ori %gt3A_388, %or3A_226 : i1
        %convert_element_type3A_390 = arith.extui %or3A_389 : i1 to i32
        %cond3A_391 = arith.constant 0 : i32
        %cond3A_392 = arith.cmpi ne, %convert_element_type3A_390, %cond3A_391 : i32
        scf.if %cond3A_392 {
          %dma_wait3A = arith.constant 0 : i32
          %dma_wait3A_400 = arith.constant 0 : i32
          %dma_wait3A_401 = tpu.memref_slice %arg6[%dma_wait3A, %dma_wait3A_400] : memref<16384x1024xf32, #tpu.memory_space<hbm>> -> memref<16x1024xf32, #tpu.memory_space<hbm>>
          %dma_wait3A_402 = arith.constant 0 : i32
          %dma_wait3A_403 = arith.constant 0 : i32
          %dma_wait3A_404 = tpu.memref_slice %arg6[%dma_wait3A_402, %dma_wait3A_403] : memref<16384x1024xf32, #tpu.memory_space<hbm>> -> memref<16x1024xf32, #tpu.memory_space<hbm>>
          tpu.wait_dma2 semaphore(%arg32 : memref<!tpu.dma_semaphore, #tpu.memory_space<semaphore_mem>>) src(%dma_wait3A_404 : memref<16x1024xf32, #tpu.memory_space<hbm>>) dst(%arg20 : memref<16x1024xf32, #tpu.memory_space<vmem>>)
        } else {
        }
        %add3A_393 = arith.constant 3 : i32
        %add3A_394 = arith.addi %mul3A_315, %add3A_393 : i32
        %mul3A_395 = arith.constant 16 : i32
        %mul3A_396 = arith.muli %add3A_394, %mul3A_395 : i32
        %dma_start3A = tpu.memref_slice %arg10[%mul3A_396] : memref<544xi32, #tpu.memory_space<vmem>> -> memref<16xi32, #tpu.memory_space<vmem>>
        %dma_start3A_397 = arith.constant 0 : i32
        %dma_start3A_398 = arith.constant 0 : i32
        %dma_start3A_399 = tpu.memref_slice %arg4[%dma_start3A_397, %dma_start3A_398] : memref<5000x1024xf32, #tpu.memory_space<hbm>> -> memref<5000x1024xf32, #tpu.memory_space<hbm>>
        tpu.enqueue_indirect_dma source(%dma_start3A_399 : memref<5000x1024xf32, #tpu.memory_space<hbm>>) target(%arg20 : memref<16x1024xf32, #tpu.memory_space<vmem>>) offsets(%dma_start3A : memref<16xi32, #tpu.memory_space<vmem>>) semaphore(%arg26 : memref<!tpu.dma_semaphore, #tpu.memory_space<semaphore_mem>>)
      } else {
      }
      %add3A_339 = arith.constant 4 : i32
      %add3A_340 = arith.addi %mul3A_315, %add3A_339 : i32
      %lt3A_341 = arith.cmpi slt, %add3A_340, %select_n3A_98 : i32
      %convert_element_type3A_342 = arith.extui %lt3A_341 : i1 to i32
      %cond3A_343 = arith.constant 0 : i32
      %cond3A_344 = arith.cmpi ne, %convert_element_type3A_342, %cond3A_343 : i32
      scf.if %cond3A_344 {
        %gt3A_387 = arith.constant 0 : i32
        %gt3A_388 = arith.cmpi sgt, %while3A_313, %gt3A_387 : i32
        %or3A_389 = arith.ori %gt3A_388, %or3A_231 : i1
        %convert_element_type3A_390 = arith.extui %or3A_389 : i1 to i32
        %cond3A_391 = arith.constant 0 : i32
        %cond3A_392 = arith.cmpi ne, %convert_element_type3A_390, %cond3A_391 : i32
        scf.if %cond3A_392 {
          %dma_wait3A = arith.constant 0 : i32
          %dma_wait3A_400 = arith.constant 0 : i32
          %dma_wait3A_401 = tpu.memref_slice %arg6[%dma_wait3A, %dma_wait3A_400] : memref<16384x1024xf32, #tpu.memory_space<hbm>> -> memref<16x1024xf32, #tpu.memory_space<hbm>>
          %dma_wait3A_402 = arith.constant 0 : i32
          %dma_wait3A_403 = arith.constant 0 : i32
          %dma_wait3A_404 = tpu.memref_slice %arg6[%dma_wait3A_402, %dma_wait3A_403] : memref<16384x1024xf32, #tpu.memory_space<hbm>> -> memref<16x1024xf32, #tpu.memory_space<hbm>>
          tpu.wait_dma2 semaphore(%arg33 : memref<!tpu.dma_semaphore, #tpu.memory_space<semaphore_mem>>) src(%dma_wait3A_404 : memref<16x1024xf32, #tpu.memory_space<hbm>>) dst(%arg21 : memref<16x1024xf32, #tpu.memory_space<vmem>>)
        } else {
        }
        %add3A_393 = arith.constant 4 : i32
        %add3A_394 = arith.addi %mul3A_315, %add3A_393 : i32
        %mul3A_395 = arith.constant 16 : i32
        %mul3A_396 = arith.muli %add3A_394, %mul3A_395 : i32
        %dma_start3A = tpu.memref_slice %arg10[%mul3A_396] : memref<544xi32, #tpu.memory_space<vmem>> -> memref<16xi32, #tpu.memory_space<vmem>>
        %dma_start3A_397 = arith.constant 0 : i32
        %dma_start3A_398 = arith.constant 0 : i32
        %dma_start3A_399 = tpu.memref_slice %arg4[%dma_start3A_397, %dma_start3A_398] : memref<5000x1024xf32, #tpu.memory_space<hbm>> -> memref<5000x1024xf32, #tpu.memory_space<hbm>>
        tpu.enqueue_indirect_dma source(%dma_start3A_399 : memref<5000x1024xf32, #tpu.memory_space<hbm>>) target(%arg21 : memref<16x1024xf32, #tpu.memory_space<vmem>>) offsets(%dma_start3A : memref<16xi32, #tpu.memory_space<vmem>>) semaphore(%arg27 : memref<!tpu.dma_semaphore, #tpu.memory_space<semaphore_mem>>)
      } else {
      }
      %add3A_345 = arith.constant 5 : i32
      %add3A_346 = arith.addi %mul3A_315, %add3A_345 : i32
      %lt3A_347 = arith.cmpi slt, %add3A_346, %select_n3A_98 : i32
      %convert_element_type3A_348 = arith.extui %lt3A_347 : i1 to i32
      %cond3A_349 = arith.constant 0 : i32
      %cond3A_350 = arith.cmpi ne, %convert_element_type3A_348, %cond3A_349 : i32
      scf.if %cond3A_350 {
        %gt3A_387 = arith.constant 0 : i32
        %gt3A_388 = arith.cmpi sgt, %while3A_313, %gt3A_387 : i32
        %or3A_389 = arith.ori %gt3A_388, %or3A_236 : i1
        %convert_element_type3A_390 = arith.extui %or3A_389 : i1 to i32
        %cond3A_391 = arith.constant 0 : i32
        %cond3A_392 = arith.cmpi ne, %convert_element_type3A_390, %cond3A_391 : i32
        scf.if %cond3A_392 {
          %dma_wait3A = arith.constant 0 : i32
          %dma_wait3A_400 = arith.constant 0 : i32
          %dma_wait3A_401 = tpu.memref_slice %arg6[%dma_wait3A, %dma_wait3A_400] : memref<16384x1024xf32, #tpu.memory_space<hbm>> -> memref<16x1024xf32, #tpu.memory_space<hbm>>
          %dma_wait3A_402 = arith.constant 0 : i32
          %dma_wait3A_403 = arith.constant 0 : i32
          %dma_wait3A_404 = tpu.memref_slice %arg6[%dma_wait3A_402, %dma_wait3A_403] : memref<16384x1024xf32, #tpu.memory_space<hbm>> -> memref<16x1024xf32, #tpu.memory_space<hbm>>
          tpu.wait_dma2 semaphore(%arg34 : memref<!tpu.dma_semaphore, #tpu.memory_space<semaphore_mem>>) src(%dma_wait3A_404 : memref<16x1024xf32, #tpu.memory_space<hbm>>) dst(%arg22 : memref<16x1024xf32, #tpu.memory_space<vmem>>)
        } else {
        }
        %add3A_393 = arith.constant 5 : i32
        %add3A_394 = arith.addi %mul3A_315, %add3A_393 : i32
        %mul3A_395 = arith.constant 16 : i32
        %mul3A_396 = arith.muli %add3A_394, %mul3A_395 : i32
        %dma_start3A = tpu.memref_slice %arg10[%mul3A_396] : memref<544xi32, #tpu.memory_space<vmem>> -> memref<16xi32, #tpu.memory_space<vmem>>
        %dma_start3A_397 = arith.constant 0 : i32
        %dma_start3A_398 = arith.constant 0 : i32
        %dma_start3A_399 = tpu.memref_slice %arg4[%dma_start3A_397, %dma_start3A_398] : memref<5000x1024xf32, #tpu.memory_space<hbm>> -> memref<5000x1024xf32, #tpu.memory_space<hbm>>
        tpu.enqueue_indirect_dma source(%dma_start3A_399 : memref<5000x1024xf32, #tpu.memory_space<hbm>>) target(%arg22 : memref<16x1024xf32, #tpu.memory_space<vmem>>) offsets(%dma_start3A : memref<16xi32, #tpu.memory_space<vmem>>) semaphore(%arg28 : memref<!tpu.dma_semaphore, #tpu.memory_space<semaphore_mem>>)
      } else {
      }
      %add3A_351 = arith.constant 0 : i32
      %add3A_352 = arith.addi %mul3A_315, %add3A_351 : i32
      %lt3A_353 = arith.cmpi slt, %add3A_352, %select_n3A_98 : i32
      %convert_element_type3A_354 = arith.extui %lt3A_353 : i1 to i32
      %cond3A_355 = arith.constant 0 : i32
      %cond3A_356 = arith.cmpi ne, %convert_element_type3A_354, %cond3A_355 : i32
      scf.if %cond3A_356 {
        %dma_wait3A = arith.constant 0 : i32
        %dma_wait3A_387 = arith.constant 0 : i32
        %dma_wait3A_388 = tpu.memref_slice %arg6[%dma_wait3A, %dma_wait3A_387] : memref<16384x1024xf32, #tpu.memory_space<hbm>> -> memref<16x1024xf32, #tpu.memory_space<hbm>>
        %dma_wait3A_389 = arith.constant 0 : i32
        %dma_wait3A_390 = arith.constant 0 : i32
        %dma_wait3A_391 = tpu.memref_slice %arg6[%dma_wait3A_389, %dma_wait3A_390] : memref<16384x1024xf32, #tpu.memory_space<hbm>> -> memref<16x1024xf32, #tpu.memory_space<hbm>>
        tpu.wait_dma2 semaphore(%arg23 : memref<!tpu.dma_semaphore, #tpu.memory_space<semaphore_mem>>) src(%dma_wait3A_391 : memref<16x1024xf32, #tpu.memory_space<hbm>>) dst(%arg17 : memref<16x1024xf32, #tpu.memory_space<vmem>>)
        %add3A_392 = arith.constant 0 : i32
        %add3A_393 = arith.addi %mul3A_315, %add3A_392 : i32
        %dma_start3A = arith.constant 0 : i32
        %dma_start3A_394 = tpu.memref_slice %arg16[%add3A_393, %dma_start3A] : memref<34x16xi32, #tpu.memory_space<vmem>> -> memref<1x16xi32, #tpu.memory_space<vmem>>
        %dma_start3A_395 = tpu.memref_squeeze %dma_start3A_394 : memref<1x16xi32, #tpu.memory_space<vmem>> -> memref<16xi32, #tpu.memory_space<vmem>>
        %dma_start3A_396 = arith.constant 0 : i32
        %dma_start3A_397 = arith.constant 0 : i32
        %dma_start3A_398 = tpu.memref_slice %arg6[%dma_start3A_396, %dma_start3A_397] : memref<16384x1024xf32, #tpu.memory_space<hbm>> -> memref<16384x1024xf32, #tpu.memory_space<hbm>>
        tpu.enqueue_indirect_dma source(%arg17 : memref<16x1024xf32, #tpu.memory_space<vmem>>) target(%dma_start3A_398 : memref<16384x1024xf32, #tpu.memory_space<hbm>>) offsets(%dma_start3A_395 : memref<16xi32, #tpu.memory_space<vmem>>) semaphore(%arg29 : memref<!tpu.dma_semaphore, #tpu.memory_space<semaphore_mem>>)
      } else {
      }
      %add3A_357 = arith.constant 1 : i32
      %add3A_358 = arith.addi %mul3A_315, %add3A_357 : i32
      %lt3A_359 = arith.cmpi slt, %add3A_358, %select_n3A_98 : i32
      %convert_element_type3A_360 = arith.extui %lt3A_359 : i1 to i32
      %cond3A_361 = arith.constant 0 : i32
      %cond3A_362 = arith.cmpi ne, %convert_element_type3A_360, %cond3A_361 : i32
      scf.if %cond3A_362 {
        %dma_wait3A = arith.constant 0 : i32
        %dma_wait3A_387 = arith.constant 0 : i32
        %dma_wait3A_388 = tpu.memref_slice %arg6[%dma_wait3A, %dma_wait3A_387] : memref<16384x1024xf32, #tpu.memory_space<hbm>> -> memref<16x1024xf32, #tpu.memory_space<hbm>>
        %dma_wait3A_389 = arith.constant 0 : i32
        %dma_wait3A_390 = arith.constant 0 : i32
        %dma_wait3A_391 = tpu.memref_slice %arg6[%dma_wait3A_389, %dma_wait3A_390] : memref<16384x1024xf32, #tpu.memory_space<hbm>> -> memref<16x1024xf32, #tpu.memory_space<hbm>>
        tpu.wait_dma2 semaphore(%arg24 : memref<!tpu.dma_semaphore, #tpu.memory_space<semaphore_mem>>) src(%dma_wait3A_391 : memref<16x1024xf32, #tpu.memory_space<hbm>>) dst(%arg18 : memref<16x1024xf32, #tpu.memory_space<vmem>>)
        %add3A_392 = arith.constant 1 : i32
        %add3A_393 = arith.addi %mul3A_315, %add3A_392 : i32
        %dma_start3A = arith.constant 0 : i32
        %dma_start3A_394 = tpu.memref_slice %arg16[%add3A_393, %dma_start3A] : memref<34x16xi32, #tpu.memory_space<vmem>> -> memref<1x16xi32, #tpu.memory_space<vmem>>
        %dma_start3A_395 = tpu.memref_squeeze %dma_start3A_394 : memref<1x16xi32, #tpu.memory_space<vmem>> -> memref<16xi32, #tpu.memory_space<vmem>>
        %dma_start3A_396 = arith.constant 0 : i32
        %dma_start3A_397 = arith.constant 0 : i32
        %dma_start3A_398 = tpu.memref_slice %arg6[%dma_start3A_396, %dma_start3A_397] : memref<16384x1024xf32, #tpu.memory_space<hbm>> -> memref<16384x1024xf32, #tpu.memory_space<hbm>>
        tpu.enqueue_indirect_dma source(%arg18 : memref<16x1024xf32, #tpu.memory_space<vmem>>) target(%dma_start3A_398 : memref<16384x1024xf32, #tpu.memory_space<hbm>>) offsets(%dma_start3A_395 : memref<16xi32, #tpu.memory_space<vmem>>) semaphore(%arg30 : memref<!tpu.dma_semaphore, #tpu.memory_space<semaphore_mem>>)
      } else {
      }
      %add3A_363 = arith.constant 2 : i32
      %add3A_364 = arith.addi %mul3A_315, %add3A_363 : i32
      %lt3A_365 = arith.cmpi slt, %add3A_364, %select_n3A_98 : i32
      %convert_element_type3A_366 = arith.extui %lt3A_365 : i1 to i32
      %cond3A_367 = arith.constant 0 : i32
      %cond3A_368 = arith.cmpi ne, %convert_element_type3A_366, %cond3A_367 : i32
      scf.if %cond3A_368 {
        %dma_wait3A = arith.constant 0 : i32
        %dma_wait3A_387 = arith.constant 0 : i32
        %dma_wait3A_388 = tpu.memref_slice %arg6[%dma_wait3A, %dma_wait3A_387] : memref<16384x1024xf32, #tpu.memory_space<hbm>> -> memref<16x1024xf32, #tpu.memory_space<hbm>>
        %dma_wait3A_389 = arith.constant 0 : i32
        %dma_wait3A_390 = arith.constant 0 : i32
        %dma_wait3A_391 = tpu.memref_slice %arg6[%dma_wait3A_389, %dma_wait3A_390] : memref<16384x1024xf32, #tpu.memory_space<hbm>> -> memref<16x1024xf32, #tpu.memory_space<hbm>>
        tpu.wait_dma2 semaphore(%arg25 : memref<!tpu.dma_semaphore, #tpu.memory_space<semaphore_mem>>) src(%dma_wait3A_391 : memref<16x1024xf32, #tpu.memory_space<hbm>>) dst(%arg19 : memref<16x1024xf32, #tpu.memory_space<vmem>>)
        %add3A_392 = arith.constant 2 : i32
        %add3A_393 = arith.addi %mul3A_315, %add3A_392 : i32
        %dma_start3A = arith.constant 0 : i32
        %dma_start3A_394 = tpu.memref_slice %arg16[%add3A_393, %dma_start3A] : memref<34x16xi32, #tpu.memory_space<vmem>> -> memref<1x16xi32, #tpu.memory_space<vmem>>
        %dma_start3A_395 = tpu.memref_squeeze %dma_start3A_394 : memref<1x16xi32, #tpu.memory_space<vmem>> -> memref<16xi32, #tpu.memory_space<vmem>>
        %dma_start3A_396 = arith.constant 0 : i32
        %dma_start3A_397 = arith.constant 0 : i32
        %dma_start3A_398 = tpu.memref_slice %arg6[%dma_start3A_396, %dma_start3A_397] : memref<16384x1024xf32, #tpu.memory_space<hbm>> -> memref<16384x1024xf32, #tpu.memory_space<hbm>>
        tpu.enqueue_indirect_dma source(%arg19 : memref<16x1024xf32, #tpu.memory_space<vmem>>) target(%dma_start3A_398 : memref<16384x1024xf32, #tpu.memory_space<hbm>>) offsets(%dma_start3A_395 : memref<16xi32, #tpu.memory_space<vmem>>) semaphore(%arg31 : memref<!tpu.dma_semaphore, #tpu.memory_space<semaphore_mem>>)
      } else {
      }
      %add3A_369 = arith.constant 3 : i32
      %add3A_370 = arith.addi %mul3A_315, %add3A_369 : i32
      %lt3A_371 = arith.cmpi slt, %add3A_370, %select_n3A_98 : i32
      %convert_element_type3A_372 = arith.extui %lt3A_371 : i1 to i32
      %cond3A_373 = arith.constant 0 : i32
      %cond3A_374 = arith.cmpi ne, %convert_element_type3A_372, %cond3A_373 : i32
      scf.if %cond3A_374 {
        %dma_wait3A = arith.constant 0 : i32
        %dma_wait3A_387 = arith.constant 0 : i32
        %dma_wait3A_388 = tpu.memref_slice %arg6[%dma_wait3A, %dma_wait3A_387] : memref<16384x1024xf32, #tpu.memory_space<hbm>> -> memref<16x1024xf32, #tpu.memory_space<hbm>>
        %dma_wait3A_389 = arith.constant 0 : i32
        %dma_wait3A_390 = arith.constant 0 : i32
        %dma_wait3A_391 = tpu.memref_slice %arg6[%dma_wait3A_389, %dma_wait3A_390] : memref<16384x1024xf32, #tpu.memory_space<hbm>> -> memref<16x1024xf32, #tpu.memory_space<hbm>>
        tpu.wait_dma2 semaphore(%arg26 : memref<!tpu.dma_semaphore, #tpu.memory_space<semaphore_mem>>) src(%dma_wait3A_391 : memref<16x1024xf32, #tpu.memory_space<hbm>>) dst(%arg20 : memref<16x1024xf32, #tpu.memory_space<vmem>>)
        %add3A_392 = arith.constant 3 : i32
        %add3A_393 = arith.addi %mul3A_315, %add3A_392 : i32
        %dma_start3A = arith.constant 0 : i32
        %dma_start3A_394 = tpu.memref_slice %arg16[%add3A_393, %dma_start3A] : memref<34x16xi32, #tpu.memory_space<vmem>> -> memref<1x16xi32, #tpu.memory_space<vmem>>
        %dma_start3A_395 = tpu.memref_squeeze %dma_start3A_394 : memref<1x16xi32, #tpu.memory_space<vmem>> -> memref<16xi32, #tpu.memory_space<vmem>>
        %dma_start3A_396 = arith.constant 0 : i32
        %dma_start3A_397 = arith.constant 0 : i32
        %dma_start3A_398 = tpu.memref_slice %arg6[%dma_start3A_396, %dma_start3A_397] : memref<16384x1024xf32, #tpu.memory_space<hbm>> -> memref<16384x1024xf32, #tpu.memory_space<hbm>>
        tpu.enqueue_indirect_dma source(%arg20 : memref<16x1024xf32, #tpu.memory_space<vmem>>) target(%dma_start3A_398 : memref<16384x1024xf32, #tpu.memory_space<hbm>>) offsets(%dma_start3A_395 : memref<16xi32, #tpu.memory_space<vmem>>) semaphore(%arg32 : memref<!tpu.dma_semaphore, #tpu.memory_space<semaphore_mem>>)
      } else {
      }
      %add3A_375 = arith.constant 4 : i32
      %add3A_376 = arith.addi %mul3A_315, %add3A_375 : i32
      %lt3A_377 = arith.cmpi slt, %add3A_376, %select_n3A_98 : i32
      %convert_element_type3A_378 = arith.extui %lt3A_377 : i1 to i32
      %cond3A_379 = arith.constant 0 : i32
      %cond3A_380 = arith.cmpi ne, %convert_element_type3A_378, %cond3A_379 : i32
      scf.if %cond3A_380 {
        %dma_wait3A = arith.constant 0 : i32
        %dma_wait3A_387 = arith.constant 0 : i32
        %dma_wait3A_388 = tpu.memref_slice %arg6[%dma_wait3A, %dma_wait3A_387] : memref<16384x1024xf32, #tpu.memory_space<hbm>> -> memref<16x1024xf32, #tpu.memory_space<hbm>>
        %dma_wait3A_389 = arith.constant 0 : i32
        %dma_wait3A_390 = arith.constant 0 : i32
        %dma_wait3A_391 = tpu.memref_slice %arg6[%dma_wait3A_389, %dma_wait3A_390] : memref<16384x1024xf32, #tpu.memory_space<hbm>> -> memref<16x1024xf32, #tpu.memory_space<hbm>>
        tpu.wait_dma2 semaphore(%arg27 : memref<!tpu.dma_semaphore, #tpu.memory_space<semaphore_mem>>) src(%dma_wait3A_391 : memref<16x1024xf32, #tpu.memory_space<hbm>>) dst(%arg21 : memref<16x1024xf32, #tpu.memory_space<vmem>>)
        %add3A_392 = arith.constant 4 : i32
        %add3A_393 = arith.addi %mul3A_315, %add3A_392 : i32
        %dma_start3A = arith.constant 0 : i32
        %dma_start3A_394 = tpu.memref_slice %arg16[%add3A_393, %dma_start3A] : memref<34x16xi32, #tpu.memory_space<vmem>> -> memref<1x16xi32, #tpu.memory_space<vmem>>
        %dma_start3A_395 = tpu.memref_squeeze %dma_start3A_394 : memref<1x16xi32, #tpu.memory_space<vmem>> -> memref<16xi32, #tpu.memory_space<vmem>>
        %dma_start3A_396 = arith.constant 0 : i32
        %dma_start3A_397 = arith.constant 0 : i32
        %dma_start3A_398 = tpu.memref_slice %arg6[%dma_start3A_396, %dma_start3A_397] : memref<16384x1024xf32, #tpu.memory_space<hbm>> -> memref<16384x1024xf32, #tpu.memory_space<hbm>>
        tpu.enqueue_indirect_dma source(%arg21 : memref<16x1024xf32, #tpu.memory_space<vmem>>) target(%dma_start3A_398 : memref<16384x1024xf32, #tpu.memory_space<hbm>>) offsets(%dma_start3A_395 : memref<16xi32, #tpu.memory_space<vmem>>) semaphore(%arg33 : memref<!tpu.dma_semaphore, #tpu.memory_space<semaphore_mem>>)
      } else {
      }
      %add3A_381 = arith.constant 5 : i32
      %add3A_382 = arith.addi %mul3A_315, %add3A_381 : i32
      %lt3A_383 = arith.cmpi slt, %add3A_382, %select_n3A_98 : i32
      %convert_element_type3A_384 = arith.extui %lt3A_383 : i1 to i32
      %cond3A_385 = arith.constant 0 : i32
      %cond3A_386 = arith.cmpi ne, %convert_element_type3A_384, %cond3A_385 : i32
      scf.if %cond3A_386 {
        %dma_wait3A = arith.constant 0 : i32
        %dma_wait3A_387 = arith.constant 0 : i32
        %dma_wait3A_388 = tpu.memref_slice %arg6[%dma_wait3A, %dma_wait3A_387] : memref<16384x1024xf32, #tpu.memory_space<hbm>> -> memref<16x1024xf32, #tpu.memory_space<hbm>>
        %dma_wait3A_389 = arith.constant 0 : i32
        %dma_wait3A_390 = arith.constant 0 : i32
        %dma_wait3A_391 = tpu.memref_slice %arg6[%dma_wait3A_389, %dma_wait3A_390] : memref<16384x1024xf32, #tpu.memory_space<hbm>> -> memref<16x1024xf32, #tpu.memory_space<hbm>>
        tpu.wait_dma2 semaphore(%arg28 : memref<!tpu.dma_semaphore, #tpu.memory_space<semaphore_mem>>) src(%dma_wait3A_391 : memref<16x1024xf32, #tpu.memory_space<hbm>>) dst(%arg22 : memref<16x1024xf32, #tpu.memory_space<vmem>>)
        %add3A_392 = arith.constant 5 : i32
        %add3A_393 = arith.addi %mul3A_315, %add3A_392 : i32
        %dma_start3A = arith.constant 0 : i32
        %dma_start3A_394 = tpu.memref_slice %arg16[%add3A_393, %dma_start3A] : memref<34x16xi32, #tpu.memory_space<vmem>> -> memref<1x16xi32, #tpu.memory_space<vmem>>
        %dma_start3A_395 = tpu.memref_squeeze %dma_start3A_394 : memref<1x16xi32, #tpu.memory_space<vmem>> -> memref<16xi32, #tpu.memory_space<vmem>>
        %dma_start3A_396 = arith.constant 0 : i32
        %dma_start3A_397 = arith.constant 0 : i32
        %dma_start3A_398 = tpu.memref_slice %arg6[%dma_start3A_396, %dma_start3A_397] : memref<16384x1024xf32, #tpu.memory_space<hbm>> -> memref<16384x1024xf32, #tpu.memory_space<hbm>>
        tpu.enqueue_indirect_dma source(%arg22 : memref<16x1024xf32, #tpu.memory_space<vmem>>) target(%dma_start3A_398 : memref<16384x1024xf32, #tpu.memory_space<hbm>>) offsets(%dma_start3A_395 : memref<16xi32, #tpu.memory_space<vmem>>) semaphore(%arg34 : memref<!tpu.dma_semaphore, #tpu.memory_space<semaphore_mem>>)
      } else {
      }
    }
    %gt3A_247 = arith.constant 0 : i32
    %gt3A_248 = arith.cmpi sgt, %select_n3A, %gt3A_247 : i32
    %gt3A_249 = arith.constant 0 : i32
    %gt3A_250 = arith.cmpi sgt, %select_n3A_72, %gt3A_249 : i32
    %or3A_251 = arith.ori %gt3A_248, %gt3A_250 : i1
    %gt3A_252 = arith.constant 0 : i32
    %gt3A_253 = arith.cmpi sgt, %select_n3A_98, %gt3A_252 : i32
    %or3A_254 = arith.ori %or3A_251, %gt3A_253 : i1
    %convert_element_type3A_255 = arith.extui %or3A_254 : i1 to i32
    %cond3A_256 = arith.constant 0 : i32
    %cond3A_257 = arith.cmpi ne, %convert_element_type3A_255, %cond3A_256 : i32
    scf.if %cond3A_257 {
      %dma_wait3A = arith.constant 0 : i32
      %dma_wait3A_313 = arith.constant 0 : i32
      %dma_wait3A_314 = tpu.memref_slice %arg6[%dma_wait3A, %dma_wait3A_313] : memref<16384x1024xf32, #tpu.memory_space<hbm>> -> memref<16x1024xf32, #tpu.memory_space<hbm>>
      %dma_wait3A_315 = arith.constant 0 : i32
      %dma_wait3A_316 = arith.constant 0 : i32
      %dma_wait3A_317 = tpu.memref_slice %arg6[%dma_wait3A_315, %dma_wait3A_316] : memref<16384x1024xf32, #tpu.memory_space<hbm>> -> memref<16x1024xf32, #tpu.memory_space<hbm>>
      tpu.wait_dma2 semaphore(%arg29 : memref<!tpu.dma_semaphore, #tpu.memory_space<semaphore_mem>>) src(%dma_wait3A_317 : memref<16x1024xf32, #tpu.memory_space<hbm>>) dst(%arg17 : memref<16x1024xf32, #tpu.memory_space<vmem>>)
    } else {
    }
    %gt3A_258 = arith.constant 1 : i32
    %gt3A_259 = arith.cmpi sgt, %select_n3A, %gt3A_258 : i32
    %gt3A_260 = arith.constant 1 : i32
    %gt3A_261 = arith.cmpi sgt, %select_n3A_72, %gt3A_260 : i32
    %or3A_262 = arith.ori %gt3A_259, %gt3A_261 : i1
    %gt3A_263 = arith.constant 1 : i32
    %gt3A_264 = arith.cmpi sgt, %select_n3A_98, %gt3A_263 : i32
    %or3A_265 = arith.ori %or3A_262, %gt3A_264 : i1
    %convert_element_type3A_266 = arith.extui %or3A_265 : i1 to i32
    %cond3A_267 = arith.constant 0 : i32
    %cond3A_268 = arith.cmpi ne, %convert_element_type3A_266, %cond3A_267 : i32
    scf.if %cond3A_268 {
      %dma_wait3A = arith.constant 0 : i32
      %dma_wait3A_313 = arith.constant 0 : i32
      %dma_wait3A_314 = tpu.memref_slice %arg6[%dma_wait3A, %dma_wait3A_313] : memref<16384x1024xf32, #tpu.memory_space<hbm>> -> memref<16x1024xf32, #tpu.memory_space<hbm>>
      %dma_wait3A_315 = arith.constant 0 : i32
      %dma_wait3A_316 = arith.constant 0 : i32
      %dma_wait3A_317 = tpu.memref_slice %arg6[%dma_wait3A_315, %dma_wait3A_316] : memref<16384x1024xf32, #tpu.memory_space<hbm>> -> memref<16x1024xf32, #tpu.memory_space<hbm>>
      tpu.wait_dma2 semaphore(%arg30 : memref<!tpu.dma_semaphore, #tpu.memory_space<semaphore_mem>>) src(%dma_wait3A_317 : memref<16x1024xf32, #tpu.memory_space<hbm>>) dst(%arg18 : memref<16x1024xf32, #tpu.memory_space<vmem>>)
    } else {
    }
    %gt3A_269 = arith.constant 2 : i32
    %gt3A_270 = arith.cmpi sgt, %select_n3A, %gt3A_269 : i32
    %gt3A_271 = arith.constant 2 : i32
    %gt3A_272 = arith.cmpi sgt, %select_n3A_72, %gt3A_271 : i32
    %or3A_273 = arith.ori %gt3A_270, %gt3A_272 : i1
    %gt3A_274 = arith.constant 2 : i32
    %gt3A_275 = arith.cmpi sgt, %select_n3A_98, %gt3A_274 : i32
    %or3A_276 = arith.ori %or3A_273, %gt3A_275 : i1
    %convert_element_type3A_277 = arith.extui %or3A_276 : i1 to i32
    %cond3A_278 = arith.constant 0 : i32
    %cond3A_279 = arith.cmpi ne, %convert_element_type3A_277, %cond3A_278 : i32
    scf.if %cond3A_279 {
      %dma_wait3A = arith.constant 0 : i32
      %dma_wait3A_313 = arith.constant 0 : i32
      %dma_wait3A_314 = tpu.memref_slice %arg6[%dma_wait3A, %dma_wait3A_313] : memref<16384x1024xf32, #tpu.memory_space<hbm>> -> memref<16x1024xf32, #tpu.memory_space<hbm>>
      %dma_wait3A_315 = arith.constant 0 : i32
      %dma_wait3A_316 = arith.constant 0 : i32
      %dma_wait3A_317 = tpu.memref_slice %arg6[%dma_wait3A_315, %dma_wait3A_316] : memref<16384x1024xf32, #tpu.memory_space<hbm>> -> memref<16x1024xf32, #tpu.memory_space<hbm>>
      tpu.wait_dma2 semaphore(%arg31 : memref<!tpu.dma_semaphore, #tpu.memory_space<semaphore_mem>>) src(%dma_wait3A_317 : memref<16x1024xf32, #tpu.memory_space<hbm>>) dst(%arg19 : memref<16x1024xf32, #tpu.memory_space<vmem>>)
    } else {
    }
    %gt3A_280 = arith.constant 3 : i32
    %gt3A_281 = arith.cmpi sgt, %select_n3A, %gt3A_280 : i32
    %gt3A_282 = arith.constant 3 : i32
    %gt3A_283 = arith.cmpi sgt, %select_n3A_72, %gt3A_282 : i32
    %or3A_284 = arith.ori %gt3A_281, %gt3A_283 : i1
    %gt3A_285 = arith.constant 3 : i32
    %gt3A_286 = arith.cmpi sgt, %select_n3A_98, %gt3A_285 : i32
    %or3A_287 = arith.ori %or3A_284, %gt3A_286 : i1
    %convert_element_type3A_288 = arith.extui %or3A_287 : i1 to i32
    %cond3A_289 = arith.constant 0 : i32
    %cond3A_290 = arith.cmpi ne, %convert_element_type3A_288, %cond3A_289 : i32
    scf.if %cond3A_290 {
      %dma_wait3A = arith.constant 0 : i32
      %dma_wait3A_313 = arith.constant 0 : i32
      %dma_wait3A_314 = tpu.memref_slice %arg6[%dma_wait3A, %dma_wait3A_313] : memref<16384x1024xf32, #tpu.memory_space<hbm>> -> memref<16x1024xf32, #tpu.memory_space<hbm>>
      %dma_wait3A_315 = arith.constant 0 : i32
      %dma_wait3A_316 = arith.constant 0 : i32
      %dma_wait3A_317 = tpu.memref_slice %arg6[%dma_wait3A_315, %dma_wait3A_316] : memref<16384x1024xf32, #tpu.memory_space<hbm>> -> memref<16x1024xf32, #tpu.memory_space<hbm>>
      tpu.wait_dma2 semaphore(%arg32 : memref<!tpu.dma_semaphore, #tpu.memory_space<semaphore_mem>>) src(%dma_wait3A_317 : memref<16x1024xf32, #tpu.memory_space<hbm>>) dst(%arg20 : memref<16x1024xf32, #tpu.memory_space<vmem>>)
    } else {
    }
    %gt3A_291 = arith.constant 4 : i32
    %gt3A_292 = arith.cmpi sgt, %select_n3A, %gt3A_291 : i32
    %gt3A_293 = arith.constant 4 : i32
    %gt3A_294 = arith.cmpi sgt, %select_n3A_72, %gt3A_293 : i32
    %or3A_295 = arith.ori %gt3A_292, %gt3A_294 : i1
    %gt3A_296 = arith.constant 4 : i32
    %gt3A_297 = arith.cmpi sgt, %select_n3A_98, %gt3A_296 : i32
    %or3A_298 = arith.ori %or3A_295, %gt3A_297 : i1
    %convert_element_type3A_299 = arith.extui %or3A_298 : i1 to i32
    %cond3A_300 = arith.constant 0 : i32
    %cond3A_301 = arith.cmpi ne, %convert_element_type3A_299, %cond3A_300 : i32
    scf.if %cond3A_301 {
      %dma_wait3A = arith.constant 0 : i32
      %dma_wait3A_313 = arith.constant 0 : i32
      %dma_wait3A_314 = tpu.memref_slice %arg6[%dma_wait3A, %dma_wait3A_313] : memref<16384x1024xf32, #tpu.memory_space<hbm>> -> memref<16x1024xf32, #tpu.memory_space<hbm>>
      %dma_wait3A_315 = arith.constant 0 : i32
      %dma_wait3A_316 = arith.constant 0 : i32
      %dma_wait3A_317 = tpu.memref_slice %arg6[%dma_wait3A_315, %dma_wait3A_316] : memref<16384x1024xf32, #tpu.memory_space<hbm>> -> memref<16x1024xf32, #tpu.memory_space<hbm>>
      tpu.wait_dma2 semaphore(%arg33 : memref<!tpu.dma_semaphore, #tpu.memory_space<semaphore_mem>>) src(%dma_wait3A_317 : memref<16x1024xf32, #tpu.memory_space<hbm>>) dst(%arg21 : memref<16x1024xf32, #tpu.memory_space<vmem>>)
    } else {
    }
    %gt3A_302 = arith.constant 5 : i32
    %gt3A_303 = arith.cmpi sgt, %select_n3A, %gt3A_302 : i32
    %gt3A_304 = arith.constant 5 : i32
    %gt3A_305 = arith.cmpi sgt, %select_n3A_72, %gt3A_304 : i32
    %or3A_306 = arith.ori %gt3A_303, %gt3A_305 : i1
    %gt3A_307 = arith.constant 5 : i32
    %gt3A_308 = arith.cmpi sgt, %select_n3A_98, %gt3A_307 : i32
    %or3A_309 = arith.ori %or3A_306, %gt3A_308 : i1
    %convert_element_type3A_310 = arith.extui %or3A_309 : i1 to i32
    %cond3A_311 = arith.constant 0 : i32
    %cond3A_312 = arith.cmpi ne, %convert_element_type3A_310, %cond3A_311 : i32
    scf.if %cond3A_312 {
      %dma_wait3A = arith.constant 0 : i32
      %dma_wait3A_313 = arith.constant 0 : i32
      %dma_wait3A_314 = tpu.memref_slice %arg6[%dma_wait3A, %dma_wait3A_313] : memref<16384x1024xf32, #tpu.memory_space<hbm>> -> memref<16x1024xf32, #tpu.memory_space<hbm>>
      %dma_wait3A_315 = arith.constant 0 : i32
      %dma_wait3A_316 = arith.constant 0 : i32
      %dma_wait3A_317 = tpu.memref_slice %arg6[%dma_wait3A_315, %dma_wait3A_316] : memref<16384x1024xf32, #tpu.memory_space<hbm>> -> memref<16x1024xf32, #tpu.memory_space<hbm>>
      tpu.wait_dma2 semaphore(%arg34 : memref<!tpu.dma_semaphore, #tpu.memory_space<semaphore_mem>>) src(%dma_wait3A_317 : memref<16x1024xf32, #tpu.memory_space<hbm>>) dst(%arg22 : memref<16x1024xf32, #tpu.memory_space<vmem>>)
    } else {
    }
    return
  }
}

#map = affine_map<(d0, d1) -> (0, 0)>
#map1 = affine_map<(d0, d1) -> (0)>
module attributes {stable_mosaic.version = 14 : i64} {
  func.func @new_body(%arg0: i32, %arg1: i32, %arg2: memref<8192x1024xf32, #tpu.memory_space<hbm>>, %arg3: memref<16384xi32, #tpu.memory_space<hbm>>, %arg4: memref<16384x1024xf32, #tpu.memory_space<hbm>>, %arg5: memref<16384x1024xf32, #tpu.memory_space<hbm>>, %arg6: memref<512xi32, #tpu.memory_space<vmem>>, %arg7: memref<544xi32, #tpu.memory_space<vmem>>, %arg8: memref<544xi32, #tpu.memory_space<vmem>>, %arg9: memref<34x16xi32, #tpu.memory_space<vmem>>, %arg10: memref<16x1024xf32, #tpu.memory_space<vmem>>, %arg11: memref<16x1024xf32, #tpu.memory_space<vmem>>, %arg12: memref<16x1024xf32, #tpu.memory_space<vmem>>, %arg13: memref<16x1024xf32, #tpu.memory_space<vmem>>, %arg14: memref<16x1024xf32, #tpu.memory_space<vmem>>, %arg15: memref<16x1024xf32, #tpu.memory_space<vmem>>, %arg16: memref<!tpu.dma_semaphore, #tpu.memory_space<semaphore_mem>>, %arg17: memref<!tpu.dma_semaphore, #tpu.memory_space<semaphore_mem>>, %arg18: memref<!tpu.dma_semaphore, #tpu.memory_space<semaphore_mem>>, %arg19: memref<!tpu.dma_semaphore, #tpu.memory_space<semaphore_mem>>, %arg20: memref<!tpu.dma_semaphore, #tpu.memory_space<semaphore_mem>>, %arg21: memref<!tpu.dma_semaphore, #tpu.memory_space<semaphore_mem>>, %arg22: memref<!tpu.dma_semaphore, #tpu.memory_space<semaphore_mem>>, %arg23: memref<!tpu.dma_semaphore, #tpu.memory_space<semaphore_mem>>, %arg24: memref<!tpu.dma_semaphore, #tpu.memory_space<semaphore_mem>>, %arg25: memref<!tpu.dma_semaphore, #tpu.memory_space<semaphore_mem>>, %arg26: memref<!tpu.dma_semaphore, #tpu.memory_space<semaphore_mem>>, %arg27: memref<!tpu.dma_semaphore, #tpu.memory_space<semaphore_mem>>) attributes {dimension_semantics = [#tpu.dimension_semantics<core_parallel>, #tpu.dimension_semantics<subcore_parallel>], iteration_bounds = array<i64: 2, 16>, scalar_prefetch = 0 : i64, scratch_operands = 22 : i64, tpu.core_type = #tpu.core_type<sc_vector_subcore>, window_params = [{transform_indices = #map}, {transform_indices = #map1}, {transform_indices = #map}, {transform_indices = #map}]} {
    %mul3A = arith.constant 2 : i32
    %mul3A_0 = arith.muli %arg1, %mul3A : i32
    %add3A = arith.addi %mul3A_0, %arg0 : i32
    %mul3A_1 = arith.constant 512 : i32
    %mul3A_2 = arith.muli %add3A, %mul3A_1 : i32
    "tpu.region"() ({
      %run_scoped3A = tpu.sem_alloc : memref<!tpu.dma_semaphore, #tpu.memory_space<semaphore_mem>>
      %dma_start3A = tpu.memref_slice %arg3[%mul3A_2] : memref<16384xi32, #tpu.memory_space<hbm>> -> memref<512xi32, #tpu.memory_space<hbm>>
      %dma_start3A_100 = tpu.memref_slice %arg3[%mul3A_2] : memref<16384xi32, #tpu.memory_space<hbm>> -> memref<512xi32, #tpu.memory_space<hbm>>
      tpu.enqueue_dma source(%dma_start3A_100 : memref<512xi32, #tpu.memory_space<hbm>>) target(%arg6 : memref<512xi32, #tpu.memory_space<vmem>>) target_semaphore(%run_scoped3A : memref<!tpu.dma_semaphore, #tpu.memory_space<semaphore_mem>>)
      %dma_wait3A = tpu.memref_slice %arg3[%mul3A_2] : memref<16384xi32, #tpu.memory_space<hbm>> -> memref<512xi32, #tpu.memory_space<hbm>>
      %dma_wait3A_101 = tpu.memref_slice %arg3[%mul3A_2] : memref<16384xi32, #tpu.memory_space<hbm>> -> memref<512xi32, #tpu.memory_space<hbm>>
      tpu.wait_dma2 semaphore(%run_scoped3A : memref<!tpu.dma_semaphore, #tpu.memory_space<semaphore_mem>>) src(%dma_wait3A_101 : memref<512xi32, #tpu.memory_space<hbm>>) dst(%arg6 : memref<512xi32, #tpu.memory_space<vmem>>)
      tpu.yield
    }) : () -> ()
    %iota3A = tpu.iota {dimensions = array<i32: 0>} : vector<16xi32>
    %scan3A = arith.constant 0 : i32
    %scan3A_3 = arith.constant 0 : i32
    %scan3A_4 = arith.constant 32 : i32
    %scan3A_5 = arith.addi %scan3A_3, %scan3A_4 : i32
    %scan3A_6 = arith.constant 1 : i32
    %scan3A_7 = scf.for %scan3A_100 = %scan3A_3 to %scan3A_5 step %scan3A_6 iter_args(%scan3A_101 = %scan3A) -> (i32)  : i32 {
      %mul3A_102 = arith.constant 16 : i32
      %mul3A_103 = arith.muli %scan3A_100, %mul3A_102 : i32
      %get3A = arith.index_cast %mul3A_103 : i32 to index
      %get3A_104 = tpu.vector_load %arg6[%get3A] {strides = array<i32>} : memref<512xi32, #tpu.memory_space<vmem>>, vector<16xi32>,
      %mul3A_105 = arith.constant 16 : i32
      %mul3A_106 = arith.muli %scan3A_100, %mul3A_105 : i32
      %add3A_107 = arith.addi %mul3A_2, %mul3A_106 : i32
      %add3A_108 = vector.broadcast %add3A_107 : i32 to vector<16xi32>
      %add3A_109 = arith.addi %add3A_108, %iota3A : vector<16xi32>
      %ge3A = arith.constant 56000 : i32
      %ge3A_110 = vector.broadcast %ge3A : i32 to vector<16xi32>
      %ge3A_111 = arith.cmpi sge, %get3A_104, %ge3A_110 : vector<16xi32>
      %lt3A = arith.constant 64192 : i32
      %lt3A_112 = vector.broadcast %lt3A : i32 to vector<16xi32>
      %lt3A_113 = arith.cmpi slt, %get3A_104, %lt3A_112 : vector<16xi32>
      %and3A_114 = arith.andi %ge3A_111, %lt3A_113 : vector<16xi1>
      %convert_element_type3A_115 = arith.extui %and3A_114 : vector<16xi1> to vector<16xi32>
      %broadcast_in_dim3A = arith.constant true
      %broadcast_in_dim3A_116 = vector.broadcast %broadcast_in_dim3A : i1 to vector<16xi1>
      %masked_cumsum3A = tpu.scan <sum>, %convert_element_type3A_115 masked %broadcast_in_dim3A_116 : vector<16xi32>, vector<16xi1> -> vector<16xi32>
      %add3A_117 = vector.broadcast %scan3A_101 : i32 to vector<16xi32>
      %add3A_118 = arith.addi %add3A_117, %masked_cumsum3A : vector<16xi32>
      %sub3A_119 = arith.subi %add3A_118, %convert_element_type3A_115 : vector<16xi32>
      %sub3A_120 = arith.constant 56000 : i32
      %sub3A_121 = vector.broadcast %sub3A_120 : i32 to vector<16xi32>
      %sub3A_122 = arith.subi %get3A_104, %sub3A_121 : vector<16xi32>
      tpu.vector_store_idx %arg7[%sub3A_119], %sub3A_122 masked %and3A_114 : memref<544xi32, #tpu.memory_space<vmem>>[vector<16xi32>], vector<16xi32>, vector<16xi1>
      tpu.vector_store_idx %arg8[%sub3A_119], %add3A_109 masked %and3A_114 : memref<544xi32, #tpu.memory_space<vmem>>[vector<16xi32>], vector<16xi32>, vector<16xi1>
      %slice3A = vector.extract_strided_slice %masked_cumsum3A {offsets = [15], sizes = [1], strides = [1]} : vector<16xi32> to vector<1xi32>
      %squeeze3A = vector.extract %slice3A[0] : i32 from vector<1xi32>
      %add3A_123 = arith.addi %scan3A_101, %squeeze3A : i32
      scf.yield %add3A_123 : i32
    }
    %scan3A_8 = arith.constant 32 : i32
    %gt3A = arith.constant 0 : i32
    %gt3A_9 = arith.cmpi sgt, %scan3A_7, %gt3A : i32
    %convert_element_type3A = arith.extui %gt3A_9 : i1 to i32
    %cond3A = arith.constant 0 : i32
    %cond3A_10 = arith.cmpi ne, %convert_element_type3A, %cond3A : i32
    scf.if %cond3A_10 {
      %get3A = arith.constant 0 : index
      %get3A_100 = tpu.vector_load %arg7[%get3A] {strides = array<i32>} : memref<544xi32, #tpu.memory_space<vmem>>, vector<16xi32>,
      %slice3A = vector.extract_strided_slice %get3A_100 {offsets = [0], sizes = [1], strides = [1]} : vector<16xi32> to vector<1xi32>
      %squeeze3A = vector.extract %slice3A[0] : i32 from vector<1xi32>
      %broadcast_in_dim3A = vector.broadcast %squeeze3A : i32 to vector<16xi32>
      %get3A_101 = arith.constant 0 : index
      %get3A_102 = tpu.vector_load %arg8[%get3A_101] {strides = array<i32>} : memref<544xi32, #tpu.memory_space<vmem>>, vector<16xi32>,
      %slice3A_103 = vector.extract_strided_slice %get3A_102 {offsets = [0], sizes = [1], strides = [1]} : vector<16xi32> to vector<1xi32>
      %squeeze3A_104 = vector.extract %slice3A_103[0] : i32 from vector<1xi32>
      %broadcast_in_dim3A_105 = vector.broadcast %squeeze3A_104 : i32 to vector<16xi32>
      %swap3A = arith.index_cast %scan3A_7 : i32 to index
      %swap3A_106 = tpu.vector_load %arg7[%swap3A] {strides = array<i32>} : memref<544xi32, #tpu.memory_space<vmem>>, vector<16xi32>,
      tpu.vector_store %arg7[%swap3A], %broadcast_in_dim3A {strides = array<i32>} : memref<544xi32, #tpu.memory_space<vmem>>, vector<16xi32>,
      %add3A_107 = arith.constant 16 : i32
      %add3A_108 = arith.addi %scan3A_7, %add3A_107 : i32
      %swap3A_109 = arith.index_cast %add3A_108 : i32 to index
      %swap3A_110 = tpu.vector_load %arg7[%swap3A_109] {strides = array<i32>} : memref<544xi32, #tpu.memory_space<vmem>>, vector<16xi32>,
      tpu.vector_store %arg7[%swap3A_109], %broadcast_in_dim3A {strides = array<i32>} : memref<544xi32, #tpu.memory_space<vmem>>, vector<16xi32>,
      %swap3A_111 = arith.index_cast %scan3A_7 : i32 to index
      %swap3A_112 = tpu.vector_load %arg8[%swap3A_111] {strides = array<i32>} : memref<544xi32, #tpu.memory_space<vmem>>, vector<16xi32>,
      tpu.vector_store %arg8[%swap3A_111], %broadcast_in_dim3A_105 {strides = array<i32>} : memref<544xi32, #tpu.memory_space<vmem>>, vector<16xi32>,
      %add3A_113 = arith.constant 16 : i32
      %add3A_114 = arith.addi %scan3A_7, %add3A_113 : i32
      %swap3A_115 = arith.index_cast %add3A_114 : i32 to index
      %swap3A_116 = tpu.vector_load %arg8[%swap3A_115] {strides = array<i32>} : memref<544xi32, #tpu.memory_space<vmem>>, vector<16xi32>,
      tpu.vector_store %arg8[%swap3A_115], %broadcast_in_dim3A_105 {strides = array<i32>} : memref<544xi32, #tpu.memory_space<vmem>>, vector<16xi32>,
    } else {
    }
    %scan3A_11 = arith.constant 0 : i32
    %scan3A_12 = arith.constant 0 : i32
    %scan3A_13 = arith.constant 34 : i32
    %scan3A_14 = arith.addi %scan3A_12, %scan3A_13 : i32
    %scan3A_15 = arith.constant 1 : i32
    scf.for %scan3A_100 = %scan3A_12 to %scan3A_14 step %scan3A_15  : i32 {
      %mul3A_101 = arith.constant 16 : i32
      %mul3A_102 = arith.muli %scan3A_100, %mul3A_101 : i32
      %add3A_103 = arith.constant 0 : i32
      %add3A_104 = arith.addi %mul3A_102, %add3A_103 : i32
      %get3A = arith.index_cast %add3A_104 : i32 to index
      %get3A_105 = tpu.vector_load %arg8[%get3A] {strides = array<i32>} : memref<544xi32, #tpu.memory_space<vmem>>, vector<16xi32>,
      %swap3A = arith.index_cast %scan3A_100 : i32 to index
      %swap3A_106 = arith.constant 0 : index
      %swap3A_107 = tpu.vector_load %arg9[%swap3A, %swap3A_106] {strides = array<i32>} : memref<34x16xi32, #tpu.memory_space<vmem>>, vector<16xi32>,
      tpu.vector_store %arg9[%swap3A, %swap3A_106], %get3A_105 {strides = array<i32>} : memref<34x16xi32, #tpu.memory_space<vmem>>, vector<16xi32>,
    }
    %scan3A_16 = arith.constant 34 : i32
    %add3A_17 = arith.constant 15 : i32
    %add3A_18 = arith.addi %scan3A_7, %add3A_17 : i32
    %jit3A = arith.constant 16 : i32
    %div3A = arith.divsi %add3A_18, %jit3A : i32
    %sign3A = arith.constant 0 : i32
    %sign3A_19 = arith.cmpi sgt, %add3A_18, %sign3A : i32
    %sign3A_20 = arith.extui %sign3A_19 : i1 to i32
    %sign3A_21 = arith.constant 0 : i32
    %sign3A_22 = arith.cmpi slt, %add3A_18, %sign3A_21 : i32
    %sign3A_23 = arith.extui %sign3A_22 : i1 to i32
    %sign3A_24 = arith.subi %sign3A_20, %sign3A_23 : i32
    %sign3A_25 = arith.constant 0 : i32
    %sign3A_26 = arith.cmpi sgt, %jit3A, %sign3A_25 : i32
    %sign3A_27 = arith.extui %sign3A_26 : i1 to i32
    %sign3A_28 = arith.constant 0 : i32
    %sign3A_29 = arith.cmpi slt, %jit3A, %sign3A_28 : i32
    %sign3A_30 = arith.extui %sign3A_29 : i1 to i32
    %sign3A_31 = arith.subi %sign3A_27, %sign3A_30 : i32
    %ne3A = arith.cmpi ne, %sign3A_24, %sign3A_31 : i32
    %rem3A = arith.remsi %add3A_18, %jit3A : i32
    %ne3A_32 = arith.constant 0 : i32
    %ne3A_33 = arith.cmpi ne, %rem3A, %ne3A_32 : i32
    %and3A = arith.andi %ne3A, %ne3A_33 : i1
    %sub3A = arith.constant 1 : i32
    %sub3A_34 = arith.subi %div3A, %sub3A : i32
    %select_n3A = arith.select %and3A, %sub3A_34, %div3A : i32
    %add3A_35 = arith.constant 5 : i32
    %add3A_36 = arith.addi %select_n3A, %add3A_35 : i32
    %jit3A_37 = arith.constant 6 : i32
    %div3A_38 = arith.divsi %add3A_36, %jit3A_37 : i32
    %sign3A_39 = arith.constant 0 : i32
    %sign3A_40 = arith.cmpi sgt, %add3A_36, %sign3A_39 : i32
    %sign3A_41 = arith.extui %sign3A_40 : i1 to i32
    %sign3A_42 = arith.constant 0 : i32
    %sign3A_43 = arith.cmpi slt, %add3A_36, %sign3A_42 : i32
    %sign3A_44 = arith.extui %sign3A_43 : i1 to i32
    %sign3A_45 = arith.subi %sign3A_41, %sign3A_44 : i32
    %sign3A_46 = arith.constant 0 : i32
    %sign3A_47 = arith.cmpi sgt, %jit3A_37, %sign3A_46 : i32
    %sign3A_48 = arith.extui %sign3A_47 : i1 to i32
    %sign3A_49 = arith.constant 0 : i32
    %sign3A_50 = arith.cmpi slt, %jit3A_37, %sign3A_49 : i32
    %sign3A_51 = arith.extui %sign3A_50 : i1 to i32
    %sign3A_52 = arith.subi %sign3A_48, %sign3A_51 : i32
    %ne3A_53 = arith.cmpi ne, %sign3A_45, %sign3A_52 : i32
    %rem3A_54 = arith.remsi %add3A_36, %jit3A_37 : i32
    %ne3A_55 = arith.constant 0 : i32
    %ne3A_56 = arith.cmpi ne, %rem3A_54, %ne3A_55 : i32
    %and3A_57 = arith.andi %ne3A_53, %ne3A_56 : i1
    %sub3A_58 = arith.constant 1 : i32
    %sub3A_59 = arith.subi %div3A_38, %sub3A_58 : i32
    %select_n3A_60 = arith.select %and3A_57, %sub3A_59, %div3A_38 : i32
    %while3A = arith.constant 0 : i32
    %while3A_61 = arith.constant 0 : i32
    %while3A_62 = arith.subi %select_n3A_60, %while3A_61 : i32
    %while3A_63 = arith.addi %while3A_61, %while3A_62 : i32
    %while3A_64 = arith.constant 1 : i32
    %while3A_65 = arith.divsi %while3A_62, %while3A_64 : i32
    %while3A_66 = arith.muli %while3A_65, %while3A_64 : i32
    %while3A_67 = arith.addi %while3A_61, %while3A_66 : i32
    %while3A_68 = arith.constant 1 : i32
    scf.for %while3A_100 = %while3A_61 to %while3A_67 step %while3A_68  : i32 {
      %mul3A_101 = arith.constant 6 : i32
      %mul3A_102 = arith.muli %mul3A_101, %while3A_100 : i32
      %add3A_103 = arith.constant 0 : i32
      %add3A_104 = arith.addi %mul3A_102, %add3A_103 : i32
      %lt3A = arith.cmpi slt, %add3A_104, %select_n3A : i32
      %convert_element_type3A_105 = arith.extui %lt3A : i1 to i32
      %cond3A_106 = arith.constant 0 : i32
      %cond3A_107 = arith.cmpi ne, %convert_element_type3A_105, %cond3A_106 : i32
      scf.if %cond3A_107 {
        %gt3A_174 = arith.constant 0 : i32
        %gt3A_175 = arith.cmpi sgt, %while3A_100, %gt3A_174 : i32
        %convert_element_type3A_176 = arith.extui %gt3A_175 : i1 to i32
        %cond3A_177 = arith.constant 0 : i32
        %cond3A_178 = arith.cmpi ne, %convert_element_type3A_176, %cond3A_177 : i32
        scf.if %cond3A_178 {
          %dma_wait3A = arith.constant 0 : i32
          %dma_wait3A_186 = arith.constant 0 : i32
          %dma_wait3A_187 = tpu.memref_slice %arg4[%dma_wait3A, %dma_wait3A_186] : memref<16384x1024xf32, #tpu.memory_space<hbm>> -> memref<16x1024xf32, #tpu.memory_space<hbm>>
          %dma_wait3A_188 = arith.constant 0 : i32
          %dma_wait3A_189 = arith.constant 0 : i32
          %dma_wait3A_190 = tpu.memref_slice %arg4[%dma_wait3A_188, %dma_wait3A_189] : memref<16384x1024xf32, #tpu.memory_space<hbm>> -> memref<16x1024xf32, #tpu.memory_space<hbm>>
          tpu.wait_dma2 semaphore(%arg22 : memref<!tpu.dma_semaphore, #tpu.memory_space<semaphore_mem>>) src(%dma_wait3A_190 : memref<16x1024xf32, #tpu.memory_space<hbm>>) dst(%arg10 : memref<16x1024xf32, #tpu.memory_space<vmem>>)
        } else {
        }
        %add3A_179 = arith.constant 0 : i32
        %add3A_180 = arith.addi %mul3A_102, %add3A_179 : i32
        %mul3A_181 = arith.constant 16 : i32
        %mul3A_182 = arith.muli %add3A_180, %mul3A_181 : i32
        %dma_start3A = tpu.memref_slice %arg7[%mul3A_182] : memref<544xi32, #tpu.memory_space<vmem>> -> memref<16xi32, #tpu.memory_space<vmem>>
        %dma_start3A_183 = arith.constant 0 : i32
        %dma_start3A_184 = arith.constant 0 : i32
        %dma_start3A_185 = tpu.memref_slice %arg2[%dma_start3A_183, %dma_start3A_184] : memref<8192x1024xf32, #tpu.memory_space<hbm>> -> memref<8192x1024xf32, #tpu.memory_space<hbm>>
        tpu.enqueue_indirect_dma source(%dma_start3A_185 : memref<8192x1024xf32, #tpu.memory_space<hbm>>) target(%arg10 : memref<16x1024xf32, #tpu.memory_space<vmem>>) offsets(%dma_start3A : memref<16xi32, #tpu.memory_space<vmem>>) semaphore(%arg16 : memref<!tpu.dma_semaphore, #tpu.memory_space<semaphore_mem>>)
      } else {
      }
      %add3A_108 = arith.constant 1 : i32
      %add3A_109 = arith.addi %mul3A_102, %add3A_108 : i32
      %lt3A_110 = arith.cmpi slt, %add3A_109, %select_n3A : i32
      %convert_element_type3A_111 = arith.extui %lt3A_110 : i1 to i32
      %cond3A_112 = arith.constant 0 : i32
      %cond3A_113 = arith.cmpi ne, %convert_element_type3A_111, %cond3A_112 : i32
      scf.if %cond3A_113 {
        %gt3A_174 = arith.constant 0 : i32
        %gt3A_175 = arith.cmpi sgt, %while3A_100, %gt3A_174 : i32
        %convert_element_type3A_176 = arith.extui %gt3A_175 : i1 to i32
        %cond3A_177 = arith.constant 0 : i32
        %cond3A_178 = arith.cmpi ne, %convert_element_type3A_176, %cond3A_177 : i32
        scf.if %cond3A_178 {
          %dma_wait3A = arith.constant 0 : i32
          %dma_wait3A_186 = arith.constant 0 : i32
          %dma_wait3A_187 = tpu.memref_slice %arg4[%dma_wait3A, %dma_wait3A_186] : memref<16384x1024xf32, #tpu.memory_space<hbm>> -> memref<16x1024xf32, #tpu.memory_space<hbm>>
          %dma_wait3A_188 = arith.constant 0 : i32
          %dma_wait3A_189 = arith.constant 0 : i32
          %dma_wait3A_190 = tpu.memref_slice %arg4[%dma_wait3A_188, %dma_wait3A_189] : memref<16384x1024xf32, #tpu.memory_space<hbm>> -> memref<16x1024xf32, #tpu.memory_space<hbm>>
          tpu.wait_dma2 semaphore(%arg23 : memref<!tpu.dma_semaphore, #tpu.memory_space<semaphore_mem>>) src(%dma_wait3A_190 : memref<16x1024xf32, #tpu.memory_space<hbm>>) dst(%arg11 : memref<16x1024xf32, #tpu.memory_space<vmem>>)
        } else {
        }
        %add3A_179 = arith.constant 1 : i32
        %add3A_180 = arith.addi %mul3A_102, %add3A_179 : i32
        %mul3A_181 = arith.constant 16 : i32
        %mul3A_182 = arith.muli %add3A_180, %mul3A_181 : i32
        %dma_start3A = tpu.memref_slice %arg7[%mul3A_182] : memref<544xi32, #tpu.memory_space<vmem>> -> memref<16xi32, #tpu.memory_space<vmem>>
        %dma_start3A_183 = arith.constant 0 : i32
        %dma_start3A_184 = arith.constant 0 : i32
        %dma_start3A_185 = tpu.memref_slice %arg2[%dma_start3A_183, %dma_start3A_184] : memref<8192x1024xf32, #tpu.memory_space<hbm>> -> memref<8192x1024xf32, #tpu.memory_space<hbm>>
        tpu.enqueue_indirect_dma source(%dma_start3A_185 : memref<8192x1024xf32, #tpu.memory_space<hbm>>) target(%arg11 : memref<16x1024xf32, #tpu.memory_space<vmem>>) offsets(%dma_start3A : memref<16xi32, #tpu.memory_space<vmem>>) semaphore(%arg17 : memref<!tpu.dma_semaphore, #tpu.memory_space<semaphore_mem>>)
      } else {
      }
      %add3A_114 = arith.constant 2 : i32
      %add3A_115 = arith.addi %mul3A_102, %add3A_114 : i32
      %lt3A_116 = arith.cmpi slt, %add3A_115, %select_n3A : i32
      %convert_element_type3A_117 = arith.extui %lt3A_116 : i1 to i32
      %cond3A_118 = arith.constant 0 : i32
      %cond3A_119 = arith.cmpi ne, %convert_element_type3A_117, %cond3A_118 : i32
      scf.if %cond3A_119 {
        %gt3A_174 = arith.constant 0 : i32
        %gt3A_175 = arith.cmpi sgt, %while3A_100, %gt3A_174 : i32
        %convert_element_type3A_176 = arith.extui %gt3A_175 : i1 to i32
        %cond3A_177 = arith.constant 0 : i32
        %cond3A_178 = arith.cmpi ne, %convert_element_type3A_176, %cond3A_177 : i32
        scf.if %cond3A_178 {
          %dma_wait3A = arith.constant 0 : i32
          %dma_wait3A_186 = arith.constant 0 : i32
          %dma_wait3A_187 = tpu.memref_slice %arg4[%dma_wait3A, %dma_wait3A_186] : memref<16384x1024xf32, #tpu.memory_space<hbm>> -> memref<16x1024xf32, #tpu.memory_space<hbm>>
          %dma_wait3A_188 = arith.constant 0 : i32
          %dma_wait3A_189 = arith.constant 0 : i32
          %dma_wait3A_190 = tpu.memref_slice %arg4[%dma_wait3A_188, %dma_wait3A_189] : memref<16384x1024xf32, #tpu.memory_space<hbm>> -> memref<16x1024xf32, #tpu.memory_space<hbm>>
          tpu.wait_dma2 semaphore(%arg24 : memref<!tpu.dma_semaphore, #tpu.memory_space<semaphore_mem>>) src(%dma_wait3A_190 : memref<16x1024xf32, #tpu.memory_space<hbm>>) dst(%arg12 : memref<16x1024xf32, #tpu.memory_space<vmem>>)
        } else {
        }
        %add3A_179 = arith.constant 2 : i32
        %add3A_180 = arith.addi %mul3A_102, %add3A_179 : i32
        %mul3A_181 = arith.constant 16 : i32
        %mul3A_182 = arith.muli %add3A_180, %mul3A_181 : i32
        %dma_start3A = tpu.memref_slice %arg7[%mul3A_182] : memref<544xi32, #tpu.memory_space<vmem>> -> memref<16xi32, #tpu.memory_space<vmem>>
        %dma_start3A_183 = arith.constant 0 : i32
        %dma_start3A_184 = arith.constant 0 : i32
        %dma_start3A_185 = tpu.memref_slice %arg2[%dma_start3A_183, %dma_start3A_184] : memref<8192x1024xf32, #tpu.memory_space<hbm>> -> memref<8192x1024xf32, #tpu.memory_space<hbm>>
        tpu.enqueue_indirect_dma source(%dma_start3A_185 : memref<8192x1024xf32, #tpu.memory_space<hbm>>) target(%arg12 : memref<16x1024xf32, #tpu.memory_space<vmem>>) offsets(%dma_start3A : memref<16xi32, #tpu.memory_space<vmem>>) semaphore(%arg18 : memref<!tpu.dma_semaphore, #tpu.memory_space<semaphore_mem>>)
      } else {
      }
      %add3A_120 = arith.constant 3 : i32
      %add3A_121 = arith.addi %mul3A_102, %add3A_120 : i32
      %lt3A_122 = arith.cmpi slt, %add3A_121, %select_n3A : i32
      %convert_element_type3A_123 = arith.extui %lt3A_122 : i1 to i32
      %cond3A_124 = arith.constant 0 : i32
      %cond3A_125 = arith.cmpi ne, %convert_element_type3A_123, %cond3A_124 : i32
      scf.if %cond3A_125 {
        %gt3A_174 = arith.constant 0 : i32
        %gt3A_175 = arith.cmpi sgt, %while3A_100, %gt3A_174 : i32
        %convert_element_type3A_176 = arith.extui %gt3A_175 : i1 to i32
        %cond3A_177 = arith.constant 0 : i32
        %cond3A_178 = arith.cmpi ne, %convert_element_type3A_176, %cond3A_177 : i32
        scf.if %cond3A_178 {
          %dma_wait3A = arith.constant 0 : i32
          %dma_wait3A_186 = arith.constant 0 : i32
          %dma_wait3A_187 = tpu.memref_slice %arg4[%dma_wait3A, %dma_wait3A_186] : memref<16384x1024xf32, #tpu.memory_space<hbm>> -> memref<16x1024xf32, #tpu.memory_space<hbm>>
          %dma_wait3A_188 = arith.constant 0 : i32
          %dma_wait3A_189 = arith.constant 0 : i32
          %dma_wait3A_190 = tpu.memref_slice %arg4[%dma_wait3A_188, %dma_wait3A_189] : memref<16384x1024xf32, #tpu.memory_space<hbm>> -> memref<16x1024xf32, #tpu.memory_space<hbm>>
          tpu.wait_dma2 semaphore(%arg25 : memref<!tpu.dma_semaphore, #tpu.memory_space<semaphore_mem>>) src(%dma_wait3A_190 : memref<16x1024xf32, #tpu.memory_space<hbm>>) dst(%arg13 : memref<16x1024xf32, #tpu.memory_space<vmem>>)
        } else {
        }
        %add3A_179 = arith.constant 3 : i32
        %add3A_180 = arith.addi %mul3A_102, %add3A_179 : i32
        %mul3A_181 = arith.constant 16 : i32
        %mul3A_182 = arith.muli %add3A_180, %mul3A_181 : i32
        %dma_start3A = tpu.memref_slice %arg7[%mul3A_182] : memref<544xi32, #tpu.memory_space<vmem>> -> memref<16xi32, #tpu.memory_space<vmem>>
        %dma_start3A_183 = arith.constant 0 : i32
        %dma_start3A_184 = arith.constant 0 : i32
        %dma_start3A_185 = tpu.memref_slice %arg2[%dma_start3A_183, %dma_start3A_184] : memref<8192x1024xf32, #tpu.memory_space<hbm>> -> memref<8192x1024xf32, #tpu.memory_space<hbm>>
        tpu.enqueue_indirect_dma source(%dma_start3A_185 : memref<8192x1024xf32, #tpu.memory_space<hbm>>) target(%arg13 : memref<16x1024xf32, #tpu.memory_space<vmem>>) offsets(%dma_start3A : memref<16xi32, #tpu.memory_space<vmem>>) semaphore(%arg19 : memref<!tpu.dma_semaphore, #tpu.memory_space<semaphore_mem>>)
      } else {
      }
      %add3A_126 = arith.constant 4 : i32
      %add3A_127 = arith.addi %mul3A_102, %add3A_126 : i32
      %lt3A_128 = arith.cmpi slt, %add3A_127, %select_n3A : i32
      %convert_element_type3A_129 = arith.extui %lt3A_128 : i1 to i32
      %cond3A_130 = arith.constant 0 : i32
      %cond3A_131 = arith.cmpi ne, %convert_element_type3A_129, %cond3A_130 : i32
      scf.if %cond3A_131 {
        %gt3A_174 = arith.constant 0 : i32
        %gt3A_175 = arith.cmpi sgt, %while3A_100, %gt3A_174 : i32
        %convert_element_type3A_176 = arith.extui %gt3A_175 : i1 to i32
        %cond3A_177 = arith.constant 0 : i32
        %cond3A_178 = arith.cmpi ne, %convert_element_type3A_176, %cond3A_177 : i32
        scf.if %cond3A_178 {
          %dma_wait3A = arith.constant 0 : i32
          %dma_wait3A_186 = arith.constant 0 : i32
          %dma_wait3A_187 = tpu.memref_slice %arg4[%dma_wait3A, %dma_wait3A_186] : memref<16384x1024xf32, #tpu.memory_space<hbm>> -> memref<16x1024xf32, #tpu.memory_space<hbm>>
          %dma_wait3A_188 = arith.constant 0 : i32
          %dma_wait3A_189 = arith.constant 0 : i32
          %dma_wait3A_190 = tpu.memref_slice %arg4[%dma_wait3A_188, %dma_wait3A_189] : memref<16384x1024xf32, #tpu.memory_space<hbm>> -> memref<16x1024xf32, #tpu.memory_space<hbm>>
          tpu.wait_dma2 semaphore(%arg26 : memref<!tpu.dma_semaphore, #tpu.memory_space<semaphore_mem>>) src(%dma_wait3A_190 : memref<16x1024xf32, #tpu.memory_space<hbm>>) dst(%arg14 : memref<16x1024xf32, #tpu.memory_space<vmem>>)
        } else {
        }
        %add3A_179 = arith.constant 4 : i32
        %add3A_180 = arith.addi %mul3A_102, %add3A_179 : i32
        %mul3A_181 = arith.constant 16 : i32
        %mul3A_182 = arith.muli %add3A_180, %mul3A_181 : i32
        %dma_start3A = tpu.memref_slice %arg7[%mul3A_182] : memref<544xi32, #tpu.memory_space<vmem>> -> memref<16xi32, #tpu.memory_space<vmem>>
        %dma_start3A_183 = arith.constant 0 : i32
        %dma_start3A_184 = arith.constant 0 : i32
        %dma_start3A_185 = tpu.memref_slice %arg2[%dma_start3A_183, %dma_start3A_184] : memref<8192x1024xf32, #tpu.memory_space<hbm>> -> memref<8192x1024xf32, #tpu.memory_space<hbm>>
        tpu.enqueue_indirect_dma source(%dma_start3A_185 : memref<8192x1024xf32, #tpu.memory_space<hbm>>) target(%arg14 : memref<16x1024xf32, #tpu.memory_space<vmem>>) offsets(%dma_start3A : memref<16xi32, #tpu.memory_space<vmem>>) semaphore(%arg20 : memref<!tpu.dma_semaphore, #tpu.memory_space<semaphore_mem>>)
      } else {
      }
      %add3A_132 = arith.constant 5 : i32
      %add3A_133 = arith.addi %mul3A_102, %add3A_132 : i32
      %lt3A_134 = arith.cmpi slt, %add3A_133, %select_n3A : i32
      %convert_element_type3A_135 = arith.extui %lt3A_134 : i1 to i32
      %cond3A_136 = arith.constant 0 : i32
      %cond3A_137 = arith.cmpi ne, %convert_element_type3A_135, %cond3A_136 : i32
      scf.if %cond3A_137 {
        %gt3A_174 = arith.constant 0 : i32
        %gt3A_175 = arith.cmpi sgt, %while3A_100, %gt3A_174 : i32
        %convert_element_type3A_176 = arith.extui %gt3A_175 : i1 to i32
        %cond3A_177 = arith.constant 0 : i32
        %cond3A_178 = arith.cmpi ne, %convert_element_type3A_176, %cond3A_177 : i32
        scf.if %cond3A_178 {
          %dma_wait3A = arith.constant 0 : i32
          %dma_wait3A_186 = arith.constant 0 : i32
          %dma_wait3A_187 = tpu.memref_slice %arg4[%dma_wait3A, %dma_wait3A_186] : memref<16384x1024xf32, #tpu.memory_space<hbm>> -> memref<16x1024xf32, #tpu.memory_space<hbm>>
          %dma_wait3A_188 = arith.constant 0 : i32
          %dma_wait3A_189 = arith.constant 0 : i32
          %dma_wait3A_190 = tpu.memref_slice %arg4[%dma_wait3A_188, %dma_wait3A_189] : memref<16384x1024xf32, #tpu.memory_space<hbm>> -> memref<16x1024xf32, #tpu.memory_space<hbm>>
          tpu.wait_dma2 semaphore(%arg27 : memref<!tpu.dma_semaphore, #tpu.memory_space<semaphore_mem>>) src(%dma_wait3A_190 : memref<16x1024xf32, #tpu.memory_space<hbm>>) dst(%arg15 : memref<16x1024xf32, #tpu.memory_space<vmem>>)
        } else {
        }
        %add3A_179 = arith.constant 5 : i32
        %add3A_180 = arith.addi %mul3A_102, %add3A_179 : i32
        %mul3A_181 = arith.constant 16 : i32
        %mul3A_182 = arith.muli %add3A_180, %mul3A_181 : i32
        %dma_start3A = tpu.memref_slice %arg7[%mul3A_182] : memref<544xi32, #tpu.memory_space<vmem>> -> memref<16xi32, #tpu.memory_space<vmem>>
        %dma_start3A_183 = arith.constant 0 : i32
        %dma_start3A_184 = arith.constant 0 : i32
        %dma_start3A_185 = tpu.memref_slice %arg2[%dma_start3A_183, %dma_start3A_184] : memref<8192x1024xf32, #tpu.memory_space<hbm>> -> memref<8192x1024xf32, #tpu.memory_space<hbm>>
        tpu.enqueue_indirect_dma source(%dma_start3A_185 : memref<8192x1024xf32, #tpu.memory_space<hbm>>) target(%arg15 : memref<16x1024xf32, #tpu.memory_space<vmem>>) offsets(%dma_start3A : memref<16xi32, #tpu.memory_space<vmem>>) semaphore(%arg21 : memref<!tpu.dma_semaphore, #tpu.memory_space<semaphore_mem>>)
      } else {
      }
      %add3A_138 = arith.constant 0 : i32
      %add3A_139 = arith.addi %mul3A_102, %add3A_138 : i32
      %lt3A_140 = arith.cmpi slt, %add3A_139, %select_n3A : i32
      %convert_element_type3A_141 = arith.extui %lt3A_140 : i1 to i32
      %cond3A_142 = arith.constant 0 : i32
      %cond3A_143 = arith.cmpi ne, %convert_element_type3A_141, %cond3A_142 : i32
      scf.if %cond3A_143 {
        %dma_wait3A = arith.constant 0 : i32
        %dma_wait3A_174 = arith.constant 0 : i32
        %dma_wait3A_175 = tpu.memref_slice %arg4[%dma_wait3A, %dma_wait3A_174] : memref<16384x1024xf32, #tpu.memory_space<hbm>> -> memref<16x1024xf32, #tpu.memory_space<hbm>>
        %dma_wait3A_176 = arith.constant 0 : i32
        %dma_wait3A_177 = arith.constant 0 : i32
        %dma_wait3A_178 = tpu.memref_slice %arg4[%dma_wait3A_176, %dma_wait3A_177] : memref<16384x1024xf32, #tpu.memory_space<hbm>> -> memref<16x1024xf32, #tpu.memory_space<hbm>>
        tpu.wait_dma2 semaphore(%arg16 : memref<!tpu.dma_semaphore, #tpu.memory_space<semaphore_mem>>) src(%dma_wait3A_178 : memref<16x1024xf32, #tpu.memory_space<hbm>>) dst(%arg10 : memref<16x1024xf32, #tpu.memory_space<vmem>>)
        %add3A_179 = arith.constant 0 : i32
        %add3A_180 = arith.addi %mul3A_102, %add3A_179 : i32
        %dma_start3A = arith.constant 0 : i32
        %dma_start3A_181 = tpu.memref_slice %arg9[%add3A_180, %dma_start3A] : memref<34x16xi32, #tpu.memory_space<vmem>> -> memref<1x16xi32, #tpu.memory_space<vmem>>
        %dma_start3A_182 = tpu.memref_squeeze %dma_start3A_181 : memref<1x16xi32, #tpu.memory_space<vmem>> -> memref<16xi32, #tpu.memory_space<vmem>>
        %dma_start3A_183 = arith.constant 0 : i32
        %dma_start3A_184 = arith.constant 0 : i32
        %dma_start3A_185 = tpu.memref_slice %arg4[%dma_start3A_183, %dma_start3A_184] : memref<16384x1024xf32, #tpu.memory_space<hbm>> -> memref<16384x1024xf32, #tpu.memory_space<hbm>>
        tpu.enqueue_indirect_dma source(%arg10 : memref<16x1024xf32, #tpu.memory_space<vmem>>) target(%dma_start3A_185 : memref<16384x1024xf32, #tpu.memory_space<hbm>>) offsets(%dma_start3A_182 : memref<16xi32, #tpu.memory_space<vmem>>) semaphore(%arg22 : memref<!tpu.dma_semaphore, #tpu.memory_space<semaphore_mem>>)
      } else {
      }
      %add3A_144 = arith.constant 1 : i32
      %add3A_145 = arith.addi %mul3A_102, %add3A_144 : i32
      %lt3A_146 = arith.cmpi slt, %add3A_145, %select_n3A : i32
      %convert_element_type3A_147 = arith.extui %lt3A_146 : i1 to i32
      %cond3A_148 = arith.constant 0 : i32
      %cond3A_149 = arith.cmpi ne, %convert_element_type3A_147, %cond3A_148 : i32
      scf.if %cond3A_149 {
        %dma_wait3A = arith.constant 0 : i32
        %dma_wait3A_174 = arith.constant 0 : i32
        %dma_wait3A_175 = tpu.memref_slice %arg4[%dma_wait3A, %dma_wait3A_174] : memref<16384x1024xf32, #tpu.memory_space<hbm>> -> memref<16x1024xf32, #tpu.memory_space<hbm>>
        %dma_wait3A_176 = arith.constant 0 : i32
        %dma_wait3A_177 = arith.constant 0 : i32
        %dma_wait3A_178 = tpu.memref_slice %arg4[%dma_wait3A_176, %dma_wait3A_177] : memref<16384x1024xf32, #tpu.memory_space<hbm>> -> memref<16x1024xf32, #tpu.memory_space<hbm>>
        tpu.wait_dma2 semaphore(%arg17 : memref<!tpu.dma_semaphore, #tpu.memory_space<semaphore_mem>>) src(%dma_wait3A_178 : memref<16x1024xf32, #tpu.memory_space<hbm>>) dst(%arg11 : memref<16x1024xf32, #tpu.memory_space<vmem>>)
        %add3A_179 = arith.constant 1 : i32
        %add3A_180 = arith.addi %mul3A_102, %add3A_179 : i32
        %dma_start3A = arith.constant 0 : i32
        %dma_start3A_181 = tpu.memref_slice %arg9[%add3A_180, %dma_start3A] : memref<34x16xi32, #tpu.memory_space<vmem>> -> memref<1x16xi32, #tpu.memory_space<vmem>>
        %dma_start3A_182 = tpu.memref_squeeze %dma_start3A_181 : memref<1x16xi32, #tpu.memory_space<vmem>> -> memref<16xi32, #tpu.memory_space<vmem>>
        %dma_start3A_183 = arith.constant 0 : i32
        %dma_start3A_184 = arith.constant 0 : i32
        %dma_start3A_185 = tpu.memref_slice %arg4[%dma_start3A_183, %dma_start3A_184] : memref<16384x1024xf32, #tpu.memory_space<hbm>> -> memref<16384x1024xf32, #tpu.memory_space<hbm>>
        tpu.enqueue_indirect_dma source(%arg11 : memref<16x1024xf32, #tpu.memory_space<vmem>>) target(%dma_start3A_185 : memref<16384x1024xf32, #tpu.memory_space<hbm>>) offsets(%dma_start3A_182 : memref<16xi32, #tpu.memory_space<vmem>>) semaphore(%arg23 : memref<!tpu.dma_semaphore, #tpu.memory_space<semaphore_mem>>)
      } else {
      }
      %add3A_150 = arith.constant 2 : i32
      %add3A_151 = arith.addi %mul3A_102, %add3A_150 : i32
      %lt3A_152 = arith.cmpi slt, %add3A_151, %select_n3A : i32
      %convert_element_type3A_153 = arith.extui %lt3A_152 : i1 to i32
      %cond3A_154 = arith.constant 0 : i32
      %cond3A_155 = arith.cmpi ne, %convert_element_type3A_153, %cond3A_154 : i32
      scf.if %cond3A_155 {
        %dma_wait3A = arith.constant 0 : i32
        %dma_wait3A_174 = arith.constant 0 : i32
        %dma_wait3A_175 = tpu.memref_slice %arg4[%dma_wait3A, %dma_wait3A_174] : memref<16384x1024xf32, #tpu.memory_space<hbm>> -> memref<16x1024xf32, #tpu.memory_space<hbm>>
        %dma_wait3A_176 = arith.constant 0 : i32
        %dma_wait3A_177 = arith.constant 0 : i32
        %dma_wait3A_178 = tpu.memref_slice %arg4[%dma_wait3A_176, %dma_wait3A_177] : memref<16384x1024xf32, #tpu.memory_space<hbm>> -> memref<16x1024xf32, #tpu.memory_space<hbm>>
        tpu.wait_dma2 semaphore(%arg18 : memref<!tpu.dma_semaphore, #tpu.memory_space<semaphore_mem>>) src(%dma_wait3A_178 : memref<16x1024xf32, #tpu.memory_space<hbm>>) dst(%arg12 : memref<16x1024xf32, #tpu.memory_space<vmem>>)
        %add3A_179 = arith.constant 2 : i32
        %add3A_180 = arith.addi %mul3A_102, %add3A_179 : i32
        %dma_start3A = arith.constant 0 : i32
        %dma_start3A_181 = tpu.memref_slice %arg9[%add3A_180, %dma_start3A] : memref<34x16xi32, #tpu.memory_space<vmem>> -> memref<1x16xi32, #tpu.memory_space<vmem>>
        %dma_start3A_182 = tpu.memref_squeeze %dma_start3A_181 : memref<1x16xi32, #tpu.memory_space<vmem>> -> memref<16xi32, #tpu.memory_space<vmem>>
        %dma_start3A_183 = arith.constant 0 : i32
        %dma_start3A_184 = arith.constant 0 : i32
        %dma_start3A_185 = tpu.memref_slice %arg4[%dma_start3A_183, %dma_start3A_184] : memref<16384x1024xf32, #tpu.memory_space<hbm>> -> memref<16384x1024xf32, #tpu.memory_space<hbm>>
        tpu.enqueue_indirect_dma source(%arg12 : memref<16x1024xf32, #tpu.memory_space<vmem>>) target(%dma_start3A_185 : memref<16384x1024xf32, #tpu.memory_space<hbm>>) offsets(%dma_start3A_182 : memref<16xi32, #tpu.memory_space<vmem>>) semaphore(%arg24 : memref<!tpu.dma_semaphore, #tpu.memory_space<semaphore_mem>>)
      } else {
      }
      %add3A_156 = arith.constant 3 : i32
      %add3A_157 = arith.addi %mul3A_102, %add3A_156 : i32
      %lt3A_158 = arith.cmpi slt, %add3A_157, %select_n3A : i32
      %convert_element_type3A_159 = arith.extui %lt3A_158 : i1 to i32
      %cond3A_160 = arith.constant 0 : i32
      %cond3A_161 = arith.cmpi ne, %convert_element_type3A_159, %cond3A_160 : i32
      scf.if %cond3A_161 {
        %dma_wait3A = arith.constant 0 : i32
        %dma_wait3A_174 = arith.constant 0 : i32
        %dma_wait3A_175 = tpu.memref_slice %arg4[%dma_wait3A, %dma_wait3A_174] : memref<16384x1024xf32, #tpu.memory_space<hbm>> -> memref<16x1024xf32, #tpu.memory_space<hbm>>
        %dma_wait3A_176 = arith.constant 0 : i32
        %dma_wait3A_177 = arith.constant 0 : i32
        %dma_wait3A_178 = tpu.memref_slice %arg4[%dma_wait3A_176, %dma_wait3A_177] : memref<16384x1024xf32, #tpu.memory_space<hbm>> -> memref<16x1024xf32, #tpu.memory_space<hbm>>
        tpu.wait_dma2 semaphore(%arg19 : memref<!tpu.dma_semaphore, #tpu.memory_space<semaphore_mem>>) src(%dma_wait3A_178 : memref<16x1024xf32, #tpu.memory_space<hbm>>) dst(%arg13 : memref<16x1024xf32, #tpu.memory_space<vmem>>)
        %add3A_179 = arith.constant 3 : i32
        %add3A_180 = arith.addi %mul3A_102, %add3A_179 : i32
        %dma_start3A = arith.constant 0 : i32
        %dma_start3A_181 = tpu.memref_slice %arg9[%add3A_180, %dma_start3A] : memref<34x16xi32, #tpu.memory_space<vmem>> -> memref<1x16xi32, #tpu.memory_space<vmem>>
        %dma_start3A_182 = tpu.memref_squeeze %dma_start3A_181 : memref<1x16xi32, #tpu.memory_space<vmem>> -> memref<16xi32, #tpu.memory_space<vmem>>
        %dma_start3A_183 = arith.constant 0 : i32
        %dma_start3A_184 = arith.constant 0 : i32
        %dma_start3A_185 = tpu.memref_slice %arg4[%dma_start3A_183, %dma_start3A_184] : memref<16384x1024xf32, #tpu.memory_space<hbm>> -> memref<16384x1024xf32, #tpu.memory_space<hbm>>
        tpu.enqueue_indirect_dma source(%arg13 : memref<16x1024xf32, #tpu.memory_space<vmem>>) target(%dma_start3A_185 : memref<16384x1024xf32, #tpu.memory_space<hbm>>) offsets(%dma_start3A_182 : memref<16xi32, #tpu.memory_space<vmem>>) semaphore(%arg25 : memref<!tpu.dma_semaphore, #tpu.memory_space<semaphore_mem>>)
      } else {
      }
      %add3A_162 = arith.constant 4 : i32
      %add3A_163 = arith.addi %mul3A_102, %add3A_162 : i32
      %lt3A_164 = arith.cmpi slt, %add3A_163, %select_n3A : i32
      %convert_element_type3A_165 = arith.extui %lt3A_164 : i1 to i32
      %cond3A_166 = arith.constant 0 : i32
      %cond3A_167 = arith.cmpi ne, %convert_element_type3A_165, %cond3A_166 : i32
      scf.if %cond3A_167 {
        %dma_wait3A = arith.constant 0 : i32
        %dma_wait3A_174 = arith.constant 0 : i32
        %dma_wait3A_175 = tpu.memref_slice %arg4[%dma_wait3A, %dma_wait3A_174] : memref<16384x1024xf32, #tpu.memory_space<hbm>> -> memref<16x1024xf32, #tpu.memory_space<hbm>>
        %dma_wait3A_176 = arith.constant 0 : i32
        %dma_wait3A_177 = arith.constant 0 : i32
        %dma_wait3A_178 = tpu.memref_slice %arg4[%dma_wait3A_176, %dma_wait3A_177] : memref<16384x1024xf32, #tpu.memory_space<hbm>> -> memref<16x1024xf32, #tpu.memory_space<hbm>>
        tpu.wait_dma2 semaphore(%arg20 : memref<!tpu.dma_semaphore, #tpu.memory_space<semaphore_mem>>) src(%dma_wait3A_178 : memref<16x1024xf32, #tpu.memory_space<hbm>>) dst(%arg14 : memref<16x1024xf32, #tpu.memory_space<vmem>>)
        %add3A_179 = arith.constant 4 : i32
        %add3A_180 = arith.addi %mul3A_102, %add3A_179 : i32
        %dma_start3A = arith.constant 0 : i32
        %dma_start3A_181 = tpu.memref_slice %arg9[%add3A_180, %dma_start3A] : memref<34x16xi32, #tpu.memory_space<vmem>> -> memref<1x16xi32, #tpu.memory_space<vmem>>
        %dma_start3A_182 = tpu.memref_squeeze %dma_start3A_181 : memref<1x16xi32, #tpu.memory_space<vmem>> -> memref<16xi32, #tpu.memory_space<vmem>>
        %dma_start3A_183 = arith.constant 0 : i32
        %dma_start3A_184 = arith.constant 0 : i32
        %dma_start3A_185 = tpu.memref_slice %arg4[%dma_start3A_183, %dma_start3A_184] : memref<16384x1024xf32, #tpu.memory_space<hbm>> -> memref<16384x1024xf32, #tpu.memory_space<hbm>>
        tpu.enqueue_indirect_dma source(%arg14 : memref<16x1024xf32, #tpu.memory_space<vmem>>) target(%dma_start3A_185 : memref<16384x1024xf32, #tpu.memory_space<hbm>>) offsets(%dma_start3A_182 : memref<16xi32, #tpu.memory_space<vmem>>) semaphore(%arg26 : memref<!tpu.dma_semaphore, #tpu.memory_space<semaphore_mem>>)
      } else {
      }
      %add3A_168 = arith.constant 5 : i32
      %add3A_169 = arith.addi %mul3A_102, %add3A_168 : i32
      %lt3A_170 = arith.cmpi slt, %add3A_169, %select_n3A : i32
      %convert_element_type3A_171 = arith.extui %lt3A_170 : i1 to i32
      %cond3A_172 = arith.constant 0 : i32
      %cond3A_173 = arith.cmpi ne, %convert_element_type3A_171, %cond3A_172 : i32
      scf.if %cond3A_173 {
        %dma_wait3A = arith.constant 0 : i32
        %dma_wait3A_174 = arith.constant 0 : i32
        %dma_wait3A_175 = tpu.memref_slice %arg4[%dma_wait3A, %dma_wait3A_174] : memref<16384x1024xf32, #tpu.memory_space<hbm>> -> memref<16x1024xf32, #tpu.memory_space<hbm>>
        %dma_wait3A_176 = arith.constant 0 : i32
        %dma_wait3A_177 = arith.constant 0 : i32
        %dma_wait3A_178 = tpu.memref_slice %arg4[%dma_wait3A_176, %dma_wait3A_177] : memref<16384x1024xf32, #tpu.memory_space<hbm>> -> memref<16x1024xf32, #tpu.memory_space<hbm>>
        tpu.wait_dma2 semaphore(%arg21 : memref<!tpu.dma_semaphore, #tpu.memory_space<semaphore_mem>>) src(%dma_wait3A_178 : memref<16x1024xf32, #tpu.memory_space<hbm>>) dst(%arg15 : memref<16x1024xf32, #tpu.memory_space<vmem>>)
        %add3A_179 = arith.constant 5 : i32
        %add3A_180 = arith.addi %mul3A_102, %add3A_179 : i32
        %dma_start3A = arith.constant 0 : i32
        %dma_start3A_181 = tpu.memref_slice %arg9[%add3A_180, %dma_start3A] : memref<34x16xi32, #tpu.memory_space<vmem>> -> memref<1x16xi32, #tpu.memory_space<vmem>>
        %dma_start3A_182 = tpu.memref_squeeze %dma_start3A_181 : memref<1x16xi32, #tpu.memory_space<vmem>> -> memref<16xi32, #tpu.memory_space<vmem>>
        %dma_start3A_183 = arith.constant 0 : i32
        %dma_start3A_184 = arith.constant 0 : i32
        %dma_start3A_185 = tpu.memref_slice %arg4[%dma_start3A_183, %dma_start3A_184] : memref<16384x1024xf32, #tpu.memory_space<hbm>> -> memref<16384x1024xf32, #tpu.memory_space<hbm>>
        tpu.enqueue_indirect_dma source(%arg15 : memref<16x1024xf32, #tpu.memory_space<vmem>>) target(%dma_start3A_185 : memref<16384x1024xf32, #tpu.memory_space<hbm>>) offsets(%dma_start3A_182 : memref<16xi32, #tpu.memory_space<vmem>>) semaphore(%arg27 : memref<!tpu.dma_semaphore, #tpu.memory_space<semaphore_mem>>)
      } else {
      }
    }
    %while3A_69 = arith.constant 1 : i32
    scf.for %while3A_100 = %while3A_67 to %while3A_63 step %while3A_69  : i32 {
      %mul3A_101 = arith.constant 6 : i32
      %mul3A_102 = arith.muli %mul3A_101, %while3A_100 : i32
      %add3A_103 = arith.constant 0 : i32
      %add3A_104 = arith.addi %mul3A_102, %add3A_103 : i32
      %lt3A = arith.cmpi slt, %add3A_104, %select_n3A : i32
      %convert_element_type3A_105 = arith.extui %lt3A : i1 to i32
      %cond3A_106 = arith.constant 0 : i32
      %cond3A_107 = arith.cmpi ne, %convert_element_type3A_105, %cond3A_106 : i32
      scf.if %cond3A_107 {
        %gt3A_174 = arith.constant 0 : i32
        %gt3A_175 = arith.cmpi sgt, %while3A_100, %gt3A_174 : i32
        %convert_element_type3A_176 = arith.extui %gt3A_175 : i1 to i32
        %cond3A_177 = arith.constant 0 : i32
        %cond3A_178 = arith.cmpi ne, %convert_element_type3A_176, %cond3A_177 : i32
        scf.if %cond3A_178 {
          %dma_wait3A = arith.constant 0 : i32
          %dma_wait3A_186 = arith.constant 0 : i32
          %dma_wait3A_187 = tpu.memref_slice %arg4[%dma_wait3A, %dma_wait3A_186] : memref<16384x1024xf32, #tpu.memory_space<hbm>> -> memref<16x1024xf32, #tpu.memory_space<hbm>>
          %dma_wait3A_188 = arith.constant 0 : i32
          %dma_wait3A_189 = arith.constant 0 : i32
          %dma_wait3A_190 = tpu.memref_slice %arg4[%dma_wait3A_188, %dma_wait3A_189] : memref<16384x1024xf32, #tpu.memory_space<hbm>> -> memref<16x1024xf32, #tpu.memory_space<hbm>>
          tpu.wait_dma2 semaphore(%arg22 : memref<!tpu.dma_semaphore, #tpu.memory_space<semaphore_mem>>) src(%dma_wait3A_190 : memref<16x1024xf32, #tpu.memory_space<hbm>>) dst(%arg10 : memref<16x1024xf32, #tpu.memory_space<vmem>>)
        } else {
        }
        %add3A_179 = arith.constant 0 : i32
        %add3A_180 = arith.addi %mul3A_102, %add3A_179 : i32
        %mul3A_181 = arith.constant 16 : i32
        %mul3A_182 = arith.muli %add3A_180, %mul3A_181 : i32
        %dma_start3A = tpu.memref_slice %arg7[%mul3A_182] : memref<544xi32, #tpu.memory_space<vmem>> -> memref<16xi32, #tpu.memory_space<vmem>>
        %dma_start3A_183 = arith.constant 0 : i32
        %dma_start3A_184 = arith.constant 0 : i32
        %dma_start3A_185 = tpu.memref_slice %arg2[%dma_start3A_183, %dma_start3A_184] : memref<8192x1024xf32, #tpu.memory_space<hbm>> -> memref<8192x1024xf32, #tpu.memory_space<hbm>>
        tpu.enqueue_indirect_dma source(%dma_start3A_185 : memref<8192x1024xf32, #tpu.memory_space<hbm>>) target(%arg10 : memref<16x1024xf32, #tpu.memory_space<vmem>>) offsets(%dma_start3A : memref<16xi32, #tpu.memory_space<vmem>>) semaphore(%arg16 : memref<!tpu.dma_semaphore, #tpu.memory_space<semaphore_mem>>)
      } else {
      }
      %add3A_108 = arith.constant 1 : i32
      %add3A_109 = arith.addi %mul3A_102, %add3A_108 : i32
      %lt3A_110 = arith.cmpi slt, %add3A_109, %select_n3A : i32
      %convert_element_type3A_111 = arith.extui %lt3A_110 : i1 to i32
      %cond3A_112 = arith.constant 0 : i32
      %cond3A_113 = arith.cmpi ne, %convert_element_type3A_111, %cond3A_112 : i32
      scf.if %cond3A_113 {
        %gt3A_174 = arith.constant 0 : i32
        %gt3A_175 = arith.cmpi sgt, %while3A_100, %gt3A_174 : i32
        %convert_element_type3A_176 = arith.extui %gt3A_175 : i1 to i32
        %cond3A_177 = arith.constant 0 : i32
        %cond3A_178 = arith.cmpi ne, %convert_element_type3A_176, %cond3A_177 : i32
        scf.if %cond3A_178 {
          %dma_wait3A = arith.constant 0 : i32
          %dma_wait3A_186 = arith.constant 0 : i32
          %dma_wait3A_187 = tpu.memref_slice %arg4[%dma_wait3A, %dma_wait3A_186] : memref<16384x1024xf32, #tpu.memory_space<hbm>> -> memref<16x1024xf32, #tpu.memory_space<hbm>>
          %dma_wait3A_188 = arith.constant 0 : i32
          %dma_wait3A_189 = arith.constant 0 : i32
          %dma_wait3A_190 = tpu.memref_slice %arg4[%dma_wait3A_188, %dma_wait3A_189] : memref<16384x1024xf32, #tpu.memory_space<hbm>> -> memref<16x1024xf32, #tpu.memory_space<hbm>>
          tpu.wait_dma2 semaphore(%arg23 : memref<!tpu.dma_semaphore, #tpu.memory_space<semaphore_mem>>) src(%dma_wait3A_190 : memref<16x1024xf32, #tpu.memory_space<hbm>>) dst(%arg11 : memref<16x1024xf32, #tpu.memory_space<vmem>>)
        } else {
        }
        %add3A_179 = arith.constant 1 : i32
        %add3A_180 = arith.addi %mul3A_102, %add3A_179 : i32
        %mul3A_181 = arith.constant 16 : i32
        %mul3A_182 = arith.muli %add3A_180, %mul3A_181 : i32
        %dma_start3A = tpu.memref_slice %arg7[%mul3A_182] : memref<544xi32, #tpu.memory_space<vmem>> -> memref<16xi32, #tpu.memory_space<vmem>>
        %dma_start3A_183 = arith.constant 0 : i32
        %dma_start3A_184 = arith.constant 0 : i32
        %dma_start3A_185 = tpu.memref_slice %arg2[%dma_start3A_183, %dma_start3A_184] : memref<8192x1024xf32, #tpu.memory_space<hbm>> -> memref<8192x1024xf32, #tpu.memory_space<hbm>>
        tpu.enqueue_indirect_dma source(%dma_start3A_185 : memref<8192x1024xf32, #tpu.memory_space<hbm>>) target(%arg11 : memref<16x1024xf32, #tpu.memory_space<vmem>>) offsets(%dma_start3A : memref<16xi32, #tpu.memory_space<vmem>>) semaphore(%arg17 : memref<!tpu.dma_semaphore, #tpu.memory_space<semaphore_mem>>)
      } else {
      }
      %add3A_114 = arith.constant 2 : i32
      %add3A_115 = arith.addi %mul3A_102, %add3A_114 : i32
      %lt3A_116 = arith.cmpi slt, %add3A_115, %select_n3A : i32
      %convert_element_type3A_117 = arith.extui %lt3A_116 : i1 to i32
      %cond3A_118 = arith.constant 0 : i32
      %cond3A_119 = arith.cmpi ne, %convert_element_type3A_117, %cond3A_118 : i32
      scf.if %cond3A_119 {
        %gt3A_174 = arith.constant 0 : i32
        %gt3A_175 = arith.cmpi sgt, %while3A_100, %gt3A_174 : i32
        %convert_element_type3A_176 = arith.extui %gt3A_175 : i1 to i32
        %cond3A_177 = arith.constant 0 : i32
        %cond3A_178 = arith.cmpi ne, %convert_element_type3A_176, %cond3A_177 : i32
        scf.if %cond3A_178 {
          %dma_wait3A = arith.constant 0 : i32
          %dma_wait3A_186 = arith.constant 0 : i32
          %dma_wait3A_187 = tpu.memref_slice %arg4[%dma_wait3A, %dma_wait3A_186] : memref<16384x1024xf32, #tpu.memory_space<hbm>> -> memref<16x1024xf32, #tpu.memory_space<hbm>>
          %dma_wait3A_188 = arith.constant 0 : i32
          %dma_wait3A_189 = arith.constant 0 : i32
          %dma_wait3A_190 = tpu.memref_slice %arg4[%dma_wait3A_188, %dma_wait3A_189] : memref<16384x1024xf32, #tpu.memory_space<hbm>> -> memref<16x1024xf32, #tpu.memory_space<hbm>>
          tpu.wait_dma2 semaphore(%arg24 : memref<!tpu.dma_semaphore, #tpu.memory_space<semaphore_mem>>) src(%dma_wait3A_190 : memref<16x1024xf32, #tpu.memory_space<hbm>>) dst(%arg12 : memref<16x1024xf32, #tpu.memory_space<vmem>>)
        } else {
        }
        %add3A_179 = arith.constant 2 : i32
        %add3A_180 = arith.addi %mul3A_102, %add3A_179 : i32
        %mul3A_181 = arith.constant 16 : i32
        %mul3A_182 = arith.muli %add3A_180, %mul3A_181 : i32
        %dma_start3A = tpu.memref_slice %arg7[%mul3A_182] : memref<544xi32, #tpu.memory_space<vmem>> -> memref<16xi32, #tpu.memory_space<vmem>>
        %dma_start3A_183 = arith.constant 0 : i32
        %dma_start3A_184 = arith.constant 0 : i32
        %dma_start3A_185 = tpu.memref_slice %arg2[%dma_start3A_183, %dma_start3A_184] : memref<8192x1024xf32, #tpu.memory_space<hbm>> -> memref<8192x1024xf32, #tpu.memory_space<hbm>>
        tpu.enqueue_indirect_dma source(%dma_start3A_185 : memref<8192x1024xf32, #tpu.memory_space<hbm>>) target(%arg12 : memref<16x1024xf32, #tpu.memory_space<vmem>>) offsets(%dma_start3A : memref<16xi32, #tpu.memory_space<vmem>>) semaphore(%arg18 : memref<!tpu.dma_semaphore, #tpu.memory_space<semaphore_mem>>)
      } else {
      }
      %add3A_120 = arith.constant 3 : i32
      %add3A_121 = arith.addi %mul3A_102, %add3A_120 : i32
      %lt3A_122 = arith.cmpi slt, %add3A_121, %select_n3A : i32
      %convert_element_type3A_123 = arith.extui %lt3A_122 : i1 to i32
      %cond3A_124 = arith.constant 0 : i32
      %cond3A_125 = arith.cmpi ne, %convert_element_type3A_123, %cond3A_124 : i32
      scf.if %cond3A_125 {
        %gt3A_174 = arith.constant 0 : i32
        %gt3A_175 = arith.cmpi sgt, %while3A_100, %gt3A_174 : i32
        %convert_element_type3A_176 = arith.extui %gt3A_175 : i1 to i32
        %cond3A_177 = arith.constant 0 : i32
        %cond3A_178 = arith.cmpi ne, %convert_element_type3A_176, %cond3A_177 : i32
        scf.if %cond3A_178 {
          %dma_wait3A = arith.constant 0 : i32
          %dma_wait3A_186 = arith.constant 0 : i32
          %dma_wait3A_187 = tpu.memref_slice %arg4[%dma_wait3A, %dma_wait3A_186] : memref<16384x1024xf32, #tpu.memory_space<hbm>> -> memref<16x1024xf32, #tpu.memory_space<hbm>>
          %dma_wait3A_188 = arith.constant 0 : i32
          %dma_wait3A_189 = arith.constant 0 : i32
          %dma_wait3A_190 = tpu.memref_slice %arg4[%dma_wait3A_188, %dma_wait3A_189] : memref<16384x1024xf32, #tpu.memory_space<hbm>> -> memref<16x1024xf32, #tpu.memory_space<hbm>>
          tpu.wait_dma2 semaphore(%arg25 : memref<!tpu.dma_semaphore, #tpu.memory_space<semaphore_mem>>) src(%dma_wait3A_190 : memref<16x1024xf32, #tpu.memory_space<hbm>>) dst(%arg13 : memref<16x1024xf32, #tpu.memory_space<vmem>>)
        } else {
        }
        %add3A_179 = arith.constant 3 : i32
        %add3A_180 = arith.addi %mul3A_102, %add3A_179 : i32
        %mul3A_181 = arith.constant 16 : i32
        %mul3A_182 = arith.muli %add3A_180, %mul3A_181 : i32
        %dma_start3A = tpu.memref_slice %arg7[%mul3A_182] : memref<544xi32, #tpu.memory_space<vmem>> -> memref<16xi32, #tpu.memory_space<vmem>>
        %dma_start3A_183 = arith.constant 0 : i32
        %dma_start3A_184 = arith.constant 0 : i32
        %dma_start3A_185 = tpu.memref_slice %arg2[%dma_start3A_183, %dma_start3A_184] : memref<8192x1024xf32, #tpu.memory_space<hbm>> -> memref<8192x1024xf32, #tpu.memory_space<hbm>>
        tpu.enqueue_indirect_dma source(%dma_start3A_185 : memref<8192x1024xf32, #tpu.memory_space<hbm>>) target(%arg13 : memref<16x1024xf32, #tpu.memory_space<vmem>>) offsets(%dma_start3A : memref<16xi32, #tpu.memory_space<vmem>>) semaphore(%arg19 : memref<!tpu.dma_semaphore, #tpu.memory_space<semaphore_mem>>)
      } else {
      }
      %add3A_126 = arith.constant 4 : i32
      %add3A_127 = arith.addi %mul3A_102, %add3A_126 : i32
      %lt3A_128 = arith.cmpi slt, %add3A_127, %select_n3A : i32
      %convert_element_type3A_129 = arith.extui %lt3A_128 : i1 to i32
      %cond3A_130 = arith.constant 0 : i32
      %cond3A_131 = arith.cmpi ne, %convert_element_type3A_129, %cond3A_130 : i32
      scf.if %cond3A_131 {
        %gt3A_174 = arith.constant 0 : i32
        %gt3A_175 = arith.cmpi sgt, %while3A_100, %gt3A_174 : i32
        %convert_element_type3A_176 = arith.extui %gt3A_175 : i1 to i32
        %cond3A_177 = arith.constant 0 : i32
        %cond3A_178 = arith.cmpi ne, %convert_element_type3A_176, %cond3A_177 : i32
        scf.if %cond3A_178 {
          %dma_wait3A = arith.constant 0 : i32
          %dma_wait3A_186 = arith.constant 0 : i32
          %dma_wait3A_187 = tpu.memref_slice %arg4[%dma_wait3A, %dma_wait3A_186] : memref<16384x1024xf32, #tpu.memory_space<hbm>> -> memref<16x1024xf32, #tpu.memory_space<hbm>>
          %dma_wait3A_188 = arith.constant 0 : i32
          %dma_wait3A_189 = arith.constant 0 : i32
          %dma_wait3A_190 = tpu.memref_slice %arg4[%dma_wait3A_188, %dma_wait3A_189] : memref<16384x1024xf32, #tpu.memory_space<hbm>> -> memref<16x1024xf32, #tpu.memory_space<hbm>>
          tpu.wait_dma2 semaphore(%arg26 : memref<!tpu.dma_semaphore, #tpu.memory_space<semaphore_mem>>) src(%dma_wait3A_190 : memref<16x1024xf32, #tpu.memory_space<hbm>>) dst(%arg14 : memref<16x1024xf32, #tpu.memory_space<vmem>>)
        } else {
        }
        %add3A_179 = arith.constant 4 : i32
        %add3A_180 = arith.addi %mul3A_102, %add3A_179 : i32
        %mul3A_181 = arith.constant 16 : i32
        %mul3A_182 = arith.muli %add3A_180, %mul3A_181 : i32
        %dma_start3A = tpu.memref_slice %arg7[%mul3A_182] : memref<544xi32, #tpu.memory_space<vmem>> -> memref<16xi32, #tpu.memory_space<vmem>>
        %dma_start3A_183 = arith.constant 0 : i32
        %dma_start3A_184 = arith.constant 0 : i32
        %dma_start3A_185 = tpu.memref_slice %arg2[%dma_start3A_183, %dma_start3A_184] : memref<8192x1024xf32, #tpu.memory_space<hbm>> -> memref<8192x1024xf32, #tpu.memory_space<hbm>>
        tpu.enqueue_indirect_dma source(%dma_start3A_185 : memref<8192x1024xf32, #tpu.memory_space<hbm>>) target(%arg14 : memref<16x1024xf32, #tpu.memory_space<vmem>>) offsets(%dma_start3A : memref<16xi32, #tpu.memory_space<vmem>>) semaphore(%arg20 : memref<!tpu.dma_semaphore, #tpu.memory_space<semaphore_mem>>)
      } else {
      }
      %add3A_132 = arith.constant 5 : i32
      %add3A_133 = arith.addi %mul3A_102, %add3A_132 : i32
      %lt3A_134 = arith.cmpi slt, %add3A_133, %select_n3A : i32
      %convert_element_type3A_135 = arith.extui %lt3A_134 : i1 to i32
      %cond3A_136 = arith.constant 0 : i32
      %cond3A_137 = arith.cmpi ne, %convert_element_type3A_135, %cond3A_136 : i32
      scf.if %cond3A_137 {
        %gt3A_174 = arith.constant 0 : i32
        %gt3A_175 = arith.cmpi sgt, %while3A_100, %gt3A_174 : i32
        %convert_element_type3A_176 = arith.extui %gt3A_175 : i1 to i32
        %cond3A_177 = arith.constant 0 : i32
        %cond3A_178 = arith.cmpi ne, %convert_element_type3A_176, %cond3A_177 : i32
        scf.if %cond3A_178 {
          %dma_wait3A = arith.constant 0 : i32
          %dma_wait3A_186 = arith.constant 0 : i32
          %dma_wait3A_187 = tpu.memref_slice %arg4[%dma_wait3A, %dma_wait3A_186] : memref<16384x1024xf32, #tpu.memory_space<hbm>> -> memref<16x1024xf32, #tpu.memory_space<hbm>>
          %dma_wait3A_188 = arith.constant 0 : i32
          %dma_wait3A_189 = arith.constant 0 : i32
          %dma_wait3A_190 = tpu.memref_slice %arg4[%dma_wait3A_188, %dma_wait3A_189] : memref<16384x1024xf32, #tpu.memory_space<hbm>> -> memref<16x1024xf32, #tpu.memory_space<hbm>>
          tpu.wait_dma2 semaphore(%arg27 : memref<!tpu.dma_semaphore, #tpu.memory_space<semaphore_mem>>) src(%dma_wait3A_190 : memref<16x1024xf32, #tpu.memory_space<hbm>>) dst(%arg15 : memref<16x1024xf32, #tpu.memory_space<vmem>>)
        } else {
        }
        %add3A_179 = arith.constant 5 : i32
        %add3A_180 = arith.addi %mul3A_102, %add3A_179 : i32
        %mul3A_181 = arith.constant 16 : i32
        %mul3A_182 = arith.muli %add3A_180, %mul3A_181 : i32
        %dma_start3A = tpu.memref_slice %arg7[%mul3A_182] : memref<544xi32, #tpu.memory_space<vmem>> -> memref<16xi32, #tpu.memory_space<vmem>>
        %dma_start3A_183 = arith.constant 0 : i32
        %dma_start3A_184 = arith.constant 0 : i32
        %dma_start3A_185 = tpu.memref_slice %arg2[%dma_start3A_183, %dma_start3A_184] : memref<8192x1024xf32, #tpu.memory_space<hbm>> -> memref<8192x1024xf32, #tpu.memory_space<hbm>>
        tpu.enqueue_indirect_dma source(%dma_start3A_185 : memref<8192x1024xf32, #tpu.memory_space<hbm>>) target(%arg15 : memref<16x1024xf32, #tpu.memory_space<vmem>>) offsets(%dma_start3A : memref<16xi32, #tpu.memory_space<vmem>>) semaphore(%arg21 : memref<!tpu.dma_semaphore, #tpu.memory_space<semaphore_mem>>)
      } else {
      }
      %add3A_138 = arith.constant 0 : i32
      %add3A_139 = arith.addi %mul3A_102, %add3A_138 : i32
      %lt3A_140 = arith.cmpi slt, %add3A_139, %select_n3A : i32
      %convert_element_type3A_141 = arith.extui %lt3A_140 : i1 to i32
      %cond3A_142 = arith.constant 0 : i32
      %cond3A_143 = arith.cmpi ne, %convert_element_type3A_141, %cond3A_142 : i32
      scf.if %cond3A_143 {
        %dma_wait3A = arith.constant 0 : i32
        %dma_wait3A_174 = arith.constant 0 : i32
        %dma_wait3A_175 = tpu.memref_slice %arg4[%dma_wait3A, %dma_wait3A_174] : memref<16384x1024xf32, #tpu.memory_space<hbm>> -> memref<16x1024xf32, #tpu.memory_space<hbm>>
        %dma_wait3A_176 = arith.constant 0 : i32
        %dma_wait3A_177 = arith.constant 0 : i32
        %dma_wait3A_178 = tpu.memref_slice %arg4[%dma_wait3A_176, %dma_wait3A_177] : memref<16384x1024xf32, #tpu.memory_space<hbm>> -> memref<16x1024xf32, #tpu.memory_space<hbm>>
        tpu.wait_dma2 semaphore(%arg16 : memref<!tpu.dma_semaphore, #tpu.memory_space<semaphore_mem>>) src(%dma_wait3A_178 : memref<16x1024xf32, #tpu.memory_space<hbm>>) dst(%arg10 : memref<16x1024xf32, #tpu.memory_space<vmem>>)
        %add3A_179 = arith.constant 0 : i32
        %add3A_180 = arith.addi %mul3A_102, %add3A_179 : i32
        %dma_start3A = arith.constant 0 : i32
        %dma_start3A_181 = tpu.memref_slice %arg9[%add3A_180, %dma_start3A] : memref<34x16xi32, #tpu.memory_space<vmem>> -> memref<1x16xi32, #tpu.memory_space<vmem>>
        %dma_start3A_182 = tpu.memref_squeeze %dma_start3A_181 : memref<1x16xi32, #tpu.memory_space<vmem>> -> memref<16xi32, #tpu.memory_space<vmem>>
        %dma_start3A_183 = arith.constant 0 : i32
        %dma_start3A_184 = arith.constant 0 : i32
        %dma_start3A_185 = tpu.memref_slice %arg4[%dma_start3A_183, %dma_start3A_184] : memref<16384x1024xf32, #tpu.memory_space<hbm>> -> memref<16384x1024xf32, #tpu.memory_space<hbm>>
        tpu.enqueue_indirect_dma source(%arg10 : memref<16x1024xf32, #tpu.memory_space<vmem>>) target(%dma_start3A_185 : memref<16384x1024xf32, #tpu.memory_space<hbm>>) offsets(%dma_start3A_182 : memref<16xi32, #tpu.memory_space<vmem>>) semaphore(%arg22 : memref<!tpu.dma_semaphore, #tpu.memory_space<semaphore_mem>>)
      } else {
      }
      %add3A_144 = arith.constant 1 : i32
      %add3A_145 = arith.addi %mul3A_102, %add3A_144 : i32
      %lt3A_146 = arith.cmpi slt, %add3A_145, %select_n3A : i32
      %convert_element_type3A_147 = arith.extui %lt3A_146 : i1 to i32
      %cond3A_148 = arith.constant 0 : i32
      %cond3A_149 = arith.cmpi ne, %convert_element_type3A_147, %cond3A_148 : i32
      scf.if %cond3A_149 {
        %dma_wait3A = arith.constant 0 : i32
        %dma_wait3A_174 = arith.constant 0 : i32
        %dma_wait3A_175 = tpu.memref_slice %arg4[%dma_wait3A, %dma_wait3A_174] : memref<16384x1024xf32, #tpu.memory_space<hbm>> -> memref<16x1024xf32, #tpu.memory_space<hbm>>
        %dma_wait3A_176 = arith.constant 0 : i32
        %dma_wait3A_177 = arith.constant 0 : i32
        %dma_wait3A_178 = tpu.memref_slice %arg4[%dma_wait3A_176, %dma_wait3A_177] : memref<16384x1024xf32, #tpu.memory_space<hbm>> -> memref<16x1024xf32, #tpu.memory_space<hbm>>
        tpu.wait_dma2 semaphore(%arg17 : memref<!tpu.dma_semaphore, #tpu.memory_space<semaphore_mem>>) src(%dma_wait3A_178 : memref<16x1024xf32, #tpu.memory_space<hbm>>) dst(%arg11 : memref<16x1024xf32, #tpu.memory_space<vmem>>)
        %add3A_179 = arith.constant 1 : i32
        %add3A_180 = arith.addi %mul3A_102, %add3A_179 : i32
        %dma_start3A = arith.constant 0 : i32
        %dma_start3A_181 = tpu.memref_slice %arg9[%add3A_180, %dma_start3A] : memref<34x16xi32, #tpu.memory_space<vmem>> -> memref<1x16xi32, #tpu.memory_space<vmem>>
        %dma_start3A_182 = tpu.memref_squeeze %dma_start3A_181 : memref<1x16xi32, #tpu.memory_space<vmem>> -> memref<16xi32, #tpu.memory_space<vmem>>
        %dma_start3A_183 = arith.constant 0 : i32
        %dma_start3A_184 = arith.constant 0 : i32
        %dma_start3A_185 = tpu.memref_slice %arg4[%dma_start3A_183, %dma_start3A_184] : memref<16384x1024xf32, #tpu.memory_space<hbm>> -> memref<16384x1024xf32, #tpu.memory_space<hbm>>
        tpu.enqueue_indirect_dma source(%arg11 : memref<16x1024xf32, #tpu.memory_space<vmem>>) target(%dma_start3A_185 : memref<16384x1024xf32, #tpu.memory_space<hbm>>) offsets(%dma_start3A_182 : memref<16xi32, #tpu.memory_space<vmem>>) semaphore(%arg23 : memref<!tpu.dma_semaphore, #tpu.memory_space<semaphore_mem>>)
      } else {
      }
      %add3A_150 = arith.constant 2 : i32
      %add3A_151 = arith.addi %mul3A_102, %add3A_150 : i32
      %lt3A_152 = arith.cmpi slt, %add3A_151, %select_n3A : i32
      %convert_element_type3A_153 = arith.extui %lt3A_152 : i1 to i32
      %cond3A_154 = arith.constant 0 : i32
      %cond3A_155 = arith.cmpi ne, %convert_element_type3A_153, %cond3A_154 : i32
      scf.if %cond3A_155 {
        %dma_wait3A = arith.constant 0 : i32
        %dma_wait3A_174 = arith.constant 0 : i32
        %dma_wait3A_175 = tpu.memref_slice %arg4[%dma_wait3A, %dma_wait3A_174] : memref<16384x1024xf32, #tpu.memory_space<hbm>> -> memref<16x1024xf32, #tpu.memory_space<hbm>>
        %dma_wait3A_176 = arith.constant 0 : i32
        %dma_wait3A_177 = arith.constant 0 : i32
        %dma_wait3A_178 = tpu.memref_slice %arg4[%dma_wait3A_176, %dma_wait3A_177] : memref<16384x1024xf32, #tpu.memory_space<hbm>> -> memref<16x1024xf32, #tpu.memory_space<hbm>>
        tpu.wait_dma2 semaphore(%arg18 : memref<!tpu.dma_semaphore, #tpu.memory_space<semaphore_mem>>) src(%dma_wait3A_178 : memref<16x1024xf32, #tpu.memory_space<hbm>>) dst(%arg12 : memref<16x1024xf32, #tpu.memory_space<vmem>>)
        %add3A_179 = arith.constant 2 : i32
        %add3A_180 = arith.addi %mul3A_102, %add3A_179 : i32
        %dma_start3A = arith.constant 0 : i32
        %dma_start3A_181 = tpu.memref_slice %arg9[%add3A_180, %dma_start3A] : memref<34x16xi32, #tpu.memory_space<vmem>> -> memref<1x16xi32, #tpu.memory_space<vmem>>
        %dma_start3A_182 = tpu.memref_squeeze %dma_start3A_181 : memref<1x16xi32, #tpu.memory_space<vmem>> -> memref<16xi32, #tpu.memory_space<vmem>>
        %dma_start3A_183 = arith.constant 0 : i32
        %dma_start3A_184 = arith.constant 0 : i32
        %dma_start3A_185 = tpu.memref_slice %arg4[%dma_start3A_183, %dma_start3A_184] : memref<16384x1024xf32, #tpu.memory_space<hbm>> -> memref<16384x1024xf32, #tpu.memory_space<hbm>>
        tpu.enqueue_indirect_dma source(%arg12 : memref<16x1024xf32, #tpu.memory_space<vmem>>) target(%dma_start3A_185 : memref<16384x1024xf32, #tpu.memory_space<hbm>>) offsets(%dma_start3A_182 : memref<16xi32, #tpu.memory_space<vmem>>) semaphore(%arg24 : memref<!tpu.dma_semaphore, #tpu.memory_space<semaphore_mem>>)
      } else {
      }
      %add3A_156 = arith.constant 3 : i32
      %add3A_157 = arith.addi %mul3A_102, %add3A_156 : i32
      %lt3A_158 = arith.cmpi slt, %add3A_157, %select_n3A : i32
      %convert_element_type3A_159 = arith.extui %lt3A_158 : i1 to i32
      %cond3A_160 = arith.constant 0 : i32
      %cond3A_161 = arith.cmpi ne, %convert_element_type3A_159, %cond3A_160 : i32
      scf.if %cond3A_161 {
        %dma_wait3A = arith.constant 0 : i32
        %dma_wait3A_174 = arith.constant 0 : i32
        %dma_wait3A_175 = tpu.memref_slice %arg4[%dma_wait3A, %dma_wait3A_174] : memref<16384x1024xf32, #tpu.memory_space<hbm>> -> memref<16x1024xf32, #tpu.memory_space<hbm>>
        %dma_wait3A_176 = arith.constant 0 : i32
        %dma_wait3A_177 = arith.constant 0 : i32
        %dma_wait3A_178 = tpu.memref_slice %arg4[%dma_wait3A_176, %dma_wait3A_177] : memref<16384x1024xf32, #tpu.memory_space<hbm>> -> memref<16x1024xf32, #tpu.memory_space<hbm>>
        tpu.wait_dma2 semaphore(%arg19 : memref<!tpu.dma_semaphore, #tpu.memory_space<semaphore_mem>>) src(%dma_wait3A_178 : memref<16x1024xf32, #tpu.memory_space<hbm>>) dst(%arg13 : memref<16x1024xf32, #tpu.memory_space<vmem>>)
        %add3A_179 = arith.constant 3 : i32
        %add3A_180 = arith.addi %mul3A_102, %add3A_179 : i32
        %dma_start3A = arith.constant 0 : i32
        %dma_start3A_181 = tpu.memref_slice %arg9[%add3A_180, %dma_start3A] : memref<34x16xi32, #tpu.memory_space<vmem>> -> memref<1x16xi32, #tpu.memory_space<vmem>>
        %dma_start3A_182 = tpu.memref_squeeze %dma_start3A_181 : memref<1x16xi32, #tpu.memory_space<vmem>> -> memref<16xi32, #tpu.memory_space<vmem>>
        %dma_start3A_183 = arith.constant 0 : i32
        %dma_start3A_184 = arith.constant 0 : i32
        %dma_start3A_185 = tpu.memref_slice %arg4[%dma_start3A_183, %dma_start3A_184] : memref<16384x1024xf32, #tpu.memory_space<hbm>> -> memref<16384x1024xf32, #tpu.memory_space<hbm>>
        tpu.enqueue_indirect_dma source(%arg13 : memref<16x1024xf32, #tpu.memory_space<vmem>>) target(%dma_start3A_185 : memref<16384x1024xf32, #tpu.memory_space<hbm>>) offsets(%dma_start3A_182 : memref<16xi32, #tpu.memory_space<vmem>>) semaphore(%arg25 : memref<!tpu.dma_semaphore, #tpu.memory_space<semaphore_mem>>)
      } else {
      }
      %add3A_162 = arith.constant 4 : i32
      %add3A_163 = arith.addi %mul3A_102, %add3A_162 : i32
      %lt3A_164 = arith.cmpi slt, %add3A_163, %select_n3A : i32
      %convert_element_type3A_165 = arith.extui %lt3A_164 : i1 to i32
      %cond3A_166 = arith.constant 0 : i32
      %cond3A_167 = arith.cmpi ne, %convert_element_type3A_165, %cond3A_166 : i32
      scf.if %cond3A_167 {
        %dma_wait3A = arith.constant 0 : i32
        %dma_wait3A_174 = arith.constant 0 : i32
        %dma_wait3A_175 = tpu.memref_slice %arg4[%dma_wait3A, %dma_wait3A_174] : memref<16384x1024xf32, #tpu.memory_space<hbm>> -> memref<16x1024xf32, #tpu.memory_space<hbm>>
        %dma_wait3A_176 = arith.constant 0 : i32
        %dma_wait3A_177 = arith.constant 0 : i32
        %dma_wait3A_178 = tpu.memref_slice %arg4[%dma_wait3A_176, %dma_wait3A_177] : memref<16384x1024xf32, #tpu.memory_space<hbm>> -> memref<16x1024xf32, #tpu.memory_space<hbm>>
        tpu.wait_dma2 semaphore(%arg20 : memref<!tpu.dma_semaphore, #tpu.memory_space<semaphore_mem>>) src(%dma_wait3A_178 : memref<16x1024xf32, #tpu.memory_space<hbm>>) dst(%arg14 : memref<16x1024xf32, #tpu.memory_space<vmem>>)
        %add3A_179 = arith.constant 4 : i32
        %add3A_180 = arith.addi %mul3A_102, %add3A_179 : i32
        %dma_start3A = arith.constant 0 : i32
        %dma_start3A_181 = tpu.memref_slice %arg9[%add3A_180, %dma_start3A] : memref<34x16xi32, #tpu.memory_space<vmem>> -> memref<1x16xi32, #tpu.memory_space<vmem>>
        %dma_start3A_182 = tpu.memref_squeeze %dma_start3A_181 : memref<1x16xi32, #tpu.memory_space<vmem>> -> memref<16xi32, #tpu.memory_space<vmem>>
        %dma_start3A_183 = arith.constant 0 : i32
        %dma_start3A_184 = arith.constant 0 : i32
        %dma_start3A_185 = tpu.memref_slice %arg4[%dma_start3A_183, %dma_start3A_184] : memref<16384x1024xf32, #tpu.memory_space<hbm>> -> memref<16384x1024xf32, #tpu.memory_space<hbm>>
        tpu.enqueue_indirect_dma source(%arg14 : memref<16x1024xf32, #tpu.memory_space<vmem>>) target(%dma_start3A_185 : memref<16384x1024xf32, #tpu.memory_space<hbm>>) offsets(%dma_start3A_182 : memref<16xi32, #tpu.memory_space<vmem>>) semaphore(%arg26 : memref<!tpu.dma_semaphore, #tpu.memory_space<semaphore_mem>>)
      } else {
      }
      %add3A_168 = arith.constant 5 : i32
      %add3A_169 = arith.addi %mul3A_102, %add3A_168 : i32
      %lt3A_170 = arith.cmpi slt, %add3A_169, %select_n3A : i32
      %convert_element_type3A_171 = arith.extui %lt3A_170 : i1 to i32
      %cond3A_172 = arith.constant 0 : i32
      %cond3A_173 = arith.cmpi ne, %convert_element_type3A_171, %cond3A_172 : i32
      scf.if %cond3A_173 {
        %dma_wait3A = arith.constant 0 : i32
        %dma_wait3A_174 = arith.constant 0 : i32
        %dma_wait3A_175 = tpu.memref_slice %arg4[%dma_wait3A, %dma_wait3A_174] : memref<16384x1024xf32, #tpu.memory_space<hbm>> -> memref<16x1024xf32, #tpu.memory_space<hbm>>
        %dma_wait3A_176 = arith.constant 0 : i32
        %dma_wait3A_177 = arith.constant 0 : i32
        %dma_wait3A_178 = tpu.memref_slice %arg4[%dma_wait3A_176, %dma_wait3A_177] : memref<16384x1024xf32, #tpu.memory_space<hbm>> -> memref<16x1024xf32, #tpu.memory_space<hbm>>
        tpu.wait_dma2 semaphore(%arg21 : memref<!tpu.dma_semaphore, #tpu.memory_space<semaphore_mem>>) src(%dma_wait3A_178 : memref<16x1024xf32, #tpu.memory_space<hbm>>) dst(%arg15 : memref<16x1024xf32, #tpu.memory_space<vmem>>)
        %add3A_179 = arith.constant 5 : i32
        %add3A_180 = arith.addi %mul3A_102, %add3A_179 : i32
        %dma_start3A = arith.constant 0 : i32
        %dma_start3A_181 = tpu.memref_slice %arg9[%add3A_180, %dma_start3A] : memref<34x16xi32, #tpu.memory_space<vmem>> -> memref<1x16xi32, #tpu.memory_space<vmem>>
        %dma_start3A_182 = tpu.memref_squeeze %dma_start3A_181 : memref<1x16xi32, #tpu.memory_space<vmem>> -> memref<16xi32, #tpu.memory_space<vmem>>
        %dma_start3A_183 = arith.constant 0 : i32
        %dma_start3A_184 = arith.constant 0 : i32
        %dma_start3A_185 = tpu.memref_slice %arg4[%dma_start3A_183, %dma_start3A_184] : memref<16384x1024xf32, #tpu.memory_space<hbm>> -> memref<16384x1024xf32, #tpu.memory_space<hbm>>
        tpu.enqueue_indirect_dma source(%arg15 : memref<16x1024xf32, #tpu.memory_space<vmem>>) target(%dma_start3A_185 : memref<16384x1024xf32, #tpu.memory_space<hbm>>) offsets(%dma_start3A_182 : memref<16xi32, #tpu.memory_space<vmem>>) semaphore(%arg27 : memref<!tpu.dma_semaphore, #tpu.memory_space<semaphore_mem>>)
      } else {
      }
    }
    %gt3A_70 = arith.constant 0 : i32
    %gt3A_71 = arith.cmpi sgt, %select_n3A, %gt3A_70 : i32
    %convert_element_type3A_72 = arith.extui %gt3A_71 : i1 to i32
    %cond3A_73 = arith.constant 0 : i32
    %cond3A_74 = arith.cmpi ne, %convert_element_type3A_72, %cond3A_73 : i32
    scf.if %cond3A_74 {
      %dma_wait3A = arith.constant 0 : i32
      %dma_wait3A_100 = arith.constant 0 : i32
      %dma_wait3A_101 = tpu.memref_slice %arg4[%dma_wait3A, %dma_wait3A_100] : memref<16384x1024xf32, #tpu.memory_space<hbm>> -> memref<16x1024xf32, #tpu.memory_space<hbm>>
      %dma_wait3A_102 = arith.constant 0 : i32
      %dma_wait3A_103 = arith.constant 0 : i32
      %dma_wait3A_104 = tpu.memref_slice %arg4[%dma_wait3A_102, %dma_wait3A_103] : memref<16384x1024xf32, #tpu.memory_space<hbm>> -> memref<16x1024xf32, #tpu.memory_space<hbm>>
      tpu.wait_dma2 semaphore(%arg22 : memref<!tpu.dma_semaphore, #tpu.memory_space<semaphore_mem>>) src(%dma_wait3A_104 : memref<16x1024xf32, #tpu.memory_space<hbm>>) dst(%arg10 : memref<16x1024xf32, #tpu.memory_space<vmem>>)
    } else {
    }
    %gt3A_75 = arith.constant 1 : i32
    %gt3A_76 = arith.cmpi sgt, %select_n3A, %gt3A_75 : i32
    %convert_element_type3A_77 = arith.extui %gt3A_76 : i1 to i32
    %cond3A_78 = arith.constant 0 : i32
    %cond3A_79 = arith.cmpi ne, %convert_element_type3A_77, %cond3A_78 : i32
    scf.if %cond3A_79 {
      %dma_wait3A = arith.constant 0 : i32
      %dma_wait3A_100 = arith.constant 0 : i32
      %dma_wait3A_101 = tpu.memref_slice %arg4[%dma_wait3A, %dma_wait3A_100] : memref<16384x1024xf32, #tpu.memory_space<hbm>> -> memref<16x1024xf32, #tpu.memory_space<hbm>>
      %dma_wait3A_102 = arith.constant 0 : i32
      %dma_wait3A_103 = arith.constant 0 : i32
      %dma_wait3A_104 = tpu.memref_slice %arg4[%dma_wait3A_102, %dma_wait3A_103] : memref<16384x1024xf32, #tpu.memory_space<hbm>> -> memref<16x1024xf32, #tpu.memory_space<hbm>>
      tpu.wait_dma2 semaphore(%arg23 : memref<!tpu.dma_semaphore, #tpu.memory_space<semaphore_mem>>) src(%dma_wait3A_104 : memref<16x1024xf32, #tpu.memory_space<hbm>>) dst(%arg11 : memref<16x1024xf32, #tpu.memory_space<vmem>>)
    } else {
    }
    %gt3A_80 = arith.constant 2 : i32
    %gt3A_81 = arith.cmpi sgt, %select_n3A, %gt3A_80 : i32
    %convert_element_type3A_82 = arith.extui %gt3A_81 : i1 to i32
    %cond3A_83 = arith.constant 0 : i32
    %cond3A_84 = arith.cmpi ne, %convert_element_type3A_82, %cond3A_83 : i32
    scf.if %cond3A_84 {
      %dma_wait3A = arith.constant 0 : i32
      %dma_wait3A_100 = arith.constant 0 : i32
      %dma_wait3A_101 = tpu.memref_slice %arg4[%dma_wait3A, %dma_wait3A_100] : memref<16384x1024xf32, #tpu.memory_space<hbm>> -> memref<16x1024xf32, #tpu.memory_space<hbm>>
      %dma_wait3A_102 = arith.constant 0 : i32
      %dma_wait3A_103 = arith.constant 0 : i32
      %dma_wait3A_104 = tpu.memref_slice %arg4[%dma_wait3A_102, %dma_wait3A_103] : memref<16384x1024xf32, #tpu.memory_space<hbm>> -> memref<16x1024xf32, #tpu.memory_space<hbm>>
      tpu.wait_dma2 semaphore(%arg24 : memref<!tpu.dma_semaphore, #tpu.memory_space<semaphore_mem>>) src(%dma_wait3A_104 : memref<16x1024xf32, #tpu.memory_space<hbm>>) dst(%arg12 : memref<16x1024xf32, #tpu.memory_space<vmem>>)
    } else {
    }
    %gt3A_85 = arith.constant 3 : i32
    %gt3A_86 = arith.cmpi sgt, %select_n3A, %gt3A_85 : i32
    %convert_element_type3A_87 = arith.extui %gt3A_86 : i1 to i32
    %cond3A_88 = arith.constant 0 : i32
    %cond3A_89 = arith.cmpi ne, %convert_element_type3A_87, %cond3A_88 : i32
    scf.if %cond3A_89 {
      %dma_wait3A = arith.constant 0 : i32
      %dma_wait3A_100 = arith.constant 0 : i32
      %dma_wait3A_101 = tpu.memref_slice %arg4[%dma_wait3A, %dma_wait3A_100] : memref<16384x1024xf32, #tpu.memory_space<hbm>> -> memref<16x1024xf32, #tpu.memory_space<hbm>>
      %dma_wait3A_102 = arith.constant 0 : i32
      %dma_wait3A_103 = arith.constant 0 : i32
      %dma_wait3A_104 = tpu.memref_slice %arg4[%dma_wait3A_102, %dma_wait3A_103] : memref<16384x1024xf32, #tpu.memory_space<hbm>> -> memref<16x1024xf32, #tpu.memory_space<hbm>>
      tpu.wait_dma2 semaphore(%arg25 : memref<!tpu.dma_semaphore, #tpu.memory_space<semaphore_mem>>) src(%dma_wait3A_104 : memref<16x1024xf32, #tpu.memory_space<hbm>>) dst(%arg13 : memref<16x1024xf32, #tpu.memory_space<vmem>>)
    } else {
    }
    %gt3A_90 = arith.constant 4 : i32
    %gt3A_91 = arith.cmpi sgt, %select_n3A, %gt3A_90 : i32
    %convert_element_type3A_92 = arith.extui %gt3A_91 : i1 to i32
    %cond3A_93 = arith.constant 0 : i32
    %cond3A_94 = arith.cmpi ne, %convert_element_type3A_92, %cond3A_93 : i32
    scf.if %cond3A_94 {
      %dma_wait3A = arith.constant 0 : i32
      %dma_wait3A_100 = arith.constant 0 : i32
      %dma_wait3A_101 = tpu.memref_slice %arg4[%dma_wait3A, %dma_wait3A_100] : memref<16384x1024xf32, #tpu.memory_space<hbm>> -> memref<16x1024xf32, #tpu.memory_space<hbm>>
      %dma_wait3A_102 = arith.constant 0 : i32
      %dma_wait3A_103 = arith.constant 0 : i32
      %dma_wait3A_104 = tpu.memref_slice %arg4[%dma_wait3A_102, %dma_wait3A_103] : memref<16384x1024xf32, #tpu.memory_space<hbm>> -> memref<16x1024xf32, #tpu.memory_space<hbm>>
      tpu.wait_dma2 semaphore(%arg26 : memref<!tpu.dma_semaphore, #tpu.memory_space<semaphore_mem>>) src(%dma_wait3A_104 : memref<16x1024xf32, #tpu.memory_space<hbm>>) dst(%arg14 : memref<16x1024xf32, #tpu.memory_space<vmem>>)
    } else {
    }
    %gt3A_95 = arith.constant 5 : i32
    %gt3A_96 = arith.cmpi sgt, %select_n3A, %gt3A_95 : i32
    %convert_element_type3A_97 = arith.extui %gt3A_96 : i1 to i32
    %cond3A_98 = arith.constant 0 : i32
    %cond3A_99 = arith.cmpi ne, %convert_element_type3A_97, %cond3A_98 : i32
    scf.if %cond3A_99 {
      %dma_wait3A = arith.constant 0 : i32
      %dma_wait3A_100 = arith.constant 0 : i32
      %dma_wait3A_101 = tpu.memref_slice %arg4[%dma_wait3A, %dma_wait3A_100] : memref<16384x1024xf32, #tpu.memory_space<hbm>> -> memref<16x1024xf32, #tpu.memory_space<hbm>>
      %dma_wait3A_102 = arith.constant 0 : i32
      %dma_wait3A_103 = arith.constant 0 : i32
      %dma_wait3A_104 = tpu.memref_slice %arg4[%dma_wait3A_102, %dma_wait3A_103] : memref<16384x1024xf32, #tpu.memory_space<hbm>> -> memref<16x1024xf32, #tpu.memory_space<hbm>>
      tpu.wait_dma2 semaphore(%arg27 : memref<!tpu.dma_semaphore, #tpu.memory_space<semaphore_mem>>) src(%dma_wait3A_104 : memref<16x1024xf32, #tpu.memory_space<hbm>>) dst(%arg15 : memref<16x1024xf32, #tpu.memory_space<vmem>>)
    } else {
    }
    return
  }
}

module attributes {stable_mosaic.version = 14 : i64} {
  func.func @_proj_body(%arg0: i32, %arg1: memref<1024x256xf32, #tpu.memory_space<vmem>>, %arg2: memref<1024x256xf32, #tpu.memory_space<vmem>>, %arg3: memref<1024x1024xf32, #tpu.memory_space<vmem>>) attributes {dimension_semantics = [#tpu.dimension_semantics<arbitrary>], iteration_bounds = array<i64: 8>, scalar_prefetch = 0 : i64, scratch_operands = 0 : i64, tpu.core_type = #tpu.core_type<tc>, window_params = [{transform_indices = @transform_0, window_bounds = array<i64: 1024, 256>}, {pipeline_mode = #tpu.pipeline_mode<synchronous>, transform_indices = @transform_1, window_bounds = array<i64: 1024, 256>}, {transform_indices = @transform_2, window_bounds = array<i64: 1024, 1024>}]} {
    %get3A = arith.constant 0 : index
    %get3A_0 = arith.constant 0 : index
    %get3A_1 = vector.load %arg1[%get3A, %get3A_0] : memref<1024x256xf32, #tpu.memory_space<vmem>>, vector<1024x256xf32>
    %get3A_2 = arith.constant 0 : index
    %get3A_3 = arith.constant 0 : index
    %get3A_4 = vector.load %arg2[%get3A_2, %get3A_3] : memref<1024x256xf32, #tpu.memory_space<vmem>>, vector<1024x256xf32>
    %dot_general3A = arith.constant dense<0.000000e+00> : vector<1024x1024xf32>
    %dot_general3A_5 = tpu.matmul %get3A_1, %get3A_4, %dot_general3A {dimension_numbers = #tpu.dot_dimension_numbers<[1], [1], [0], [0], [0, 0, 1, 0], [], []>, transpose_lhs_hint = false} : vector<1024x256xf32>, vector<1024x256xf32>, vector<1024x1024xf32> -> vector<1024x1024xf32>
    %swap3A = arith.constant 0 : index
    %swap3A_6 = arith.constant 0 : index
    %swap3A_7 = vector.load %arg3[%swap3A, %swap3A_6] : memref<1024x1024xf32, #tpu.memory_space<vmem>>, vector<1024x1024xf32>
    tpu.vector_store %arg3[%swap3A, %swap3A_6], %dot_general3A_5 {strides = array<i32>} : memref<1024x1024xf32, #tpu.memory_space<vmem>>, vector<1024x1024xf32>,
    return
  }
  func.func @transform_0(%arg0: i32) -> (i32, i32) {
    %c0_i32 = arith.constant 0 : i32
    %c0_i32_0 = arith.constant 0 : i32
    return %arg0, %c0_i32 : i32, i32
  }
  func.func @transform_1(%arg0: i32) -> (i32, i32) {
    %c0_i32 = arith.constant 0 : i32
    %c0_i32_0 = arith.constant 0 : i32
    %c0_i32_1 = arith.constant 0 : i32
    return %c0_i32, %c0_i32_0 : i32, i32
  }
  func.func @transform_2(%arg0: i32) -> (i32, i32) {
    %c0_i32 = arith.constant 0 : i32
    %c0_i32_0 = arith.constant 0 : i32
    return %arg0, %c0_i32 : i32, i32
  }
}

</mosaic_0001>

<sc_bundles>
// kernel: kernel.5.cloned.1.call-start
scs
__scs_entry_jumppad:
0x0: {  	(pc) =	sbr.rel $0x88, $3  }
0x1: {  	(tag) =	ssettag $0x0;
	lr =	simm.s32 $0x1  }
0x2: {  	[smem:$0x3F9B] =	sst lr;
	_ =	strace $0xD0000000  }
0x3: {  	_ = 	snop  }
0x4: {  	_ = 	snop  }
0x5: {  	_ = 	snop  }
0x6: {  	_ = 	snop  }
0x7: {  	_ = 	snop  }
__scs_overlays_trampoline_lowered:
0x8: {  	[smem:$0x3FAA] =	sst s0  }
0x9: {  	[smem:$0x3FAB] =	sst s1  }
0xa: {  	[smem:$0x3FAC] =	sst s2  }
0xb: {  	[smem:$0x3FAD] =	sst s3  }
0xc: {  	[smem:$0x3FAE] =	sst s4  }
0xd: {  	[smem:$0x3FAF] =	sst s5  }
0xe: {  	[smem:$0x3FB0] =	sst s6  }
0xf: {  	[smem:$0x3FB1] =	sst s7  }
0x10: {  	[smem:$0x3FB2] =	sst s8  }
0x11: {  	[smem:$0x3FB3] =	sst s9;
	s0 =	simm.s32 @!p0 $0x0  }
0x12: {  	s1 =	sld [smem:$0x3F99];
	s0 =	simm.s32 @p0 $0x1  }
0x13: {  	[smem:$0x3FB4] =	sst s0;
	s0 =	simm.s32 @!p1 $0x0  }
0x14: {  	s2 =	sld [smem:$0x3F98];
	s0 =	simm.s32 @p1 $0x1  }
0x15: {  	[smem:$0x3FB5] =	sst s0;
	s0 =	simm.s32 @!p2 $0x0  }
0x16: {  	s3 =	sld [smem:$0x3FDB];
	s0 =	simm.s32 @p2 $0x1  }
0x17: {  	s4 =	simm.s32 $0x1BF5;
	[smem:$0x3FB7] =	sst s0  }
0x18: {  	s0 =	sld [smem:$0x3F9A];
	_ =	swait.ge [sflag:s4], $0x0  }
0x19: {  	s7 =	sld [smem:$0x3F9B]  }
0x1a: {  	s8 =	sadd.s32 $0xFFFFE003, lr  }
0x1b: {  	s9 =	sadd.s32 $0xFFFFFEF7, lr;
	s5 =	simm.s32 $0xFFFFFFFF;
	p2 =	slt.u32 s8, $0xFFFFF086  }
0x1c: {  	p1 =	slt.u32 s9, $0xF7A;
	s5 =	simm.s32 @!p2 $0x0  }
0x1d: {  	s5 =	simm.s32 @p1 $0x1;
	p0 =	seq.s32 s7, s2  }
0x1e: {  	s7 =	smul.u32 @!p0 $0xF7A, s2;
	p2 =	seq.s32 @!p0 s5, $0x0  }
0x1f: {  	s9 =	smul.u32 $0xF7A, s1;
	s8 =	simm.s32 @!p0 $0x1BF5;
	p2 =	por !p2, p0  }
0x20: {  	[sflag:s8] =	ssyncset.s32 @!p0 $0xFFFFF086;
	s6 =	sadd.s32 @!p0 s3, s7;
	s7 =	simm.s32 @!p0 $0x108  }
0x21: {  	s3 =	sadd.s32 s3, s9;
	s6 =	sadd.s32 @!p0 $0x88, s6;
	s7 =	simm.s32 @p2 $0x1082  }
0x22: {  	[simem:s7], [sflag:s8] =	dma.local @!p0 [hbm:s6], $0xF7A  }
0x23: {  	s9 =	sor.u32 $0xD0000000, s2;
	s6 =	simm.s32 $0x108;
	_ =	swait.ge @!p0 [sflag:s8], $0x0  }
0x24: {  	s3 =	sadd.s32 $0x88, s3;
	s6 =	simm.s32 @!p1 $0x1082;
	[sflag:s4] =	ssyncset.s32 $0xFFFFF086  }
0x25: {  	[simem:s6], [sflag:s4] =	dma.local [hbm:s3], $0xF7A  }
0x26: {  	[smem:$0x3F9B] =	sst s1;
	(tag) =	ssettag s2;
	_ =	strace s9  }
0x27: {  	s1 =	sld [smem:$0x3FAB]  }
0x28: {  	s2 =	sld [smem:$0x3FAC]  }
0x29: {  	s4 =	sld [smem:$0x3FAE]  }
0x2a: {  	p0 =	seq.s32 s5, $0x0;
	s5 =	sld [smem:$0x3FAF]  }
0x2b: {  	s6 =	sld [smem:$0x3FB0]  }
0x2c: {  	s7 =	sld [smem:$0x3FB1]  }
0x2d: {  	s3 =	simm.s32 $0x108;
	s8 =	sld [smem:$0x3FB2]  }
0x2e: {  	s3 =	simm.s32 @!p0 $0x1082;
	s9 =	sld [smem:$0x3FB3]  }
0x2f: {  	lr =	sadd.s32 s0, s3;
	s0 =	sld [smem:$0x3FAA]  }
0x30: {  	s3 =	sld [smem:$0x3FAD]  }
0x31: {  	[smem:$0x3FB6] =	sst s10  }
0x32: {  	s10 =	sld [smem:$0x3FB4];
	_ =	sdelay $0x3  }
0x33: {  	p0 =	seq.s32 s10, $0x1;
	s10 =	sld [smem:$0x3FB6];
	_ =	sdelay $0x3  }
0x34: {  	[smem:$0x3FB6] =	sst s10  }
0x35: {  	s10 =	sld [smem:$0x3FB5];
	_ =	sdelay $0x3  }
0x36: {  	p1 =	seq.s32 s10, $0x1;
	s10 =	sld [smem:$0x3FB6];
	_ =	sdelay $0x3  }
0x37: {  	[smem:$0x3FB6] =	sst s10  }
0x38: {  	s10 =	sld [smem:$0x3FB7]  }
0x39: {  	_ = 	snop;
	(pc) =	sbr.ind lr, $3  }
0x3a: {  	_ = 	snop  }
0x3b: {  	_ = 	snop  }
0x3c: {  	p2 =	seq.s32 s10, $0x1;
	s10 =	sld [smem:$0x3FB6]  }
0x3d: {  	_ =	shalt  }
0x3e: {  	_ =	shalt  }
0x3f: {  	_ =	shalt  }
0x40: {  	_ =	shalt  }
0x41: {  	_ =	shalt  }
0x42: {  	_ =	shalt  }
0x43: {  	_ =	shalt  }
0x44: {  	_ =	shalt  }
0x45: {  	_ =	shalt  }
0x46: {  	_ =	shalt  }
0x47: {  	_ =	shalt  }
0x48: {  	_ =	shalt  }
0x49: {  	_ =	shalt  }
0x4a: {  	_ =	shalt  }
0x4b: {  	_ =	shalt  }
0x4c: {  	_ =	shalt  }
0x4d: {  	_ =	shalt  }
0x4e: {  	_ =	shalt  }
0x4f: {  	_ =	shalt  }
0x50: {  	_ =	shalt  }
0x51: {  	_ =	shalt  }
0x52: {  	_ =	shalt  }
0x53: {  	_ =	shalt  }
0x54: {  	_ =	shalt  }
0x55: {  	_ =	shalt  }
0x56: {  	_ =	shalt  }
0x57: {  	_ =	shalt  }
0x58: {  	_ =	shalt  }
0x59: {  	_ =	shalt  }
0x5a: {  	_ =	shalt  }
0x5b: {  	_ =	shalt  }
0x5c: {  	_ =	shalt  }
0x5d: {  	_ =	shalt  }
0x5e: {  	_ =	shalt  }
0x5f: {  	_ =	shalt  }
0x60: {  	_ =	shalt  }
0x61: {  	_ =	shalt  }
0x62: {  	_ =	shalt  }
0x63: {  	_ =	shalt  }
0x64: {  	_ =	shalt  }
0x65: {  	_ =	shalt  }
0x66: {  	_ =	shalt  }
0x67: {  	_ =	shalt  }
0x68: {  	_ =	shalt  }
0x69: {  	_ =	shalt  }
0x6a: {  	_ =	shalt  }
0x6b: {  	_ =	shalt  }
0x6c: {  	_ =	shalt  }
0x6d: {  	_ =	shalt  }
0x6e: {  	_ =	shalt  }
0x6f: {  	_ =	shalt  }
0x70: {  	_ =	shalt  }
0x71: {  	_ =	shalt  }
0x72: {  	_ =	shalt  }
0x73: {  	_ =	shalt  }
0x74: {  	_ =	shalt  }
0x75: {  	_ =	shalt  }
0x76: {  	_ =	shalt  }
0x77: {  	_ =	shalt  }
0x78: {  	_ =	shalt  }
0x79: {  	_ =	shalt  }
0x7a: {  	_ =	shalt  }
0x7b: {  	_ =	shalt  }
0x7c: {  	_ =	shalt  }
0x7d: {  	_ =	shalt  }
0x7e: {  	_ =	shalt  }
0x7f: {  	_ =	shalt  }
0x80: {  	_ =	shalt  }
0x81: {  	_ =	shalt  }
0x82: {  	_ =	shalt  }
0x83: {  	_ =	shalt  }
0x84: {  	_ =	shalt  }
0x85: {  	_ =	shalt  }
0x86: {  	_ =	shalt  }
0x87: {  	_ =	shalt  }
.Lfunc_end0:
.L_simem_size_0:
called_computation_lowered:
.L_overlay_start_0:
0x88: {  	s2 =	sld [smem:$0x3FD9]  }
0x89: {  	s3 =	sld [smem:$0x3FFE];
	_ =	sdelay $0x1  }
0x8a: {  	s1 =	srdreg.scid  }
0x8b: {  	s0 =	sand.u32 $0x1, s1  }
0x8c: {  	s17 =	sshll.u32 s0, $0xA;
	s2 =	sadd.s32 s3, s2  }
0x8d: {  	s2 =	sadd.s32 s2, s17  }
0x8e: {  	[smem:$0x3FC2] =	sst s2  }
0x8f: {  	_ = 	snop  }
0x90: {  	s2 =	sld [smem:$0x3FC8]  }
0x91: {  	s18 =	sld [smem:$0x3FC7]  }
0x92: {  	s4 =	sld [smem:$0x3FC6]  }
0x93: {  	s5 =	sld [smem:$0x3FD0];
	(tm) =	ssettm $0x1  }
0x94: {  	s6 =	sld [smem:$0x3FFB];
	_ =	sdelay $0x3  }
0x95: {  	_ =	strace s6  }
0x96: {  	s6 =	sld [smem:$0x3FFC];
	_ =	sdelay $0x3  }
0x97: {  	_ =	strace s6  }
0x98: {  	s6 =	sld [smem:$0x3FFD];
	_ =	sdelay $0x3  }
0x99: {  	_ =	strace s6  }
0x9a: {  	_ =	strace $0x8FFFFFFF  }
0x9b: {  	s19 =	sld [smem:$0x3FDB];
	_ =	sdelay $0x1  }
0x9c: {  	s7 =	simm.s32 $_scs_section_size  }
0x9d: {  	s8 =	simm.s32 $_size__tile_overlayer_lowered;
	s9 =	simm.s32 $_tile_overlayer_lowered  }
0x9e: {  	s22 =	simm.s32 $0x1BFF;
	s21 =	sshll.u32 s9, $0x1;
	s6 =	sadd.s32 s7, s19  }
0x9f: {  	s10 =	simm.s32 $0x0;
	s20 =	sshll.u32 s8, $0x1;
	s8 =	sadd.s32 s21, s6  }
0xa0: {  	[timem:s10], [sflag:s22] =	dma.local [hbm:s8], s20  }
0xa1: {  	_ =	swait.ge [sflag:s22], s20  }
0xa2: {  	s7 =	ssub.s32 $0x0, s20;
	[sflag:s22] =	ssyncset.done $0x0  }
0xa3: {  	[sflag:s22] =	ssyncadd.s32 s7;
	_ =	sdelay $0x1  }
0xa4: {  	s23 =	simm.s32 $0x1B8B  }
0xa5: {  	_ =	swait.ge [sflag:s23], $0x1  }
0xa6: {  	[sflag:s23] =	ssyncset.done $0x0  }
0xa7: {  	s25 =	simm.s32 $0x1B8E;
	s24 =	sld [smem:$0x3FFE];
	[sflag:s23] =	ssyncadd.s32 $0xFFFFFFFF  }
0xa8: {  	s26 =	simm.s32 $execute0_lowered;
	[smem:$0x3FD2] =	sst s25  }
0xa9: {  	s8 =	sshll.u32 s26, $0x1;
	_ =	strace $0x80000046;
	[dreg:$0x1] =	wrdreg $0xFFFFFFFF  }
0xaa: {  	s28 =	simm.s32 $_size_execute0_lowered;
	s6 =	sadd.s32 s6, s8;
	[dreg:$0x0] =	wrdreg $0x0  }
0xab: {  	s8 =	sshll.u32 s28, $0x1;
	[dreg:$0x2] =	wrdreg s6  }
0xac: {  	[dreg:$0x3] =	wrdreg s8  }
0xad: {  	[dreg:$0x4] =	wrdreg $0xC0  }
0xae: {  	_ =	task [dreg:s10], $0x5FFFF  }
0xaf: {  	[dreg:$0x1] =	wrdreg $0xFFFFFFFF  }
0xb0: {  	[dreg:$0x0] =	wrdreg $0x60  }
0xb1: {  	[dreg:$0x2] =	wrdreg s2  }
0xb2: {  	[dreg:$0x3] =	wrdreg s4  }
0xb3: {  	[dreg:$0x4] =	wrdreg s18  }
0xb4: {  	[dreg:$0x5] =	wrdreg s24  }
0xb5: {  	[dreg:$0x6] =	wrdreg s5  }
0xb6: {  	[dreg:$0x7] =	wrdreg $0x9  }
0xb7: {  	_ =	task.clear_ibuf [dreg:s10], $0x8FFFF;
	_ =	strace $0x90000046  }
0xb8: {  	s29 =	simm.s32 $0x9;
	_ =	strace $0x80000048  }
0xb9: {  	_ =	swait.ge [sflag:s29], $0x1  }
0xba: {  	[sflag:s29] =	ssyncadd.s32 $0xFFFFFFFF  }
0xbb: {  	_ =	strace $0x90000048  }
0xbc: {  	_ =	sfence  }
0xbd: {  	s30 =	sld [smem:$0x0];
	_ =	sdelay $0x2  }
0xbe: {  	s31 =	sshll.u32 s1, $0xD;
	s1 =	sshrl.u32 s1, $0x2  }
0xbf: {  	s3 =	sand.u32 $0x4000, s31;
	s1 =	sadd.s32 s1, s30  }
0xc0: {  	s0 =	sor.u32 s3, s0;
	s1 =	sshll.u32 s1, $0x11  }
0xc1: {  	s0 =	sor.u32 s1, s0  }
0xc2: {  	s0 =	sadd.s32 $0x8F2B, s0  }
0xc3: {  	[sflag:s0] =	ssyncadd.remote.s32 $0x1  }
0xc4: {  	_ =	sfence.sel $0xFFFF  }
0xc5: {  	[dreg:$0x0] =	wrdreg $0xFFFFFFFF;
	(pc) =	sbr.abs _section_cstart, $3  }
0xc6: {  	[dreg:$0x1] =	wrdreg $0xFFFFFFFF  }
0xc7: {  	_ =	task.clear_ibuf [dreg:s10], $0x2FFFF;
	_ =	strace $0x9FFFFFFF  }
0xc8: {  	(tm) =	ssettm $0x7FFFFFFF  }
0xc9: {  	_ =	shalt  }
tec
execute0_lowered:
.L_overlay_start_1:
0x0: {  	(tag) =	ssettag $0x1  }
0x1: {  	s4 =	rddreg [dreg:$0x0]  }
0x2: {  	s5 =	rddreg [dreg:$0x1]  }
0x3: {  	s6 =	rddreg [dreg:$0x2]  }
0x4: {  	s0 =	srdreg.scid;
	s1 =	rddreg [dreg:$0x3]  }
0x5: {  	s2 =	stileid.u32;
	s10 =	rddreg [dreg:$0x4];
	s0 =	sand.u32 $0x1, s0  }
0x6: {  	s23 =	simm.s32 $0x200;
	s2 =	sshll.u32 s2, $0xA;
	s3 =	sshll.u32 s0, $0x9  }
0x7: {  	s24 =	simm.s32 $0x980;
	s28 =	simm.s32 $0x700;
	s2 =	sor.u32 s3, s2  }
0x8: {  	s29 =	simm.s32 $0xE80;
	s3 =	simm.s32 $0x0;
	[dreg:$0x6] =	wrdreg s2  }
0x9: {  	s8 =	sadd.s32 $0x100, s4;
	s26 =	sadd.s32 $0x100, s5;
	[smem:$0x7FF] =	sst s3  }
0xa: {  	s30 =	sadd.s32 $0x200, s5;
	_ =	strace $0x80000047;
	[dreg:$0xb] =	wrdreg s26  }
0xb: {  	s9 =	sadd.s32 $0x200, s4;
	s31 =	sadd.s32 $0x300, s5;
	[dreg:$0xc] =	wrdreg s30  }
0xc: {  	s11 =	sadd.s32 $0x300, s4;
	s12 =	sadd.s32 $0x100, s10;
	[dreg:$0xd] =	wrdreg s31  }
0xd: {  	s13 =	sadd.s32 $0x200, s10;
	s14 =	sadd.s32 $0x300, s10;
	[dreg:$0x8] =	wrdreg s8  }
0xe: {  	s19 =	sadd.s32 $0x100, s6;
	s0 =	ssub.s32 $0x2, s0;
	[dreg:$0x9] =	wrdreg s9  }
0xf: {  	s22 =	sadd.s32 $0x300, s6;
	s25 =	sshrl.u32 s0, $0x1;
	[dreg:$0xa] =	wrdreg s11  }
.Ltmp0:
0x10: {  	s0 =	ssub.s32 s0, s25;
	[dreg:$0xe] =	wrdreg s19;
	(pc) =	sbr.rel .LBB2_1-.Ltmp0, $4  }
0x11: {  	s2 =	sshrl.u32 s2, $0x3;
	s0 =	smax.u32 s0, $0x1;
	[dreg:$0x10] =	wrdreg s22  }
0x12: {  	s1 =	sadd.s32 s2, s1;
	s30 =	sadd.s32 $0x200, s6;
	[dreg:$0x11] =	wrdreg s0  }
0x13: {  	s25 =	simm.s32 $0x480;
	s1 =	sadd.s32 $0xC00, s1;
	[dreg:$0xf] =	wrdreg s30  }
0x14: {  	v0 =	vlaneseq.u32;
	v1 =	vimm.s32 $0x0;
	s26 =	simm.s32 $0xC00;
	s2 =	simm.s32 $0x0;
	[dreg:$0x7] =	wrdreg s1  }
.LBB2_26:
0x15: {  	s0 =	sld [smem:$0x7F6];
	_ =	sdelay $0x2  }
0x16: {  	s1 =	sld [smem:$0x7F7];
	p1 =	seq.s32 s0, $0x1  }
0x17: {  	p0 =	slt.s32 s31, $0x1;
	p1 =	por !p1, !p1  }
0x18: {  	p0 =	por !p1, !p0  }
0x19: {  	p2 =	seq.s32 s1, $0x1;
	p0 =	por !p0, !p0  }
0x1a: {  	p4 =	slt.s32 s31, $0x2;
	p2 =	por !p2, !p2;
	s0 =	simm.s32 @!p0 $0x7  }
0x1b: {  	p1 =	por !p2, !p4;
	_ =	swait.ge @!p0 [sflag:s0], $0x4000  }
0x1c: {  	p1 =	por !p1, !p1;
	[sflag:s0] =	ssyncset.done @!p0 $0x0  }
0x1d: {  	[sflag:s0] =	ssyncadd.s32 @!p0 $0xFFFFC000;
	s0 =	simm.s32 @!p1 $0x8  }
0x1e: {  	_ =	swait.ge @!p1 [sflag:s0], $0x4000  }
0x1f: {  	s21 =	sld [smem:$0x7F8];
	_ =	sdelay $0x2  }
0x20: {  	s22 =	sld [smem:$0x7F9];
	p3 =	seq.s32 s21, $0x1  }
0x21: {  	p6 =	slt.s32 s31, $0x3;
	p2 =	por !p3, !p3  }
0x22: {  	p4 =	slt.s32 s31, $0x4;
	p0 =	por !p2, !p6  }
0x23: {  	[sflag:s0] =	ssyncset.done @!p1 $0x0;
	p6 =	seq.s32 s22, $0x1;
	p0 =	por !p0, !p0  }
0x24: {  	[sflag:s0] =	ssyncadd.s32 @!p1 $0xFFFFC000;
	p2 =	por !p6, !p6;
	s0 =	simm.s32 @!p0 $0x9  }
0x25: {  	p1 =	por !p2, !p4;
	_ =	swait.ge @!p0 [sflag:s0], $0x4000  }
0x26: {  	p1 =	por !p1, !p1;
	[sflag:s0] =	ssyncset.done @!p0 $0x0  }
0x27: {  	[sflag:s0] =	ssyncadd.s32 @!p0 $0xFFFFC000;
	s0 =	simm.s32 @!p1 $0xA  }
0x28: {  	_ =	swait.ge @!p1 [sflag:s0], $0x4000  }
0x29: {  	s30 =	sld [smem:$0x7FB]  }
0x2a: {  	p3 =	slt.s32 s31, $0x5;
	p4 =	por !p5, !p5  }
0x2b: {  	p5 =	slt.s32 s31, $0x6;
	p0 =	por !p4, !p3  }
0x2c: {  	p0 =	por !p0, !p0;
	[sflag:s0] =	ssyncset.done @!p1 $0x0;
	p6 =	seq.s32 s30, $0x1  }
0x2d: {  	[sflag:s0] =	ssyncadd.s32 @!p1 $0xFFFFC000;
	s0 =	simm.s32 @!p0 $0xB;
	p2 =	por !p6, !p6  }
0x2e: {  	_ =	swait.ge @!p0 [sflag:s0], $0x4000;
	p1 =	por !p2, !p5  }
0x2f: {  	[sflag:s0] =	ssyncset.done @!p0 $0x0;
	p1 =	por !p1, !p1  }
0x30: {  	[sflag:s0] =	ssyncadd.s32 @!p0 $0xFFFFC000;
	s0 =	simm.s32 @!p1 $0xC  }
0x31: {  	_ =	swait.ge @!p1 [sflag:s0], $0x4000  }
0x32: {  	s2 =	rddreg [dreg:$0x12]  }
0x33: {  	s31 =	rddreg [dreg:$0x11];
	s2 =	sadd.s32 $0x1, s2  }
0x34: {  	p0 =	sne.s32 s2, s31  }
.Ltmp1:
0x35: {  	_ = 	snop;
	(pc) =	sbr.rel @!p0 .LBB2_27-.Ltmp1, $3  }
0x36: {  	_ =	sdelay $0x1  }
0x37: {  	[sflag:s0] =	ssyncset.done @!p1 $0x0  }
0x38: {  	s3 =	simm.s32 $0x0;
	[sflag:s0] =	ssyncadd.s32 @!p1 $0xFFFFC000  }
.LBB2_1:
0x39: {  	[dreg:$0x12] =	wrdreg s2  }
0x3a: {  	s0 =	rddreg [dreg:$0x7];
	s21 =	simm.s32 $0xD  }
0x3b: {  	[tilespmem:s3], [sflag:$0xD] =	stream.linear.gather [hbm4b:s0+s3], $0x200, $0x38;
	[tilespmem:$0x1CD00] =	vst v63  }
0x3c: {  	_ =	swait.ge [sflag:s21], $0x200  }
0x3d: {  	[sflag:s21] =	ssyncset.done $0x0  }
0x3e: {  	s22 =	simm.s32 $0x0;
	[sflag:s21] =	ssyncadd.s32 $0xFFFFFE00  }
0x3f: {  	v2 =	vld [tilespmem:s22+$0x0];
	_ =	sdelay $0x4  }
0x40: {  	vm0 =	vlt.u32 v2, $0xC350  }
0x41: {  	v4 =	vsel vm0, $0x1, v1  }
0x42: {  	(xrf0) =	vadd.scan.msk.s32 $0xffff, v4;
	_ =	sdelay $0x5  }
0x43: {  	v6, _, _ =	vpop (xrf0)  }
0x44: {  	(v2sf) =	vpush v6, $0xF;
	_ =	sdelay $0x2  }
0x45: {  	v3 =	vadd.s32 $0xFFFF3CB0, v2  }
0x46: {  	vm1 =	vlt.u32 v3, $0x3E8  }
0x47: {  	v5 =	vadd.s32 $0xFFFF38C8, v2;
	v4 =	vsel vm1, $0x1, v1  }
0x48: {  	vm2 =	vlt.u32 v5, $0x1388;
	(xrf0) =	vadd.scan.msk.s32 $0xffff, v4  }
0x49: {  	v4 =	vsel vm2, $0x1, v1  }
0x4a: {  	(xrf0) =	vadd.scan.msk.s32 $0xffff, v4;
	_ =	sdelay $0x1  }
0x4b: {  	v7 =	vsel vm1, $0xFFFFFFFF, v1;
	v4 =	vsel vm0, $0xFFFFFFFF, v1  }
0x4c: {  	v7 =	vadd.s32 s3, v7;
	v4 =	vadd.s32 s3, v4  }
0x4d: {  	v4 =	vadd.s32 v6, v4;
	v6, _, _ =	vpop (xrf0)  }
0x4e: {  	(v2sf) =	vpush v6, $0xF  }
0x4f: {  	v8 =	vsel vm2, $0xFFFFFFFF, v1;
	v6 =	vadd.s32 v6, v7;
	v7, _, _ =	vpop (xrf0)  }
0x50: {  	v8 =	vadd.s32 s3, v8;
	s31 =	spop (v2sf);
	(v2sf) =	vpush v7, $0xF  }
0x51: {  	s1 =	rddreg [dreg:$0x6];
	v8 =	vadd.s32 v7, v8  }
0x52: {  	v9 =	vor.u32 s1, v0;
	[tilespmem:v4+s23+$0x0] =	vst.idx.msk vm0, v2  }
0x53: {  	[tilespmem:v4+s24+$0x0] =	vst.idx.msk vm0, v9  }
0x54: {  	[tilespmem:v6+s25+$0x0] =	vst.idx.msk vm1, v3  }
0x55: {  	[tilespmem:v6+s26+$0x0] =	vst.idx.msk vm1, v9  }
0x56: {  	[tilespmem:v8+s28+$0x0] =	vst.idx.msk vm2, v5  }
0x57: {  	s30 =	simm.s32 $0x10;
	[tilespmem:v8+s29+$0x0] =	vst.idx.msk vm2, v9  }
0x58: {  	v2 =	vld [tilespmem:s30+$0x0];
	_ =	sdelay $0x3  }
0x59: {  	s6 =	simm.s32 $0x80;
	s2 =	simm.s32 $0x0;
	s1 =	sadd.s32 $0x10, s1  }
0x5a: {  	s3 =	simm.s32 $0x0;
	s0 =	sadd.s32 $0x0, s31;
	vm0 =	vlt.u32 v2, $0xC350;
	v4 =	vadd.s32 $0xFFFF3CB0, v2;
	v3 =	vadd.s32 $0xFFFF38C8, v2;
	s5 =	spop (v2sf)  }
.LBB2_2:
0x5b: {  	s3 =	sadd.s32 s3, s5  }
0x5c: {  	v5 =	vsel vm0, $0x1, v1;
	vm2 =	vlt.u32 v4, $0x3E8;
	vm1 =	vlt.u32 v3, $0x1388;
	s5 =	spop (v2sf);
	s7 =	smov.u32 s6;
	s4 =	sadd.s32 $0x40, s6  }
0x5d: {  	p0 =	sne.s32 s6, $0x7C0;
	v6 =	vsel vm2, $0xFFFFFFFF, v1;
	v7 =	vsel vm2, $0x1, v1;
	v8 =	vsel vm1, $0x1, v1;
	(xrf0) =	vadd.scan.msk.s32 $0xffff, v5;
	s2 =	sadd.s32 s2, s5  }
0x5e: {  	v5 =	vsel vm1, $0xFFFFFFFF, v1;
	(xrf0) =	vadd.scan.msk.s32 $0xffff, v7  }
0x5f: {  	(xrf0) =	vadd.scan.msk.s32 $0xffff, v8;
	_ =	sdelay $0x2  }
0x60: {  	v7 =	vsel vm0, $0xFFFFFFFF, v1  }
0x61: {  	v7 =	vadd.s32 s0, v7;
	v8, _, _ =	vpop (xrf0)  }
0x62: {  	v7 =	vadd.s32 v8, v7;
	(v2sf) =	vpush v8, $0xF;
	v8, _, _ =	vpop (xrf0)  }
0x63: {  	v6 =	vadd.s32 s3, v6;
	(v2sf) =	vpush v8, $0xF;
	v9, _, _ =	vpop (xrf0)  }
0x64: {  	v6 =	vadd.s32 v8, v6;
	(v2sf) =	vpush v9, $0xF  }
0x65: {  	v5 =	vadd.s32 s2, v5  }
0x66: {  	v5 =	vadd.s32 v9, v5  }
0x67: {  	v8 =	vor.u32 s1, v0;
	[tilespmem:v7+s23+$0x0] =	vst.idx.msk vm0, v2  }
0x68: {  	[tilespmem:v7+s24+$0x0] =	vst.idx.msk vm0, v8  }
0x69: {  	[tilespmem:v6+s25+$0x0] =	vst.idx.msk vm2, v4  }
0x6a: {  	[tilespmem:v6+s26+$0x0] =	vst.idx.msk vm2, v8  }
0x6b: {  	[tilespmem:v5+s28+$0x0] =	vst.idx.msk vm1, v3  }
0x6c: {  	s5 =	sshra.s32 s7, $0x2;
	[tilespmem:v5+s29+$0x0] =	vst.idx.msk vm1, v8  }
0x6d: {  	v2 =	vld [tilespmem:s5+$0x0]  }
.Ltmp2:
0x6e: {  	(pc) =	sbr.rel @p0 .LBB2_2-.Ltmp2, $3  }
0x6f: {  	_ =	sdelay $0x1  }
0x70: {  	s6 =	smov.u32 s4;
	s5 =	spop (v2sf)  }
0x71: {  	s1 =	sadd.s32 $0x10, s1;
	vm0 =	vlt.u32 v2, $0xC350;
	v4 =	vadd.s32 $0xFFFF3CB0, v2;
	v3 =	vadd.s32 $0xFFFF38C8, v2;
	s0 =	sadd.s32 s0, s5;
	s5 =	spop (v2sf)  }
0x72: {  	v5 =	vsel vm0, $0x1, v1  }
0x73: {  	(xrf0) =	vadd.scan.msk.s32 $0xffff, v5;
	_ =	sdelay $0x5  }
0x74: {  	v5, _, _ =	vpop (xrf0)  }
0x75: {  	vm1 =	vlt.u32 v4, $0x3E8;
	(v2sf) =	vpush v5, $0xF  }
0x76: {  	v6 =	vsel vm1, $0x1, v1  }
0x77: {  	vm2 =	vlt.u32 v3, $0x1388;
	(xrf0) =	vadd.scan.msk.s32 $0xffff, v6  }
0x78: {  	v60 =	vsel vm2, $0x1, v1  }
0x79: {  	(xrf0) =	vadd.scan.msk.s32 $0xffff, v60  }
0x7a: {  	v61 =	vsel vm0, $0xFFFFFFFF, v1  }
0x7b: {  	v6 =	vadd.s32 s0, v61  }
0x7c: {  	s3 =	sadd.s32 s3, s5;
	v7 =	vsel vm1, $0xFFFFFFFF, v1;
	v5 =	vadd.s32 v5, v6  }
0x7d: {  	s4 =	spop (v2sf);
	v7 =	vadd.s32 s3, v7;
	v62, _, _ =	vpop (xrf0)  }
0x7e: {  	s2 =	sadd.s32 s2, s4;
	v8 =	vsel vm2, $0xFFFFFFFF, v1;
	(v2sf) =	vpush v62, $0xF;
	v6 =	vadd.s32 v62, v7  }
0x7f: {  	v8 =	vadd.s32 s2, v8;
	v63, _, _ =	vpop (xrf0)  }
0x80: {  	v8 =	vadd.s32 v63, v8  }
0x81: {  	v9 =	vor.u32 s1, v0;
	[tilespmem:v5+s23+$0x0] =	vst.idx.msk vm0, v2  }
0x82: {  	[tilespmem:v5+s24+$0x0] =	vst.idx.msk vm0, v9  }
0x83: {  	[tilespmem:v6+s25+$0x0] =	vst.idx.msk vm1, v4  }
0x84: {  	[tilespmem:v6+s26+$0x0] =	vst.idx.msk vm1, v9;
	s21 =	spop (v2sf)  }
0x85: {  	[tilespmem:v8+s28+$0x0] =	vst.idx.msk vm2, v3;
	s0 =	sadd.s32 s0, s21  }
0x86: {  	[tilespmem:v8+s29+$0x0] =	vst.idx.msk vm2, v9;
	p0 =	slt.s32 s0, $0x1  }
0x87: {  	(v2sf) =	vpush v63, $0xF;
	v2 =	vld.msk @!p0 [tilespmem:$0x200 ss:$0x0], $0xffff;
	_ =	sdelay $0x1  }
0x88: {  	v3 =	vld.msk @!p0 [tilespmem:$0x980 ss:$0x0], $0xffff;
	_ =	sdelay $0x2  }
0x89: {  	[tilespmem:s0+$0x200] =	vst @!p0 v2  }
0x8a: {  	s22 =	spop (v2sf);
	[tilespmem:s0+$0x210] =	vst @!p0 v2  }
0x8b: {  	s3 =	sadd.s32 s3, s22;
	[tilespmem:s0+$0x980] =	vst @!p0 v3  }
0x8c: {  	[tilespmem:s0+$0x990] =	vst @!p0 v3;
	p0 =	slt.s32 s3, $0x1  }
0x8d: {  	v2 =	vld.msk @!p0 [tilespmem:$0x480 ss:$0x0], $0xffff;
	_ =	sdelay $0x1  }
0x8e: {  	v3 =	vld.msk @!p0 [tilespmem:$0xC00 ss:$0x0], $0xffff;
	_ =	sdelay $0x2  }
0x8f: {  	[tilespmem:s3+$0x480] =	vst @!p0 v2  }
0x90: {  	[tilespmem:s3+$0x490] =	vst @!p0 v2;
	s30 =	spop (v2sf)  }
0x91: {  	[tilespmem:s3+$0xC00] =	vst @!p0 v3;
	s1 =	sadd.s32 s2, s30  }
0x92: {  	[tilespmem:s3+$0xC10] =	vst @!p0 v3;
	p0 =	slt.s32 s1, $0x1  }
0x93: {  	v2 =	vld.msk @!p0 [tilespmem:$0x700 ss:$0x0], $0xffff;
	_ =	sdelay $0x1  }
0x94: {  	v3 =	vld.msk @!p0 [tilespmem:$0xE80 ss:$0x0], $0xffff;
	_ =	sdelay $0x2  }
0x95: {  	[tilespmem:s1+$0x700] =	vst @!p0 v2  }
0x96: {  	[tilespmem:s1+$0x710] =	vst @!p0 v2  }
0x97: {  	[tilespmem:s1+$0xE80] =	vst @!p0 v3  }
0x98: {  	s31 =	simm.s32 $0x0;
	[tilespmem:s1+$0xE90] =	vst @!p0 v3  }
0x99: {  	v2 =	vld [tilespmem:s31+$0x980];
	_ =	sdelay $0x3  }
0x9a: {  	[dreg:$0x14] =	wrdreg s3;
	s3 =	simm.s32 $0x1100  }
0x9b: {  	[tilespmem:s3+$0x0] =	vst v2  }
0x9c: {  	v2 =	vld [tilespmem:s31+$0xC00];
	_ =	sdelay $0x3  }
0x9d: {  	[dreg:$0x13] =	wrdreg s1;
	s1 =	simm.s32 $0x2500  }
0x9e: {  	[tilespmem:s1+$0x0] =	vst v2  }
0x9f: {  	v2 =	vld [tilespmem:s31+$0xE80];
	_ =	sdelay $0x3  }
0xa0: {  	s2 =	simm.s32 $0x3900  }
0xa1: {  	s5 =	simm.s32 $0x80;
	s4 =	simm.s32 $0x10;
	[tilespmem:s2+$0x0] =	vst v2  }
.LBB2_4:
0xa2: {  	p0 =	sne.s32 s5, $0x840;
	v2 =	vld [tilespmem:s4+$0x980];
	_ =	sdelay $0x3  }
0xa3: {  	s3 =	sadd.s32 $0x80, s3  }
0xa4: {  	[tilespmem:s3+$0x0] =	vst v2  }
0xa5: {  	v2 =	vld [tilespmem:s4+$0xC00];
	_ =	sdelay $0x3  }
0xa6: {  	s1 =	sadd.s32 $0x80, s1  }
0xa7: {  	[tilespmem:s1+$0x0] =	vst v2  }
0xa8: {  	v2 =	vld [tilespmem:s4+$0xE80]  }
.Ltmp3:
0xa9: {  	(pc) =	sbr.rel @p0 .LBB2_4-.Ltmp3, $3  }
0xaa: {  	_ =	sdelay $0x1  }
0xab: {  	s2 =	sadd.s32 $0x80, s2  }
0xac: {  	s4 =	sshra.s32 s5, $0x2;
	s5 =	sadd.s32 $0x40, s5;
	[tilespmem:s2+$0x0] =	vst v2  }
0xad: {  	s0 =	sadd.s32 $0xF, s0  }
0xae: {  	s5 =	sand.u32 $0xF, s0  }
0xaf: {  	s6 =	sshra.s32 s0, $0x1F;
	p0 =	slt.s32 s0, $0x1;
	p1 =	sne.s32 s5, $0x0  }
0xb0: {  	s18 =	sshrl.u32 s6, $0x1C;
	p0 =	por !p0, !p1  }
0xb1: {  	s5 =	simm.s32 $0x1;
	s0 =	sadd.s32 s18, s0;
	p0 =	por !p0, !p0  }
0xb2: {  	s0 =	sshra.s32 s0, $0x4;
	s5 =	simm.s32 @!p0 $0x0  }
0xb3: {  	s16 =	ssub.s32 s0, s5  }
0xb4: {  	v2 =	vld [tilespmem:s4+$0x980];
	s0 =	sadd.s32 $0x5, s16  }
0xb5: {  	s19 =	smulhi.u32 $0x2AAAAAAB, s0;
	s0 =	sshra.s32 s0, $0x1F  }
0xb6: {  	s0 =	smul.u32 $0x2AAAAAAB, s0;
	_ =	sdelay $0x1  }
0xb7: {  	s3 =	sadd.s32 $0x80, s3;
	s0 =	sadd.s32 s0, s19  }
0xb8: {  	[tilespmem:s3+$0x0] =	vst v2;
	s20 =	sshrl.u32 s0, $0x1F  }
0xb9: {  	v2 =	vld [tilespmem:s4+$0xC00];
	s0 =	sadd.s32 s20, s0  }
0xba: {  	s3 =	smul.u32 $0xFFFFFFFA, s0  }
0xbb: {  	s21 =	ssub.s32 $0xFFFFFFFB, s16  }
0xbc: {  	p6 =	slt.s32 s16, $0xFFFFFFFC;
	p5 =	sne.s32 s3, s21  }
0xbd: {  	s1 =	sadd.s32 $0x80, s1;
	p0 =	por !p6, !p5  }
0xbe: {  	[tilespmem:s1+$0x0] =	vst v2;
	s1 =	simm.s32 $0x1;
	p0 =	por !p0, !p0  }
0xbf: {  	s1 =	simm.s32 @!p0 $0x0  }
0xc0: {  	s1 =	ssub.s32 s0, s1  }
0xc1: {  	v2 =	vld [tilespmem:s4+$0xE80];
	p0 =	slt.s32 s1, $0x1  }
.Ltmp4:
0xc2: {  	_ = 	snop;
	(pc) =	sbr.rel @p0 .LBB2_8-.Ltmp4, $4  }
0xc3: {  	s31 =	rddreg [dreg:$0x0]  }
0xc4: {  	s30 =	rddreg [dreg:$0x8]  }
0xc5: {  	s22 =	sadd.s32 $0x80, s2;
	s11 =	rddreg [dreg:$0xa]  }
0xc6: {  	[tilespmem:s22+$0x0] =	vst v2;
	s22 =	rddreg [dreg:$0x9]  }
0xc7: {  	s4 =	simm.s32 $0x0;
	s8 =	simm.s32 $0x1280;
	s21 =	simm.s32 $0x230  }
.LBB2_7:
0xc8: {  	p0 =	sge.s32 s4, s16  }
0xc9: {  	p1 =	seq.s32 @!p0 s4, $0x0  }
0xca: {  	p1 =	por p1, p0  }
0xcb: {  	s0 =	simm.s32 @!p1 $0x7  }
0xcc: {  	_ =	swait.ge @!p1 [sflag:s0], $0x4000  }
0xcd: {  	[sflag:s0] =	ssyncset.done @!p1 $0x0  }
0xce: {  	[sflag:s0] =	ssyncadd.s32 @!p1 $0xFFFFC000  }
0xcf: {  	v2 =	vld @!p0 [tilespmem:s21+$0xFFFFFFD0];
	_ =	sdelay $0x4  }
0xd0: {  	v3 =	vshll.u32 @!p0 v2, $0x3  }
0xd1: {  	v4 =	vlaneseq.u32 @!p0;
	v2 =	vand.u32 @!p0 $0x7, v2;
	v3 =	vand.u32 @!p0 $0xFFFFFFC0, v3  }
0xd2: {  	v5 =	vor.u32 @!p0 v2, v3;
	v3 =	vand.u32 @!p0 $0x7, v4;
	v2 =	vshrl.u32 @!p0 v4, $0x3  }
0xd3: {  	v6 =	vperm.xlane @!p0 v5, v3;
	v2 =	vmul.u32 @!p0 $0x8, v2;
	_ =	sdelay $0x1  }
0xd4: {  	v6 =	vadd.s32 @!p0 v2, v6;
	_ =	sdelay $0x3  }
0xd5: {  	vm0 =	vmmov @!p0 $0xffff;
	s2 =	simm.s32 @!p0 $0x4D00;
	s0 =	simm.s32 @!p0 $0x0  }
0xd6: {  	v4 =	vor.u32 @!p0 $0x8, v4;
	[tilespmem:s2], [sflag:$0x1] =	stream.indirect_vreg.gather @!p0 [hbm4b:s31+s0], $0x80, v6, vm0, $0xb8;
	[tilespmem:$0x1CD00] =	vst v63  }
0xd7: {  	v5 =	vperm.xlane @!p0 v5, v4;
	s2 =	simm.s32 @!p0 $0x5500  }
0xd8: {  	[tilespmem:s2], [sflag:$0x1] =	stream.indirect_vreg.gather @!p0 [hbm4b:s30+s0], $0x80, v6, vm0, $0xb8;
	[tilespmem:$0x1CD00] =	vst v63  }
0xd9: {  	v5 =	vadd.s32 @!p0 v2, v5;
	s2 =	simm.s32 @!p0 $0x5D00  }
0xda: {  	[tilespmem:s2], [sflag:$0x1] =	stream.indirect_vreg.gather @!p0 [hbm4b:s22+s0], $0x80, v6, vm0, $0xb8;
	[tilespmem:$0x1CD00] =	vst v63  }
0xdb: {  	s2 =	simm.s32 @!p0 $0x6500  }
0xdc: {  	[tilespmem:s2], [sflag:$0x1] =	stream.indirect_vreg.gather @!p0 [hbm4b:s11+s0], $0x80, v6, vm0, $0xb8;
	[tilespmem:$0x1CD00] =	vst v63  }
0xdd: {  	s15 =	sadd.s32 $0x1, s4;
	s2 =	simm.s32 @!p0 $0x6D00  }
0xde: {  	[tilespmem:s2], [sflag:$0x1] =	stream.indirect_vreg.gather @!p0 [hbm4b:s31+s0], $0x80, v5, vm0, $0xb8;
	[tilespmem:$0x1CD00] =	vst v63  }
0xdf: {  	p1 =	sge.s32 s15, s16;
	s2 =	simm.s32 @!p0 $0x7500  }
0xe0: {  	[tilespmem:s2], [sflag:$0x1] =	stream.indirect_vreg.gather @!p0 [hbm4b:s30+s0], $0x80, v5, vm0, $0xb8;
	[tilespmem:$0x1CD00] =	vst v63  }
0xe1: {  	p2 =	seq.s32 @!p1 s4, $0x0;
	s2 =	simm.s32 @!p0 $0x7D00  }
0xe2: {  	[tilespmem:s2], [sflag:$0x1] =	stream.indirect_vreg.gather @!p0 [hbm4b:s22+s0], $0x80, v5, vm0, $0xb8;
	[tilespmem:$0x1CD00] =	vst v63  }
0xe3: {  	p2 =	por p2, p1;
	s2 =	simm.s32 @!p0 $0x8500  }
0xe4: {  	[tilespmem:s2], [sflag:$0x1] =	stream.indirect_vreg.gather @!p0 [hbm4b:s11+s0], $0x80, v5, vm0, $0xb8;
	[tilespmem:$0x1CD00] =	vst v63  }
0xe5: {  	s2 =	simm.s32 @!p2 $0x8  }
0xe6: {  	_ =	swait.ge @!p2 [sflag:s2], $0x4000  }
0xe7: {  	[sflag:s2] =	ssyncset.done @!p2 $0x0  }
0xe8: {  	[sflag:s2] =	ssyncadd.s32 @!p2 $0xFFFFC000  }
0xe9: {  	v5 =	vld @!p1 [tilespmem:s21+$0xFFFFFFE0];
	_ =	sdelay $0x4  }
0xea: {  	v6 =	vshll.u32 @!p1 v5, $0x3  }
0xeb: {  	v7 =	vlaneseq.u32 @!p1;
	v5 =	vand.u32 @!p1 $0x7, v5;
	v6 =	vand.u32 @!p1 $0xFFFFFFC0, v6  }
0xec: {  	v8 =	vor.u32 @!p1 v5, v6;
	v6 =	vand.u32 @!p1 $0x7, v7;
	v5 =	vshrl.u32 @!p1 v7, $0x3  }
0xed: {  	v9 =	vperm.xlane @!p1 v8, v6;
	v5 =	vmul.u32 @!p1 $0x8, v5;
	_ =	sdelay $0x1  }
0xee: {  	v9 =	vadd.s32 @!p1 v5, v9;
	_ =	sdelay $0x3  }
0xef: {  	vm1 =	vmmov @!p1 $0xffff;
	s9 =	simm.s32 @!p1 $0x0;
	s2 =	simm.s32 @!p1 $0x8D00  }
0xf0: {  	v7 =	vor.u32 @!p1 $0x8, v7;
	[tilespmem:s2], [sflag:$0x2] =	stream.indirect_vreg.gather @!p1 [hbm4b:s31+s9], $0x80, v9, vm1, $0xb8;
	[tilespmem:$0x1CD00] =	vst v63  }
0xf1: {  	v8 =	vperm.xlane @!p1 v8, v7;
	s2 =	simm.s32 @!p1 $0x9500  }
0xf2: {  	[tilespmem:s2], [sflag:$0x2] =	stream.indirect_vreg.gather @!p1 [hbm4b:s30+s9], $0x80, v9, vm1, $0xb8;
	[tilespmem:$0x1CD00] =	vst v63  }
0xf3: {  	v8 =	vadd.s32 @!p1 v5, v8;
	s2 =	simm.s32 @!p1 $0x9D00  }
0xf4: {  	[tilespmem:s2], [sflag:$0x2] =	stream.indirect_vreg.gather @!p1 [hbm4b:s22+s9], $0x80, v9, vm1, $0xb8;
	[tilespmem:$0x1CD00] =	vst v63  }
0xf5: {  	s2 =	simm.s32 @!p1 $0xA500  }
0xf6: {  	[tilespmem:s2], [sflag:$0x2] =	stream.indirect_vreg.gather @!p1 [hbm4b:s11+s9], $0x80, v9, vm1, $0xb8;
	[tilespmem:$0x1CD00] =	vst v63  }
0xf7: {  	s17 =	sadd.s32 $0x2, s4;
	s2 =	simm.s32 @!p1 $0xAD00  }
0xf8: {  	[tilespmem:s2], [sflag:$0x2] =	stream.indirect_vreg.gather @!p1 [hbm4b:s31+s9], $0x80, v8, vm1, $0xb8;
	[tilespmem:$0x1CD00] =	vst v63  }
0xf9: {  	p2 =	sge.s32 s17, s16;
	s2 =	simm.s32 @!p1 $0xB500  }
0xfa: {  	[tilespmem:s2], [sflag:$0x2] =	stream.indirect_vreg.gather @!p1 [hbm4b:s30+s9], $0x80, v8, vm1, $0xb8;
	[tilespmem:$0x1CD00] =	vst v63  }
0xfb: {  	p3 =	seq.s32 @!p2 s4, $0x0;
	s2 =	simm.s32 @!p1 $0xBD00  }
0xfc: {  	[tilespmem:s2], [sflag:$0x2] =	stream.indirect_vreg.gather @!p1 [hbm4b:s22+s9], $0x80, v8, vm1, $0xb8;
	[tilespmem:$0x1CD00] =	vst v63  }
0xfd: {  	p3 =	por p3, p2;
	s2 =	simm.s32 @!p1 $0xC500  }
0xfe: {  	[tilespmem:s2], [sflag:$0x2] =	stream.indirect_vreg.gather @!p1 [hbm4b:s11+s9], $0x80, v8, vm1, $0xb8;
	[tilespmem:$0x1CD00] =	vst v63  }
0xff: {  	s2 =	simm.s32 @!p3 $0x9  }
0x100: {  	_ =	swait.ge @!p3 [sflag:s2], $0x4000  }
0x101: {  	[sflag:s2] =	ssyncset.done @!p3 $0x0  }
0x102: {  	[sflag:s2] =	ssyncadd.s32 @!p3 $0xFFFFC000  }
0x103: {  	v8 =	vld @!p2 [tilespmem:s21+$0xFFFFFFF0];
	_ =	sdelay $0x4  }
0x104: {  	v9 =	vshll.u32 @!p2 v8, $0x3  }
0x105: {  	v10 =	vlaneseq.u32 @!p2;
	v8 =	vand.u32 @!p2 $0x7, v8;
	v9 =	vand.u32 @!p2 $0xFFFFFFC0, v9  }
0x106: {  	v11 =	vor.u32 @!p2 v8, v9;
	v9 =	vand.u32 @!p2 $0x7, v10;
	v8 =	vshrl.u32 @!p2 v10, $0x3  }
0x107: {  	v12 =	vperm.xlane @!p2 v11, v9;
	v8 =	vmul.u32 @!p2 $0x8, v8;
	_ =	sdelay $0x1  }
0x108: {  	v12 =	vadd.s32 @!p2 v8, v12;
	_ =	sdelay $0x3  }
0x109: {  	vm2 =	vmmov @!p2 $0xffff;
	s17 =	simm.s32 @!p2 $0x0;
	s2 =	simm.s32 @!p2 $0xCD00  }
0x10a: {  	v10 =	vor.u32 @!p2 $0x8, v10;
	[tilespmem:s2], [sflag:$0x3] =	stream.indirect_vreg.gather @!p2 [hbm4b:s31+s17], $0x80, v12, vm2, $0xb8;
	[tilespmem:$0x1CD00] =	vst v63  }
0x10b: {  	v11 =	vperm.xlane @!p2 v11, v10;
	s2 =	simm.s32 @!p2 $0xD500  }
0x10c: {  	[tilespmem:s2], [sflag:$0x3] =	stream.indirect_vreg.gather @!p2 [hbm4b:s30+s17], $0x80, v12, vm2, $0xb8;
	[tilespmem:$0x1CD00] =	vst v63  }
0x10d: {  	v11 =	vadd.s32 @!p2 v8, v11;
	s2 =	simm.s32 @!p2 $0xDD00  }
0x10e: {  	[tilespmem:s2], [sflag:$0x3] =	stream.indirect_vreg.gather @!p2 [hbm4b:s22+s17], $0x80, v12, vm2, $0xb8;
	[tilespmem:$0x1CD00] =	vst v63  }
0x10f: {  	s2 =	simm.s32 @!p2 $0xE500  }
0x110: {  	[tilespmem:s2], [sflag:$0x3] =	stream.indirect_vreg.gather @!p2 [hbm4b:s11+s17], $0x80, v12, vm2, $0xb8;
	[tilespmem:$0x1CD00] =	vst v63  }
0x111: {  	s18 =	sadd.s32 $0x3, s4;
	s2 =	simm.s32 @!p2 $0xED00  }
0x112: {  	[tilespmem:s2], [sflag:$0x3] =	stream.indirect_vreg.gather @!p2 [hbm4b:s31+s17], $0x80, v11, vm2, $0xb8;
	[tilespmem:$0x1CD00] =	vst v63  }
0x113: {  	p3 =	sge.s32 s18, s16;
	s2 =	simm.s32 @!p2 $0xF500  }
0x114: {  	[tilespmem:s2], [sflag:$0x3] =	stream.indirect_vreg.gather @!p2 [hbm4b:s30+s17], $0x80, v11, vm2, $0xb8;
	[tilespmem:$0x1CD00] =	vst v63  }
0x115: {  	p4 =	seq.s32 @!p3 s4, $0x0;
	s2 =	simm.s32 @!p2 $0xFD00  }
0x116: {  	[tilespmem:s2], [sflag:$0x3] =	stream.indirect_vreg.gather @!p2 [hbm4b:s22+s17], $0x80, v11, vm2, $0xb8;
	[tilespmem:$0x1CD00] =	vst v63  }
0x117: {  	p4 =	por p4, p3;
	s2 =	simm.s32 @!p2 $0x10500  }
0x118: {  	[tilespmem:s2], [sflag:$0x3] =	stream.indirect_vreg.gather @!p2 [hbm4b:s11+s17], $0x80, v11, vm2, $0xb8;
	[tilespmem:$0x1CD00] =	vst v63  }
0x119: {  	s2 =	simm.s32 @!p4 $0xA  }
0x11a: {  	_ =	swait.ge @!p4 [sflag:s2], $0x4000  }
0x11b: {  	[sflag:s2] =	ssyncset.done @!p4 $0x0  }
0x11c: {  	[sflag:s2] =	ssyncadd.s32 @!p4 $0xFFFFC000  }
0x11d: {  	v11 =	vld @!p3 [tilespmem:s21+$0x0];
	_ =	sdelay $0x4  }
0x11e: {  	v12 =	vshll.u32 @!p3 v11, $0x3  }
0x11f: {  	v13 =	vlaneseq.u32 @!p3;
	v11 =	vand.u32 @!p3 $0x7, v11;
	v12 =	vand.u32 @!p3 $0xFFFFFFC0, v12  }
0x120: {  	v14 =	vor.u32 @!p3 v11, v12;
	v12 =	vand.u32 @!p3 $0x7, v13;
	v11 =	vshrl.u32 @!p3 v13, $0x3  }
0x121: {  	v15 =	vperm.xlane @!p3 v14, v12;
	v11 =	vmul.u32 @!p3 $0x8, v11;
	_ =	sdelay $0x1  }
0x122: {  	v15 =	vadd.s32 @!p3 v11, v15;
	_ =	sdelay $0x3  }
0x123: {  	vm3 =	vmmov @!p3 $0xffff;
	s18 =	simm.s32 @!p3 $0x0;
	s2 =	simm.s32 @!p3 $0x10D00  }
0x124: {  	v13 =	vor.u32 @!p3 $0x8, v13;
	[tilespmem:s2], [sflag:$0x4] =	stream.indirect_vreg.gather @!p3 [hbm4b:s31+s18], $0x80, v15, vm3, $0xb8;
	[tilespmem:$0x1CD00] =	vst v63  }
0x125: {  	v14 =	vperm.xlane @!p3 v14, v13;
	s2 =	simm.s32 @!p3 $0x11500  }
0x126: {  	[tilespmem:s2], [sflag:$0x4] =	stream.indirect_vreg.gather @!p3 [hbm4b:s30+s18], $0x80, v15, vm3, $0xb8;
	[tilespmem:$0x1CD00] =	vst v63  }
0x127: {  	v14 =	vadd.s32 @!p3 v11, v14;
	s2 =	simm.s32 @!p3 $0x11D00  }
0x128: {  	[tilespmem:s2], [sflag:$0x4] =	stream.indirect_vreg.gather @!p3 [hbm4b:s22+s18], $0x80, v15, vm3, $0xb8;
	[tilespmem:$0x1CD00] =	vst v63  }
0x129: {  	s2 =	simm.s32 @!p3 $0x12500  }
0x12a: {  	[tilespmem:s2], [sflag:$0x4] =	stream.indirect_vreg.gather @!p3 [hbm4b:s11+s18], $0x80, v15, vm3, $0xb8;
	[tilespmem:$0x1CD00] =	vst v63  }
0x12b: {  	s19 =	sadd.s32 $0x4, s4;
	s2 =	simm.s32 @!p3 $0x12D00  }
0x12c: {  	[tilespmem:s2], [sflag:$0x4] =	stream.indirect_vreg.gather @!p3 [hbm4b:s31+s18], $0x80, v14, vm3, $0xb8;
	[tilespmem:$0x1CD00] =	vst v63  }
0x12d: {  	p4 =	sge.s32 s19, s16;
	s2 =	simm.s32 @!p3 $0x13500  }
0x12e: {  	[tilespmem:s2], [sflag:$0x4] =	stream.indirect_vreg.gather @!p3 [hbm4b:s30+s18], $0x80, v14, vm3, $0xb8;
	[tilespmem:$0x1CD00] =	vst v63  }
0x12f: {  	p5 =	seq.s32 @!p4 s4, $0x0;
	s2 =	simm.s32 @!p3 $0x13D00  }
0x130: {  	[tilespmem:s2], [sflag:$0x4] =	stream.indirect_vreg.gather @!p3 [hbm4b:s22+s18], $0x80, v14, vm3, $0xb8;
	[tilespmem:$0x1CD00] =	vst v63  }
0x131: {  	p5 =	por p5, p4;
	s2 =	simm.s32 @!p3 $0x14500  }
0x132: {  	[tilespmem:s2], [sflag:$0x4] =	stream.indirect_vreg.gather @!p3 [hbm4b:s11+s18], $0x80, v14, vm3, $0xb8;
	[tilespmem:$0x1CD00] =	vst v63  }
0x133: {  	s2 =	simm.s32 @!p5 $0xB  }
0x134: {  	_ =	swait.ge @!p5 [sflag:s2], $0x4000  }
0x135: {  	[sflag:s2] =	ssyncset.done @!p5 $0x0  }
0x136: {  	[sflag:s2] =	ssyncadd.s32 @!p5 $0xFFFFC000  }
0x137: {  	v14 =	vld @!p4 [tilespmem:s21+$0x10];
	_ =	sdelay $0x4  }
0x138: {  	v15 =	vshll.u32 @!p4 v14, $0x3  }
0x139: {  	v16 =	vlaneseq.u32 @!p4;
	v14 =	vand.u32 @!p4 $0x7, v14;
	v15 =	vand.u32 @!p4 $0xFFFFFFC0, v15  }
0x13a: {  	v17 =	vor.u32 @!p4 v14, v15;
	v15 =	vand.u32 @!p4 $0x7, v16;
	v14 =	vshrl.u32 @!p4 v16, $0x3  }
0x13b: {  	v18 =	vperm.xlane @!p4 v17, v15;
	v14 =	vmul.u32 @!p4 $0x8, v14;
	_ =	sdelay $0x1  }
0x13c: {  	v18 =	vadd.s32 @!p4 v14, v18;
	_ =	sdelay $0x3  }
0x13d: {  	vm4 =	vmmov @!p4 $0xffff;
	s6 =	simm.s32 @!p4 $0x0;
	s2 =	simm.s32 @!p4 $0x14D00  }
0x13e: {  	v16 =	vor.u32 @!p4 $0x8, v16;
	[tilespmem:s2], [sflag:$0x5] =	stream.indirect_vreg.gather @!p4 [hbm4b:s31+s6], $0x80, v18, vm4, $0xb8;
	[tilespmem:$0x1CD00] =	vst v63  }
0x13f: {  	v17 =	vperm.xlane @!p4 v17, v16;
	s2 =	simm.s32 @!p4 $0x15500  }
0x140: {  	[tilespmem:s2], [sflag:$0x5] =	stream.indirect_vreg.gather @!p4 [hbm4b:s30+s6], $0x80, v18, vm4, $0xb8;
	[tilespmem:$0x1CD00] =	vst v63  }
0x141: {  	v17 =	vadd.s32 @!p4 v14, v17;
	s2 =	simm.s32 @!p4 $0x15D00  }
0x142: {  	[tilespmem:s2], [sflag:$0x5] =	stream.indirect_vreg.gather @!p4 [hbm4b:s22+s6], $0x80, v18, vm4, $0xb8;
	[tilespmem:$0x1CD00] =	vst v63  }
0x143: {  	s2 =	simm.s32 @!p4 $0x16500  }
0x144: {  	[tilespmem:s2], [sflag:$0x5] =	stream.indirect_vreg.gather @!p4 [hbm4b:s11+s6], $0x80, v18, vm4, $0xb8;
	[tilespmem:$0x1CD00] =	vst v63  }
0x145: {  	s20 =	sadd.s32 $0x5, s4;
	s2 =	simm.s32 @!p4 $0x16D00  }
0x146: {  	[tilespmem:s2], [sflag:$0x5] =	stream.indirect_vreg.gather @!p4 [hbm4b:s31+s6], $0x80, v17, vm4, $0xb8;
	[tilespmem:$0x1CD00] =	vst v63  }
0x147: {  	p5 =	sge.s32 s20, s16;
	s2 =	simm.s32 @!p4 $0x17500  }
0x148: {  	[tilespmem:s2], [sflag:$0x5] =	stream.indirect_vreg.gather @!p4 [hbm4b:s30+s6], $0x80, v17, vm4, $0xb8;
	[tilespmem:$0x1CD00] =	vst v63  }
0x149: {  	p6 =	seq.s32 @!p5 s4, $0x0;
	s2 =	simm.s32 @!p4 $0x17D00  }
0x14a: {  	[tilespmem:s2], [sflag:$0x5] =	stream.indirect_vreg.gather @!p4 [hbm4b:s22+s6], $0x80, v17, vm4, $0xb8;
	[tilespmem:$0x1CD00] =	vst v63  }
0x14b: {  	p6 =	por p6, p5;
	s2 =	simm.s32 @!p4 $0x18500  }
0x14c: {  	[tilespmem:s2], [sflag:$0x5] =	stream.indirect_vreg.gather @!p4 [hbm4b:s11+s6], $0x80, v17, vm4, $0xb8;
	[tilespmem:$0x1CD00] =	vst v63  }
0x14d: {  	s2 =	simm.s32 @!p6 $0xC  }
0x14e: {  	_ =	swait.ge @!p6 [sflag:s2], $0x4000  }
0x14f: {  	[sflag:s2] =	ssyncset.done @!p6 $0x0  }
0x150: {  	[sflag:s2] =	ssyncadd.s32 @!p6 $0xFFFFC000  }
0x151: {  	v17 =	vld @!p5 [tilespmem:s21+$0x20];
	_ =	sdelay $0x4  }
0x152: {  	v18 =	vshll.u32 @!p5 v17, $0x3  }
0x153: {  	v19 =	vlaneseq.u32 @!p5;
	v17 =	vand.u32 @!p5 $0x7, v17;
	v18 =	vand.u32 @!p5 $0xFFFFFFC0, v18  }
0x154: {  	v20 =	vor.u32 @!p5 v17, v18;
	v18 =	vand.u32 @!p5 $0x7, v19;
	v17 =	vshrl.u32 @!p5 v19, $0x3  }
0x155: {  	v21 =	vperm.xlane @!p5 v20, v18;
	v17 =	vmul.u32 @!p5 $0x8, v17;
	_ =	sdelay $0x1  }
0x156: {  	v21 =	vadd.s32 @!p5 v17, v21;
	_ =	sdelay $0x3  }
0x157: {  	vm5 =	vmmov @!p5 $0xffff;
	s15 =	simm.s32 @!p5 $0x0;
	s2 =	simm.s32 @!p5 $0x18D00  }
0x158: {  	v19 =	vor.u32 @!p5 $0x8, v19;
	[tilespmem:s2], [sflag:$0x6] =	stream.indirect_vreg.gather @!p5 [hbm4b:s31+s15], $0x80, v21, vm5, $0xb8;
	[tilespmem:$0x1CD00] =	vst v63  }
0x159: {  	v20 =	vperm.xlane @!p5 v20, v19;
	s2 =	simm.s32 @!p5 $0x19500  }
0x15a: {  	[tilespmem:s2], [sflag:$0x6] =	stream.indirect_vreg.gather @!p5 [hbm4b:s30+s15], $0x80, v21, vm5, $0xb8;
	[tilespmem:$0x1CD00] =	vst v63  }
0x15b: {  	v20 =	vadd.s32 @!p5 v17, v20;
	s2 =	simm.s32 @!p5 $0x19D00  }
0x15c: {  	[tilespmem:s2], [sflag:$0x6] =	stream.indirect_vreg.gather @!p5 [hbm4b:s22+s15], $0x80, v21, vm5, $0xb8;
	[tilespmem:$0x1CD00] =	vst v63  }
0x15d: {  	s19 =	simm.s32 @!p5 $0x1A500  }
0x15e: {  	[tilespmem:s19], [sflag:$0x6] =	stream.indirect_vreg.gather @!p5 [hbm4b:s11+s15], $0x80, v21, vm5, $0xb8;
	[tilespmem:$0x1CD00] =	vst v63  }
0x15f: {  	s7 =	simm.s32 @!p5 $0x1AD00  }
0x160: {  	[tilespmem:s7], [sflag:$0x6] =	stream.indirect_vreg.gather @!p5 [hbm4b:s31+s15], $0x80, v20, vm5, $0xb8;
	[tilespmem:$0x1CD00] =	vst v63  }
0x161: {  	s5 =	simm.s32 @!p5 $0x1B500  }
0x162: {  	[tilespmem:s5], [sflag:$0x6] =	stream.indirect_vreg.gather @!p5 [hbm4b:s30+s15], $0x80, v20, vm5, $0xb8;
	[tilespmem:$0x1CD00] =	vst v63  }
0x163: {  	s3 =	simm.s32 @!p5 $0x1BD00  }
0x164: {  	[tilespmem:s3], [sflag:$0x6] =	stream.indirect_vreg.gather @!p5 [hbm4b:s22+s15], $0x80, v20, vm5, $0xb8;
	[tilespmem:$0x1CD00] =	vst v63  }
0x165: {  	s20 =	simm.s32 @!p0 $0x1;
	s2 =	simm.s32 @!p5 $0x1C500  }
0x166: {  	[tilespmem:s2], [sflag:$0x6] =	stream.indirect_vreg.gather @!p5 [hbm4b:s11+s15], $0x80, v20, vm5, $0xb8;
	[tilespmem:$0x1CD00] =	vst v63  }
0x167: {  	_ =	swait.ge @!p0 [sflag:s20], $0x4000  }
0x168: {  	[sflag:s20] =	ssyncset.done @!p0 $0x0  }
0x169: {  	[sflag:s20] =	ssyncadd.s32 @!p0 $0xFFFFC000  }
0x16a: {  	v20 =	vld @!p0 [tilespmem:s8+$0xFFFFFE80];
	_ =	sdelay $0x4  }
0x16b: {  	v21 =	vshll.u32 @!p0 v20, $0x3  }
0x16c: {  	v20 =	vand.u32 @!p0 $0x7, v20;
	v21 =	vand.u32 @!p0 $0xFFFFFFC0, v21  }
0x16d: {  	v20 =	vor.u32 @!p0 v20, v21  }
0x16e: {  	v3 =	vperm.xlane @!p0 v20, v3;
	_ =	sdelay $0x1  }
0x16f: {  	v3 =	vadd.s32 @!p0 v2, v3;
	_ =	sdelay $0x3  }
0x170: {  	s20 =	simm.s32 @!p0 $0x4D00  }
0x171: {  	[hbm4b:s10+s0] =	stream.indirect_vreg.scatter @!p0 [tilespmem:s20], [sflag:$0x7], $0x80, v3, vm0, $0xb8;
	[tilespmem:$0x1CD00] =	vst v63  }
0x172: {  	v4 =	vperm.xlane @!p0 v20, v4;
	s20 =	simm.s32 @!p0 $0x5500  }
0x173: {  	[hbm4b:s12+s0] =	stream.indirect_vreg.scatter @!p0 [tilespmem:s20], [sflag:$0x7], $0x80, v3, vm0, $0xb8;
	[tilespmem:$0x1CD00] =	vst v63  }
0x174: {  	v2 =	vadd.s32 @!p0 v2, v4;
	s20 =	simm.s32 @!p0 $0x5D00  }
0x175: {  	[hbm4b:s13+s0] =	stream.indirect_vreg.scatter @!p0 [tilespmem:s20], [sflag:$0x7], $0x80, v3, vm0, $0xb8;
	[tilespmem:$0x1CD00] =	vst v63  }
0x176: {  	s20 =	simm.s32 @!p0 $0x6500  }
0x177: {  	[hbm4b:s14+s0] =	stream.indirect_vreg.scatter @!p0 [tilespmem:s20], [sflag:$0x7], $0x80, v3, vm0, $0xb8;
	[tilespmem:$0x1CD00] =	vst v63  }
0x178: {  	s20 =	simm.s32 @!p0 $0x6D00  }
0x179: {  	[hbm4b:s10+s0] =	stream.indirect_vreg.scatter @!p0 [tilespmem:s20], [sflag:$0x7], $0x80, v2, vm0, $0xb8;
	[tilespmem:$0x1CD00] =	vst v63  }
0x17a: {  	s20 =	simm.s32 @!p0 $0x7500  }
0x17b: {  	[hbm4b:s12+s0] =	stream.indirect_vreg.scatter @!p0 [tilespmem:s20], [sflag:$0x7], $0x80, v2, vm0, $0xb8;
	[tilespmem:$0x1CD00] =	vst v63  }
0x17c: {  	s20 =	simm.s32 @!p0 $0x7D00  }
0x17d: {  	[hbm4b:s13+s0] =	stream.indirect_vreg.scatter @!p0 [tilespmem:s20], [sflag:$0x7], $0x80, v2, vm0, $0xb8;
	[tilespmem:$0x1CD00] =	vst v63  }
0x17e: {  	s20 =	simm.s32 @!p0 $0x8500  }
0x17f: {  	[hbm4b:s14+s0] =	stream.indirect_vreg.scatter @!p0 [tilespmem:s20], [sflag:$0x7], $0x80, v2, vm0, $0xb8;
	[tilespmem:$0x1CD00] =	vst v63  }
0x180: {  	s0 =	simm.s32 @!p1 $0x2  }
0x181: {  	_ =	swait.ge @!p1 [sflag:s0], $0x4000  }
0x182: {  	[sflag:s0] =	ssyncset.done @!p1 $0x0  }
0x183: {  	[sflag:s0] =	ssyncadd.s32 @!p1 $0xFFFFC000  }
0x184: {  	v2 =	vld @!p1 [tilespmem:s8+$0xFFFFFF00];
	_ =	sdelay $0x4  }
0x185: {  	v3 =	vshll.u32 @!p1 v2, $0x3  }
0x186: {  	v2 =	vand.u32 @!p1 $0x7, v2;
	v3 =	vand.u32 @!p1 $0xFFFFFFC0, v3  }
0x187: {  	v2 =	vor.u32 @!p1 v2, v3  }
0x188: {  	v3 =	vperm.xlane @!p1 v2, v6;
	_ =	sdelay $0x1  }
0x189: {  	v3 =	vadd.s32 @!p1 v5, v3;
	_ =	sdelay $0x3  }
0x18a: {  	s0 =	simm.s32 @!p1 $0x8D00  }
0x18b: {  	[hbm4b:s10+s9] =	stream.indirect_vreg.scatter @!p1 [tilespmem:s0], [sflag:$0x8], $0x80, v3, vm1, $0xb8;
	[tilespmem:$0x1CD00] =	vst v63  }
0x18c: {  	v2 =	vperm.xlane @!p1 v2, v7;
	s0 =	simm.s32 @!p1 $0x9500  }
0x18d: {  	[hbm4b:s12+s9] =	stream.indirect_vreg.scatter @!p1 [tilespmem:s0], [sflag:$0x8], $0x80, v3, vm1, $0xb8;
	[tilespmem:$0x1CD00] =	vst v63  }
0x18e: {  	v2 =	vadd.s32 @!p1 v5, v2;
	s0 =	simm.s32 @!p1 $0x9D00  }
0x18f: {  	[hbm4b:s13+s9] =	stream.indirect_vreg.scatter @!p1 [tilespmem:s0], [sflag:$0x8], $0x80, v3, vm1, $0xb8;
	[tilespmem:$0x1CD00] =	vst v63  }
0x190: {  	s0 =	simm.s32 @!p1 $0xA500  }
0x191: {  	[hbm4b:s14+s9] =	stream.indirect_vreg.scatter @!p1 [tilespmem:s0], [sflag:$0x8], $0x80, v3, vm1, $0xb8;
	[tilespmem:$0x1CD00] =	vst v63  }
0x192: {  	s0 =	simm.s32 @!p1 $0xAD00  }
0x193: {  	[hbm4b:s10+s9] =	stream.indirect_vreg.scatter @!p1 [tilespmem:s0], [sflag:$0x8], $0x80, v2, vm1, $0xb8;
	[tilespmem:$0x1CD00] =	vst v63  }
0x194: {  	s0 =	simm.s32 @!p1 $0xB500  }
0x195: {  	[hbm4b:s12+s9] =	stream.indirect_vreg.scatter @!p1 [tilespmem:s0], [sflag:$0x8], $0x80, v2, vm1, $0xb8;
	[tilespmem:$0x1CD00] =	vst v63  }
0x196: {  	s0 =	simm.s32 @!p1 $0xBD00  }
0x197: {  	[hbm4b:s13+s9] =	stream.indirect_vreg.scatter @!p1 [tilespmem:s0], [sflag:$0x8], $0x80, v2, vm1, $0xb8;
	[tilespmem:$0x1CD00] =	vst v63  }
0x198: {  	s0 =	simm.s32 @!p1 $0xC500  }
0x199: {  	[hbm4b:s14+s9] =	stream.indirect_vreg.scatter @!p1 [tilespmem:s0], [sflag:$0x8], $0x80, v2, vm1, $0xb8;
	[tilespmem:$0x1CD00] =	vst v63  }
0x19a: {  	s0 =	simm.s32 @!p2 $0x3  }
0x19b: {  	_ =	swait.ge @!p2 [sflag:s0], $0x4000  }
0x19c: {  	[sflag:s0] =	ssyncset.done @!p2 $0x0  }
0x19d: {  	[sflag:s0] =	ssyncadd.s32 @!p2 $0xFFFFC000  }
0x19e: {  	v2 =	vld @!p2 [tilespmem:s8+$0xFFFFFF80];
	_ =	sdelay $0x4  }
0x19f: {  	v3 =	vshll.u32 @!p2 v2, $0x3  }
0x1a0: {  	v2 =	vand.u32 @!p2 $0x7, v2;
	v3 =	vand.u32 @!p2 $0xFFFFFFC0, v3  }
0x1a1: {  	v2 =	vor.u32 @!p2 v2, v3  }
0x1a2: {  	v3 =	vperm.xlane @!p2 v2, v9;
	_ =	sdelay $0x1  }
0x1a3: {  	v3 =	vadd.s32 @!p2 v8, v3;
	_ =	sdelay $0x3  }
0x1a4: {  	s0 =	simm.s32 @!p2 $0xCD00  }
0x1a5: {  	[hbm4b:s10+s17] =	stream.indirect_vreg.scatter @!p2 [tilespmem:s0], [sflag:$0x9], $0x80, v3, vm2, $0xb8;
	[tilespmem:$0x1CD00] =	vst v63  }
0x1a6: {  	v2 =	vperm.xlane @!p2 v2, v10;
	s0 =	simm.s32 @!p2 $0xD500  }
0x1a7: {  	[hbm4b:s12+s17] =	stream.indirect_vreg.scatter @!p2 [tilespmem:s0], [sflag:$0x9], $0x80, v3, vm2, $0xb8;
	[tilespmem:$0x1CD00] =	vst v63  }
0x1a8: {  	v2 =	vadd.s32 @!p2 v8, v2;
	s0 =	simm.s32 @!p2 $0xDD00  }
0x1a9: {  	[hbm4b:s13+s17] =	stream.indirect_vreg.scatter @!p2 [tilespmem:s0], [sflag:$0x9], $0x80, v3, vm2, $0xb8;
	[tilespmem:$0x1CD00] =	vst v63  }
0x1aa: {  	s0 =	simm.s32 @!p2 $0xE500  }
0x1ab: {  	[hbm4b:s14+s17] =	stream.indirect_vreg.scatter @!p2 [tilespmem:s0], [sflag:$0x9], $0x80, v3, vm2, $0xb8;
	[tilespmem:$0x1CD00] =	vst v63  }
0x1ac: {  	s0 =	simm.s32 @!p2 $0xED00  }
0x1ad: {  	[hbm4b:s10+s17] =	stream.indirect_vreg.scatter @!p2 [tilespmem:s0], [sflag:$0x9], $0x80, v2, vm2, $0xb8;
	[tilespmem:$0x1CD00] =	vst v63  }
0x1ae: {  	s0 =	simm.s32 @!p2 $0xF500  }
0x1af: {  	[hbm4b:s12+s17] =	stream.indirect_vreg.scatter @!p2 [tilespmem:s0], [sflag:$0x9], $0x80, v2, vm2, $0xb8;
	[tilespmem:$0x1CD00] =	vst v63  }
0x1b0: {  	s0 =	simm.s32 @!p2 $0xFD00  }
0x1b1: {  	[hbm4b:s13+s17] =	stream.indirect_vreg.scatter @!p2 [tilespmem:s0], [sflag:$0x9], $0x80, v2, vm2, $0xb8;
	[tilespmem:$0x1CD00] =	vst v63  }
0x1b2: {  	s0 =	simm.s32 @!p2 $0x10500  }
0x1b3: {  	[hbm4b:s14+s17] =	stream.indirect_vreg.scatter @!p2 [tilespmem:s0], [sflag:$0x9], $0x80, v2, vm2, $0xb8;
	[tilespmem:$0x1CD00] =	vst v63  }
0x1b4: {  	s0 =	simm.s32 @!p3 $0x4  }
0x1b5: {  	_ =	swait.ge @!p3 [sflag:s0], $0x4000  }
0x1b6: {  	[sflag:s0] =	ssyncset.done @!p3 $0x0  }
0x1b7: {  	[sflag:s0] =	ssyncadd.s32 @!p3 $0xFFFFC000  }
0x1b8: {  	v2 =	vld @!p3 [tilespmem:s8+$0x0];
	_ =	sdelay $0x4  }
0x1b9: {  	v3 =	vshll.u32 @!p3 v2, $0x3  }
0x1ba: {  	v2 =	vand.u32 @!p3 $0x7, v2;
	v3 =	vand.u32 @!p3 $0xFFFFFFC0, v3  }
0x1bb: {  	v2 =	vor.u32 @!p3 v2, v3  }
0x1bc: {  	v3 =	vperm.xlane @!p3 v2, v12;
	_ =	sdelay $0x1  }
0x1bd: {  	v3 =	vadd.s32 @!p3 v11, v3;
	_ =	sdelay $0x3  }
0x1be: {  	s0 =	simm.s32 @!p3 $0x10D00  }
0x1bf: {  	[hbm4b:s10+s18] =	stream.indirect_vreg.scatter @!p3 [tilespmem:s0], [sflag:$0xA], $0x80, v3, vm3, $0xb8;
	[tilespmem:$0x1CD00] =	vst v63  }
0x1c0: {  	v2 =	vperm.xlane @!p3 v2, v13;
	s0 =	simm.s32 @!p3 $0x11500  }
0x1c1: {  	[hbm4b:s12+s18] =	stream.indirect_vreg.scatter @!p3 [tilespmem:s0], [sflag:$0xA], $0x80, v3, vm3, $0xb8;
	[tilespmem:$0x1CD00] =	vst v63  }
0x1c2: {  	v2 =	vadd.s32 @!p3 v11, v2;
	s0 =	simm.s32 @!p3 $0x11D00  }
0x1c3: {  	[hbm4b:s13+s18] =	stream.indirect_vreg.scatter @!p3 [tilespmem:s0], [sflag:$0xA], $0x80, v3, vm3, $0xb8;
	[tilespmem:$0x1CD00] =	vst v63  }
0x1c4: {  	s0 =	simm.s32 @!p3 $0x12500  }
0x1c5: {  	[hbm4b:s14+s18] =	stream.indirect_vreg.scatter @!p3 [tilespmem:s0], [sflag:$0xA], $0x80, v3, vm3, $0xb8;
	[tilespmem:$0x1CD00] =	vst v63  }
0x1c6: {  	s0 =	simm.s32 @!p3 $0x12D00  }
0x1c7: {  	[hbm4b:s10+s18] =	stream.indirect_vreg.scatter @!p3 [tilespmem:s0], [sflag:$0xA], $0x80, v2, vm3, $0xb8;
	[tilespmem:$0x1CD00] =	vst v63  }
0x1c8: {  	s0 =	simm.s32 @!p3 $0x13500  }
0x1c9: {  	[hbm4b:s12+s18] =	stream.indirect_vreg.scatter @!p3 [tilespmem:s0], [sflag:$0xA], $0x80, v2, vm3, $0xb8;
	[tilespmem:$0x1CD00] =	vst v63  }
0x1ca: {  	s0 =	simm.s32 @!p3 $0x13D00  }
0x1cb: {  	[hbm4b:s13+s18] =	stream.indirect_vreg.scatter @!p3 [tilespmem:s0], [sflag:$0xA], $0x80, v2, vm3, $0xb8;
	[tilespmem:$0x1CD00] =	vst v63  }
0x1cc: {  	s0 =	simm.s32 @!p3 $0x14500  }
0x1cd: {  	[hbm4b:s14+s18] =	stream.indirect_vreg.scatter @!p3 [tilespmem:s0], [sflag:$0xA], $0x80, v2, vm3, $0xb8;
	[tilespmem:$0x1CD00] =	vst v63  }
0x1ce: {  	s0 =	simm.s32 @!p4 $0x5  }
0x1cf: {  	_ =	swait.ge @!p4 [sflag:s0], $0x4000  }
0x1d0: {  	[sflag:s0] =	ssyncset.done @!p4 $0x0  }
0x1d1: {  	[sflag:s0] =	ssyncadd.s32 @!p4 $0xFFFFC000  }
0x1d2: {  	v2 =	vld @!p4 [tilespmem:s8+$0x80];
	_ =	sdelay $0x4  }
0x1d3: {  	v3 =	vshll.u32 @!p4 v2, $0x3  }
0x1d4: {  	v2 =	vand.u32 @!p4 $0x7, v2;
	v3 =	vand.u32 @!p4 $0xFFFFFFC0, v3  }
0x1d5: {  	v2 =	vor.u32 @!p4 v2, v3  }
0x1d6: {  	v3 =	vperm.xlane @!p4 v2, v15;
	_ =	sdelay $0x1  }
0x1d7: {  	v3 =	vadd.s32 @!p4 v14, v3;
	_ =	sdelay $0x3  }
0x1d8: {  	s0 =	simm.s32 @!p4 $0x14D00  }
0x1d9: {  	[hbm4b:s10+s6] =	stream.indirect_vreg.scatter @!p4 [tilespmem:s0], [sflag:$0xB], $0x80, v3, vm4, $0xb8;
	[tilespmem:$0x1CD00] =	vst v63  }
0x1da: {  	v2 =	vperm.xlane @!p4 v2, v16;
	s0 =	simm.s32 @!p4 $0x15500  }
0x1db: {  	[hbm4b:s12+s6] =	stream.indirect_vreg.scatter @!p4 [tilespmem:s0], [sflag:$0xB], $0x80, v3, vm4, $0xb8;
	[tilespmem:$0x1CD00] =	vst v63  }
0x1dc: {  	v2 =	vadd.s32 @!p4 v14, v2;
	s0 =	simm.s32 @!p4 $0x15D00  }
0x1dd: {  	[hbm4b:s13+s6] =	stream.indirect_vreg.scatter @!p4 [tilespmem:s0], [sflag:$0xB], $0x80, v3, vm4, $0xb8;
	[tilespmem:$0x1CD00] =	vst v63  }
0x1de: {  	s0 =	simm.s32 @!p4 $0x16500  }
0x1df: {  	[hbm4b:s14+s6] =	stream.indirect_vreg.scatter @!p4 [tilespmem:s0], [sflag:$0xB], $0x80, v3, vm4, $0xb8;
	[tilespmem:$0x1CD00] =	vst v63  }
0x1e0: {  	s0 =	simm.s32 @!p4 $0x16D00  }
0x1e1: {  	[hbm4b:s10+s6] =	stream.indirect_vreg.scatter @!p4 [tilespmem:s0], [sflag:$0xB], $0x80, v2, vm4, $0xb8;
	[tilespmem:$0x1CD00] =	vst v63  }
0x1e2: {  	s0 =	simm.s32 @!p4 $0x17500  }
0x1e3: {  	[hbm4b:s12+s6] =	stream.indirect_vreg.scatter @!p4 [tilespmem:s0], [sflag:$0xB], $0x80, v2, vm4, $0xb8;
	[tilespmem:$0x1CD00] =	vst v63  }
0x1e4: {  	s0 =	simm.s32 @!p4 $0x17D00  }
0x1e5: {  	[hbm4b:s13+s6] =	stream.indirect_vreg.scatter @!p4 [tilespmem:s0], [sflag:$0xB], $0x80, v2, vm4, $0xb8;
	[tilespmem:$0x1CD00] =	vst v63  }
0x1e6: {  	s0 =	simm.s32 @!p4 $0x18500  }
0x1e7: {  	[hbm4b:s14+s6] =	stream.indirect_vreg.scatter @!p4 [tilespmem:s0], [sflag:$0xB], $0x80, v2, vm4, $0xb8;
	[tilespmem:$0x1CD00] =	vst v63  }
0x1e8: {  	s0 =	simm.s32 @!p5 $0x6  }
0x1e9: {  	_ =	swait.ge @!p5 [sflag:s0], $0x4000  }
0x1ea: {  	[sflag:s0] =	ssyncset.done @!p5 $0x0  }
0x1eb: {  	[sflag:s0] =	ssyncadd.s32 @!p5 $0xFFFFC000  }
0x1ec: {  	v2 =	vld @!p5 [tilespmem:s8+$0x100];
	_ =	sdelay $0x4  }
0x1ed: {  	v3 =	vshll.u32 @!p5 v2, $0x3  }
0x1ee: {  	v2 =	vand.u32 @!p5 $0x7, v2;
	v3 =	vand.u32 @!p5 $0xFFFFFFC0, v3  }
0x1ef: {  	v2 =	vor.u32 @!p5 v2, v3  }
0x1f0: {  	v3 =	vperm.xlane @!p5 v2, v18;
	_ =	sdelay $0x1  }
0x1f1: {  	v3 =	vadd.s32 @!p5 v17, v3;
	_ =	sdelay $0x3  }
0x1f2: {  	s0 =	simm.s32 @!p5 $0x18D00  }
0x1f3: {  	[hbm4b:s10+s15] =	stream.indirect_vreg.scatter @!p5 [tilespmem:s0], [sflag:$0xC], $0x80, v3, vm5, $0xb8;
	[tilespmem:$0x1CD00] =	vst v63  }
0x1f4: {  	v2 =	vperm.xlane @!p5 v2, v19;
	s0 =	simm.s32 @!p5 $0x19500  }
0x1f5: {  	[hbm4b:s12+s15] =	stream.indirect_vreg.scatter @!p5 [tilespmem:s0], [sflag:$0xC], $0x80, v3, vm5, $0xb8;
	[tilespmem:$0x1CD00] =	vst v63  }
0x1f6: {  	v2 =	vadd.s32 @!p5 v17, v2;
	s0 =	simm.s32 @!p5 $0x19D00  }
0x1f7: {  	[hbm4b:s13+s15] =	stream.indirect_vreg.scatter @!p5 [tilespmem:s0], [sflag:$0xC], $0x80, v3, vm5, $0xb8;
	[tilespmem:$0x1CD00] =	vst v63  }
0x1f8: {  	_ = 	snop  }
0x1f9: {  	[hbm4b:s14+s15] =	stream.indirect_vreg.scatter @!p5 [tilespmem:s19], [sflag:$0xC], $0x80, v3, vm5, $0xb8;
	[tilespmem:$0x1CD00] =	vst v63  }
0x1fa: {  	s1 =	sadd.s32 $0xFFFFFFFF, s1  }
0x1fb: {  	[hbm4b:s10+s15] =	stream.indirect_vreg.scatter @!p5 [tilespmem:s7], [sflag:$0xC], $0x80, v2, vm5, $0xb8;
	[tilespmem:$0x1CD00] =	vst v63  }
0x1fc: {  	p0 =	sne.s32 s1, $0x0  }
0x1fd: {  	[hbm4b:s12+s15] =	stream.indirect_vreg.scatter @!p5 [tilespmem:s5], [sflag:$0xC], $0x80, v2, vm5, $0xb8;
	[tilespmem:$0x1CD00] =	vst v63  }
.Ltmp5:
0x1fe: {  	_ = 	snop;
	(pc) =	sbr.rel @p0 .LBB2_7-.Ltmp5, $4  }
0x1ff: {  	_ = 	snop  }
0x200: {  	[hbm4b:s13+s15] =	stream.indirect_vreg.scatter @!p5 [tilespmem:s3], [sflag:$0xC], $0x80, v2, vm5, $0xb8;
	[tilespmem:$0x1CD00] =	vst v63  }
0x201: {  	s4 =	sadd.s32 $0x6, s4;
	s21 =	sadd.s32 $0x60, s21;
	s8 =	sadd.s32 $0x300, s8  }
0x202: {  	[hbm4b:s14+s15] =	stream.indirect_vreg.scatter @!p5 [tilespmem:s2], [sflag:$0xC], $0x80, v2, vm5, $0xb8;
	[tilespmem:$0x1CD00] =	vst v63  }
.LBB2_8:
0x203: {  	s0 =	rddreg [dreg:$0x14]  }
0x204: {  	s0 =	sadd.s32 $0xF, s0  }
0x205: {  	s1 =	sand.u32 $0xF, s0  }
0x206: {  	s2 =	sshra.s32 s0, $0x1F;
	p0 =	slt.s32 s0, $0x1;
	p1 =	sne.s32 s1, $0x0  }
0x207: {  	s19 =	sshrl.u32 s2, $0x1C;
	p0 =	por !p0, !p1  }
0x208: {  	s1 =	simm.s32 $0x1;
	s0 =	sadd.s32 s19, s0;
	p0 =	por !p0, !p0  }
0x209: {  	s0 =	sshra.s32 s0, $0x4;
	s1 =	simm.s32 @!p0 $0x0  }
0x20a: {  	s30 =	ssub.s32 s0, s1  }
0x20b: {  	s0 =	sadd.s32 $0x5, s30  }
0x20c: {  	s20 =	smulhi.u32 $0x2AAAAAAB, s0;
	s0 =	sshra.s32 s0, $0x1F  }
0x20d: {  	s0 =	smul.u32 $0x2AAAAAAB, s0;
	_ =	sdelay $0x1  }
0x20e: {  	s0 =	sadd.s32 s0, s20  }
0x20f: {  	s1 =	sshrl.u32 s0, $0x1F  }
0x210: {  	s0 =	sadd.s32 s1, s0  }
0x211: {  	s1 =	smul.u32 $0xFFFFFFFA, s0  }
0x212: {  	s21 =	ssub.s32 $0xFFFFFFFB, s30  }
0x213: {  	p3 =	slt.s32 s30, $0xFFFFFFFC;
	p4 =	sne.s32 s1, s21  }
0x214: {  	s22 =	rddreg [dreg:$0x13];
	p0 =	por !p3, !p4  }
0x215: {  	s31 =	sadd.s32 $0xF, s22;
	s2 =	simm.s32 $0x1;
	p0 =	por !p0, !p0  }
0x216: {  	s1 =	sand.u32 $0xF, s31;
	s2 =	simm.s32 @!p0 $0x0  }
0x217: {  	s3 =	rddreg [dreg:$0x1];
	p6 =	sne.s32 s1, $0x0;
	s1 =	ssub.s32 s0, s2  }
0x218: {  	s7 =	rddreg [dreg:$0x2];
	p1 =	slt.s32 s1, $0x1  }
.Ltmp6:
0x219: {  	s4 =	simm.s32 $0x1;
	s6 =	rddreg [dreg:$0xb];
	(pc) =	sbr.rel @p1 .LBB2_23-.Ltmp6, $4  }
0x21a: {  	s5 =	simm.s32 $0x0;
	s9 =	rddreg [dreg:$0xc];
	p5 =	slt.s32 s31, $0x1  }
0x21b: {  	s11 =	rddreg [dreg:$0xd];
	s15 =	simm.s32 $0x4D00;
	p0 =	por !p5, !p6  }
0x21c: {  	s17 =	simm.s32 $0x5500;
	s18 =	simm.s32 $0x5D00;
	p0 =	por !p0, !p0  }
0x21d: {  	s19 =	rddreg [dreg:$0xe];
	s20 =	simm.s32 $0x6500;
	s4 =	simm.s32 @!p0 $0x0  }
.Ltmp7:
0x21e: {  	(pc) =	sbr.rel .LBB2_10-.Ltmp7, $2  }
0x21f: {  	_ =	sdelay $0x2  }
0x220: {  	s8 =	simm.s32 $0x0;
	s21 =	simm.s32 $0x2680;
	s22 =	simm.s32 $0x4B0  }
.LBB2_22:
0x221: {  	s0 =	simm.s32 @!p0 $0x1  }
0x222: {  	_ =	swait.ge @!p0 [sflag:s0], $0x4000  }
0x223: {  	[sflag:s0] =	ssyncset.done @!p0 $0x0  }
0x224: {  	[sflag:s0] =	ssyncadd.s32 @!p0 $0xFFFFC000  }
0x225: {  	v2 =	vld @!p0 [tilespmem:s21+$0xFFFFFE80];
	_ =	sdelay $0x4  }
0x226: {  	v3 =	vshll.u32 @!p0 v2, $0x3  }
0x227: {  	v4 =	vlaneseq.u32 @!p0;
	v2 =	vand.u32 @!p0 $0x7, v2;
	v3 =	vand.u32 @!p0 $0xFFFFFFC0, v3  }
0x228: {  	v5 =	vshrl.u32 @!p0 v4, $0x3;
	v2 =	vor.u32 @!p0 v2, v3;
	v3 =	vand.u32 @!p0 $0x7, v4  }
0x229: {  	v5 =	vmul.u32 @!p0 $0x8, v5;
	v3 =	vperm.xlane @!p0 v2, v3;
	_ =	sdelay $0x1  }
0x22a: {  	v3 =	vadd.s32 @!p0 v5, v3;
	_ =	sdelay $0x3  }
0x22b: {  	vm0 =	vmmov @!p0 $0xffff;
	s2 =	simm.s32 @!p0 $0x4D00;
	s0 =	simm.s32 @!p0 $0x0  }
0x22c: {  	v4 =	vor.u32 @!p0 $0x8, v4;
	[hbm4b:s10+s0] =	stream.indirect_vreg.scatter @!p0 [tilespmem:s2], [sflag:$0x7], $0x80, v3, vm0, $0xb8;
	[tilespmem:$0x1CD00] =	vst v63  }
0x22d: {  	v2 =	vperm.xlane @!p0 v2, v4;
	s2 =	simm.s32 @!p0 $0x5500  }
0x22e: {  	[hbm4b:s12+s0] =	stream.indirect_vreg.scatter @!p0 [tilespmem:s2], [sflag:$0x7], $0x80, v3, vm0, $0xb8;
	[tilespmem:$0x1CD00] =	vst v63  }
0x22f: {  	v2 =	vadd.s32 @!p0 v5, v2;
	s2 =	simm.s32 @!p0 $0x5D00  }
0x230: {  	[hbm4b:s13+s0] =	stream.indirect_vreg.scatter @!p0 [tilespmem:s2], [sflag:$0x7], $0x80, v3, vm0, $0xb8;
	[tilespmem:$0x1CD00] =	vst v63  }
0x231: {  	s2 =	simm.s32 @!p0 $0x6500  }
0x232: {  	[hbm4b:s14+s0] =	stream.indirect_vreg.scatter @!p0 [tilespmem:s2], [sflag:$0x7], $0x80, v3, vm0, $0xb8;
	[tilespmem:$0x1CD00] =	vst v63  }
0x233: {  	s2 =	simm.s32 @!p0 $0x6D00  }
0x234: {  	[hbm4b:s10+s0] =	stream.indirect_vreg.scatter @!p0 [tilespmem:s2], [sflag:$0x7], $0x80, v2, vm0, $0xb8;
	[tilespmem:$0x1CD00] =	vst v63  }
0x235: {  	s2 =	simm.s32 @!p0 $0x7500  }
0x236: {  	[hbm4b:s12+s0] =	stream.indirect_vreg.scatter @!p0 [tilespmem:s2], [sflag:$0x7], $0x80, v2, vm0, $0xb8;
	[tilespmem:$0x1CD00] =	vst v63  }
0x237: {  	s2 =	simm.s32 @!p0 $0x7D00  }
0x238: {  	[hbm4b:s13+s0] =	stream.indirect_vreg.scatter @!p0 [tilespmem:s2], [sflag:$0x7], $0x80, v2, vm0, $0xb8;
	[tilespmem:$0x1CD00] =	vst v63  }
0x239: {  	s2 =	simm.s32 @!p0 $0x8500  }
0x23a: {  	[hbm4b:s14+s0] =	stream.indirect_vreg.scatter @!p0 [tilespmem:s2], [sflag:$0x7], $0x80, v2, vm0, $0xb8;
	[tilespmem:$0x1CD00] =	vst v63  }
0x23b: {  	s0 =	simm.s32 @!p1 $0x2  }
0x23c: {  	_ =	swait.ge @!p1 [sflag:s0], $0x4000  }
0x23d: {  	[sflag:s0] =	ssyncset.done @!p1 $0x0  }
0x23e: {  	[sflag:s0] =	ssyncadd.s32 @!p1 $0xFFFFC000  }
0x23f: {  	v2 =	vld @!p1 [tilespmem:s21+$0xFFFFFF00];
	_ =	sdelay $0x4  }
0x240: {  	v3 =	vshll.u32 @!p1 v2, $0x3  }
0x241: {  	v4 =	vlaneseq.u32 @!p1;
	v2 =	vand.u32 @!p1 $0x7, v2;
	v3 =	vand.u32 @!p1 $0xFFFFFFC0, v3  }
0x242: {  	v5 =	vshrl.u32 @!p1 v4, $0x3;
	v2 =	vor.u32 @!p1 v2, v3;
	v3 =	vand.u32 @!p1 $0x7, v4  }
0x243: {  	v5 =	vmul.u32 @!p1 $0x8, v5;
	v3 =	vperm.xlane @!p1 v2, v3;
	_ =	sdelay $0x1  }
0x244: {  	v3 =	vadd.s32 @!p1 v5, v3;
	_ =	sdelay $0x3  }
0x245: {  	vm0 =	vmmov @!p1 $0xffff;
	s2 =	simm.s32 @!p1 $0x8D00;
	s0 =	simm.s32 @!p1 $0x0  }
0x246: {  	v4 =	vor.u32 @!p1 $0x8, v4;
	[hbm4b:s10+s0] =	stream.indirect_vreg.scatter @!p1 [tilespmem:s2], [sflag:$0x8], $0x80, v3, vm0, $0xb8;
	[tilespmem:$0x1CD00] =	vst v63  }
0x247: {  	v2 =	vperm.xlane @!p1 v2, v4;
	s2 =	simm.s32 @!p1 $0x9500  }
0x248: {  	[hbm4b:s12+s0] =	stream.indirect_vreg.scatter @!p1 [tilespmem:s2], [sflag:$0x8], $0x80, v3, vm0, $0xb8;
	[tilespmem:$0x1CD00] =	vst v63  }
0x249: {  	v2 =	vadd.s32 @!p1 v5, v2;
	s2 =	simm.s32 @!p1 $0x9D00  }
0x24a: {  	[hbm4b:s13+s0] =	stream.indirect_vreg.scatter @!p1 [tilespmem:s2], [sflag:$0x8], $0x80, v3, vm0, $0xb8;
	[tilespmem:$0x1CD00] =	vst v63  }
0x24b: {  	s2 =	simm.s32 @!p1 $0xA500  }
0x24c: {  	[hbm4b:s14+s0] =	stream.indirect_vreg.scatter @!p1 [tilespmem:s2], [sflag:$0x8], $0x80, v3, vm0, $0xb8;
	[tilespmem:$0x1CD00] =	vst v63  }
0x24d: {  	s2 =	simm.s32 @!p1 $0xAD00  }
0x24e: {  	[hbm4b:s10+s0] =	stream.indirect_vreg.scatter @!p1 [tilespmem:s2], [sflag:$0x8], $0x80, v2, vm0, $0xb8;
	[tilespmem:$0x1CD00] =	vst v63  }
0x24f: {  	s2 =	simm.s32 @!p1 $0xB500  }
0x250: {  	[hbm4b:s12+s0] =	stream.indirect_vreg.scatter @!p1 [tilespmem:s2], [sflag:$0x8], $0x80, v2, vm0, $0xb8;
	[tilespmem:$0x1CD00] =	vst v63  }
0x251: {  	s2 =	simm.s32 @!p1 $0xBD00  }
0x252: {  	[hbm4b:s13+s0] =	stream.indirect_vreg.scatter @!p1 [tilespmem:s2], [sflag:$0x8], $0x80, v2, vm0, $0xb8;
	[tilespmem:$0x1CD00] =	vst v63  }
0x253: {  	s2 =	simm.s32 @!p1 $0xC500  }
0x254: {  	[hbm4b:s14+s0] =	stream.indirect_vreg.scatter @!p1 [tilespmem:s2], [sflag:$0x8], $0x80, v2, vm0, $0xb8;
	[tilespmem:$0x1CD00] =	vst v63  }
0x255: {  	s0 =	simm.s32 @!p2 $0x3  }
0x256: {  	_ =	swait.ge @!p2 [sflag:s0], $0x4000  }
0x257: {  	[sflag:s0] =	ssyncset.done @!p2 $0x0  }
0x258: {  	[sflag:s0] =	ssyncadd.s32 @!p2 $0xFFFFC000  }
0x259: {  	v2 =	vld @!p2 [tilespmem:s21+$0xFFFFFF80];
	_ =	sdelay $0x4  }
0x25a: {  	v3 =	vshll.u32 @!p2 v2, $0x3  }
0x25b: {  	v4 =	vlaneseq.u32 @!p2;
	v2 =	vand.u32 @!p2 $0x7, v2;
	v3 =	vand.u32 @!p2 $0xFFFFFFC0, v3  }
0x25c: {  	v5 =	vshrl.u32 @!p2 v4, $0x3;
	v2 =	vor.u32 @!p2 v2, v3;
	v3 =	vand.u32 @!p2 $0x7, v4  }
0x25d: {  	v5 =	vmul.u32 @!p2 $0x8, v5;
	v3 =	vperm.xlane @!p2 v2, v3;
	_ =	sdelay $0x1  }
0x25e: {  	v3 =	vadd.s32 @!p2 v5, v3;
	_ =	sdelay $0x3  }
0x25f: {  	vm0 =	vmmov @!p2 $0xffff;
	s2 =	simm.s32 @!p2 $0xCD00;
	s0 =	simm.s32 @!p2 $0x0  }
0x260: {  	v4 =	vor.u32 @!p2 $0x8, v4;
	[hbm4b:s10+s0] =	stream.indirect_vreg.scatter @!p2 [tilespmem:s2], [sflag:$0x9], $0x80, v3, vm0, $0xb8;
	[tilespmem:$0x1CD00] =	vst v63  }
0x261: {  	v2 =	vperm.xlane @!p2 v2, v4;
	s2 =	simm.s32 @!p2 $0xD500  }
0x262: {  	[hbm4b:s12+s0] =	stream.indirect_vreg.scatter @!p2 [tilespmem:s2], [sflag:$0x9], $0x80, v3, vm0, $0xb8;
	[tilespmem:$0x1CD00] =	vst v63  }
0x263: {  	v2 =	vadd.s32 @!p2 v5, v2;
	s2 =	simm.s32 @!p2 $0xDD00  }
0x264: {  	[hbm4b:s13+s0] =	stream.indirect_vreg.scatter @!p2 [tilespmem:s2], [sflag:$0x9], $0x80, v3, vm0, $0xb8;
	[tilespmem:$0x1CD00] =	vst v63  }
0x265: {  	s2 =	simm.s32 @!p2 $0xE500  }
0x266: {  	[hbm4b:s14+s0] =	stream.indirect_vreg.scatter @!p2 [tilespmem:s2], [sflag:$0x9], $0x80, v3, vm0, $0xb8;
	[tilespmem:$0x1CD00] =	vst v63  }
0x267: {  	s2 =	simm.s32 @!p2 $0xED00  }
0x268: {  	[hbm4b:s10+s0] =	stream.indirect_vreg.scatter @!p2 [tilespmem:s2], [sflag:$0x9], $0x80, v2, vm0, $0xb8;
	[tilespmem:$0x1CD00] =	vst v63  }
0x269: {  	s2 =	simm.s32 @!p2 $0xF500  }
0x26a: {  	[hbm4b:s12+s0] =	stream.indirect_vreg.scatter @!p2 [tilespmem:s2], [sflag:$0x9], $0x80, v2, vm0, $0xb8;
	[tilespmem:$0x1CD00] =	vst v63  }
0x26b: {  	s2 =	simm.s32 @!p2 $0xFD00  }
0x26c: {  	[hbm4b:s13+s0] =	stream.indirect_vreg.scatter @!p2 [tilespmem:s2], [sflag:$0x9], $0x80, v2, vm0, $0xb8;
	[tilespmem:$0x1CD00] =	vst v63  }
0x26d: {  	s2 =	simm.s32 @!p2 $0x10500  }
0x26e: {  	[hbm4b:s14+s0] =	stream.indirect_vreg.scatter @!p2 [tilespmem:s2], [sflag:$0x9], $0x80, v2, vm0, $0xb8;
	[tilespmem:$0x1CD00] =	vst v63  }
0x26f: {  	s0 =	simm.s32 @!p3 $0x4  }
0x270: {  	_ =	swait.ge @!p3 [sflag:s0], $0x4000  }
0x271: {  	[sflag:s0] =	ssyncset.done @!p3 $0x0  }
0x272: {  	[sflag:s0] =	ssyncadd.s32 @!p3 $0xFFFFC000  }
0x273: {  	v2 =	vld @!p3 [tilespmem:s21+$0x0];
	_ =	sdelay $0x4  }
0x274: {  	v3 =	vshll.u32 @!p3 v2, $0x3  }
0x275: {  	v4 =	vlaneseq.u32 @!p3;
	v2 =	vand.u32 @!p3 $0x7, v2;
	v3 =	vand.u32 @!p3 $0xFFFFFFC0, v3  }
0x276: {  	v5 =	vshrl.u32 @!p3 v4, $0x3;
	v2 =	vor.u32 @!p3 v2, v3;
	v3 =	vand.u32 @!p3 $0x7, v4  }
0x277: {  	v5 =	vmul.u32 @!p3 $0x8, v5;
	v3 =	vperm.xlane @!p3 v2, v3;
	_ =	sdelay $0x1  }
0x278: {  	v3 =	vadd.s32 @!p3 v5, v3;
	_ =	sdelay $0x3  }
0x279: {  	vm0 =	vmmov @!p3 $0xffff;
	s2 =	simm.s32 @!p3 $0x10D00;
	s0 =	simm.s32 @!p3 $0x0  }
0x27a: {  	v4 =	vor.u32 @!p3 $0x8, v4;
	[hbm4b:s10+s0] =	stream.indirect_vreg.scatter @!p3 [tilespmem:s2], [sflag:$0xA], $0x80, v3, vm0, $0xb8;
	[tilespmem:$0x1CD00] =	vst v63  }
0x27b: {  	v2 =	vperm.xlane @!p3 v2, v4;
	s2 =	simm.s32 @!p3 $0x11500  }
0x27c: {  	[hbm4b:s12+s0] =	stream.indirect_vreg.scatter @!p3 [tilespmem:s2], [sflag:$0xA], $0x80, v3, vm0, $0xb8;
	[tilespmem:$0x1CD00] =	vst v63  }
0x27d: {  	v2 =	vadd.s32 @!p3 v5, v2;
	s2 =	simm.s32 @!p3 $0x11D00  }
0x27e: {  	[hbm4b:s13+s0] =	stream.indirect_vreg.scatter @!p3 [tilespmem:s2], [sflag:$0xA], $0x80, v3, vm0, $0xb8;
	[tilespmem:$0x1CD00] =	vst v63  }
0x27f: {  	s2 =	simm.s32 @!p3 $0x12500  }
0x280: {  	[hbm4b:s14+s0] =	stream.indirect_vreg.scatter @!p3 [tilespmem:s2], [sflag:$0xA], $0x80, v3, vm0, $0xb8;
	[tilespmem:$0x1CD00] =	vst v63  }
0x281: {  	s2 =	simm.s32 @!p3 $0x12D00  }
0x282: {  	[hbm4b:s10+s0] =	stream.indirect_vreg.scatter @!p3 [tilespmem:s2], [sflag:$0xA], $0x80, v2, vm0, $0xb8;
	[tilespmem:$0x1CD00] =	vst v63  }
0x283: {  	s2 =	simm.s32 @!p3 $0x13500  }
0x284: {  	[hbm4b:s12+s0] =	stream.indirect_vreg.scatter @!p3 [tilespmem:s2], [sflag:$0xA], $0x80, v2, vm0, $0xb8;
	[tilespmem:$0x1CD00] =	vst v63  }
0x285: {  	s2 =	simm.s32 @!p3 $0x13D00  }
0x286: {  	[hbm4b:s13+s0] =	stream.indirect_vreg.scatter @!p3 [tilespmem:s2], [sflag:$0xA], $0x80, v2, vm0, $0xb8;
	[tilespmem:$0x1CD00] =	vst v63  }
0x287: {  	s2 =	simm.s32 @!p3 $0x14500  }
0x288: {  	[hbm4b:s14+s0] =	stream.indirect_vreg.scatter @!p3 [tilespmem:s2], [sflag:$0xA], $0x80, v2, vm0, $0xb8;
	[tilespmem:$0x1CD00] =	vst v63  }
0x289: {  	s0 =	simm.s32 @!p4 $0x5  }
0x28a: {  	_ =	swait.ge @!p4 [sflag:s0], $0x4000  }
0x28b: {  	[sflag:s0] =	ssyncset.done @!p4 $0x0  }
0x28c: {  	[sflag:s0] =	ssyncadd.s32 @!p4 $0xFFFFC000  }
0x28d: {  	v2 =	vld @!p4 [tilespmem:s21+$0x80];
	_ =	sdelay $0x4  }
0x28e: {  	v3 =	vshll.u32 @!p4 v2, $0x3  }
0x28f: {  	v4 =	vlaneseq.u32 @!p4;
	v2 =	vand.u32 @!p4 $0x7, v2;
	v3 =	vand.u32 @!p4 $0xFFFFFFC0, v3  }
0x290: {  	v5 =	vshrl.u32 @!p4 v4, $0x3;
	v2 =	vor.u32 @!p4 v2, v3;
	v3 =	vand.u32 @!p4 $0x7, v4  }
0x291: {  	v5 =	vmul.u32 @!p4 $0x8, v5;
	v3 =	vperm.xlane @!p4 v2, v3;
	_ =	sdelay $0x1  }
0x292: {  	v3 =	vadd.s32 @!p4 v5, v3;
	_ =	sdelay $0x3  }
0x293: {  	vm0 =	vmmov @!p4 $0xffff;
	s2 =	simm.s32 @!p4 $0x14D00;
	s0 =	simm.s32 @!p4 $0x0  }
0x294: {  	v4 =	vor.u32 @!p4 $0x8, v4;
	[hbm4b:s10+s0] =	stream.indirect_vreg.scatter @!p4 [tilespmem:s2], [sflag:$0xB], $0x80, v3, vm0, $0xb8;
	[tilespmem:$0x1CD00] =	vst v63  }
0x295: {  	v2 =	vperm.xlane @!p4 v2, v4;
	s2 =	simm.s32 @!p4 $0x15500  }
0x296: {  	[hbm4b:s12+s0] =	stream.indirect_vreg.scatter @!p4 [tilespmem:s2], [sflag:$0xB], $0x80, v3, vm0, $0xb8;
	[tilespmem:$0x1CD00] =	vst v63  }
0x297: {  	v2 =	vadd.s32 @!p4 v5, v2;
	s2 =	simm.s32 @!p4 $0x15D00  }
0x298: {  	[hbm4b:s13+s0] =	stream.indirect_vreg.scatter @!p4 [tilespmem:s2], [sflag:$0xB], $0x80, v3, vm0, $0xb8;
	[tilespmem:$0x1CD00] =	vst v63  }
0x299: {  	s2 =	simm.s32 @!p4 $0x16500  }
0x29a: {  	[hbm4b:s14+s0] =	stream.indirect_vreg.scatter @!p4 [tilespmem:s2], [sflag:$0xB], $0x80, v3, vm0, $0xb8;
	[tilespmem:$0x1CD00] =	vst v63  }
0x29b: {  	s2 =	simm.s32 @!p4 $0x16D00  }
0x29c: {  	[hbm4b:s10+s0] =	stream.indirect_vreg.scatter @!p4 [tilespmem:s2], [sflag:$0xB], $0x80, v2, vm0, $0xb8;
	[tilespmem:$0x1CD00] =	vst v63  }
0x29d: {  	s2 =	simm.s32 @!p4 $0x17500  }
0x29e: {  	[hbm4b:s12+s0] =	stream.indirect_vreg.scatter @!p4 [tilespmem:s2], [sflag:$0xB], $0x80, v2, vm0, $0xb8;
	[tilespmem:$0x1CD00] =	vst v63  }
0x29f: {  	s2 =	simm.s32 @!p4 $0x17D00  }
0x2a0: {  	[hbm4b:s13+s0] =	stream.indirect_vreg.scatter @!p4 [tilespmem:s2], [sflag:$0xB], $0x80, v2, vm0, $0xb8;
	[tilespmem:$0x1CD00] =	vst v63  }
0x2a1: {  	s2 =	simm.s32 @!p4 $0x18500  }
0x2a2: {  	[hbm4b:s14+s0] =	stream.indirect_vreg.scatter @!p4 [tilespmem:s2], [sflag:$0xB], $0x80, v2, vm0, $0xb8;
	[tilespmem:$0x1CD00] =	vst v63  }
0x2a3: {  	s0 =	simm.s32 @!p5 $0x6  }
0x2a4: {  	_ =	swait.ge @!p5 [sflag:s0], $0x4000  }
0x2a5: {  	[sflag:s0] =	ssyncset.done @!p5 $0x0  }
0x2a6: {  	[sflag:s0] =	ssyncadd.s32 @!p5 $0xFFFFC000  }
0x2a7: {  	v2 =	vld @!p5 [tilespmem:s21+$0x100];
	_ =	sdelay $0x4  }
0x2a8: {  	v3 =	vshll.u32 @!p5 v2, $0x3  }
0x2a9: {  	v4 =	vlaneseq.u32 @!p5;
	v2 =	vand.u32 @!p5 $0x7, v2;
	v3 =	vand.u32 @!p5 $0xFFFFFFC0, v3  }
0x2aa: {  	v5 =	vshrl.u32 @!p5 v4, $0x3;
	v2 =	vor.u32 @!p5 v2, v3;
	v3 =	vand.u32 @!p5 $0x7, v4  }
0x2ab: {  	v5 =	vmul.u32 @!p5 $0x8, v5;
	v3 =	vperm.xlane @!p5 v2, v3;
	_ =	sdelay $0x1  }
0x2ac: {  	v3 =	vadd.s32 @!p5 v5, v3;
	_ =	sdelay $0x3  }
0x2ad: {  	vm0 =	vmmov @!p5 $0xffff;
	s2 =	simm.s32 @!p5 $0x18D00;
	s0 =	simm.s32 @!p5 $0x0  }
0x2ae: {  	v4 =	vor.u32 @!p5 $0x8, v4;
	[hbm4b:s10+s0] =	stream.indirect_vreg.scatter @!p5 [tilespmem:s2], [sflag:$0xC], $0x80, v3, vm0, $0xb8;
	[tilespmem:$0x1CD00] =	vst v63  }
0x2af: {  	v2 =	vperm.xlane @!p5 v2, v4;
	s2 =	simm.s32 @!p5 $0x19500  }
0x2b0: {  	[hbm4b:s12+s0] =	stream.indirect_vreg.scatter @!p5 [tilespmem:s2], [sflag:$0xC], $0x80, v3, vm0, $0xb8;
	[tilespmem:$0x1CD00] =	vst v63  }
0x2b1: {  	v2 =	vadd.s32 @!p5 v5, v2;
	s2 =	simm.s32 @!p5 $0x19D00  }
0x2b2: {  	[hbm4b:s13+s0] =	stream.indirect_vreg.scatter @!p5 [tilespmem:s2], [sflag:$0xC], $0x80, v3, vm0, $0xb8;
	[tilespmem:$0x1CD00] =	vst v63  }
0x2b3: {  	s2 =	simm.s32 @!p5 $0x1A500  }
0x2b4: {  	[hbm4b:s14+s0] =	stream.indirect_vreg.scatter @!p5 [tilespmem:s2], [sflag:$0xC], $0x80, v3, vm0, $0xb8;
	[tilespmem:$0x1CD00] =	vst v63  }
0x2b5: {  	s1 =	sadd.s32 $0xFFFFFFFF, s1;
	s2 =	simm.s32 @!p5 $0x1AD00  }
0x2b6: {  	[hbm4b:s10+s0] =	stream.indirect_vreg.scatter @!p5 [tilespmem:s2], [sflag:$0xC], $0x80, v2, vm0, $0xb8;
	[tilespmem:$0x1CD00] =	vst v63  }
0x2b7: {  	p0 =	sne.s32 s1, $0x0;
	s2 =	simm.s32 @!p5 $0x1B500  }
0x2b8: {  	[hbm4b:s12+s0] =	stream.indirect_vreg.scatter @!p5 [tilespmem:s2], [sflag:$0xC], $0x80, v2, vm0, $0xb8;
	[tilespmem:$0x1CD00] =	vst v63  }
.Ltmp8:
0x2b9: {  	_ = 	snop;
	(pc) =	sbr.rel @!p0 .LBB2_23-.Ltmp8, $4  }
0x2ba: {  	s8 =	sadd.s32 $0x6, s8;
	s2 =	simm.s32 @!p5 $0x1BD00  }
0x2bb: {  	[hbm4b:s13+s0] =	stream.indirect_vreg.scatter @!p5 [tilespmem:s2], [sflag:$0xC], $0x80, v2, vm0, $0xb8;
	[tilespmem:$0x1CD00] =	vst v63  }
0x2bc: {  	s22 =	sadd.s32 $0x60, s22;
	s21 =	sadd.s32 $0x300, s21;
	s2 =	simm.s32 @!p5 $0x1C500  }
0x2bd: {  	[hbm4b:s14+s0] =	stream.indirect_vreg.scatter @!p5 [tilespmem:s2], [sflag:$0xC], $0x80, v2, vm0, $0xb8;
	[tilespmem:$0x1CD00] =	vst v63  }
.LBB2_10:
0x2be: {  	p0 =	sge.s32 s8, s30  }
.Ltmp9:
0x2bf: {  	_ = 	snop;
	(pc) =	sbr.rel @p0 .LBB2_12-.Ltmp9, $1  }
0x2c0: {  	_ =	sdelay $0x3  }
0x2c1: {  	p1 =	sgt.s32 s16, $0x0  }
0x2c2: {  	p2 =	seq.s32 @!p1 s8, $0x0  }
0x2c3: {  	p1 =	por p1, !p2  }
0x2c4: {  	s0 =	simm.s32 @p1 $0x7  }
0x2c5: {  	_ =	swait.ge @p1 [sflag:s0], $0x4000  }
0x2c6: {  	[sflag:s0] =	ssyncset.done @p1 $0x0  }
0x2c7: {  	[sflag:s0] =	ssyncadd.s32 @p1 $0xFFFFC000  }
0x2c8: {  	v2 =	vld [tilespmem:s22+$0xFFFFFFD0];
	_ =	sdelay $0x4  }
0x2c9: {  	v3 =	vshll.u32 v2, $0x3  }
0x2ca: {  	v2 =	vand.u32 $0x7, v2;
	v3 =	vand.u32 $0xFFFFFFC0, v3  }
0x2cb: {  	v4 =	vshrl.u32 v0, $0x3;
	v2 =	vor.u32 v2, v3;
	v3 =	vand.u32 $0x7, v0  }
0x2cc: {  	v4 =	vmul.u32 $0x8, v4;
	v3 =	vperm.xlane v2, v3;
	_ =	sdelay $0x1  }
0x2cd: {  	v3 =	vadd.s32 v4, v3;
	_ =	sdelay $0x3  }
0x2ce: {  	vm0 =	vmmov $0xffff  }
0x2cf: {  	v5 =	vor.u32 $0x8, v0;
	[tilespmem:s15], [sflag:$0x1] =	stream.indirect_vreg.gather [hbm4b:s3+s5], $0x80, v3, vm0, $0xb8;
	[tilespmem:$0x1CD00] =	vst v63  }
0x2d0: {  	v2 =	vperm.xlane v2, v5  }
0x2d1: {  	[tilespmem:s17], [sflag:$0x1] =	stream.indirect_vreg.gather [hbm4b:s6+s5], $0x80, v3, vm0, $0xb8;
	[tilespmem:$0x1CD00] =	vst v63  }
0x2d2: {  	v2 =	vadd.s32 v4, v2  }
0x2d3: {  	[tilespmem:s18], [sflag:$0x1] =	stream.indirect_vreg.gather [hbm4b:s9+s5], $0x80, v3, vm0, $0xb8;
	[tilespmem:$0x1CD00] =	vst v63  }
0x2d4: {  	_ = 	snop  }
0x2d5: {  	[tilespmem:s20], [sflag:$0x1] =	stream.indirect_vreg.gather [hbm4b:s11+s5], $0x80, v3, vm0, $0xb8;
	[tilespmem:$0x1CD00] =	vst v63  }
0x2d6: {  	s2 =	simm.s32 $0x6D00  }
0x2d7: {  	[tilespmem:s2], [sflag:$0x1] =	stream.indirect_vreg.gather [hbm4b:s3+s5], $0x80, v2, vm0, $0xb8;
	[tilespmem:$0x1CD00] =	vst v63  }
0x2d8: {  	s2 =	simm.s32 $0x7500  }
0x2d9: {  	[tilespmem:s2], [sflag:$0x1] =	stream.indirect_vreg.gather [hbm4b:s6+s5], $0x80, v2, vm0, $0xb8;
	[tilespmem:$0x1CD00] =	vst v63  }
0x2da: {  	s2 =	simm.s32 $0x7D00  }
0x2db: {  	[tilespmem:s2], [sflag:$0x1] =	stream.indirect_vreg.gather [hbm4b:s9+s5], $0x80, v2, vm0, $0xb8;
	[tilespmem:$0x1CD00] =	vst v63  }
0x2dc: {  	s2 =	simm.s32 $0x8500  }
0x2dd: {  	[tilespmem:s2], [sflag:$0x1] =	stream.indirect_vreg.gather [hbm4b:s11+s5], $0x80, v2, vm0, $0xb8;
	[tilespmem:$0x1CD00] =	vst v63  }
.LBB2_12:
0x2de: {  	s0 =	sadd.s32 $0x1, s8  }
0x2df: {  	p1 =	sge.s32 s0, s30  }
.Ltmp10:
0x2e0: {  	_ = 	snop;
	(pc) =	sbr.rel @p1 .LBB2_14-.Ltmp10, $1  }
0x2e1: {  	_ =	sdelay $0x3  }
0x2e2: {  	p2 =	sgt.s32 s16, $0x1  }
0x2e3: {  	p3 =	seq.s32 @!p2 s8, $0x0  }
0x2e4: {  	p2 =	por p2, !p3  }
0x2e5: {  	s0 =	simm.s32 @p2 $0x8  }
0x2e6: {  	_ =	swait.ge @p2 [sflag:s0], $0x4000  }
0x2e7: {  	[sflag:s0] =	ssyncset.done @p2 $0x0  }
0x2e8: {  	[sflag:s0] =	ssyncadd.s32 @p2 $0xFFFFC000  }
0x2e9: {  	v2 =	vld [tilespmem:s22+$0xFFFFFFE0];
	_ =	sdelay $0x4  }
0x2ea: {  	v3 =	vshll.u32 v2, $0x3  }
0x2eb: {  	v2 =	vand.u32 $0x7, v2;
	v3 =	vand.u32 $0xFFFFFFC0, v3  }
0x2ec: {  	v4 =	vshrl.u32 v0, $0x3;
	v2 =	vor.u32 v2, v3;
	v3 =	vand.u32 $0x7, v0  }
0x2ed: {  	v4 =	vmul.u32 $0x8, v4;
	v3 =	vperm.xlane v2, v3;
	_ =	sdelay $0x1  }
0x2ee: {  	v3 =	vadd.s32 v4, v3;
	_ =	sdelay $0x3  }
0x2ef: {  	vm0 =	vmmov $0xffff;
	s2 =	simm.s32 $0x8D00  }
0x2f0: {  	v5 =	vor.u32 $0x8, v0;
	[tilespmem:s2], [sflag:$0x2] =	stream.indirect_vreg.gather [hbm4b:s3+s5], $0x80, v3, vm0, $0xb8;
	[tilespmem:$0x1CD00] =	vst v63  }
0x2f1: {  	v2 =	vperm.xlane v2, v5;
	s2 =	simm.s32 $0x9500  }
0x2f2: {  	[tilespmem:s2], [sflag:$0x2] =	stream.indirect_vreg.gather [hbm4b:s6+s5], $0x80, v3, vm0, $0xb8;
	[tilespmem:$0x1CD00] =	vst v63  }
0x2f3: {  	v2 =	vadd.s32 v4, v2;
	s2 =	simm.s32 $0x9D00  }
0x2f4: {  	[tilespmem:s2], [sflag:$0x2] =	stream.indirect_vreg.gather [hbm4b:s9+s5], $0x80, v3, vm0, $0xb8;
	[tilespmem:$0x1CD00] =	vst v63  }
0x2f5: {  	s2 =	simm.s32 $0xA500  }
0x2f6: {  	[tilespmem:s2], [sflag:$0x2] =	stream.indirect_vreg.gather [hbm4b:s11+s5], $0x80, v3, vm0, $0xb8;
	[tilespmem:$0x1CD00] =	vst v63  }
0x2f7: {  	s2 =	simm.s32 $0xAD00  }
0x2f8: {  	[tilespmem:s2], [sflag:$0x2] =	stream.indirect_vreg.gather [hbm4b:s3+s5], $0x80, v2, vm0, $0xb8;
	[tilespmem:$0x1CD00] =	vst v63  }
0x2f9: {  	s2 =	simm.s32 $0xB500  }
0x2fa: {  	[tilespmem:s2], [sflag:$0x2] =	stream.indirect_vreg.gather [hbm4b:s6+s5], $0x80, v2, vm0, $0xb8;
	[tilespmem:$0x1CD00] =	vst v63  }
0x2fb: {  	s2 =	simm.s32 $0xBD00  }
0x2fc: {  	[tilespmem:s2], [sflag:$0x2] =	stream.indirect_vreg.gather [hbm4b:s9+s5], $0x80, v2, vm0, $0xb8;
	[tilespmem:$0x1CD00] =	vst v63  }
0x2fd: {  	s2 =	simm.s32 $0xC500  }
0x2fe: {  	[tilespmem:s2], [sflag:$0x2] =	stream.indirect_vreg.gather [hbm4b:s11+s5], $0x80, v2, vm0, $0xb8;
	[tilespmem:$0x1CD00] =	vst v63  }
.LBB2_14:
0x2ff: {  	s0 =	sadd.s32 $0x2, s8  }
0x300: {  	p2 =	sge.s32 s0, s30  }
.Ltmp11:
0x301: {  	_ = 	snop;
	(pc) =	sbr.rel @p2 .LBB2_16-.Ltmp11, $1  }
0x302: {  	_ =	sdelay $0x3  }
0x303: {  	p3 =	sgt.s32 s16, $0x2  }
0x304: {  	p4 =	seq.s32 @!p3 s8, $0x0  }
0x305: {  	p3 =	por p3, !p4  }
0x306: {  	s0 =	simm.s32 @p3 $0x9  }
0x307: {  	_ =	swait.ge @p3 [sflag:s0], $0x4000  }
0x308: {  	[sflag:s0] =	ssyncset.done @p3 $0x0  }
0x309: {  	[sflag:s0] =	ssyncadd.s32 @p3 $0xFFFFC000  }
0x30a: {  	v2 =	vld [tilespmem:s22+$0xFFFFFFF0];
	_ =	sdelay $0x4  }
0x30b: {  	v3 =	vshll.u32 v2, $0x3  }
0x30c: {  	v2 =	vand.u32 $0x7, v2;
	v3 =	vand.u32 $0xFFFFFFC0, v3  }
0x30d: {  	v4 =	vshrl.u32 v0, $0x3;
	v2 =	vor.u32 v2, v3;
	v3 =	vand.u32 $0x7, v0  }
0x30e: {  	v4 =	vmul.u32 $0x8, v4;
	v3 =	vperm.xlane v2, v3;
	_ =	sdelay $0x1  }
0x30f: {  	v3 =	vadd.s32 v4, v3;
	_ =	sdelay $0x3  }
0x310: {  	vm0 =	vmmov $0xffff;
	s2 =	simm.s32 $0xCD00  }
0x311: {  	v5 =	vor.u32 $0x8, v0;
	[tilespmem:s2], [sflag:$0x3] =	stream.indirect_vreg.gather [hbm4b:s3+s5], $0x80, v3, vm0, $0xb8;
	[tilespmem:$0x1CD00] =	vst v63  }
0x312: {  	v2 =	vperm.xlane v2, v5;
	s2 =	simm.s32 $0xD500  }
0x313: {  	[tilespmem:s2], [sflag:$0x3] =	stream.indirect_vreg.gather [hbm4b:s6+s5], $0x80, v3, vm0, $0xb8;
	[tilespmem:$0x1CD00] =	vst v63  }
0x314: {  	v2 =	vadd.s32 v4, v2;
	s2 =	simm.s32 $0xDD00  }
0x315: {  	[tilespmem:s2], [sflag:$0x3] =	stream.indirect_vreg.gather [hbm4b:s9+s5], $0x80, v3, vm0, $0xb8;
	[tilespmem:$0x1CD00] =	vst v63  }
0x316: {  	s2 =	simm.s32 $0xE500  }
0x317: {  	[tilespmem:s2], [sflag:$0x3] =	stream.indirect_vreg.gather [hbm4b:s11+s5], $0x80, v3, vm0, $0xb8;
	[tilespmem:$0x1CD00] =	vst v63  }
0x318: {  	s2 =	simm.s32 $0xED00  }
0x319: {  	[tilespmem:s2], [sflag:$0x3] =	stream.indirect_vreg.gather [hbm4b:s3+s5], $0x80, v2, vm0, $0xb8;
	[tilespmem:$0x1CD00] =	vst v63  }
0x31a: {  	s2 =	simm.s32 $0xF500  }
0x31b: {  	[tilespmem:s2], [sflag:$0x3] =	stream.indirect_vreg.gather [hbm4b:s6+s5], $0x80, v2, vm0, $0xb8;
	[tilespmem:$0x1CD00] =	vst v63  }
0x31c: {  	s2 =	simm.s32 $0xFD00  }
0x31d: {  	[tilespmem:s2], [sflag:$0x3] =	stream.indirect_vreg.gather [hbm4b:s9+s5], $0x80, v2, vm0, $0xb8;
	[tilespmem:$0x1CD00] =	vst v63  }
0x31e: {  	s2 =	simm.s32 $0x10500  }
0x31f: {  	[tilespmem:s2], [sflag:$0x3] =	stream.indirect_vreg.gather [hbm4b:s11+s5], $0x80, v2, vm0, $0xb8;
	[tilespmem:$0x1CD00] =	vst v63  }
.LBB2_16:
0x320: {  	s0 =	sadd.s32 $0x3, s8  }
0x321: {  	p3 =	sge.s32 s0, s30  }
.Ltmp12:
0x322: {  	_ = 	snop;
	(pc) =	sbr.rel @p3 .LBB2_18-.Ltmp12, $1  }
0x323: {  	_ =	sdelay $0x3  }
0x324: {  	p4 =	sgt.s32 s16, $0x3  }
0x325: {  	p5 =	seq.s32 @!p4 s8, $0x0  }
0x326: {  	p4 =	por p4, !p5  }
0x327: {  	s0 =	simm.s32 @p4 $0xA  }
0x328: {  	_ =	swait.ge @p4 [sflag:s0], $0x4000  }
0x329: {  	[sflag:s0] =	ssyncset.done @p4 $0x0  }
0x32a: {  	[sflag:s0] =	ssyncadd.s32 @p4 $0xFFFFC000  }
0x32b: {  	v2 =	vld [tilespmem:s22+$0x0];
	_ =	sdelay $0x4  }
0x32c: {  	v3 =	vshll.u32 v2, $0x3  }
0x32d: {  	v2 =	vand.u32 $0x7, v2;
	v3 =	vand.u32 $0xFFFFFFC0, v3  }
0x32e: {  	v4 =	vshrl.u32 v0, $0x3;
	v2 =	vor.u32 v2, v3;
	v3 =	vand.u32 $0x7, v0  }
0x32f: {  	v4 =	vmul.u32 $0x8, v4;
	v3 =	vperm.xlane v2, v3;
	_ =	sdelay $0x1  }
0x330: {  	v3 =	vadd.s32 v4, v3;
	_ =	sdelay $0x3  }
0x331: {  	vm0 =	vmmov $0xffff;
	s2 =	simm.s32 $0x10D00  }
0x332: {  	v5 =	vor.u32 $0x8, v0;
	[tilespmem:s2], [sflag:$0x4] =	stream.indirect_vreg.gather [hbm4b:s3+s5], $0x80, v3, vm0, $0xb8;
	[tilespmem:$0x1CD00] =	vst v63  }
0x333: {  	v2 =	vperm.xlane v2, v5;
	s2 =	simm.s32 $0x11500  }
0x334: {  	[tilespmem:s2], [sflag:$0x4] =	stream.indirect_vreg.gather [hbm4b:s6+s5], $0x80, v3, vm0, $0xb8;
	[tilespmem:$0x1CD00] =	vst v63  }
0x335: {  	v2 =	vadd.s32 v4, v2;
	s2 =	simm.s32 $0x11D00  }
0x336: {  	[tilespmem:s2], [sflag:$0x4] =	stream.indirect_vreg.gather [hbm4b:s9+s5], $0x80, v3, vm0, $0xb8;
	[tilespmem:$0x1CD00] =	vst v63  }
0x337: {  	s2 =	simm.s32 $0x12500  }
0x338: {  	[tilespmem:s2], [sflag:$0x4] =	stream.indirect_vreg.gather [hbm4b:s11+s5], $0x80, v3, vm0, $0xb8;
	[tilespmem:$0x1CD00] =	vst v63  }
0x339: {  	s2 =	simm.s32 $0x12D00  }
0x33a: {  	[tilespmem:s2], [sflag:$0x4] =	stream.indirect_vreg.gather [hbm4b:s3+s5], $0x80, v2, vm0, $0xb8;
	[tilespmem:$0x1CD00] =	vst v63  }
0x33b: {  	s2 =	simm.s32 $0x13500  }
0x33c: {  	[tilespmem:s2], [sflag:$0x4] =	stream.indirect_vreg.gather [hbm4b:s6+s5], $0x80, v2, vm0, $0xb8;
	[tilespmem:$0x1CD00] =	vst v63  }
0x33d: {  	s2 =	simm.s32 $0x13D00  }
0x33e: {  	[tilespmem:s2], [sflag:$0x4] =	stream.indirect_vreg.gather [hbm4b:s9+s5], $0x80, v2, vm0, $0xb8;
	[tilespmem:$0x1CD00] =	vst v63  }
0x33f: {  	s2 =	simm.s32 $0x14500  }
0x340: {  	[tilespmem:s2], [sflag:$0x4] =	stream.indirect_vreg.gather [hbm4b:s11+s5], $0x80, v2, vm0, $0xb8;
	[tilespmem:$0x1CD00] =	vst v63  }
.LBB2_18:
0x341: {  	s0 =	sadd.s32 $0x4, s8  }
0x342: {  	p4 =	sge.s32 s0, s30  }
.Ltmp13:
0x343: {  	_ = 	snop;
	(pc) =	sbr.rel @p4 .LBB2_20-.Ltmp13, $1  }
0x344: {  	_ =	sdelay $0x3  }
0x345: {  	p5 =	sgt.s32 s16, $0x4  }
0x346: {  	p6 =	seq.s32 @!p5 s8, $0x0  }
0x347: {  	p5 =	por p5, !p6  }
0x348: {  	s0 =	simm.s32 @p5 $0xB  }
0x349: {  	_ =	swait.ge @p5 [sflag:s0], $0x4000  }
0x34a: {  	[sflag:s0] =	ssyncset.done @p5 $0x0  }
0x34b: {  	[sflag:s0] =	ssyncadd.s32 @p5 $0xFFFFC000  }
0x34c: {  	v2 =	vld [tilespmem:s22+$0x10];
	_ =	sdelay $0x4  }
0x34d: {  	v3 =	vshll.u32 v2, $0x3  }
0x34e: {  	v2 =	vand.u32 $0x7, v2;
	v3 =	vand.u32 $0xFFFFFFC0, v3  }
0x34f: {  	v4 =	vshrl.u32 v0, $0x3;
	v2 =	vor.u32 v2, v3;
	v3 =	vand.u32 $0x7, v0  }
0x350: {  	v4 =	vmul.u32 $0x8, v4;
	v3 =	vperm.xlane v2, v3;
	_ =	sdelay $0x1  }
0x351: {  	v3 =	vadd.s32 v4, v3;
	_ =	sdelay $0x3  }
0x352: {  	vm0 =	vmmov $0xffff;
	s2 =	simm.s32 $0x14D00  }
0x353: {  	v5 =	vor.u32 $0x8, v0;
	[tilespmem:s2], [sflag:$0x5] =	stream.indirect_vreg.gather [hbm4b:s3+s5], $0x80, v3, vm0, $0xb8;
	[tilespmem:$0x1CD00] =	vst v63  }
0x354: {  	v2 =	vperm.xlane v2, v5;
	s2 =	simm.s32 $0x15500  }
0x355: {  	[tilespmem:s2], [sflag:$0x5] =	stream.indirect_vreg.gather [hbm4b:s6+s5], $0x80, v3, vm0, $0xb8;
	[tilespmem:$0x1CD00] =	vst v63  }
0x356: {  	v2 =	vadd.s32 v4, v2;
	s2 =	simm.s32 $0x15D00  }
0x357: {  	[tilespmem:s2], [sflag:$0x5] =	stream.indirect_vreg.gather [hbm4b:s9+s5], $0x80, v3, vm0, $0xb8;
	[tilespmem:$0x1CD00] =	vst v63  }
0x358: {  	s2 =	simm.s32 $0x16500  }
0x359: {  	[tilespmem:s2], [sflag:$0x5] =	stream.indirect_vreg.gather [hbm4b:s11+s5], $0x80, v3, vm0, $0xb8;
	[tilespmem:$0x1CD00] =	vst v63  }
0x35a: {  	s2 =	simm.s32 $0x16D00  }
0x35b: {  	[tilespmem:s2], [sflag:$0x5] =	stream.indirect_vreg.gather [hbm4b:s3+s5], $0x80, v2, vm0, $0xb8;
	[tilespmem:$0x1CD00] =	vst v63  }
0x35c: {  	s2 =	simm.s32 $0x17500  }
0x35d: {  	[tilespmem:s2], [sflag:$0x5] =	stream.indirect_vreg.gather [hbm4b:s6+s5], $0x80, v2, vm0, $0xb8;
	[tilespmem:$0x1CD00] =	vst v63  }
0x35e: {  	s2 =	simm.s32 $0x17D00  }
0x35f: {  	[tilespmem:s2], [sflag:$0x5] =	stream.indirect_vreg.gather [hbm4b:s9+s5], $0x80, v2, vm0, $0xb8;
	[tilespmem:$0x1CD00] =	vst v63  }
0x360: {  	s2 =	simm.s32 $0x18500  }
0x361: {  	[tilespmem:s2], [sflag:$0x5] =	stream.indirect_vreg.gather [hbm4b:s11+s5], $0x80, v2, vm0, $0xb8;
	[tilespmem:$0x1CD00] =	vst v63  }
.LBB2_20:
0x362: {  	s0 =	sadd.s32 $0x5, s8  }
0x363: {  	p5 =	sge.s32 s0, s30  }
.Ltmp14:
0x364: {  	_ = 	snop;
	(pc) =	sbr.rel @p5 .LBB2_22-.Ltmp14, $1  }
0x365: {  	_ =	sdelay $0x3  }
0x366: {  	s0 =	simm.s32 @!p0 $0x0  }
0x367: {  	p6 =	sgt.s32 s16, $0x5;
	s0 =	simm.s32 @p0 $0x1  }
0x368: {  	[smem:$0x7FC] =	sst s0;
	s0 =	simm.s32 @!p6 $0x0  }
0x369: {  	s0 =	simm.s32 @p6 $0x1  }
0x36a: {  	[smem:$0x7FD] =	sst s0  }
0x36b: {  	s0 =	sld [smem:$0x7FD]  }
0x36c: {  	s2 =	sld [smem:$0x7FD];
	_ =	sdelay $0x1  }
0x36d: {  	p0 =	seq.s32 s0, $0x1  }
0x36e: {  	p6 =	seq.s32 @!p0 s8, $0x0;
	p0 =	seq.s32 s2, $0x1  }
0x36f: {  	p6 =	por p0, !p6  }
0x370: {  	s0 =	simm.s32 @p6 $0xC  }
0x371: {  	_ =	swait.ge @p6 [sflag:s0], $0x4000  }
0x372: {  	[sflag:s0] =	ssyncset.done @p6 $0x0  }
0x373: {  	[sflag:s0] =	ssyncadd.s32 @p6 $0xFFFFC000  }
0x374: {  	v2 =	vld [tilespmem:s22+$0x20];
	_ =	sdelay $0x4  }
0x375: {  	v3 =	vshll.u32 v2, $0x3  }
0x376: {  	v2 =	vand.u32 $0x7, v2;
	v3 =	vand.u32 $0xFFFFFFC0, v3  }
0x377: {  	v4 =	vshrl.u32 v0, $0x3;
	v2 =	vor.u32 v2, v3;
	v3 =	vand.u32 $0x7, v0  }
0x378: {  	v4 =	vmul.u32 $0x8, v4;
	v3 =	vperm.xlane v2, v3;
	_ =	sdelay $0x1  }
0x379: {  	v3 =	vadd.s32 v4, v3;
	_ =	sdelay $0x3  }
0x37a: {  	vm0 =	vmmov $0xffff;
	s2 =	simm.s32 $0x18D00  }
0x37b: {  	v5 =	vor.u32 $0x8, v0;
	[tilespmem:s2], [sflag:$0x6] =	stream.indirect_vreg.gather [hbm4b:s3+s5], $0x80, v3, vm0, $0xb8;
	[tilespmem:$0x1CD00] =	vst v63  }
0x37c: {  	v2 =	vperm.xlane v2, v5;
	s2 =	simm.s32 $0x19500  }
0x37d: {  	[tilespmem:s2], [sflag:$0x6] =	stream.indirect_vreg.gather [hbm4b:s6+s5], $0x80, v3, vm0, $0xb8;
	[tilespmem:$0x1CD00] =	vst v63  }
0x37e: {  	v2 =	vadd.s32 v4, v2;
	s2 =	simm.s32 $0x19D00  }
0x37f: {  	[tilespmem:s2], [sflag:$0x6] =	stream.indirect_vreg.gather [hbm4b:s9+s5], $0x80, v3, vm0, $0xb8;
	[tilespmem:$0x1CD00] =	vst v63  }
0x380: {  	s2 =	simm.s32 $0x1A500  }
0x381: {  	[tilespmem:s2], [sflag:$0x6] =	stream.indirect_vreg.gather [hbm4b:s11+s5], $0x80, v3, vm0, $0xb8;
	[tilespmem:$0x1CD00] =	vst v63  }
0x382: {  	s2 =	simm.s32 $0x1AD00  }
0x383: {  	[tilespmem:s2], [sflag:$0x6] =	stream.indirect_vreg.gather [hbm4b:s3+s5], $0x80, v2, vm0, $0xb8;
	[tilespmem:$0x1CD00] =	vst v63  }
0x384: {  	s2 =	simm.s32 $0x1B500  }
0x385: {  	[tilespmem:s2], [sflag:$0x6] =	stream.indirect_vreg.gather [hbm4b:s6+s5], $0x80, v2, vm0, $0xb8;
	[tilespmem:$0x1CD00] =	vst v63  }
0x386: {  	s2 =	simm.s32 $0x1BD00  }
0x387: {  	[tilespmem:s2], [sflag:$0x6] =	stream.indirect_vreg.gather [hbm4b:s9+s5], $0x80, v2, vm0, $0xb8;
	[tilespmem:$0x1CD00] =	vst v63  }
0x388: {  	s2 =	simm.s32 $0x1C500  }
0x389: {  	[tilespmem:s2], [sflag:$0x6] =	stream.indirect_vreg.gather [hbm4b:s11+s5], $0x80, v2, vm0, $0xb8;
	[tilespmem:$0x1CD00] =	vst v63  }
.Ltmp15:
0x38a: {  	_ = 	snop;
	(pc) =	sbr.rel .LBB2_22-.Ltmp15, $2  }
0x38b: {  	s2 =	sld [smem:$0x7FC];
	_ =	sdelay $0x2  }
0x38c: {  	p0 =	seq.s32 s2, $0x1  }
.LBB2_23:
0x38d: {  	s0 =	sshra.s32 s31, $0x1F  }
0x38e: {  	s0 =	sshrl.u32 s0, $0x1C  }
0x38f: {  	s0 =	sadd.s32 s0, s31  }
0x390: {  	s0 =	sshra.s32 s0, $0x4  }
0x391: {  	s31 =	ssub.s32 s0, s4  }
0x392: {  	s0 =	sadd.s32 $0x5, s31  }
0x393: {  	s1 =	smulhi.u32 $0x2AAAAAAB, s0;
	s0 =	sshra.s32 s0, $0x1F  }
0x394: {  	s0 =	smul.u32 $0x2AAAAAAB, s0;
	_ =	sdelay $0x1  }
0x395: {  	s0 =	sadd.s32 s0, s1  }
0x396: {  	s1 =	sshrl.u32 s0, $0x1F  }
0x397: {  	p0 =	sgt.s32 s16, $0x5;
	s0 =	sadd.s32 s1, s0  }
0x398: {  	p1 =	sgt.s32 s16, $0x4;
	p2 =	sgt.s32 s16, $0x3;
	s1 =	smul.u32 $0xFFFFFFFA, s0  }
0x399: {  	p6 =	sgt.s32 s16, $0x1;
	p5 =	sgt.s32 s16, $0x0;
	s2 =	ssub.s32 $0xFFFFFFFB, s31  }
0x39a: {  	p4 =	slt.s32 s31, $0xFFFFFFFC;
	p3 =	sne.s32 s1, s2;
	s1 =	simm.s32 @!p0 $0x0  }
0x39b: {  	s1 =	simm.s32 @p0 $0x1;
	p3 =	por !p4, !p3;
	p0 =	sgt.s32 s30, $0x0  }
0x39c: {  	p4 =	sgt.s32 s30, $0x1;
	[smem:$0x7FA] =	sst s1;
	p3 =	por !p3, !p3  }
0x39d: {  	s1 =	simm.s32 $0x1;
	p0 =	por p5, p0;
	p5 =	sgt.s32 s16, $0x2  }
0x39e: {  	s1 =	simm.s32 @!p3 $0x0;
	s2 =	simm.s32 @!p0 $0x0;
	s22 =	sld [smem:$0x7FA]  }
0x39f: {  	s2 =	simm.s32 @p0 $0x1;
	p0 =	por p6, p4;
	s1 =	ssub.s32 s0, s1  }
0x3a0: {  	p4 =	sgt.s32 s30, $0x3;
	[smem:$0x7F6] =	sst s2;
	s2 =	simm.s32 @!p0 $0x0  }
0x3a1: {  	p2 =	por p2, p4;
	s2 =	simm.s32 @p0 $0x1;
	p0 =	sgt.s32 s30, $0x2  }
0x3a2: {  	p4 =	seq.s32 s22, $0x1;
	s22 =	rddreg [dreg:$0x10];
	p0 =	por p5, p0  }
0x3a3: {  	p6 =	sgt.s32 s30, $0x5;
	[smem:$0x7F7] =	sst s2;
	s0 =	simm.s32 @!p0 $0x0  }
0x3a4: {  	p5 =	sgt.s32 s30, $0x4;
	s0 =	simm.s32 @p0 $0x1;
	p0 =	slt.s32 s1, $0x1  }
.Ltmp16:
0x3a5: {  	[smem:$0x7F8] =	sst s0;
	s0 =	simm.s32 @!p2 $0x0;
	(pc) =	sbr.rel @p0 .LBB2_26-.Ltmp16, $4  }
0x3a6: {  	p5 =	por p1, p5;
	p1 =	por p4, p6;
	s0 =	simm.s32 @p2 $0x1  }
0x3a7: {  	[smem:$0x7F9] =	sst s0;
	s0 =	simm.s32 @!p1 $0x0  }
0x3a8: {  	s30 =	rddreg [dreg:$0xf];
	s0 =	simm.s32 @p1 $0x1  }
0x3a9: {  	[smem:$0x7FB] =	sst s0  }
0x3aa: {  	s0 =	simm.s32 @!p5 $0x0  }
0x3ab: {  	s4 =	simm.s32 $0x0;
	s0 =	simm.s32 @p5 $0x1  }
0x3ac: {  	s6 =	simm.s32 $0x3A80;
	s8 =	simm.s32 $0x730;
	[smem:$0x7F5] =	sst s0  }
.LBB2_25:
0x3ad: {  	s15 =	sld [smem:$0x7F6];
	_ =	sdelay $0x2  }
0x3ae: {  	p2 =	sge.s32 s4, s31;
	p1 =	seq.s32 s15, $0x1  }
0x3af: {  	p0 =	seq.s32 @!p2 s4, $0x0;
	p1 =	por @!p2 !p1, !p1  }
0x3b0: {  	p0 =	por @!p2 !p1, !p0  }
0x3b1: {  	s0 =	simm.s32 @!p2 $0x0;
	p0 =	por @!p2 !p0, !p0  }
0x3b2: {  	s0 =	simm.s32 @p2 $0x1;
	p0 =	por p0, p2  }
0x3b3: {  	[smem:$0x7F4] =	sst s0;
	s0 =	simm.s32 @!p0 $0x7  }
0x3b4: {  	_ =	swait.ge @!p0 [sflag:s0], $0x4000  }
0x3b5: {  	[sflag:s0] =	ssyncset.done @!p0 $0x0  }
0x3b6: {  	[sflag:s0] =	ssyncadd.s32 @!p0 $0xFFFFC000  }
0x3b7: {  	v2 =	vld @!p2 [tilespmem:s8+$0xFFFFFFD0];
	_ =	sdelay $0x4  }
0x3b8: {  	v3 =	vshll.u32 @!p2 v2, $0x3  }
0x3b9: {  	v4 =	vlaneseq.u32 @!p2;
	v2 =	vand.u32 @!p2 $0x7, v2;
	v3 =	vand.u32 @!p2 $0xFFFFFFC0, v3  }
0x3ba: {  	v5 =	vor.u32 @!p2 v2, v3;
	v3 =	vand.u32 @!p2 $0x7, v4;
	v2 =	vshrl.u32 @!p2 v4, $0x3  }
0x3bb: {  	v6 =	vperm.xlane @!p2 v5, v3;
	v2 =	vmul.u32 @!p2 $0x8, v2;
	_ =	sdelay $0x1  }
0x3bc: {  	v6 =	vadd.s32 @!p2 v2, v6;
	_ =	sdelay $0x3  }
0x3bd: {  	vm0 =	vmmov @!p2 $0xffff;
	s21 =	simm.s32 @!p2 $0x0;
	s0 =	simm.s32 @!p2 $0x4D00  }
0x3be: {  	v4 =	vor.u32 @!p2 $0x8, v4;
	[tilespmem:s0], [sflag:$0x1] =	stream.indirect_vreg.gather @!p2 [hbm4b:s7+s21], $0x80, v6, vm0, $0xb8;
	[tilespmem:$0x1CD00] =	vst v63  }
0x3bf: {  	v5 =	vperm.xlane @!p2 v5, v4;
	s0 =	simm.s32 @!p2 $0x5500  }
0x3c0: {  	[tilespmem:s0], [sflag:$0x1] =	stream.indirect_vreg.gather @!p2 [hbm4b:s19+s21], $0x80, v6, vm0, $0xb8;
	[tilespmem:$0x1CD00] =	vst v63  }
0x3c1: {  	v5 =	vadd.s32 @!p2 v2, v5;
	s0 =	simm.s32 @!p2 $0x5D00  }
0x3c2: {  	[tilespmem:s0], [sflag:$0x1] =	stream.indirect_vreg.gather @!p2 [hbm4b:s30+s21], $0x80, v6, vm0, $0xb8;
	[tilespmem:$0x1CD00] =	vst v63  }
0x3c3: {  	s0 =	simm.s32 @!p2 $0x6500  }
0x3c4: {  	[tilespmem:s0], [sflag:$0x1] =	stream.indirect_vreg.gather @!p2 [hbm4b:s22+s21], $0x80, v6, vm0, $0xb8;
	[tilespmem:$0x1CD00] =	vst v63  }
0x3c5: {  	s0 =	simm.s32 @!p2 $0x6D00  }
0x3c6: {  	[tilespmem:s0], [sflag:$0x1] =	stream.indirect_vreg.gather @!p2 [hbm4b:s7+s21], $0x80, v5, vm0, $0xb8;
	[tilespmem:$0x1CD00] =	vst v63  }
0x3c7: {  	s0 =	simm.s32 @!p2 $0x7500  }
0x3c8: {  	[tilespmem:s0], [sflag:$0x1] =	stream.indirect_vreg.gather @!p2 [hbm4b:s19+s21], $0x80, v5, vm0, $0xb8;
	[tilespmem:$0x1CD00] =	vst v63  }
0x3c9: {  	s17 =	sld [smem:$0x7F7];
	s0 =	simm.s32 @!p2 $0x7D00  }
0x3ca: {  	[tilespmem:s0], [sflag:$0x1] =	stream.indirect_vreg.gather @!p2 [hbm4b:s30+s21], $0x80, v5, vm0, $0xb8;
	[tilespmem:$0x1CD00] =	vst v63  }
0x3cb: {  	s16 =	sadd.s32 $0x1, s4;
	s0 =	simm.s32 @!p2 $0x8500  }
0x3cc: {  	[tilespmem:s0], [sflag:$0x1] =	stream.indirect_vreg.gather @!p2 [hbm4b:s22+s21], $0x80, v5, vm0, $0xb8;
	[tilespmem:$0x1CD00] =	vst v63  }
0x3cd: {  	p0 =	sge.s32 s16, s31;
	p2 =	seq.s32 s17, $0x1  }
0x3ce: {  	p1 =	seq.s32 @!p0 s4, $0x0;
	p2 =	por @!p0 !p2, !p2  }
0x3cf: {  	p1 =	por @!p0 !p2, !p1  }
0x3d0: {  	p1 =	por @!p0 !p1, !p1  }
0x3d1: {  	p1 =	por p1, p0  }
0x3d2: {  	s0 =	simm.s32 @!p1 $0x8  }
0x3d3: {  	_ =	swait.ge @!p1 [sflag:s0], $0x4000  }
0x3d4: {  	[sflag:s0] =	ssyncset.done @!p1 $0x0  }
0x3d5: {  	[sflag:s0] =	ssyncadd.s32 @!p1 $0xFFFFC000  }
0x3d6: {  	v5 =	vld @!p0 [tilespmem:s8+$0xFFFFFFE0];
	_ =	sdelay $0x4  }
0x3d7: {  	v6 =	vshll.u32 @!p0 v5, $0x3  }
0x3d8: {  	v7 =	vlaneseq.u32 @!p0;
	v5 =	vand.u32 @!p0 $0x7, v5;
	v6 =	vand.u32 @!p0 $0xFFFFFFC0, v6  }
0x3d9: {  	v8 =	vor.u32 @!p0 v5, v6;
	v6 =	vand.u32 @!p0 $0x7, v7;
	v5 =	vshrl.u32 @!p0 v7, $0x3  }
0x3da: {  	v9 =	vperm.xlane @!p0 v8, v6;
	v5 =	vmul.u32 @!p0 $0x8, v5;
	_ =	sdelay $0x1  }
0x3db: {  	v9 =	vadd.s32 @!p0 v5, v9;
	_ =	sdelay $0x3  }
0x3dc: {  	vm1 =	vmmov @!p0 $0xffff;
	s2 =	simm.s32 @!p0 $0x8D00;
	s0 =	simm.s32 @!p0 $0x0  }
0x3dd: {  	v7 =	vor.u32 @!p0 $0x8, v7;
	[tilespmem:s2], [sflag:$0x2] =	stream.indirect_vreg.gather @!p0 [hbm4b:s7+s0], $0x80, v9, vm1, $0xb8;
	[tilespmem:$0x1CD00] =	vst v63  }
0x3de: {  	s20 =	sld [smem:$0x7F8];
	v8 =	vperm.xlane @!p0 v8, v7;
	s2 =	simm.s32 @!p0 $0x9500  }
0x3df: {  	[tilespmem:s2], [sflag:$0x2] =	stream.indirect_vreg.gather @!p0 [hbm4b:s19+s0], $0x80, v9, vm1, $0xb8;
	[tilespmem:$0x1CD00] =	vst v63  }
0x3e0: {  	s18 =	sadd.s32 $0x2, s4;
	v8 =	vadd.s32 @!p0 v5, v8;
	s2 =	simm.s32 @!p0 $0x9D00  }
0x3e1: {  	[tilespmem:s2], [sflag:$0x2] =	stream.indirect_vreg.gather @!p0 [hbm4b:s30+s0], $0x80, v9, vm1, $0xb8;
	[tilespmem:$0x1CD00] =	vst v63  }
0x3e2: {  	p1 =	sge.s32 s18, s31;
	p3 =	seq.s32 s20, $0x1;
	s2 =	simm.s32 @!p0 $0xA500  }
0x3e3: {  	[tilespmem:s2], [sflag:$0x2] =	stream.indirect_vreg.gather @!p0 [hbm4b:s22+s0], $0x80, v9, vm1, $0xb8;
	[tilespmem:$0x1CD00] =	vst v63  }
0x3e4: {  	p2 =	seq.s32 @!p1 s4, $0x0;
	p3 =	por @!p1 !p3, !p3;
	s2 =	simm.s32 @!p0 $0xAD00  }
0x3e5: {  	[tilespmem:s2], [sflag:$0x2] =	stream.indirect_vreg.gather @!p0 [hbm4b:s7+s0], $0x80, v8, vm1, $0xb8;
	[tilespmem:$0x1CD00] =	vst v63  }
0x3e6: {  	p2 =	por @!p1 !p3, !p2;
	s2 =	simm.s32 @!p0 $0xB500  }
0x3e7: {  	[tilespmem:s2], [sflag:$0x2] =	stream.indirect_vreg.gather @!p0 [hbm4b:s19+s0], $0x80, v8, vm1, $0xb8;
	[tilespmem:$0x1CD00] =	vst v63  }
0x3e8: {  	p2 =	por @!p1 !p2, !p2;
	s2 =	simm.s32 @!p0 $0xBD00  }
0x3e9: {  	[tilespmem:s2], [sflag:$0x2] =	stream.indirect_vreg.gather @!p0 [hbm4b:s30+s0], $0x80, v8, vm1, $0xb8;
	[tilespmem:$0x1CD00] =	vst v63  }
0x3ea: {  	p2 =	por p2, p1;
	s2 =	simm.s32 @!p0 $0xC500  }
0x3eb: {  	[tilespmem:s2], [sflag:$0x2] =	stream.indirect_vreg.gather @!p0 [hbm4b:s22+s0], $0x80, v8, vm1, $0xb8;
	[tilespmem:$0x1CD00] =	vst v63  }
0x3ec: {  	s2 =	simm.s32 @!p2 $0x9  }
0x3ed: {  	_ =	swait.ge @!p2 [sflag:s2], $0x4000  }
0x3ee: {  	[sflag:s2] =	ssyncset.done @!p2 $0x0  }
0x3ef: {  	[sflag:s2] =	ssyncadd.s32 @!p2 $0xFFFFC000  }
0x3f0: {  	v8 =	vld @!p1 [tilespmem:s8+$0xFFFFFFF0];
	_ =	sdelay $0x4  }
0x3f1: {  	v9 =	vshll.u32 @!p1 v8, $0x3  }
0x3f2: {  	v10 =	vlaneseq.u32 @!p1;
	v8 =	vand.u32 @!p1 $0x7, v8;
	v9 =	vand.u32 @!p1 $0xFFFFFFC0, v9  }
0x3f3: {  	v11 =	vor.u32 @!p1 v8, v9;
	v9 =	vand.u32 @!p1 $0x7, v10;
	v8 =	vshrl.u32 @!p1 v10, $0x3  }
0x3f4: {  	v12 =	vperm.xlane @!p1 v11, v9;
	v8 =	vmul.u32 @!p1 $0x8, v8;
	_ =	sdelay $0x1  }
0x3f5: {  	v12 =	vadd.s32 @!p1 v8, v12;
	_ =	sdelay $0x3  }
0x3f6: {  	vm2 =	vmmov @!p1 $0xffff;
	s15 =	simm.s32 @!p1 $0x0;
	s2 =	simm.s32 @!p1 $0xCD00  }
0x3f7: {  	v10 =	vor.u32 @!p1 $0x8, v10;
	[tilespmem:s2], [sflag:$0x3] =	stream.indirect_vreg.gather @!p1 [hbm4b:s7+s15], $0x80, v12, vm2, $0xb8;
	[tilespmem:$0x1CD00] =	vst v63  }
0x3f8: {  	s5 =	sld [smem:$0x7F9];
	v11 =	vperm.xlane @!p1 v11, v10;
	s2 =	simm.s32 @!p1 $0xD500  }
0x3f9: {  	[tilespmem:s2], [sflag:$0x3] =	stream.indirect_vreg.gather @!p1 [hbm4b:s19+s15], $0x80, v12, vm2, $0xb8;
	[tilespmem:$0x1CD00] =	vst v63  }
0x3fa: {  	s3 =	sadd.s32 $0x3, s4;
	v11 =	vadd.s32 @!p1 v8, v11;
	s2 =	simm.s32 @!p1 $0xDD00  }
0x3fb: {  	[tilespmem:s2], [sflag:$0x3] =	stream.indirect_vreg.gather @!p1 [hbm4b:s30+s15], $0x80, v12, vm2, $0xb8;
	[tilespmem:$0x1CD00] =	vst v63  }
0x3fc: {  	p2 =	sge.s32 s3, s31;
	p4 =	seq.s32 s5, $0x1;
	s2 =	simm.s32 @!p1 $0xE500  }
0x3fd: {  	[tilespmem:s2], [sflag:$0x3] =	stream.indirect_vreg.gather @!p1 [hbm4b:s22+s15], $0x80, v12, vm2, $0xb8;
	[tilespmem:$0x1CD00] =	vst v63  }
0x3fe: {  	p3 =	seq.s32 @!p2 s4, $0x0;
	p4 =	por @!p2 !p4, !p4;
	s2 =	simm.s32 @!p1 $0xED00  }
0x3ff: {  	[tilespmem:s2], [sflag:$0x3] =	stream.indirect_vreg.gather @!p1 [hbm4b:s7+s15], $0x80, v11, vm2, $0xb8;
	[tilespmem:$0x1CD00] =	vst v63  }
0x400: {  	p3 =	por @!p2 !p4, !p3;
	s2 =	simm.s32 @!p1 $0xF500  }
0x401: {  	[tilespmem:s2], [sflag:$0x3] =	stream.indirect_vreg.gather @!p1 [hbm4b:s19+s15], $0x80, v11, vm2, $0xb8;
	[tilespmem:$0x1CD00] =	vst v63  }
0x402: {  	p3 =	por @!p2 !p3, !p3;
	s2 =	simm.s32 @!p1 $0xFD00  }
0x403: {  	[tilespmem:s2], [sflag:$0x3] =	stream.indirect_vreg.gather @!p1 [hbm4b:s30+s15], $0x80, v11, vm2, $0xb8;
	[tilespmem:$0x1CD00] =	vst v63  }
0x404: {  	p3 =	por p3, p2;
	s2 =	simm.s32 @!p1 $0x10500  }
0x405: {  	[tilespmem:s2], [sflag:$0x3] =	stream.indirect_vreg.gather @!p1 [hbm4b:s22+s15], $0x80, v11, vm2, $0xb8;
	[tilespmem:$0x1CD00] =	vst v63  }
0x406: {  	s2 =	simm.s32 @!p3 $0xA  }
0x407: {  	_ =	swait.ge @!p3 [sflag:s2], $0x4000  }
0x408: {  	[sflag:s2] =	ssyncset.done @!p3 $0x0  }
0x409: {  	[sflag:s2] =	ssyncadd.s32 @!p3 $0xFFFFC000  }
0x40a: {  	v11 =	vld @!p2 [tilespmem:s8+$0x0];
	_ =	sdelay $0x4  }
0x40b: {  	v12 =	vshll.u32 @!p2 v11, $0x3  }
0x40c: {  	v13 =	vlaneseq.u32 @!p2;
	v11 =	vand.u32 @!p2 $0x7, v11;
	v12 =	vand.u32 @!p2 $0xFFFFFFC0, v12  }
0x40d: {  	v14 =	vor.u32 @!p2 v11, v12;
	v12 =	vand.u32 @!p2 $0x7, v13;
	v11 =	vshrl.u32 @!p2 v13, $0x3  }
0x40e: {  	v15 =	vperm.xlane @!p2 v14, v12;
	v11 =	vmul.u32 @!p2 $0x8, v11;
	_ =	sdelay $0x1  }
0x40f: {  	v15 =	vadd.s32 @!p2 v11, v15;
	_ =	sdelay $0x3  }
0x410: {  	vm3 =	vmmov @!p2 $0xffff;
	s3 =	simm.s32 @!p2 $0x0;
	s2 =	simm.s32 @!p2 $0x10D00  }
0x411: {  	v13 =	vor.u32 @!p2 $0x8, v13;
	[tilespmem:s2], [sflag:$0x4] =	stream.indirect_vreg.gather @!p2 [hbm4b:s7+s3], $0x80, v15, vm3, $0xb8;
	[tilespmem:$0x1CD00] =	vst v63  }
0x412: {  	s11 =	sld [smem:$0x7F5];
	v14 =	vperm.xlane @!p2 v14, v13;
	s2 =	simm.s32 @!p2 $0x11500  }
0x413: {  	[tilespmem:s2], [sflag:$0x4] =	stream.indirect_vreg.gather @!p2 [hbm4b:s19+s3], $0x80, v15, vm3, $0xb8;
	[tilespmem:$0x1CD00] =	vst v63  }
0x414: {  	s9 =	sadd.s32 $0x4, s4;
	v14 =	vadd.s32 @!p2 v11, v14;
	s2 =	simm.s32 @!p2 $0x11D00  }
0x415: {  	[tilespmem:s2], [sflag:$0x4] =	stream.indirect_vreg.gather @!p2 [hbm4b:s30+s3], $0x80, v15, vm3, $0xb8;
	[tilespmem:$0x1CD00] =	vst v63  }
0x416: {  	p3 =	sge.s32 s9, s31;
	p5 =	seq.s32 s11, $0x1;
	s2 =	simm.s32 @!p2 $0x12500  }
0x417: {  	[tilespmem:s2], [sflag:$0x4] =	stream.indirect_vreg.gather @!p2 [hbm4b:s22+s3], $0x80, v15, vm3, $0xb8;
	[tilespmem:$0x1CD00] =	vst v63  }
0x418: {  	p4 =	seq.s32 @!p3 s4, $0x0;
	p5 =	por @!p3 !p5, !p5;
	s2 =	simm.s32 @!p2 $0x12D00  }
0x419: {  	[tilespmem:s2], [sflag:$0x4] =	stream.indirect_vreg.gather @!p2 [hbm4b:s7+s3], $0x80, v14, vm3, $0xb8;
	[tilespmem:$0x1CD00] =	vst v63  }
0x41a: {  	p4 =	por @!p3 !p5, !p4;
	s2 =	simm.s32 @!p2 $0x13500  }
0x41b: {  	[tilespmem:s2], [sflag:$0x4] =	stream.indirect_vreg.gather @!p2 [hbm4b:s19+s3], $0x80, v14, vm3, $0xb8;
	[tilespmem:$0x1CD00] =	vst v63  }
0x41c: {  	p4 =	por @!p3 !p4, !p4;
	s2 =	simm.s32 @!p2 $0x13D00  }
0x41d: {  	[tilespmem:s2], [sflag:$0x4] =	stream.indirect_vreg.gather @!p2 [hbm4b:s30+s3], $0x80, v14, vm3, $0xb8;
	[tilespmem:$0x1CD00] =	vst v63  }
0x41e: {  	p4 =	por p4, p3;
	s2 =	simm.s32 @!p2 $0x14500  }
0x41f: {  	[tilespmem:s2], [sflag:$0x4] =	stream.indirect_vreg.gather @!p2 [hbm4b:s22+s3], $0x80, v14, vm3, $0xb8;
	[tilespmem:$0x1CD00] =	vst v63  }
0x420: {  	s2 =	simm.s32 @!p4 $0xB  }
0x421: {  	_ =	swait.ge @!p4 [sflag:s2], $0x4000  }
0x422: {  	[sflag:s2] =	ssyncset.done @!p4 $0x0  }
0x423: {  	[sflag:s2] =	ssyncadd.s32 @!p4 $0xFFFFC000  }
0x424: {  	v14 =	vld @!p3 [tilespmem:s8+$0x10];
	_ =	sdelay $0x4  }
0x425: {  	v15 =	vshll.u32 @!p3 v14, $0x3  }
0x426: {  	v16 =	vlaneseq.u32 @!p3;
	v14 =	vand.u32 @!p3 $0x7, v14;
	v15 =	vand.u32 @!p3 $0xFFFFFFC0, v15  }
0x427: {  	v17 =	vor.u32 @!p3 v14, v15;
	v15 =	vand.u32 @!p3 $0x7, v16;
	v14 =	vshrl.u32 @!p3 v16, $0x3  }
0x428: {  	v18 =	vperm.xlane @!p3 v17, v15;
	v14 =	vmul.u32 @!p3 $0x8, v14;
	_ =	sdelay $0x1  }
0x429: {  	v18 =	vadd.s32 @!p3 v14, v18;
	_ =	sdelay $0x3  }
0x42a: {  	vm4 =	vmmov @!p3 $0xffff;
	s5 =	simm.s32 @!p3 $0x0;
	s2 =	simm.s32 @!p3 $0x14D00  }
0x42b: {  	v16 =	vor.u32 @!p3 $0x8, v16;
	[tilespmem:s2], [sflag:$0x5] =	stream.indirect_vreg.gather @!p3 [hbm4b:s7+s5], $0x80, v18, vm4, $0xb8;
	[tilespmem:$0x1CD00] =	vst v63  }
0x42c: {  	v17 =	vperm.xlane @!p3 v17, v16;
	s2 =	simm.s32 @!p3 $0x15500  }
0x42d: {  	[tilespmem:s2], [sflag:$0x5] =	stream.indirect_vreg.gather @!p3 [hbm4b:s19+s5], $0x80, v18, vm4, $0xb8;
	[tilespmem:$0x1CD00] =	vst v63  }
0x42e: {  	v17 =	vadd.s32 @!p3 v14, v17;
	s2 =	simm.s32 @!p3 $0x15D00  }
0x42f: {  	[tilespmem:s2], [sflag:$0x5] =	stream.indirect_vreg.gather @!p3 [hbm4b:s30+s5], $0x80, v18, vm4, $0xb8;
	[tilespmem:$0x1CD00] =	vst v63  }
0x430: {  	s2 =	simm.s32 @!p3 $0x16500  }
0x431: {  	[tilespmem:s2], [sflag:$0x5] =	stream.indirect_vreg.gather @!p3 [hbm4b:s22+s5], $0x80, v18, vm4, $0xb8;
	[tilespmem:$0x1CD00] =	vst v63  }
0x432: {  	s16 =	sadd.s32 $0x5, s4;
	s2 =	simm.s32 @!p3 $0x16D00  }
0x433: {  	[tilespmem:s2], [sflag:$0x5] =	stream.indirect_vreg.gather @!p3 [hbm4b:s7+s5], $0x80, v17, vm4, $0xb8;
	[tilespmem:$0x1CD00] =	vst v63  }
0x434: {  	p4 =	sge.s32 s16, s31;
	s2 =	simm.s32 @!p3 $0x17500  }
0x435: {  	[tilespmem:s2], [sflag:$0x5] =	stream.indirect_vreg.gather @!p3 [hbm4b:s19+s5], $0x80, v17, vm4, $0xb8;
	[tilespmem:$0x1CD00] =	vst v63  }
0x436: {  	p5 =	seq.s32 @!p4 s4, $0x0;
	s2 =	simm.s32 @!p3 $0x17D00  }
0x437: {  	[tilespmem:s2], [sflag:$0x5] =	stream.indirect_vreg.gather @!p3 [hbm4b:s30+s5], $0x80, v17, vm4, $0xb8;
	[tilespmem:$0x1CD00] =	vst v63  }
0x438: {  	s2 =	simm.s32 @!p5 $0x0  }
0x439: {  	s17 =	sld [smem:$0x7FB];
	s2 =	simm.s32 @p5 $0x1  }
0x43a: {  	[smem:$0x7F3] =	sst s2  }
0x43b: {  	s18 =	sld [smem:$0x7F3]  }
0x43c: {  	p5 =	seq.s32 s17, $0x1;
	s2 =	simm.s32 @!p3 $0x18500  }
0x43d: {  	[tilespmem:s2], [sflag:$0x5] =	stream.indirect_vreg.gather @!p3 [hbm4b:s22+s5], $0x80, v17, vm4, $0xb8;
	[tilespmem:$0x1CD00] =	vst v63  }
0x43e: {  	p5 =	por @!p4 !p5, !p5;
	p6 =	seq.s32 s18, $0x1  }
0x43f: {  	p5 =	por @!p4 !p5, !p6  }
0x440: {  	p5 =	por @!p4 !p5, !p5  }
0x441: {  	p5 =	por p5, p4  }
0x442: {  	s2 =	simm.s32 @!p5 $0xC  }
0x443: {  	_ =	swait.ge @!p5 [sflag:s2], $0x4000  }
0x444: {  	[sflag:s2] =	ssyncset.done @!p5 $0x0  }
0x445: {  	[sflag:s2] =	ssyncadd.s32 @!p5 $0xFFFFC000  }
0x446: {  	v17 =	vld @!p4 [tilespmem:s8+$0x20];
	_ =	sdelay $0x4  }
0x447: {  	v18 =	vshll.u32 @!p4 v17, $0x3  }
0x448: {  	v19 =	vlaneseq.u32 @!p4;
	v17 =	vand.u32 @!p4 $0x7, v17;
	v18 =	vand.u32 @!p4 $0xFFFFFFC0, v18  }
0x449: {  	v20 =	vor.u32 @!p4 v17, v18;
	v18 =	vand.u32 @!p4 $0x7, v19;
	v17 =	vshrl.u32 @!p4 v19, $0x3  }
0x44a: {  	v21 =	vperm.xlane @!p4 v20, v18;
	v17 =	vmul.u32 @!p4 $0x8, v17;
	_ =	sdelay $0x1  }
0x44b: {  	v21 =	vadd.s32 @!p4 v17, v21;
	_ =	sdelay $0x2  }
0x44c: {  	s20 =	sld [smem:$0x7F5]  }
0x44d: {  	vm5 =	vmmov @!p4 $0xffff;
	s11 =	simm.s32 @!p4 $0x0;
	s2 =	simm.s32 @!p4 $0x18D00  }
0x44e: {  	v19 =	vor.u32 @!p4 $0x8, v19;
	[tilespmem:s2], [sflag:$0x6] =	stream.indirect_vreg.gather @!p4 [hbm4b:s7+s11], $0x80, v21, vm5, $0xb8;
	[tilespmem:$0x1CD00] =	vst v63  }
0x44f: {  	p5 =	seq.s32 s20, $0x1;
	s20 =	simm.s32 @!p4 $0x19500;
	v20 =	vperm.xlane @!p4 v20, v19  }
0x450: {  	[tilespmem:s20], [sflag:$0x6] =	stream.indirect_vreg.gather @!p4 [hbm4b:s19+s11], $0x80, v21, vm5, $0xb8;
	[tilespmem:$0x1CD00] =	vst v63  }
0x451: {  	s18 =	simm.s32 @!p4 $0x19D00;
	v20 =	vadd.s32 @!p4 v17, v20  }
0x452: {  	[tilespmem:s18], [sflag:$0x6] =	stream.indirect_vreg.gather @!p4 [hbm4b:s30+s11], $0x80, v21, vm5, $0xb8;
	[tilespmem:$0x1CD00] =	vst v63  }
0x453: {  	s17 =	simm.s32 @!p4 $0x1A500  }
0x454: {  	[tilespmem:s17], [sflag:$0x6] =	stream.indirect_vreg.gather @!p4 [hbm4b:s22+s11], $0x80, v21, vm5, $0xb8;
	[tilespmem:$0x1CD00] =	vst v63  }
0x455: {  	s16 =	simm.s32 @!p4 $0x1AD00  }
0x456: {  	[tilespmem:s16], [sflag:$0x6] =	stream.indirect_vreg.gather @!p4 [hbm4b:s7+s11], $0x80, v20, vm5, $0xb8;
	[tilespmem:$0x1CD00] =	vst v63  }
0x457: {  	s9 =	simm.s32 @!p4 $0x1B500  }
0x458: {  	[tilespmem:s9], [sflag:$0x6] =	stream.indirect_vreg.gather @!p4 [hbm4b:s19+s11], $0x80, v20, vm5, $0xb8;
	[tilespmem:$0x1CD00] =	vst v63  }
0x459: {  	s19 =	sld [smem:$0x7F4]  }
0x45a: {  	s7 =	simm.s32 @!p4 $0x1BD00  }
0x45b: {  	[tilespmem:s7], [sflag:$0x6] =	stream.indirect_vreg.gather @!p4 [hbm4b:s30+s11], $0x80, v20, vm5, $0xb8;
	[tilespmem:$0x1CD00] =	vst v63  }
0x45c: {  	s2 =	simm.s32 @!p4 $0x1C500;
	p6 =	seq.s32 s19, $0x1  }
0x45d: {  	[tilespmem:s2], [sflag:$0x6] =	stream.indirect_vreg.gather @!p4 [hbm4b:s22+s11], $0x80, v20, vm5, $0xb8;
	[tilespmem:$0x1CD00] =	vst v63  }
0x45e: {  	s19 =	simm.s32 @!p6 $0x1  }
0x45f: {  	_ =	swait.ge @!p6 [sflag:s19], $0x4000  }
0x460: {  	[sflag:s19] =	ssyncset.done @!p6 $0x0  }
0x461: {  	[sflag:s19] =	ssyncadd.s32 @!p6 $0xFFFFC000  }
0x462: {  	v20 =	vld @!p6 [tilespmem:s6+$0xFFFFFE80];
	_ =	sdelay $0x4  }
0x463: {  	v21 =	vshll.u32 @!p6 v20, $0x3  }
0x464: {  	v20 =	vand.u32 @!p6 $0x7, v20;
	v21 =	vand.u32 @!p6 $0xFFFFFFC0, v21  }
0x465: {  	v20 =	vor.u32 @!p6 v20, v21  }
0x466: {  	v3 =	vperm.xlane @!p6 v20, v3;
	_ =	sdelay $0x1  }
0x467: {  	v3 =	vadd.s32 @!p6 v2, v3;
	_ =	sdelay $0x3  }
0x468: {  	s19 =	simm.s32 @!p6 $0x4D00  }
0x469: {  	[hbm4b:s10+s21] =	stream.indirect_vreg.scatter @!p6 [tilespmem:s19], [sflag:$0x7], $0x80, v3, vm0, $0xb8;
	[tilespmem:$0x1CD00] =	vst v63  }
0x46a: {  	v4 =	vperm.xlane @!p6 v20, v4;
	s19 =	simm.s32 @!p6 $0x5500  }
0x46b: {  	[hbm4b:s12+s21] =	stream.indirect_vreg.scatter @!p6 [tilespmem:s19], [sflag:$0x7], $0x80, v3, vm0, $0xb8;
	[tilespmem:$0x1CD00] =	vst v63  }
0x46c: {  	v2 =	vadd.s32 @!p6 v2, v4;
	s19 =	simm.s32 @!p6 $0x5D00  }
0x46d: {  	[hbm4b:s13+s21] =	stream.indirect_vreg.scatter @!p6 [tilespmem:s19], [sflag:$0x7], $0x80, v3, vm0, $0xb8;
	[tilespmem:$0x1CD00] =	vst v63  }
0x46e: {  	s19 =	simm.s32 @!p6 $0x6500  }
0x46f: {  	[hbm4b:s14+s21] =	stream.indirect_vreg.scatter @!p6 [tilespmem:s19], [sflag:$0x7], $0x80, v3, vm0, $0xb8;
	[tilespmem:$0x1CD00] =	vst v63  }
0x470: {  	s19 =	simm.s32 @!p6 $0x6D00  }
0x471: {  	[hbm4b:s10+s21] =	stream.indirect_vreg.scatter @!p6 [tilespmem:s19], [sflag:$0x7], $0x80, v2, vm0, $0xb8;
	[tilespmem:$0x1CD00] =	vst v63  }
0x472: {  	s19 =	simm.s32 @!p6 $0x7500  }
0x473: {  	[hbm4b:s12+s21] =	stream.indirect_vreg.scatter @!p6 [tilespmem:s19], [sflag:$0x7], $0x80, v2, vm0, $0xb8;
	[tilespmem:$0x1CD00] =	vst v63  }
0x474: {  	s19 =	simm.s32 @!p6 $0x7D00  }
0x475: {  	[hbm4b:s13+s21] =	stream.indirect_vreg.scatter @!p6 [tilespmem:s19], [sflag:$0x7], $0x80, v2, vm0, $0xb8;
	[tilespmem:$0x1CD00] =	vst v63  }
0x476: {  	s19 =	simm.s32 @!p6 $0x8500  }
0x477: {  	[hbm4b:s14+s21] =	stream.indirect_vreg.scatter @!p6 [tilespmem:s19], [sflag:$0x7], $0x80, v2, vm0, $0xb8;
	[tilespmem:$0x1CD00] =	vst v63  }
0x478: {  	s19 =	simm.s32 @!p0 $0x2  }
0x479: {  	_ =	swait.ge @!p0 [sflag:s19], $0x4000  }
0x47a: {  	[sflag:s19] =	ssyncset.done @!p0 $0x0  }
0x47b: {  	[sflag:s19] =	ssyncadd.s32 @!p0 $0xFFFFC000  }
0x47c: {  	v2 =	vld @!p0 [tilespmem:s6+$0xFFFFFF00];
	_ =	sdelay $0x4  }
0x47d: {  	v3 =	vshll.u32 @!p0 v2, $0x3  }
0x47e: {  	v2 =	vand.u32 @!p0 $0x7, v2;
	v3 =	vand.u32 @!p0 $0xFFFFFFC0, v3  }
0x47f: {  	v2 =	vor.u32 @!p0 v2, v3  }
0x480: {  	v3 =	vperm.xlane @!p0 v2, v6;
	_ =	sdelay $0x1  }
0x481: {  	v3 =	vadd.s32 @!p0 v5, v3;
	_ =	sdelay $0x3  }
0x482: {  	s21 =	simm.s32 @!p0 $0x8D00  }
0x483: {  	[hbm4b:s10+s0] =	stream.indirect_vreg.scatter @!p0 [tilespmem:s21], [sflag:$0x8], $0x80, v3, vm1, $0xb8;
	[tilespmem:$0x1CD00] =	vst v63  }
0x484: {  	v2 =	vperm.xlane @!p0 v2, v7;
	s21 =	simm.s32 @!p0 $0x9500  }
0x485: {  	[hbm4b:s12+s0] =	stream.indirect_vreg.scatter @!p0 [tilespmem:s21], [sflag:$0x8], $0x80, v3, vm1, $0xb8;
	[tilespmem:$0x1CD00] =	vst v63  }
0x486: {  	v2 =	vadd.s32 @!p0 v5, v2;
	s21 =	simm.s32 @!p0 $0x9D00  }
0x487: {  	[hbm4b:s13+s0] =	stream.indirect_vreg.scatter @!p0 [tilespmem:s21], [sflag:$0x8], $0x80, v3, vm1, $0xb8;
	[tilespmem:$0x1CD00] =	vst v63  }
0x488: {  	s21 =	simm.s32 @!p0 $0xA500  }
0x489: {  	[hbm4b:s14+s0] =	stream.indirect_vreg.scatter @!p0 [tilespmem:s21], [sflag:$0x8], $0x80, v3, vm1, $0xb8;
	[tilespmem:$0x1CD00] =	vst v63  }
0x48a: {  	s21 =	simm.s32 @!p0 $0xAD00  }
0x48b: {  	[hbm4b:s10+s0] =	stream.indirect_vreg.scatter @!p0 [tilespmem:s21], [sflag:$0x8], $0x80, v2, vm1, $0xb8;
	[tilespmem:$0x1CD00] =	vst v63  }
0x48c: {  	s21 =	simm.s32 @!p0 $0xB500  }
0x48d: {  	[hbm4b:s12+s0] =	stream.indirect_vreg.scatter @!p0 [tilespmem:s21], [sflag:$0x8], $0x80, v2, vm1, $0xb8;
	[tilespmem:$0x1CD00] =	vst v63  }
0x48e: {  	s21 =	simm.s32 @!p0 $0xBD00  }
0x48f: {  	[hbm4b:s13+s0] =	stream.indirect_vreg.scatter @!p0 [tilespmem:s21], [sflag:$0x8], $0x80, v2, vm1, $0xb8;
	[tilespmem:$0x1CD00] =	vst v63  }
0x490: {  	s21 =	simm.s32 @!p0 $0xC500  }
0x491: {  	[hbm4b:s14+s0] =	stream.indirect_vreg.scatter @!p0 [tilespmem:s21], [sflag:$0x8], $0x80, v2, vm1, $0xb8;
	[tilespmem:$0x1CD00] =	vst v63  }
0x492: {  	s0 =	simm.s32 @!p1 $0x3  }
0x493: {  	s19 =	rddreg [dreg:$0xe];
	_ =	swait.ge @!p1 [sflag:s0], $0x4000  }
0x494: {  	[sflag:s0] =	ssyncset.done @!p1 $0x0  }
0x495: {  	[sflag:s0] =	ssyncadd.s32 @!p1 $0xFFFFC000  }
0x496: {  	v2 =	vld @!p1 [tilespmem:s6+$0xFFFFFF80];
	_ =	sdelay $0x4  }
0x497: {  	v3 =	vshll.u32 @!p1 v2, $0x3  }
0x498: {  	v2 =	vand.u32 @!p1 $0x7, v2;
	v3 =	vand.u32 @!p1 $0xFFFFFFC0, v3  }
0x499: {  	v2 =	vor.u32 @!p1 v2, v3  }
0x49a: {  	v3 =	vperm.xlane @!p1 v2, v9;
	_ =	sdelay $0x1  }
0x49b: {  	v3 =	vadd.s32 @!p1 v8, v3;
	_ =	sdelay $0x3  }
0x49c: {  	s0 =	simm.s32 @!p1 $0xCD00  }
0x49d: {  	[hbm4b:s10+s15] =	stream.indirect_vreg.scatter @!p1 [tilespmem:s0], [sflag:$0x9], $0x80, v3, vm2, $0xb8;
	[tilespmem:$0x1CD00] =	vst v63  }
0x49e: {  	v2 =	vperm.xlane @!p1 v2, v10;
	s0 =	simm.s32 @!p1 $0xD500  }
0x49f: {  	[hbm4b:s12+s15] =	stream.indirect_vreg.scatter @!p1 [tilespmem:s0], [sflag:$0x9], $0x80, v3, vm2, $0xb8;
	[tilespmem:$0x1CD00] =	vst v63  }
0x4a0: {  	v2 =	vadd.s32 @!p1 v8, v2;
	s0 =	simm.s32 @!p1 $0xDD00  }
0x4a1: {  	[hbm4b:s13+s15] =	stream.indirect_vreg.scatter @!p1 [tilespmem:s0], [sflag:$0x9], $0x80, v3, vm2, $0xb8;
	[tilespmem:$0x1CD00] =	vst v63  }
0x4a2: {  	s0 =	simm.s32 @!p1 $0xE500  }
0x4a3: {  	[hbm4b:s14+s15] =	stream.indirect_vreg.scatter @!p1 [tilespmem:s0], [sflag:$0x9], $0x80, v3, vm2, $0xb8;
	[tilespmem:$0x1CD00] =	vst v63  }
0x4a4: {  	s0 =	simm.s32 @!p1 $0xED00  }
0x4a5: {  	[hbm4b:s10+s15] =	stream.indirect_vreg.scatter @!p1 [tilespmem:s0], [sflag:$0x9], $0x80, v2, vm2, $0xb8;
	[tilespmem:$0x1CD00] =	vst v63  }
0x4a6: {  	s0 =	simm.s32 @!p1 $0xF500  }
0x4a7: {  	[hbm4b:s12+s15] =	stream.indirect_vreg.scatter @!p1 [tilespmem:s0], [sflag:$0x9], $0x80, v2, vm2, $0xb8;
	[tilespmem:$0x1CD00] =	vst v63  }
0x4a8: {  	s0 =	simm.s32 @!p1 $0xFD00  }
0x4a9: {  	[hbm4b:s13+s15] =	stream.indirect_vreg.scatter @!p1 [tilespmem:s0], [sflag:$0x9], $0x80, v2, vm2, $0xb8;
	[tilespmem:$0x1CD00] =	vst v63  }
0x4aa: {  	s0 =	simm.s32 @!p1 $0x10500  }
0x4ab: {  	[hbm4b:s14+s15] =	stream.indirect_vreg.scatter @!p1 [tilespmem:s0], [sflag:$0x9], $0x80, v2, vm2, $0xb8;
	[tilespmem:$0x1CD00] =	vst v63  }
0x4ac: {  	s0 =	simm.s32 @!p2 $0x4  }
0x4ad: {  	_ =	swait.ge @!p2 [sflag:s0], $0x4000  }
0x4ae: {  	[sflag:s0] =	ssyncset.done @!p2 $0x0  }
0x4af: {  	[sflag:s0] =	ssyncadd.s32 @!p2 $0xFFFFC000  }
0x4b0: {  	v2 =	vld @!p2 [tilespmem:s6+$0x0];
	_ =	sdelay $0x4  }
0x4b1: {  	v3 =	vshll.u32 @!p2 v2, $0x3  }
0x4b2: {  	v2 =	vand.u32 @!p2 $0x7, v2;
	v3 =	vand.u32 @!p2 $0xFFFFFFC0, v3  }
0x4b3: {  	v2 =	vor.u32 @!p2 v2, v3  }
0x4b4: {  	v3 =	vperm.xlane @!p2 v2, v12;
	_ =	sdelay $0x1  }
0x4b5: {  	v3 =	vadd.s32 @!p2 v11, v3;
	_ =	sdelay $0x3  }
0x4b6: {  	s0 =	simm.s32 @!p2 $0x10D00  }
0x4b7: {  	[hbm4b:s10+s3] =	stream.indirect_vreg.scatter @!p2 [tilespmem:s0], [sflag:$0xA], $0x80, v3, vm3, $0xb8;
	[tilespmem:$0x1CD00] =	vst v63  }
0x4b8: {  	v2 =	vperm.xlane @!p2 v2, v13;
	s0 =	simm.s32 @!p2 $0x11500  }
0x4b9: {  	[hbm4b:s12+s3] =	stream.indirect_vreg.scatter @!p2 [tilespmem:s0], [sflag:$0xA], $0x80, v3, vm3, $0xb8;
	[tilespmem:$0x1CD00] =	vst v63  }
0x4ba: {  	v2 =	vadd.s32 @!p2 v11, v2;
	s0 =	simm.s32 @!p2 $0x11D00  }
0x4bb: {  	[hbm4b:s13+s3] =	stream.indirect_vreg.scatter @!p2 [tilespmem:s0], [sflag:$0xA], $0x80, v3, vm3, $0xb8;
	[tilespmem:$0x1CD00] =	vst v63  }
0x4bc: {  	s0 =	simm.s32 @!p2 $0x12500  }
0x4bd: {  	[hbm4b:s14+s3] =	stream.indirect_vreg.scatter @!p2 [tilespmem:s0], [sflag:$0xA], $0x80, v3, vm3, $0xb8;
	[tilespmem:$0x1CD00] =	vst v63  }
0x4be: {  	s0 =	simm.s32 @!p2 $0x12D00  }
0x4bf: {  	[hbm4b:s10+s3] =	stream.indirect_vreg.scatter @!p2 [tilespmem:s0], [sflag:$0xA], $0x80, v2, vm3, $0xb8;
	[tilespmem:$0x1CD00] =	vst v63  }
0x4c0: {  	s0 =	simm.s32 @!p2 $0x13500  }
0x4c1: {  	[hbm4b:s12+s3] =	stream.indirect_vreg.scatter @!p2 [tilespmem:s0], [sflag:$0xA], $0x80, v2, vm3, $0xb8;
	[tilespmem:$0x1CD00] =	vst v63  }
0x4c2: {  	s0 =	simm.s32 @!p2 $0x13D00  }
0x4c3: {  	[hbm4b:s13+s3] =	stream.indirect_vreg.scatter @!p2 [tilespmem:s0], [sflag:$0xA], $0x80, v2, vm3, $0xb8;
	[tilespmem:$0x1CD00] =	vst v63  }
0x4c4: {  	s0 =	simm.s32 @!p2 $0x14500  }
0x4c5: {  	[hbm4b:s14+s3] =	stream.indirect_vreg.scatter @!p2 [tilespmem:s0], [sflag:$0xA], $0x80, v2, vm3, $0xb8;
	[tilespmem:$0x1CD00] =	vst v63  }
0x4c6: {  	s0 =	simm.s32 @!p3 $0x5  }
0x4c7: {  	_ =	swait.ge @!p3 [sflag:s0], $0x4000  }
0x4c8: {  	[sflag:s0] =	ssyncset.done @!p3 $0x0  }
0x4c9: {  	[sflag:s0] =	ssyncadd.s32 @!p3 $0xFFFFC000  }
0x4ca: {  	v2 =	vld @!p3 [tilespmem:s6+$0x80];
	_ =	sdelay $0x4  }
0x4cb: {  	v3 =	vshll.u32 @!p3 v2, $0x3  }
0x4cc: {  	v2 =	vand.u32 @!p3 $0x7, v2;
	v3 =	vand.u32 @!p3 $0xFFFFFFC0, v3  }
0x4cd: {  	v2 =	vor.u32 @!p3 v2, v3  }
0x4ce: {  	v3 =	vperm.xlane @!p3 v2, v15;
	_ =	sdelay $0x1  }
0x4cf: {  	v3 =	vadd.s32 @!p3 v14, v3;
	_ =	sdelay $0x3  }
0x4d0: {  	s0 =	simm.s32 @!p3 $0x14D00  }
0x4d1: {  	[hbm4b:s10+s5] =	stream.indirect_vreg.scatter @!p3 [tilespmem:s0], [sflag:$0xB], $0x80, v3, vm4, $0xb8;
	[tilespmem:$0x1CD00] =	vst v63  }
0x4d2: {  	v2 =	vperm.xlane @!p3 v2, v16;
	s0 =	simm.s32 @!p3 $0x15500  }
0x4d3: {  	[hbm4b:s12+s5] =	stream.indirect_vreg.scatter @!p3 [tilespmem:s0], [sflag:$0xB], $0x80, v3, vm4, $0xb8;
	[tilespmem:$0x1CD00] =	vst v63  }
0x4d4: {  	v2 =	vadd.s32 @!p3 v14, v2;
	s0 =	simm.s32 @!p3 $0x15D00  }
0x4d5: {  	[hbm4b:s13+s5] =	stream.indirect_vreg.scatter @!p3 [tilespmem:s0], [sflag:$0xB], $0x80, v3, vm4, $0xb8;
	[tilespmem:$0x1CD00] =	vst v63  }
0x4d6: {  	s0 =	simm.s32 @!p3 $0x16500  }
0x4d7: {  	[hbm4b:s14+s5] =	stream.indirect_vreg.scatter @!p3 [tilespmem:s0], [sflag:$0xB], $0x80, v3, vm4, $0xb8;
	[tilespmem:$0x1CD00] =	vst v63  }
0x4d8: {  	s0 =	simm.s32 @!p3 $0x16D00  }
0x4d9: {  	[hbm4b:s10+s5] =	stream.indirect_vreg.scatter @!p3 [tilespmem:s0], [sflag:$0xB], $0x80, v2, vm4, $0xb8;
	[tilespmem:$0x1CD00] =	vst v63  }
0x4da: {  	s0 =	simm.s32 @!p3 $0x17500  }
0x4db: {  	[hbm4b:s12+s5] =	stream.indirect_vreg.scatter @!p3 [tilespmem:s0], [sflag:$0xB], $0x80, v2, vm4, $0xb8;
	[tilespmem:$0x1CD00] =	vst v63  }
0x4dc: {  	s0 =	simm.s32 @!p3 $0x17D00  }
0x4dd: {  	[hbm4b:s13+s5] =	stream.indirect_vreg.scatter @!p3 [tilespmem:s0], [sflag:$0xB], $0x80, v2, vm4, $0xb8;
	[tilespmem:$0x1CD00] =	vst v63  }
0x4de: {  	s0 =	simm.s32 @!p3 $0x18500  }
0x4df: {  	[hbm4b:s14+s5] =	stream.indirect_vreg.scatter @!p3 [tilespmem:s0], [sflag:$0xB], $0x80, v2, vm4, $0xb8;
	[tilespmem:$0x1CD00] =	vst v63  }
0x4e0: {  	s0 =	simm.s32 @!p4 $0x6  }
0x4e1: {  	_ =	swait.ge @!p4 [sflag:s0], $0x4000  }
0x4e2: {  	[sflag:s0] =	ssyncset.done @!p4 $0x0  }
0x4e3: {  	[sflag:s0] =	ssyncadd.s32 @!p4 $0xFFFFC000  }
0x4e4: {  	v2 =	vld @!p4 [tilespmem:s6+$0x100];
	_ =	sdelay $0x4  }
0x4e5: {  	v3 =	vshll.u32 @!p4 v2, $0x3  }
0x4e6: {  	v2 =	vand.u32 @!p4 $0x7, v2;
	v3 =	vand.u32 @!p4 $0xFFFFFFC0, v3  }
0x4e7: {  	v2 =	vor.u32 @!p4 v2, v3  }
0x4e8: {  	v3 =	vperm.xlane @!p4 v2, v18;
	_ =	sdelay $0x1  }
0x4e9: {  	v3 =	vadd.s32 @!p4 v17, v3;
	_ =	sdelay $0x3  }
0x4ea: {  	s0 =	simm.s32 @!p4 $0x18D00  }
0x4eb: {  	[hbm4b:s10+s11] =	stream.indirect_vreg.scatter @!p4 [tilespmem:s0], [sflag:$0xC], $0x80, v3, vm5, $0xb8;
	[tilespmem:$0x1CD00] =	vst v63  }
0x4ec: {  	v2 =	vperm.xlane @!p4 v2, v19  }
0x4ed: {  	[hbm4b:s12+s11] =	stream.indirect_vreg.scatter @!p4 [tilespmem:s20], [sflag:$0xC], $0x80, v3, vm5, $0xb8;
	[tilespmem:$0x1CD00] =	vst v63  }
0x4ee: {  	v2 =	vadd.s32 @!p4 v17, v2  }
0x4ef: {  	[hbm4b:s13+s11] =	stream.indirect_vreg.scatter @!p4 [tilespmem:s18], [sflag:$0xC], $0x80, v3, vm5, $0xb8;
	[tilespmem:$0x1CD00] =	vst v63  }
0x4f0: {  	_ = 	snop  }
0x4f1: {  	[hbm4b:s14+s11] =	stream.indirect_vreg.scatter @!p4 [tilespmem:s17], [sflag:$0xC], $0x80, v3, vm5, $0xb8;
	[tilespmem:$0x1CD00] =	vst v63  }
0x4f2: {  	s1 =	sadd.s32 $0xFFFFFFFF, s1  }
0x4f3: {  	[hbm4b:s10+s11] =	stream.indirect_vreg.scatter @!p4 [tilespmem:s16], [sflag:$0xC], $0x80, v2, vm5, $0xb8;
	[tilespmem:$0x1CD00] =	vst v63  }
0x4f4: {  	p0 =	sne.s32 s1, $0x0  }
0x4f5: {  	[hbm4b:s12+s11] =	stream.indirect_vreg.scatter @!p4 [tilespmem:s9], [sflag:$0xC], $0x80, v2, vm5, $0xb8;
	[tilespmem:$0x1CD00] =	vst v63  }
.Ltmp17:
0x4f6: {  	_ = 	snop;
	(pc) =	sbr.rel @p0 .LBB2_25-.Ltmp17, $4  }
0x4f7: {  	s4 =	sadd.s32 $0x6, s4  }
0x4f8: {  	[hbm4b:s13+s11] =	stream.indirect_vreg.scatter @!p4 [tilespmem:s7], [sflag:$0xC], $0x80, v2, vm5, $0xb8;
	[tilespmem:$0x1CD00] =	vst v63  }
0x4f9: {  	s8 =	sadd.s32 $0x60, s8;
	s6 =	sadd.s32 $0x300, s6;
	s7 =	rddreg [dreg:$0x2]  }
0x4fa: {  	[hbm4b:s14+s11] =	stream.indirect_vreg.scatter @!p4 [tilespmem:s2], [sflag:$0xC], $0x80, v2, vm5, $0xb8;
	[tilespmem:$0x1CD00] =	vst v63  }
.Ltmp18:
0x4fb: {  	_ = 	snop;
	(pc) =	sbr.rel .LBB2_26-.Ltmp18, $1  }
0x4fc: {  	_ =	sdelay $0x3  }
.LBB2_27:
0x4fd: {  	_ =	sfence.sel $0x180000  }
0x4fe: {  	[bflag:$0x0] =	sbarrier.arrive $0xFFFF  }
0x4ff: {  	_ =	strace $0x90000047  }
0x500: {  	s0 =	stileid.u32;
	[bflag:$0x2] =	sbarrier.arrive $0xFFFF  }
0x501: {  	p0 =	sne.s32 s0, $0x0;
	s0 =	rddreg [dreg:$0x5]  }
0x502: {  	s0 =	sadd.s32 @!p0 $0x100000, s0  }
0x503: {  	[sflag:s0] =	ssyncadd.tile.s32 @!p0 $0x1;
	_ =	shalt  }
.Lfunc_end2:
_tile_overlayer_lowered:
.L_overlay_start_2:
0x504: {  	(tag) =	ssettag $0x2  }
0x505: {  	s0 =	rddreg [dreg:$0x0];
	s2 =	stileid.u32  }
0x506: {  	s1 =	rddreg [dreg:$0x1];
	p0 =	sne.s32 s2, $0x0  }
0x507: {  	s3 =	rddreg [dreg:$0x2];
	[bflag:$0x3] =	sbarrier.arrive $0xFFFF;
	s2 =	simm.s32 @!p0 $0x1C0D  }
0x508: {  	[timem:s3], [sflag:s2] =	dma.local @!p0 [hbm:s0], s1  }
0x509: {  	s0 =	simm.s32 @!p0 $0xD  }
0x50a: {  	_ =	swait.ge @!p0 [sflag:s0], s1  }
0x50b: {  	s1 =	ssub.s32 @!p0 $0x0, s1;
	[sflag:s0] =	ssyncset.done @!p0 $0x0  }
0x50c: {  	[sflag:s0] =	ssyncadd.s32 @!p0 s1  }
0x50d: {  	[bflag:$0x3] =	sbarrier.arrive $0xFFFF  }
0x50e: {  	_ =	shalt  }

// kernel: kernel.8.cloned.1.call-start
scs
__scs_entry_jumppad:
0x0: {  	(pc) =	sbr.rel $0x88, $3  }
0x1: {  	(tag) =	ssettag $0x0;
	lr =	simm.s32 $0x1  }
0x2: {  	[smem:$0x3F9B] =	sst lr;
	_ =	strace $0xD0000000  }
0x3: {  	_ = 	snop  }
0x4: {  	_ = 	snop  }
0x5: {  	_ = 	snop  }
0x6: {  	_ = 	snop  }
0x7: {  	_ = 	snop  }
__scs_overlays_trampoline_lowered:
0x8: {  	[smem:$0x3FAA] =	sst s0  }
0x9: {  	[smem:$0x3FAB] =	sst s1  }
0xa: {  	[smem:$0x3FAC] =	sst s2  }
0xb: {  	[smem:$0x3FAD] =	sst s3  }
0xc: {  	[smem:$0x3FAE] =	sst s4  }
0xd: {  	[smem:$0x3FAF] =	sst s5  }
0xe: {  	[smem:$0x3FB0] =	sst s6  }
0xf: {  	[smem:$0x3FB1] =	sst s7  }
0x10: {  	[smem:$0x3FB2] =	sst s8  }
0x11: {  	[smem:$0x3FB3] =	sst s9;
	s0 =	simm.s32 @!p0 $0x0  }
0x12: {  	s1 =	sld [smem:$0x3F99];
	s0 =	simm.s32 @p0 $0x1  }
0x13: {  	[smem:$0x3FB4] =	sst s0;
	s0 =	simm.s32 @!p1 $0x0  }
0x14: {  	s2 =	sld [smem:$0x3F98];
	s0 =	simm.s32 @p1 $0x1  }
0x15: {  	[smem:$0x3FB5] =	sst s0;
	s0 =	simm.s32 @!p2 $0x0  }
0x16: {  	s3 =	sld [smem:$0x3FDB];
	s0 =	simm.s32 @p2 $0x1  }
0x17: {  	s4 =	simm.s32 $0x1BF5;
	[smem:$0x3FB7] =	sst s0  }
0x18: {  	s0 =	sld [smem:$0x3F9A];
	_ =	swait.ge [sflag:s4], $0x0  }
0x19: {  	s7 =	sld [smem:$0x3F9B]  }
0x1a: {  	s8 =	sadd.s32 $0xFFFFE003, lr  }
0x1b: {  	s9 =	sadd.s32 $0xFFFFFEF7, lr;
	s5 =	simm.s32 $0xFFFFFFFF;
	p2 =	slt.u32 s8, $0xFFFFF086  }
0x1c: {  	p1 =	slt.u32 s9, $0xF7A;
	s5 =	simm.s32 @!p2 $0x0  }
0x1d: {  	s5 =	simm.s32 @p1 $0x1;
	p0 =	seq.s32 s7, s2  }
0x1e: {  	s7 =	smul.u32 @!p0 $0xF7A, s2;
	p2 =	seq.s32 @!p0 s5, $0x0  }
0x1f: {  	s9 =	smul.u32 $0xF7A, s1;
	s8 =	simm.s32 @!p0 $0x1BF5;
	p2 =	por !p2, p0  }
0x20: {  	[sflag:s8] =	ssyncset.s32 @!p0 $0xFFFFF086;
	s6 =	sadd.s32 @!p0 s3, s7;
	s7 =	simm.s32 @!p0 $0x108  }
0x21: {  	s3 =	sadd.s32 s3, s9;
	s6 =	sadd.s32 @!p0 $0x88, s6;
	s7 =	simm.s32 @p2 $0x1082  }
0x22: {  	[simem:s7], [sflag:s8] =	dma.local @!p0 [hbm:s6], $0xF7A  }
0x23: {  	s9 =	sor.u32 $0xD0000000, s2;
	s6 =	simm.s32 $0x108;
	_ =	swait.ge @!p0 [sflag:s8], $0x0  }
0x24: {  	s3 =	sadd.s32 $0x88, s3;
	s6 =	simm.s32 @!p1 $0x1082;
	[sflag:s4] =	ssyncset.s32 $0xFFFFF086  }
0x25: {  	[simem:s6], [sflag:s4] =	dma.local [hbm:s3], $0xF7A  }
0x26: {  	[smem:$0x3F9B] =	sst s1;
	(tag) =	ssettag s2;
	_ =	strace s9  }
0x27: {  	s1 =	sld [smem:$0x3FAB]  }
0x28: {  	s2 =	sld [smem:$0x3FAC]  }
0x29: {  	s4 =	sld [smem:$0x3FAE]  }
0x2a: {  	p0 =	seq.s32 s5, $0x0;
	s5 =	sld [smem:$0x3FAF]  }
0x2b: {  	s6 =	sld [smem:$0x3FB0]  }
0x2c: {  	s7 =	sld [smem:$0x3FB1]  }
0x2d: {  	s3 =	simm.s32 $0x108;
	s8 =	sld [smem:$0x3FB2]  }
0x2e: {  	s3 =	simm.s32 @!p0 $0x1082;
	s9 =	sld [smem:$0x3FB3]  }
0x2f: {  	lr =	sadd.s32 s0, s3;
	s0 =	sld [smem:$0x3FAA]  }
0x30: {  	s3 =	sld [smem:$0x3FAD]  }
0x31: {  	[smem:$0x3FB6] =	sst s10  }
0x32: {  	s10 =	sld [smem:$0x3FB4];
	_ =	sdelay $0x3  }
0x33: {  	p0 =	seq.s32 s10, $0x1;
	s10 =	sld [smem:$0x3FB6];
	_ =	sdelay $0x3  }
0x34: {  	[smem:$0x3FB6] =	sst s10  }
0x35: {  	s10 =	sld [smem:$0x3FB5];
	_ =	sdelay $0x3  }
0x36: {  	p1 =	seq.s32 s10, $0x1;
	s10 =	sld [smem:$0x3FB6];
	_ =	sdelay $0x3  }
0x37: {  	[smem:$0x3FB6] =	sst s10  }
0x38: {  	s10 =	sld [smem:$0x3FB7]  }
0x39: {  	_ = 	snop;
	(pc) =	sbr.ind lr, $3  }
0x3a: {  	_ = 	snop  }
0x3b: {  	_ = 	snop  }
0x3c: {  	p2 =	seq.s32 s10, $0x1;
	s10 =	sld [smem:$0x3FB6]  }
0x3d: {  	_ =	shalt  }
0x3e: {  	_ =	shalt  }
0x3f: {  	_ =	shalt  }
0x40: {  	_ =	shalt  }
0x41: {  	_ =	shalt  }
0x42: {  	_ =	shalt  }
0x43: {  	_ =	shalt  }
0x44: {  	_ =	shalt  }
0x45: {  	_ =	shalt  }
0x46: {  	_ =	shalt  }
0x47: {  	_ =	shalt  }
0x48: {  	_ =	shalt  }
0x49: {  	_ =	shalt  }
0x4a: {  	_ =	shalt  }
0x4b: {  	_ =	shalt  }
0x4c: {  	_ =	shalt  }
0x4d: {  	_ =	shalt  }
0x4e: {  	_ =	shalt  }
0x4f: {  	_ =	shalt  }
0x50: {  	_ =	shalt  }
0x51: {  	_ =	shalt  }
0x52: {  	_ =	shalt  }
0x53: {  	_ =	shalt  }
0x54: {  	_ =	shalt  }
0x55: {  	_ =	shalt  }
0x56: {  	_ =	shalt  }
0x57: {  	_ =	shalt  }
0x58: {  	_ =	shalt  }
0x59: {  	_ =	shalt  }
0x5a: {  	_ =	shalt  }
0x5b: {  	_ =	shalt  }
0x5c: {  	_ =	shalt  }
0x5d: {  	_ =	shalt  }
0x5e: {  	_ =	shalt  }
0x5f: {  	_ =	shalt  }
0x60: {  	_ =	shalt  }
0x61: {  	_ =	shalt  }
0x62: {  	_ =	shalt  }
0x63: {  	_ =	shalt  }
0x64: {  	_ =	shalt  }
0x65: {  	_ =	shalt  }
0x66: {  	_ =	shalt  }
0x67: {  	_ =	shalt  }
0x68: {  	_ =	shalt  }
0x69: {  	_ =	shalt  }
0x6a: {  	_ =	shalt  }
0x6b: {  	_ =	shalt  }
0x6c: {  	_ =	shalt  }
0x6d: {  	_ =	shalt  }
0x6e: {  	_ =	shalt  }
0x6f: {  	_ =	shalt  }
0x70: {  	_ =	shalt  }
0x71: {  	_ =	shalt  }
0x72: {  	_ =	shalt  }
0x73: {  	_ =	shalt  }
0x74: {  	_ =	shalt  }
0x75: {  	_ =	shalt  }
0x76: {  	_ =	shalt  }
0x77: {  	_ =	shalt  }
0x78: {  	_ =	shalt  }
0x79: {  	_ =	shalt  }
0x7a: {  	_ =	shalt  }
0x7b: {  	_ =	shalt  }
0x7c: {  	_ =	shalt  }
0x7d: {  	_ =	shalt  }
0x7e: {  	_ =	shalt  }
0x7f: {  	_ =	shalt  }
0x80: {  	_ =	shalt  }
0x81: {  	_ =	shalt  }
0x82: {  	_ =	shalt  }
0x83: {  	_ =	shalt  }
0x84: {  	_ =	shalt  }
0x85: {  	_ =	shalt  }
0x86: {  	_ =	shalt  }
0x87: {  	_ =	shalt  }
.Lfunc_end0:
.L_simem_size_0:
called_computation.1_lowered:
.L_overlay_start_0:
0x88: {  	s2 =	sld [smem:$0x3FD9]  }
0x89: {  	s3 =	sld [smem:$0x3FFE];
	_ =	sdelay $0x1  }
0x8a: {  	s1 =	srdreg.scid  }
0x8b: {  	s0 =	sand.u32 $0x1, s1  }
0x8c: {  	s17 =	sshll.u32 s0, $0xA;
	s2 =	sadd.s32 s3, s2  }
0x8d: {  	s2 =	sadd.s32 s2, s17  }
0x8e: {  	[smem:$0x3FC2] =	sst s2  }
0x8f: {  	_ = 	snop  }
0x90: {  	s2 =	sld [smem:$0x3FD0];
	(tm) =	ssettm $0x1  }
0x91: {  	s18 =	sld [smem:$0x3FFB];
	_ =	sdelay $0x3  }
0x92: {  	_ =	strace s18  }
0x93: {  	s3 =	sld [smem:$0x3FFC];
	_ =	sdelay $0x3  }
0x94: {  	_ =	strace s3  }
0x95: {  	s3 =	sld [smem:$0x3FFD];
	_ =	sdelay $0x3  }
0x96: {  	_ =	strace s3  }
0x97: {  	_ =	strace $0x8FFFFFFF  }
0x98: {  	s19 =	sld [smem:$0x3FDB];
	_ =	sdelay $0x1  }
0x99: {  	s4 =	simm.s32 $_scs_section_size  }
0x9a: {  	s5 =	simm.s32 $_size__tile_overlayer_lowered;
	s6 =	simm.s32 $_tile_overlayer_lowered  }
0x9b: {  	s22 =	simm.s32 $0x1BFF;
	s21 =	sshll.u32 s6, $0x1;
	s3 =	sadd.s32 s4, s19  }
0x9c: {  	s7 =	simm.s32 $0x0;
	s20 =	sshll.u32 s5, $0x1;
	s5 =	sadd.s32 s21, s3  }
0x9d: {  	[timem:s7], [sflag:s22] =	dma.local [hbm:s5], s20  }
0x9e: {  	_ =	swait.ge [sflag:s22], s20  }
0x9f: {  	s4 =	ssub.s32 $0x0, s20;
	[sflag:s22] =	ssyncset.done $0x0  }
0xa0: {  	[sflag:s22] =	ssyncadd.s32 s4;
	_ =	sdelay $0x1  }
0xa1: {  	s23 =	simm.s32 $0x1B8B  }
0xa2: {  	_ =	swait.ge [sflag:s23], $0x1  }
0xa3: {  	[sflag:s23] =	ssyncset.done $0x0  }
0xa4: {  	s25 =	simm.s32 $0x1B8E;
	s24 =	sld [smem:$0x3FFE];
	[sflag:s23] =	ssyncadd.s32 $0xFFFFFFFF  }
0xa5: {  	s26 =	simm.s32 $execute0_lowered;
	[smem:$0x3FD2] =	sst s25  }
0xa6: {  	s5 =	sshll.u32 s26, $0x1;
	_ =	strace $0x80000049;
	[dreg:$0x1] =	wrdreg $0xFFFFFFFF  }
0xa7: {  	s28 =	simm.s32 $_size_execute0_lowered;
	s3 =	sadd.s32 s3, s5;
	[dreg:$0x0] =	wrdreg $0x0  }
0xa8: {  	s5 =	sshll.u32 s28, $0x1;
	[dreg:$0x2] =	wrdreg s3  }
0xa9: {  	[dreg:$0x3] =	wrdreg s5  }
0xaa: {  	[dreg:$0x4] =	wrdreg $0xC0  }
0xab: {  	_ =	task [dreg:s7], $0x5FFFF  }
0xac: {  	[dreg:$0x1] =	wrdreg $0xFFFFFFFF  }
0xad: {  	[dreg:$0x0] =	wrdreg $0x60  }
0xae: {  	[dreg:$0x2] =	wrdreg s24  }
0xaf: {  	[dreg:$0x3] =	wrdreg s2  }
0xb0: {  	[dreg:$0x4] =	wrdreg $0x9  }
0xb1: {  	_ =	task.clear_ibuf [dreg:s7], $0x5FFFF;
	_ =	strace $0x90000049  }
0xb2: {  	s29 =	simm.s32 $0x9;
	_ =	strace $0x8000004B  }
0xb3: {  	_ =	swait.ge [sflag:s29], $0x1  }
0xb4: {  	[sflag:s29] =	ssyncadd.s32 $0xFFFFFFFF  }
0xb5: {  	_ =	strace $0x9000004B  }
0xb6: {  	_ =	sfence  }
0xb7: {  	s30 =	sld [smem:$0x0];
	_ =	sdelay $0x2  }
0xb8: {  	s31 =	sshll.u32 s1, $0xD;
	s1 =	sshrl.u32 s1, $0x2  }
0xb9: {  	s3 =	sand.u32 $0x4000, s31;
	s1 =	sadd.s32 s1, s30  }
0xba: {  	s0 =	sor.u32 s3, s0;
	s1 =	sshll.u32 s1, $0x11  }
0xbb: {  	s0 =	sor.u32 s1, s0  }
0xbc: {  	s0 =	sadd.s32 $0x8F2B, s0  }
0xbd: {  	[sflag:s0] =	ssyncadd.remote.s32 $0x1  }
0xbe: {  	_ =	sfence.sel $0xFFFF  }
0xbf: {  	[dreg:$0x0] =	wrdreg $0xFFFFFFFF;
	(pc) =	sbr.abs _section_cstart, $3  }
0xc0: {  	[dreg:$0x1] =	wrdreg $0xFFFFFFFF  }
0xc1: {  	_ =	task.clear_ibuf [dreg:s7], $0x2FFFF;
	_ =	strace $0x9FFFFFFF  }
0xc2: {  	(tm) =	ssettm $0x7FFFFFFF  }
0xc3: {  	_ =	shalt  }
tec
execute0_lowered:
.L_overlay_start_1:
0x0: {  	(tag) =	ssettag $0x1  }
0x1: {  	s0 =	srdreg.scid;
	s1 =	rddreg [dreg:$0x0]  }
0x2: {  	s2 =	stileid.u32;
	s14 =	rddreg [dreg:$0x1];
	s4 =	simm.s32 $0x0  }
0x3: {  	s15 =	simm.s32 $0x200;
	s16 =	simm.s32 $0x480;
	s0 =	sand.u32 $0x1, s0  }
0x4: {  	s2 =	sshll.u32 s2, $0xA;
	[smem:$0x7FF] =	sst s4;
	s5 =	sadd.s32 $0x1400, s1  }
0x5: {  	s7 =	sadd.s32 $0x1500, s1;
	s8 =	sadd.s32 $0x1600, s1;
	s9 =	sadd.s32 $0x1700, s1  }
0x6: {  	s10 =	sadd.s32 $0x100, s14;
	s3 =	sshll.u32 s0, $0x9;
	s0 =	ssub.s32 $0x2, s0  }
.Ltmp0:
0x7: {  	s2 =	sor.u32 s3, s2;
	s31 =	sshrl.u32 s0, $0x1;
	(pc) =	sbr.rel .LBB2_1-.Ltmp0, $4  }
0x8: {  	[dreg:$0x3] =	wrdreg s2;
	s2 =	sshrl.u32 s2, $0x3;
	s0 =	ssub.s32 s0, s31  }
0x9: {  	s11 =	sadd.s32 $0x200, s14;
	s2 =	sadd.s32 s2, s1;
	s0 =	smax.u32 s0, $0x1  }
0xa: {  	_ =	strace $0x8000004A;
	s2 =	sadd.s32 $0xC00, s2;
	[dreg:$0x5] =	wrdreg s0  }
0xb: {  	v0 =	vlaneseq.u32;
	v1 =	vimm.s32 $0x0;
	s12 =	sadd.s32 $0x300, s14;
	s1 =	simm.s32 $0x0;
	[dreg:$0x4] =	wrdreg s2  }
.LBB2_10:
0xc: {  	s1 =	sadd.s32 $0x1, s1;
	s0 =	rddreg [dreg:$0x5]  }
0xd: {  	p0 =	sne.s32 s1, s0  }
.Ltmp1:
0xe: {  	_ = 	snop;
	(pc) =	sbr.rel @!p0 .LBB2_11-.Ltmp1, $1  }
0xf: {  	_ =	sdelay $0x3  }
.LBB2_1:
0x10: {  	[dreg:$0x6] =	wrdreg s1  }
0x11: {  	s29 =	simm.s32 $0x0;
	s0 =	rddreg [dreg:$0x4];
	s30 =	simm.s32 $0xD  }
0x12: {  	[tilespmem:s29], [sflag:$0xD] =	stream.linear.gather [hbm4b:s0+s29], $0x200, $0x38;
	[tilespmem:$0x19B00] =	vst v63  }
0x13: {  	_ =	swait.ge [sflag:s30], $0x200  }
0x14: {  	[sflag:s30] =	ssyncset.done $0x0  }
0x15: {  	s31 =	simm.s32 $0x0;
	[sflag:s30] =	ssyncadd.s32 $0xFFFFFE00  }
0x16: {  	v2 =	vld [tilespmem:s31+$0x0];
	_ =	sdelay $0x4  }
0x17: {  	v2 =	vadd.s32 $0xFFFF2540, v2  }
0x18: {  	vm0 =	vlt.u32 v2, $0x2000  }
0x19: {  	v3 =	vsel vm0, $0x1, v1  }
0x1a: {  	(xrf0) =	vadd.scan.msk.s32 $0xffff, v3;
	_ =	sdelay $0x4  }
0x1b: {  	v3 =	vsel vm0, $0xFFFFFFFF, v1  }
0x1c: {  	v3 =	vadd.s32 s29, v3;
	v4, _, _ =	vpop (xrf0)  }
0x1d: {  	v3 =	vadd.s32 v4, v3;
	(v2sf) =	vpush v4, $0xF;
	_ =	sdelay $0x3  }
0x1e: {  	s0 =	rddreg [dreg:$0x3]  }
0x1f: {  	[tilespmem:v3+s15+$0x0] =	vst.idx.msk vm0, v2;
	v2 =	vor.u32 s0, v0  }
0x20: {  	s3 =	simm.s32 $0x10;
	s2 =	simm.s32 $0x80;
	s1 =	simm.s32 $0x0;
	[tilespmem:v3+s16+$0x0] =	vst.idx.msk vm0, v2  }
.LBB2_2:
0x21: {  	p0 =	sne.s32 s2, $0x7C0;
	v2 =	vld [tilespmem:s3+$0x0];
	_ =	sdelay $0x4  }
0x22: {  	v2 =	vadd.s32 $0xFFFF2540, v2  }
0x23: {  	vm0 =	vlt.u32 v2, $0x2000  }
0x24: {  	v3 =	vsel vm0, $0xFFFFFFFF, v1;
	v4 =	vsel vm0, $0x1, v1  }
0x25: {  	(xrf0) =	vadd.scan.msk.s32 $0xffff, v4;
	s3 =	spop (v2sf)  }
0x26: {  	s1 =	sadd.s32 s1, s3  }
0x27: {  	v3 =	vadd.s32 s1, v3;
	_ =	sdelay $0x3  }
0x28: {  	v4, _, _ =	vpop (xrf0)  }
0x29: {  	v3 =	vadd.s32 v4, v3;
	(v2sf) =	vpush v4, $0xF;
	_ =	sdelay $0x1  }
.Ltmp2:
0x2a: {  	(pc) =	sbr.rel @p0 .LBB2_2-.Ltmp2, $4  }
0x2b: {  	_ = 	snop  }
0x2c: {  	s0 =	sadd.s32 $0x10, s0  }
0x2d: {  	v4 =	vor.u32 s0, v0;
	[tilespmem:v3+s15+$0x0] =	vst.idx.msk vm0, v2  }
0x2e: {  	s3 =	sshra.s32 s2, $0x2;
	s2 =	sadd.s32 $0x40, s2;
	[tilespmem:v3+s16+$0x0] =	vst.idx.msk vm0, v4  }
0x2f: {  	v2 =	vld [tilespmem:s3+$0x0];
	_ =	sdelay $0x4  }
0x30: {  	v2 =	vadd.s32 $0xFFFF2540, v2  }
0x31: {  	vm0 =	vlt.u32 v2, $0x2000  }
0x32: {  	v3 =	vsel vm0, $0x1, v1  }
0x33: {  	(xrf0) =	vadd.scan.msk.s32 $0xffff, v3;
	_ =	sdelay $0x5  }
0x34: {  	v3, _, _ =	vpop (xrf0)  }
0x35: {  	(v2sf) =	vpush v3, $0xF;
	_ =	sdelay $0x7  }
0x36: {  	s2 =	spop (v2sf)  }
0x37: {  	v4 =	vsel vm0, $0xFFFFFFFF, v1;
	s1 =	sadd.s32 s1, s2  }
0x38: {  	v4 =	vadd.s32 s1, v4  }
0x39: {  	v3 =	vadd.s32 v3, v4;
	_ =	sdelay $0x3  }
0x3a: {  	s0 =	sadd.s32 $0x10, s0;
	s30 =	spop (v2sf)  }
0x3b: {  	v63 =	vor.u32 s0, v0;
	[tilespmem:v3+s15+$0x0] =	vst.idx.msk vm0, v2;
	s1 =	sadd.s32 s1, s30  }
0x3c: {  	[tilespmem:v3+s16+$0x0] =	vst.idx.msk vm0, v63;
	p0 =	slt.s32 s1, $0x1  }
0x3d: {  	v2 =	vld.msk @!p0 [tilespmem:$0x200 ss:$0x0], $0xffff;
	_ =	sdelay $0x1  }
0x3e: {  	v3 =	vld.msk @!p0 [tilespmem:$0x480 ss:$0x0], $0xffff;
	_ =	sdelay $0x2  }
0x3f: {  	[tilespmem:s1+$0x200] =	vst @!p0 v2  }
0x40: {  	[tilespmem:s1+$0x210] =	vst @!p0 v2  }
0x41: {  	[tilespmem:s1+$0x480] =	vst @!p0 v3  }
0x42: {  	s31 =	simm.s32 $0x0;
	[tilespmem:s1+$0x490] =	vst @!p0 v3  }
0x43: {  	v2 =	vld [tilespmem:s31+$0x480];
	_ =	sdelay $0x3  }
0x44: {  	s0 =	simm.s32 $0x700;
	s2 =	simm.s32 $0x40  }
.LBB2_4:
0x45: {  	s3 =	sshra.s32 s2, $0x2;
	p0 =	sne.s32 s2, $0x840;
	s2 =	sadd.s32 $0x40, s2;
	[tilespmem:s0+$0x0] =	vst v2  }
.Ltmp3:
0x46: {  	v2 =	vld [tilespmem:s3+$0x480];
	(pc) =	sbr.rel @p0 .LBB2_4-.Ltmp3, $2  }
0x47: {  	_ =	sdelay $0x2  }
0x48: {  	s0 =	sadd.s32 $0x80, s0  }
0x49: {  	s1 =	sadd.s32 $0xF, s1  }
0x4a: {  	s2 =	sand.u32 $0xF, s1  }
0x4b: {  	s3 =	sshra.s32 s1, $0x1F;
	p0 =	slt.s32 s1, $0x1;
	p1 =	sne.s32 s2, $0x0  }
0x4c: {  	s29 =	sshrl.u32 s3, $0x1C;
	p0 =	por !p0, !p1  }
0x4d: {  	s2 =	simm.s32 $0x1;
	s1 =	sadd.s32 s29, s1;
	p0 =	por !p0, !p0  }
0x4e: {  	s1 =	sshra.s32 s1, $0x4;
	s2 =	simm.s32 @!p0 $0x0  }
0x4f: {  	s19 =	ssub.s32 s1, s2  }
0x50: {  	s1 =	sadd.s32 $0x5, s19  }
0x51: {  	s30 =	smulhi.u32 $0x2AAAAAAB, s1;
	s1 =	sshra.s32 s1, $0x1F  }
0x52: {  	s1 =	smul.u32 $0x2AAAAAAB, s1;
	_ =	sdelay $0x1  }
0x53: {  	s1 =	sadd.s32 s1, s30  }
0x54: {  	s2 =	sshrl.u32 s1, $0x1F  }
0x55: {  	s1 =	sadd.s32 s2, s1  }
0x56: {  	s2 =	smul.u32 $0xFFFFFFFA, s1  }
0x57: {  	s31 =	ssub.s32 $0xFFFFFFFB, s19  }
0x58: {  	p6 =	slt.s32 s19, $0xFFFFFFFC;
	p5 =	sne.s32 s2, s31  }
0x59: {  	p0 =	por !p6, !p5  }
0x5a: {  	s2 =	simm.s32 $0x1;
	p0 =	por !p0, !p0  }
0x5b: {  	s2 =	simm.s32 @!p0 $0x0  }
0x5c: {  	s20 =	ssub.s32 s1, s2  }
0x5d: {  	p0 =	slt.s32 s20, $0x1  }
.Ltmp4:
0x5e: {  	_ = 	snop;
	(pc) =	sbr.rel @p0 .LBB2_8-.Ltmp4, $2  }
0x5f: {  	_ =	sdelay $0x2  }
0x60: {  	[tilespmem:s0+$0x0] =	vst v2  }
0x61: {  	s21 =	simm.s32 $0x0;
	s22 =	simm.s32 $0x880;
	s23 =	simm.s32 $0x230  }
.LBB2_7:
0x62: {  	p0 =	sge.s32 s21, s19  }
0x63: {  	p1 =	seq.s32 @!p0 s21, $0x0  }
0x64: {  	p1 =	por p1, p0  }
0x65: {  	s0 =	simm.s32 @!p1 $0x7  }
0x66: {  	_ =	swait.ge @!p1 [sflag:s0], $0x4000  }
0x67: {  	[sflag:s0] =	ssyncset.done @!p1 $0x0  }
0x68: {  	[sflag:s0] =	ssyncadd.s32 @!p1 $0xFFFFC000  }
0x69: {  	v2 =	vld @!p0 [tilespmem:s23+$0xFFFFFFD0];
	_ =	sdelay $0x4  }
0x6a: {  	v3 =	vshll.u32 @!p0 v2, $0x3  }
0x6b: {  	v4 =	vlaneseq.u32 @!p0;
	v2 =	vand.u32 @!p0 $0x7, v2;
	v3 =	vand.u32 @!p0 $0xFFFFFFC0, v3  }
0x6c: {  	v5 =	vor.u32 @!p0 v2, v3;
	v3 =	vand.u32 @!p0 $0x7, v4;
	v2 =	vshrl.u32 @!p0 v4, $0x3  }
0x6d: {  	v6 =	vperm.xlane @!p0 v5, v3;
	v2 =	vmul.u32 @!p0 $0x8, v2;
	_ =	sdelay $0x1  }
0x6e: {  	v6 =	vadd.s32 @!p0 v2, v6;
	_ =	sdelay $0x3  }
0x6f: {  	vm0 =	vmmov @!p0 $0xffff;
	s24 =	simm.s32 @!p0 $0x0;
	s0 =	simm.s32 @!p0 $0x1B00  }
0x70: {  	v4 =	vor.u32 @!p0 $0x8, v4;
	[tilespmem:s0], [sflag:$0x1] =	stream.indirect_vreg.gather @!p0 [hbm4b:s5+s24], $0x80, v6, vm0, $0xb8;
	[tilespmem:$0x19B00] =	vst v63  }
0x71: {  	v5 =	vperm.xlane @!p0 v5, v4;
	s0 =	simm.s32 @!p0 $0x2300  }
0x72: {  	[tilespmem:s0], [sflag:$0x1] =	stream.indirect_vreg.gather @!p0 [hbm4b:s7+s24], $0x80, v6, vm0, $0xb8;
	[tilespmem:$0x19B00] =	vst v63  }
0x73: {  	v5 =	vadd.s32 @!p0 v2, v5;
	s0 =	simm.s32 @!p0 $0x2B00  }
0x74: {  	[tilespmem:s0], [sflag:$0x1] =	stream.indirect_vreg.gather @!p0 [hbm4b:s8+s24], $0x80, v6, vm0, $0xb8;
	[tilespmem:$0x19B00] =	vst v63  }
0x75: {  	s0 =	simm.s32 @!p0 $0x3300  }
0x76: {  	[tilespmem:s0], [sflag:$0x1] =	stream.indirect_vreg.gather @!p0 [hbm4b:s9+s24], $0x80, v6, vm0, $0xb8;
	[tilespmem:$0x19B00] =	vst v63  }
0x77: {  	s25 =	sadd.s32 $0x1, s21;
	s0 =	simm.s32 @!p0 $0x3B00  }
0x78: {  	[tilespmem:s0], [sflag:$0x1] =	stream.indirect_vreg.gather @!p0 [hbm4b:s5+s24], $0x80, v5, vm0, $0xb8;
	[tilespmem:$0x19B00] =	vst v63  }
0x79: {  	p1 =	sge.s32 s25, s19;
	s0 =	simm.s32 @!p0 $0x4300  }
0x7a: {  	[tilespmem:s0], [sflag:$0x1] =	stream.indirect_vreg.gather @!p0 [hbm4b:s7+s24], $0x80, v5, vm0, $0xb8;
	[tilespmem:$0x19B00] =	vst v63  }
0x7b: {  	p2 =	seq.s32 @!p1 s21, $0x0;
	s0 =	simm.s32 @!p0 $0x4B00  }
0x7c: {  	[tilespmem:s0], [sflag:$0x1] =	stream.indirect_vreg.gather @!p0 [hbm4b:s8+s24], $0x80, v5, vm0, $0xb8;
	[tilespmem:$0x19B00] =	vst v63  }
0x7d: {  	p2 =	por p2, p1;
	s0 =	simm.s32 @!p0 $0x5300  }
0x7e: {  	[tilespmem:s0], [sflag:$0x1] =	stream.indirect_vreg.gather @!p0 [hbm4b:s9+s24], $0x80, v5, vm0, $0xb8;
	[tilespmem:$0x19B00] =	vst v63  }
0x7f: {  	s0 =	simm.s32 @!p2 $0x8  }
0x80: {  	_ =	swait.ge @!p2 [sflag:s0], $0x4000  }
0x81: {  	[sflag:s0] =	ssyncset.done @!p2 $0x0  }
0x82: {  	[sflag:s0] =	ssyncadd.s32 @!p2 $0xFFFFC000  }
0x83: {  	v5 =	vld @!p1 [tilespmem:s23+$0xFFFFFFE0];
	_ =	sdelay $0x4  }
0x84: {  	v6 =	vshll.u32 @!p1 v5, $0x3  }
0x85: {  	v7 =	vlaneseq.u32 @!p1;
	v5 =	vand.u32 @!p1 $0x7, v5;
	v6 =	vand.u32 @!p1 $0xFFFFFFC0, v6  }
0x86: {  	v8 =	vor.u32 @!p1 v5, v6;
	v6 =	vand.u32 @!p1 $0x7, v7;
	v5 =	vshrl.u32 @!p1 v7, $0x3  }
0x87: {  	v9 =	vperm.xlane @!p1 v8, v6;
	v5 =	vmul.u32 @!p1 $0x8, v5;
	_ =	sdelay $0x1  }
0x88: {  	v9 =	vadd.s32 @!p1 v5, v9;
	_ =	sdelay $0x3  }
0x89: {  	vm1 =	vmmov @!p1 $0xffff;
	s17 =	simm.s32 @!p1 $0x0;
	s0 =	simm.s32 @!p1 $0x5B00  }
0x8a: {  	v7 =	vor.u32 @!p1 $0x8, v7;
	[tilespmem:s0], [sflag:$0x2] =	stream.indirect_vreg.gather @!p1 [hbm4b:s5+s17], $0x80, v9, vm1, $0xb8;
	[tilespmem:$0x19B00] =	vst v63  }
0x8b: {  	v8 =	vperm.xlane @!p1 v8, v7;
	s0 =	simm.s32 @!p1 $0x6300  }
0x8c: {  	[tilespmem:s0], [sflag:$0x2] =	stream.indirect_vreg.gather @!p1 [hbm4b:s7+s17], $0x80, v9, vm1, $0xb8;
	[tilespmem:$0x19B00] =	vst v63  }
0x8d: {  	v8 =	vadd.s32 @!p1 v5, v8;
	s0 =	simm.s32 @!p1 $0x6B00  }
0x8e: {  	[tilespmem:s0], [sflag:$0x2] =	stream.indirect_vreg.gather @!p1 [hbm4b:s8+s17], $0x80, v9, vm1, $0xb8;
	[tilespmem:$0x19B00] =	vst v63  }
0x8f: {  	s0 =	simm.s32 @!p1 $0x7300  }
0x90: {  	[tilespmem:s0], [sflag:$0x2] =	stream.indirect_vreg.gather @!p1 [hbm4b:s9+s17], $0x80, v9, vm1, $0xb8;
	[tilespmem:$0x19B00] =	vst v63  }
0x91: {  	s26 =	sadd.s32 $0x2, s21;
	s0 =	simm.s32 @!p1 $0x7B00  }
0x92: {  	[tilespmem:s0], [sflag:$0x2] =	stream.indirect_vreg.gather @!p1 [hbm4b:s5+s17], $0x80, v8, vm1, $0xb8;
	[tilespmem:$0x19B00] =	vst v63  }
0x93: {  	p2 =	sge.s32 s26, s19;
	s0 =	simm.s32 @!p1 $0x8300  }
0x94: {  	[tilespmem:s0], [sflag:$0x2] =	stream.indirect_vreg.gather @!p1 [hbm4b:s7+s17], $0x80, v8, vm1, $0xb8;
	[tilespmem:$0x19B00] =	vst v63  }
0x95: {  	p3 =	seq.s32 @!p2 s21, $0x0;
	s0 =	simm.s32 @!p1 $0x8B00  }
0x96: {  	[tilespmem:s0], [sflag:$0x2] =	stream.indirect_vreg.gather @!p1 [hbm4b:s8+s17], $0x80, v8, vm1, $0xb8;
	[tilespmem:$0x19B00] =	vst v63  }
0x97: {  	p3 =	por p3, p2;
	s0 =	simm.s32 @!p1 $0x9300  }
0x98: {  	[tilespmem:s0], [sflag:$0x2] =	stream.indirect_vreg.gather @!p1 [hbm4b:s9+s17], $0x80, v8, vm1, $0xb8;
	[tilespmem:$0x19B00] =	vst v63  }
0x99: {  	s0 =	simm.s32 @!p3 $0x9  }
0x9a: {  	_ =	swait.ge @!p3 [sflag:s0], $0x4000  }
0x9b: {  	[sflag:s0] =	ssyncset.done @!p3 $0x0  }
0x9c: {  	[sflag:s0] =	ssyncadd.s32 @!p3 $0xFFFFC000  }
0x9d: {  	v8 =	vld @!p2 [tilespmem:s23+$0xFFFFFFF0];
	_ =	sdelay $0x4  }
0x9e: {  	v9 =	vshll.u32 @!p2 v8, $0x3  }
0x9f: {  	v10 =	vlaneseq.u32 @!p2;
	v8 =	vand.u32 @!p2 $0x7, v8;
	v9 =	vand.u32 @!p2 $0xFFFFFFC0, v9  }
0xa0: {  	v11 =	vor.u32 @!p2 v8, v9;
	v9 =	vand.u32 @!p2 $0x7, v10;
	v8 =	vshrl.u32 @!p2 v10, $0x3  }
0xa1: {  	v12 =	vperm.xlane @!p2 v11, v9;
	v8 =	vmul.u32 @!p2 $0x8, v8;
	_ =	sdelay $0x1  }
0xa2: {  	v12 =	vadd.s32 @!p2 v8, v12;
	_ =	sdelay $0x3  }
0xa3: {  	vm2 =	vmmov @!p2 $0xffff;
	s1 =	simm.s32 @!p2 $0x9B00;
	s0 =	simm.s32 @!p2 $0x0  }
0xa4: {  	v10 =	vor.u32 @!p2 $0x8, v10;
	[tilespmem:s1], [sflag:$0x3] =	stream.indirect_vreg.gather @!p2 [hbm4b:s5+s0], $0x80, v12, vm2, $0xb8;
	[tilespmem:$0x19B00] =	vst v63  }
0xa5: {  	v11 =	vperm.xlane @!p2 v11, v10;
	s1 =	simm.s32 @!p2 $0xA300  }
0xa6: {  	[tilespmem:s1], [sflag:$0x3] =	stream.indirect_vreg.gather @!p2 [hbm4b:s7+s0], $0x80, v12, vm2, $0xb8;
	[tilespmem:$0x19B00] =	vst v63  }
0xa7: {  	v11 =	vadd.s32 @!p2 v8, v11;
	s1 =	simm.s32 @!p2 $0xAB00  }
0xa8: {  	[tilespmem:s1], [sflag:$0x3] =	stream.indirect_vreg.gather @!p2 [hbm4b:s8+s0], $0x80, v12, vm2, $0xb8;
	[tilespmem:$0x19B00] =	vst v63  }
0xa9: {  	s1 =	simm.s32 @!p2 $0xB300  }
0xaa: {  	[tilespmem:s1], [sflag:$0x3] =	stream.indirect_vreg.gather @!p2 [hbm4b:s9+s0], $0x80, v12, vm2, $0xb8;
	[tilespmem:$0x19B00] =	vst v63  }
0xab: {  	s28 =	sadd.s32 $0x3, s21;
	s1 =	simm.s32 @!p2 $0xBB00  }
0xac: {  	[tilespmem:s1], [sflag:$0x3] =	stream.indirect_vreg.gather @!p2 [hbm4b:s5+s0], $0x80, v11, vm2, $0xb8;
	[tilespmem:$0x19B00] =	vst v63  }
0xad: {  	p3 =	sge.s32 s28, s19;
	s1 =	simm.s32 @!p2 $0xC300  }
0xae: {  	[tilespmem:s1], [sflag:$0x3] =	stream.indirect_vreg.gather @!p2 [hbm4b:s7+s0], $0x80, v11, vm2, $0xb8;
	[tilespmem:$0x19B00] =	vst v63  }
0xaf: {  	p4 =	seq.s32 @!p3 s21, $0x0;
	s1 =	simm.s32 @!p2 $0xCB00  }
0xb0: {  	[tilespmem:s1], [sflag:$0x3] =	stream.indirect_vreg.gather @!p2 [hbm4b:s8+s0], $0x80, v11, vm2, $0xb8;
	[tilespmem:$0x19B00] =	vst v63  }
0xb1: {  	p4 =	por p4, p3;
	s1 =	simm.s32 @!p2 $0xD300  }
0xb2: {  	[tilespmem:s1], [sflag:$0x3] =	stream.indirect_vreg.gather @!p2 [hbm4b:s9+s0], $0x80, v11, vm2, $0xb8;
	[tilespmem:$0x19B00] =	vst v63  }
0xb3: {  	s1 =	simm.s32 @!p4 $0xA  }
0xb4: {  	_ =	swait.ge @!p4 [sflag:s1], $0x4000  }
0xb5: {  	[sflag:s1] =	ssyncset.done @!p4 $0x0  }
0xb6: {  	[sflag:s1] =	ssyncadd.s32 @!p4 $0xFFFFC000  }
0xb7: {  	v11 =	vld @!p3 [tilespmem:s23+$0x0];
	_ =	sdelay $0x4  }
0xb8: {  	v12 =	vshll.u32 @!p3 v11, $0x3  }
0xb9: {  	v13 =	vlaneseq.u32 @!p3;
	v11 =	vand.u32 @!p3 $0x7, v11;
	v12 =	vand.u32 @!p3 $0xFFFFFFC0, v12  }
0xba: {  	v14 =	vor.u32 @!p3 v11, v12;
	v12 =	vand.u32 @!p3 $0x7, v13;
	v11 =	vshrl.u32 @!p3 v13, $0x3  }
0xbb: {  	v15 =	vperm.xlane @!p3 v14, v12;
	v11 =	vmul.u32 @!p3 $0x8, v11;
	_ =	sdelay $0x1  }
0xbc: {  	v15 =	vadd.s32 @!p3 v11, v15;
	_ =	sdelay $0x3  }
0xbd: {  	vm3 =	vmmov @!p3 $0xffff;
	s2 =	simm.s32 @!p3 $0x0;
	s1 =	simm.s32 @!p3 $0xDB00  }
0xbe: {  	v13 =	vor.u32 @!p3 $0x8, v13;
	[tilespmem:s1], [sflag:$0x4] =	stream.indirect_vreg.gather @!p3 [hbm4b:s5+s2], $0x80, v15, vm3, $0xb8;
	[tilespmem:$0x19B00] =	vst v63  }
0xbf: {  	v14 =	vperm.xlane @!p3 v14, v13;
	s1 =	simm.s32 @!p3 $0xE300  }
0xc0: {  	[tilespmem:s1], [sflag:$0x4] =	stream.indirect_vreg.gather @!p3 [hbm4b:s7+s2], $0x80, v15, vm3, $0xb8;
	[tilespmem:$0x19B00] =	vst v63  }
0xc1: {  	v14 =	vadd.s32 @!p3 v11, v14;
	s1 =	simm.s32 @!p3 $0xEB00  }
0xc2: {  	[tilespmem:s1], [sflag:$0x4] =	stream.indirect_vreg.gather @!p3 [hbm4b:s8+s2], $0x80, v15, vm3, $0xb8;
	[tilespmem:$0x19B00] =	vst v63  }
0xc3: {  	s1 =	simm.s32 @!p3 $0xF300  }
0xc4: {  	[tilespmem:s1], [sflag:$0x4] =	stream.indirect_vreg.gather @!p3 [hbm4b:s9+s2], $0x80, v15, vm3, $0xb8;
	[tilespmem:$0x19B00] =	vst v63  }
0xc5: {  	s29 =	sadd.s32 $0x4, s21;
	s1 =	simm.s32 @!p3 $0xFB00  }
0xc6: {  	[tilespmem:s1], [sflag:$0x4] =	stream.indirect_vreg.gather @!p3 [hbm4b:s5+s2], $0x80, v14, vm3, $0xb8;
	[tilespmem:$0x19B00] =	vst v63  }
0xc7: {  	p4 =	sge.s32 s29, s19;
	s1 =	simm.s32 @!p3 $0x10300  }
0xc8: {  	[tilespmem:s1], [sflag:$0x4] =	stream.indirect_vreg.gather @!p3 [hbm4b:s7+s2], $0x80, v14, vm3, $0xb8;
	[tilespmem:$0x19B00] =	vst v63  }
0xc9: {  	p5 =	seq.s32 @!p4 s21, $0x0;
	s1 =	simm.s32 @!p3 $0x10B00  }
0xca: {  	[tilespmem:s1], [sflag:$0x4] =	stream.indirect_vreg.gather @!p3 [hbm4b:s8+s2], $0x80, v14, vm3, $0xb8;
	[tilespmem:$0x19B00] =	vst v63  }
0xcb: {  	p5 =	por p5, p4;
	s1 =	simm.s32 @!p3 $0x11300  }
0xcc: {  	[tilespmem:s1], [sflag:$0x4] =	stream.indirect_vreg.gather @!p3 [hbm4b:s9+s2], $0x80, v14, vm3, $0xb8;
	[tilespmem:$0x19B00] =	vst v63  }
0xcd: {  	s1 =	simm.s32 @!p5 $0xB  }
0xce: {  	_ =	swait.ge @!p5 [sflag:s1], $0x4000  }
0xcf: {  	[sflag:s1] =	ssyncset.done @!p5 $0x0  }
0xd0: {  	[sflag:s1] =	ssyncadd.s32 @!p5 $0xFFFFC000  }
0xd1: {  	v14 =	vld @!p4 [tilespmem:s23+$0x10];
	_ =	sdelay $0x4  }
0xd2: {  	v15 =	vshll.u32 @!p4 v14, $0x3  }
0xd3: {  	v16 =	vlaneseq.u32 @!p4;
	v14 =	vand.u32 @!p4 $0x7, v14;
	v15 =	vand.u32 @!p4 $0xFFFFFFC0, v15  }
0xd4: {  	v17 =	vor.u32 @!p4 v14, v15;
	v15 =	vand.u32 @!p4 $0x7, v16;
	v14 =	vshrl.u32 @!p4 v16, $0x3  }
0xd5: {  	v18 =	vperm.xlane @!p4 v17, v15;
	v14 =	vmul.u32 @!p4 $0x8, v14;
	_ =	sdelay $0x1  }
0xd6: {  	v18 =	vadd.s32 @!p4 v14, v18;
	_ =	sdelay $0x3  }
0xd7: {  	vm4 =	vmmov @!p4 $0xffff;
	s31 =	simm.s32 @!p4 $0x0;
	s1 =	simm.s32 @!p4 $0x11B00  }
0xd8: {  	v16 =	vor.u32 @!p4 $0x8, v16;
	[tilespmem:s1], [sflag:$0x5] =	stream.indirect_vreg.gather @!p4 [hbm4b:s5+s31], $0x80, v18, vm4, $0xb8;
	[tilespmem:$0x19B00] =	vst v63  }
0xd9: {  	v17 =	vperm.xlane @!p4 v17, v16;
	s1 =	simm.s32 @!p4 $0x12300  }
0xda: {  	[tilespmem:s1], [sflag:$0x5] =	stream.indirect_vreg.gather @!p4 [hbm4b:s7+s31], $0x80, v18, vm4, $0xb8;
	[tilespmem:$0x19B00] =	vst v63  }
0xdb: {  	v17 =	vadd.s32 @!p4 v14, v17;
	s1 =	simm.s32 @!p4 $0x12B00  }
0xdc: {  	[tilespmem:s1], [sflag:$0x5] =	stream.indirect_vreg.gather @!p4 [hbm4b:s8+s31], $0x80, v18, vm4, $0xb8;
	[tilespmem:$0x19B00] =	vst v63  }
0xdd: {  	s30 =	sadd.s32 $0x5, s21;
	s1 =	simm.s32 @!p4 $0x13300  }
0xde: {  	[tilespmem:s1], [sflag:$0x5] =	stream.indirect_vreg.gather @!p4 [hbm4b:s9+s31], $0x80, v18, vm4, $0xb8;
	[tilespmem:$0x19B00] =	vst v63  }
0xdf: {  	p5 =	sge.s32 s30, s19;
	s1 =	simm.s32 @!p4 $0x13B00  }
0xe0: {  	[tilespmem:s1], [sflag:$0x5] =	stream.indirect_vreg.gather @!p4 [hbm4b:s5+s31], $0x80, v17, vm4, $0xb8;
	[tilespmem:$0x19B00] =	vst v63  }
0xe1: {  	p6 =	seq.s32 @!p5 s21, $0x0;
	s1 =	simm.s32 @!p4 $0x14300  }
0xe2: {  	[tilespmem:s1], [sflag:$0x5] =	stream.indirect_vreg.gather @!p4 [hbm4b:s7+s31], $0x80, v17, vm4, $0xb8;
	[tilespmem:$0x19B00] =	vst v63  }
0xe3: {  	p6 =	por p6, p5;
	s1 =	simm.s32 @!p4 $0x14B00  }
0xe4: {  	[tilespmem:s1], [sflag:$0x5] =	stream.indirect_vreg.gather @!p4 [hbm4b:s8+s31], $0x80, v17, vm4, $0xb8;
	[tilespmem:$0x19B00] =	vst v63  }
0xe5: {  	s13 =	simm.s32 @!p4 $0x15300;
	s1 =	simm.s32 @!p6 $0xC  }
0xe6: {  	[tilespmem:s13], [sflag:$0x5] =	stream.indirect_vreg.gather @!p4 [hbm4b:s9+s31], $0x80, v17, vm4, $0xb8;
	[tilespmem:$0x19B00] =	vst v63  }
0xe7: {  	_ =	swait.ge @!p6 [sflag:s1], $0x4000  }
0xe8: {  	[sflag:s1] =	ssyncset.done @!p6 $0x0  }
0xe9: {  	[sflag:s1] =	ssyncadd.s32 @!p6 $0xFFFFC000  }
0xea: {  	v17 =	vld @!p5 [tilespmem:s23+$0x20];
	_ =	sdelay $0x4  }
0xeb: {  	v18 =	vshll.u32 @!p5 v17, $0x3  }
0xec: {  	v19 =	vlaneseq.u32 @!p5;
	v17 =	vand.u32 @!p5 $0x7, v17;
	v18 =	vand.u32 @!p5 $0xFFFFFFC0, v18  }
0xed: {  	v20 =	vor.u32 @!p5 v17, v18;
	v18 =	vand.u32 @!p5 $0x7, v19;
	v17 =	vshrl.u32 @!p5 v19, $0x3  }
0xee: {  	v21 =	vperm.xlane @!p5 v20, v18;
	v17 =	vmul.u32 @!p5 $0x8, v17;
	_ =	sdelay $0x1  }
0xef: {  	v21 =	vadd.s32 @!p5 v17, v21;
	_ =	sdelay $0x3  }
0xf0: {  	vm5 =	vmmov @!p5 $0xffff;
	s30 =	simm.s32 @!p5 $0x0;
	s6 =	simm.s32 @!p5 $0x15B00  }
0xf1: {  	v19 =	vor.u32 @!p5 $0x8, v19;
	[tilespmem:s6], [sflag:$0x6] =	stream.indirect_vreg.gather @!p5 [hbm4b:s5+s30], $0x80, v21, vm5, $0xb8;
	[tilespmem:$0x19B00] =	vst v63  }
0xf2: {  	s4 =	simm.s32 @!p5 $0x16300;
	v20 =	vperm.xlane @!p5 v20, v19  }
0xf3: {  	[tilespmem:s4], [sflag:$0x6] =	stream.indirect_vreg.gather @!p5 [hbm4b:s7+s30], $0x80, v21, vm5, $0xb8;
	[tilespmem:$0x19B00] =	vst v63  }
0xf4: {  	s3 =	simm.s32 @!p5 $0x16B00;
	v20 =	vadd.s32 @!p5 v17, v20  }
0xf5: {  	[tilespmem:s3], [sflag:$0x6] =	stream.indirect_vreg.gather @!p5 [hbm4b:s8+s30], $0x80, v21, vm5, $0xb8;
	[tilespmem:$0x19B00] =	vst v63  }
0xf6: {  	s1 =	simm.s32 @!p5 $0x17300  }
0xf7: {  	[tilespmem:s1], [sflag:$0x6] =	stream.indirect_vreg.gather @!p5 [hbm4b:s9+s30], $0x80, v21, vm5, $0xb8;
	[tilespmem:$0x19B00] =	vst v63  }
0xf8: {  	s29 =	simm.s32 @!p5 $0x17B00  }
0xf9: {  	[tilespmem:s29], [sflag:$0x6] =	stream.indirect_vreg.gather @!p5 [hbm4b:s5+s30], $0x80, v20, vm5, $0xb8;
	[tilespmem:$0x19B00] =	vst v63  }
0xfa: {  	s28 =	simm.s32 @!p5 $0x18300  }
0xfb: {  	[tilespmem:s28], [sflag:$0x6] =	stream.indirect_vreg.gather @!p5 [hbm4b:s7+s30], $0x80, v20, vm5, $0xb8;
	[tilespmem:$0x19B00] =	vst v63  }
0xfc: {  	s26 =	simm.s32 @!p5 $0x18B00  }
0xfd: {  	[tilespmem:s26], [sflag:$0x6] =	stream.indirect_vreg.gather @!p5 [hbm4b:s8+s30], $0x80, v20, vm5, $0xb8;
	[tilespmem:$0x19B00] =	vst v63  }
0xfe: {  	s18 =	simm.s32 @!p0 $0x1;
	s25 =	simm.s32 @!p5 $0x19300  }
0xff: {  	[tilespmem:s25], [sflag:$0x6] =	stream.indirect_vreg.gather @!p5 [hbm4b:s9+s30], $0x80, v20, vm5, $0xb8;
	[tilespmem:$0x19B00] =	vst v63  }
0x100: {  	_ =	swait.ge @!p0 [sflag:s18], $0x4000  }
0x101: {  	[sflag:s18] =	ssyncset.done @!p0 $0x0  }
0x102: {  	[sflag:s18] =	ssyncadd.s32 @!p0 $0xFFFFC000  }
0x103: {  	v20 =	vld @!p0 [tilespmem:s22+$0xFFFFFE80];
	_ =	sdelay $0x4  }
0x104: {  	v21 =	vshll.u32 @!p0 v20, $0x3  }
0x105: {  	v20 =	vand.u32 @!p0 $0x7, v20;
	v21 =	vand.u32 @!p0 $0xFFFFFFC0, v21  }
0x106: {  	v20 =	vor.u32 @!p0 v20, v21  }
0x107: {  	v3 =	vperm.xlane @!p0 v20, v3;
	_ =	sdelay $0x1  }
0x108: {  	v3 =	vadd.s32 @!p0 v2, v3;
	_ =	sdelay $0x3  }
0x109: {  	s18 =	simm.s32 @!p0 $0x1B00  }
0x10a: {  	[hbm4b:s14+s24] =	stream.indirect_vreg.scatter @!p0 [tilespmem:s18], [sflag:$0x7], $0x80, v3, vm0, $0xb8;
	[tilespmem:$0x19B00] =	vst v63  }
0x10b: {  	v4 =	vperm.xlane @!p0 v20, v4;
	s18 =	simm.s32 @!p0 $0x2300  }
0x10c: {  	[hbm4b:s10+s24] =	stream.indirect_vreg.scatter @!p0 [tilespmem:s18], [sflag:$0x7], $0x80, v3, vm0, $0xb8;
	[tilespmem:$0x19B00] =	vst v63  }
0x10d: {  	v2 =	vadd.s32 @!p0 v2, v4;
	s18 =	simm.s32 @!p0 $0x2B00  }
0x10e: {  	[hbm4b:s11+s24] =	stream.indirect_vreg.scatter @!p0 [tilespmem:s18], [sflag:$0x7], $0x80, v3, vm0, $0xb8;
	[tilespmem:$0x19B00] =	vst v63  }
0x10f: {  	s18 =	simm.s32 @!p0 $0x3300  }
0x110: {  	[hbm4b:s12+s24] =	stream.indirect_vreg.scatter @!p0 [tilespmem:s18], [sflag:$0x7], $0x80, v3, vm0, $0xb8;
	[tilespmem:$0x19B00] =	vst v63  }
0x111: {  	s18 =	simm.s32 @!p0 $0x3B00  }
0x112: {  	[hbm4b:s14+s24] =	stream.indirect_vreg.scatter @!p0 [tilespmem:s18], [sflag:$0x7], $0x80, v2, vm0, $0xb8;
	[tilespmem:$0x19B00] =	vst v63  }
0x113: {  	s18 =	simm.s32 @!p0 $0x4300  }
0x114: {  	[hbm4b:s10+s24] =	stream.indirect_vreg.scatter @!p0 [tilespmem:s18], [sflag:$0x7], $0x80, v2, vm0, $0xb8;
	[tilespmem:$0x19B00] =	vst v63  }
0x115: {  	s18 =	simm.s32 @!p0 $0x4B00  }
0x116: {  	[hbm4b:s11+s24] =	stream.indirect_vreg.scatter @!p0 [tilespmem:s18], [sflag:$0x7], $0x80, v2, vm0, $0xb8;
	[tilespmem:$0x19B00] =	vst v63  }
0x117: {  	s18 =	simm.s32 @!p0 $0x5300  }
0x118: {  	[hbm4b:s12+s24] =	stream.indirect_vreg.scatter @!p0 [tilespmem:s18], [sflag:$0x7], $0x80, v2, vm0, $0xb8;
	[tilespmem:$0x19B00] =	vst v63  }
0x119: {  	s18 =	simm.s32 @!p1 $0x2  }
0x11a: {  	_ =	swait.ge @!p1 [sflag:s18], $0x4000  }
0x11b: {  	[sflag:s18] =	ssyncset.done @!p1 $0x0  }
0x11c: {  	[sflag:s18] =	ssyncadd.s32 @!p1 $0xFFFFC000  }
0x11d: {  	v2 =	vld @!p1 [tilespmem:s22+$0xFFFFFF00];
	_ =	sdelay $0x4  }
0x11e: {  	v3 =	vshll.u32 @!p1 v2, $0x3  }
0x11f: {  	v2 =	vand.u32 @!p1 $0x7, v2;
	v3 =	vand.u32 @!p1 $0xFFFFFFC0, v3  }
0x120: {  	v2 =	vor.u32 @!p1 v2, v3  }
0x121: {  	v3 =	vperm.xlane @!p1 v2, v6;
	_ =	sdelay $0x1  }
0x122: {  	v3 =	vadd.s32 @!p1 v5, v3;
	_ =	sdelay $0x3  }
0x123: {  	s18 =	simm.s32 @!p1 $0x5B00  }
0x124: {  	[hbm4b:s14+s17] =	stream.indirect_vreg.scatter @!p1 [tilespmem:s18], [sflag:$0x8], $0x80, v3, vm1, $0xb8;
	[tilespmem:$0x19B00] =	vst v63  }
0x125: {  	v2 =	vperm.xlane @!p1 v2, v7;
	s18 =	simm.s32 @!p1 $0x6300  }
0x126: {  	[hbm4b:s10+s17] =	stream.indirect_vreg.scatter @!p1 [tilespmem:s18], [sflag:$0x8], $0x80, v3, vm1, $0xb8;
	[tilespmem:$0x19B00] =	vst v63  }
0x127: {  	v2 =	vadd.s32 @!p1 v5, v2;
	s18 =	simm.s32 @!p1 $0x6B00  }
0x128: {  	[hbm4b:s11+s17] =	stream.indirect_vreg.scatter @!p1 [tilespmem:s18], [sflag:$0x8], $0x80, v3, vm1, $0xb8;
	[tilespmem:$0x19B00] =	vst v63  }
0x129: {  	s18 =	simm.s32 @!p1 $0x7300  }
0x12a: {  	[hbm4b:s12+s17] =	stream.indirect_vreg.scatter @!p1 [tilespmem:s18], [sflag:$0x8], $0x80, v3, vm1, $0xb8;
	[tilespmem:$0x19B00] =	vst v63  }
0x12b: {  	s18 =	simm.s32 @!p1 $0x7B00  }
0x12c: {  	[hbm4b:s14+s17] =	stream.indirect_vreg.scatter @!p1 [tilespmem:s18], [sflag:$0x8], $0x80, v2, vm1, $0xb8;
	[tilespmem:$0x19B00] =	vst v63  }
0x12d: {  	s18 =	simm.s32 @!p1 $0x8300  }
0x12e: {  	[hbm4b:s10+s17] =	stream.indirect_vreg.scatter @!p1 [tilespmem:s18], [sflag:$0x8], $0x80, v2, vm1, $0xb8;
	[tilespmem:$0x19B00] =	vst v63  }
0x12f: {  	s18 =	simm.s32 @!p1 $0x8B00  }
0x130: {  	[hbm4b:s11+s17] =	stream.indirect_vreg.scatter @!p1 [tilespmem:s18], [sflag:$0x8], $0x80, v2, vm1, $0xb8;
	[tilespmem:$0x19B00] =	vst v63  }
0x131: {  	s18 =	simm.s32 @!p1 $0x9300  }
0x132: {  	[hbm4b:s12+s17] =	stream.indirect_vreg.scatter @!p1 [tilespmem:s18], [sflag:$0x8], $0x80, v2, vm1, $0xb8;
	[tilespmem:$0x19B00] =	vst v63  }
0x133: {  	s17 =	simm.s32 @!p2 $0x3  }
0x134: {  	_ =	swait.ge @!p2 [sflag:s17], $0x4000  }
0x135: {  	[sflag:s17] =	ssyncset.done @!p2 $0x0  }
0x136: {  	[sflag:s17] =	ssyncadd.s32 @!p2 $0xFFFFC000  }
0x137: {  	v2 =	vld @!p2 [tilespmem:s22+$0xFFFFFF80];
	_ =	sdelay $0x4  }
0x138: {  	v3 =	vshll.u32 @!p2 v2, $0x3  }
0x139: {  	v2 =	vand.u32 @!p2 $0x7, v2;
	v3 =	vand.u32 @!p2 $0xFFFFFFC0, v3  }
0x13a: {  	v2 =	vor.u32 @!p2 v2, v3  }
0x13b: {  	v3 =	vperm.xlane @!p2 v2, v9;
	_ =	sdelay $0x1  }
0x13c: {  	v3 =	vadd.s32 @!p2 v8, v3;
	_ =	sdelay $0x3  }
0x13d: {  	s17 =	simm.s32 @!p2 $0x9B00  }
0x13e: {  	[hbm4b:s14+s0] =	stream.indirect_vreg.scatter @!p2 [tilespmem:s17], [sflag:$0x9], $0x80, v3, vm2, $0xb8;
	[tilespmem:$0x19B00] =	vst v63  }
0x13f: {  	v2 =	vperm.xlane @!p2 v2, v10;
	s17 =	simm.s32 @!p2 $0xA300  }
0x140: {  	[hbm4b:s10+s0] =	stream.indirect_vreg.scatter @!p2 [tilespmem:s17], [sflag:$0x9], $0x80, v3, vm2, $0xb8;
	[tilespmem:$0x19B00] =	vst v63  }
0x141: {  	v2 =	vadd.s32 @!p2 v8, v2;
	s17 =	simm.s32 @!p2 $0xAB00  }
0x142: {  	[hbm4b:s11+s0] =	stream.indirect_vreg.scatter @!p2 [tilespmem:s17], [sflag:$0x9], $0x80, v3, vm2, $0xb8;
	[tilespmem:$0x19B00] =	vst v63  }
0x143: {  	s17 =	simm.s32 @!p2 $0xB300  }
0x144: {  	[hbm4b:s12+s0] =	stream.indirect_vreg.scatter @!p2 [tilespmem:s17], [sflag:$0x9], $0x80, v3, vm2, $0xb8;
	[tilespmem:$0x19B00] =	vst v63  }
0x145: {  	s17 =	simm.s32 @!p2 $0xBB00  }
0x146: {  	[hbm4b:s14+s0] =	stream.indirect_vreg.scatter @!p2 [tilespmem:s17], [sflag:$0x9], $0x80, v2, vm2, $0xb8;
	[tilespmem:$0x19B00] =	vst v63  }
0x147: {  	s17 =	simm.s32 @!p2 $0xC300  }
0x148: {  	[hbm4b:s10+s0] =	stream.indirect_vreg.scatter @!p2 [tilespmem:s17], [sflag:$0x9], $0x80, v2, vm2, $0xb8;
	[tilespmem:$0x19B00] =	vst v63  }
0x149: {  	s17 =	simm.s32 @!p2 $0xCB00  }
0x14a: {  	[hbm4b:s11+s0] =	stream.indirect_vreg.scatter @!p2 [tilespmem:s17], [sflag:$0x9], $0x80, v2, vm2, $0xb8;
	[tilespmem:$0x19B00] =	vst v63  }
0x14b: {  	s17 =	simm.s32 @!p2 $0xD300  }
0x14c: {  	[hbm4b:s12+s0] =	stream.indirect_vreg.scatter @!p2 [tilespmem:s17], [sflag:$0x9], $0x80, v2, vm2, $0xb8;
	[tilespmem:$0x19B00] =	vst v63  }
0x14d: {  	s0 =	simm.s32 @!p3 $0x4  }
0x14e: {  	_ =	swait.ge @!p3 [sflag:s0], $0x4000  }
0x14f: {  	[sflag:s0] =	ssyncset.done @!p3 $0x0  }
0x150: {  	[sflag:s0] =	ssyncadd.s32 @!p3 $0xFFFFC000  }
0x151: {  	v2 =	vld @!p3 [tilespmem:s22+$0x0];
	_ =	sdelay $0x4  }
0x152: {  	v3 =	vshll.u32 @!p3 v2, $0x3  }
0x153: {  	v2 =	vand.u32 @!p3 $0x7, v2;
	v3 =	vand.u32 @!p3 $0xFFFFFFC0, v3  }
0x154: {  	v2 =	vor.u32 @!p3 v2, v3  }
0x155: {  	v3 =	vperm.xlane @!p3 v2, v12;
	_ =	sdelay $0x1  }
0x156: {  	v3 =	vadd.s32 @!p3 v11, v3;
	_ =	sdelay $0x3  }
0x157: {  	s0 =	simm.s32 @!p3 $0xDB00  }
0x158: {  	[hbm4b:s14+s2] =	stream.indirect_vreg.scatter @!p3 [tilespmem:s0], [sflag:$0xA], $0x80, v3, vm3, $0xb8;
	[tilespmem:$0x19B00] =	vst v63  }
0x159: {  	v2 =	vperm.xlane @!p3 v2, v13;
	s0 =	simm.s32 @!p3 $0xE300  }
0x15a: {  	[hbm4b:s10+s2] =	stream.indirect_vreg.scatter @!p3 [tilespmem:s0], [sflag:$0xA], $0x80, v3, vm3, $0xb8;
	[tilespmem:$0x19B00] =	vst v63  }
0x15b: {  	v2 =	vadd.s32 @!p3 v11, v2;
	s0 =	simm.s32 @!p3 $0xEB00  }
0x15c: {  	[hbm4b:s11+s2] =	stream.indirect_vreg.scatter @!p3 [tilespmem:s0], [sflag:$0xA], $0x80, v3, vm3, $0xb8;
	[tilespmem:$0x19B00] =	vst v63  }
0x15d: {  	s0 =	simm.s32 @!p3 $0xF300  }
0x15e: {  	[hbm4b:s12+s2] =	stream.indirect_vreg.scatter @!p3 [tilespmem:s0], [sflag:$0xA], $0x80, v3, vm3, $0xb8;
	[tilespmem:$0x19B00] =	vst v63  }
0x15f: {  	s0 =	simm.s32 @!p3 $0xFB00  }
0x160: {  	[hbm4b:s14+s2] =	stream.indirect_vreg.scatter @!p3 [tilespmem:s0], [sflag:$0xA], $0x80, v2, vm3, $0xb8;
	[tilespmem:$0x19B00] =	vst v63  }
0x161: {  	s0 =	simm.s32 @!p3 $0x10300  }
0x162: {  	[hbm4b:s10+s2] =	stream.indirect_vreg.scatter @!p3 [tilespmem:s0], [sflag:$0xA], $0x80, v2, vm3, $0xb8;
	[tilespmem:$0x19B00] =	vst v63  }
0x163: {  	s0 =	simm.s32 @!p3 $0x10B00  }
0x164: {  	[hbm4b:s11+s2] =	stream.indirect_vreg.scatter @!p3 [tilespmem:s0], [sflag:$0xA], $0x80, v2, vm3, $0xb8;
	[tilespmem:$0x19B00] =	vst v63  }
0x165: {  	s0 =	simm.s32 @!p3 $0x11300  }
0x166: {  	[hbm4b:s12+s2] =	stream.indirect_vreg.scatter @!p3 [tilespmem:s0], [sflag:$0xA], $0x80, v2, vm3, $0xb8;
	[tilespmem:$0x19B00] =	vst v63  }
0x167: {  	s0 =	simm.s32 @!p4 $0x5  }
0x168: {  	_ =	swait.ge @!p4 [sflag:s0], $0x4000  }
0x169: {  	[sflag:s0] =	ssyncset.done @!p4 $0x0  }
0x16a: {  	[sflag:s0] =	ssyncadd.s32 @!p4 $0xFFFFC000  }
0x16b: {  	v2 =	vld @!p4 [tilespmem:s22+$0x80];
	_ =	sdelay $0x4  }
0x16c: {  	v3 =	vshll.u32 @!p4 v2, $0x3  }
0x16d: {  	v2 =	vand.u32 @!p4 $0x7, v2;
	v3 =	vand.u32 @!p4 $0xFFFFFFC0, v3  }
0x16e: {  	v2 =	vor.u32 @!p4 v2, v3  }
0x16f: {  	v3 =	vperm.xlane @!p4 v2, v15;
	_ =	sdelay $0x1  }
0x170: {  	v3 =	vadd.s32 @!p4 v14, v3;
	_ =	sdelay $0x3  }
0x171: {  	s0 =	simm.s32 @!p4 $0x11B00  }
0x172: {  	[hbm4b:s14+s31] =	stream.indirect_vreg.scatter @!p4 [tilespmem:s0], [sflag:$0xB], $0x80, v3, vm4, $0xb8;
	[tilespmem:$0x19B00] =	vst v63  }
0x173: {  	v2 =	vperm.xlane @!p4 v2, v16;
	s0 =	simm.s32 @!p4 $0x12300  }
0x174: {  	[hbm4b:s10+s31] =	stream.indirect_vreg.scatter @!p4 [tilespmem:s0], [sflag:$0xB], $0x80, v3, vm4, $0xb8;
	[tilespmem:$0x19B00] =	vst v63  }
0x175: {  	v2 =	vadd.s32 @!p4 v14, v2;
	s0 =	simm.s32 @!p4 $0x12B00  }
0x176: {  	[hbm4b:s11+s31] =	stream.indirect_vreg.scatter @!p4 [tilespmem:s0], [sflag:$0xB], $0x80, v3, vm4, $0xb8;
	[tilespmem:$0x19B00] =	vst v63  }
0x177: {  	s0 =	simm.s32 @!p4 $0x13300  }
0x178: {  	[hbm4b:s12+s31] =	stream.indirect_vreg.scatter @!p4 [tilespmem:s0], [sflag:$0xB], $0x80, v3, vm4, $0xb8;
	[tilespmem:$0x19B00] =	vst v63  }
0x179: {  	s0 =	simm.s32 @!p4 $0x13B00  }
0x17a: {  	[hbm4b:s14+s31] =	stream.indirect_vreg.scatter @!p4 [tilespmem:s0], [sflag:$0xB], $0x80, v2, vm4, $0xb8;
	[tilespmem:$0x19B00] =	vst v63  }
0x17b: {  	s0 =	simm.s32 @!p4 $0x14300  }
0x17c: {  	[hbm4b:s10+s31] =	stream.indirect_vreg.scatter @!p4 [tilespmem:s0], [sflag:$0xB], $0x80, v2, vm4, $0xb8;
	[tilespmem:$0x19B00] =	vst v63  }
0x17d: {  	s0 =	simm.s32 @!p4 $0x14B00  }
0x17e: {  	[hbm4b:s11+s31] =	stream.indirect_vreg.scatter @!p4 [tilespmem:s0], [sflag:$0xB], $0x80, v2, vm4, $0xb8;
	[tilespmem:$0x19B00] =	vst v63  }
0x17f: {  	s0 =	simm.s32 @!p5 $0x6  }
0x180: {  	[hbm4b:s12+s31] =	stream.indirect_vreg.scatter @!p4 [tilespmem:s13], [sflag:$0xB], $0x80, v2, vm4, $0xb8;
	[tilespmem:$0x19B00] =	vst v63  }
0x181: {  	_ =	swait.ge @!p5 [sflag:s0], $0x4000  }
0x182: {  	[sflag:s0] =	ssyncset.done @!p5 $0x0  }
0x183: {  	[sflag:s0] =	ssyncadd.s32 @!p5 $0xFFFFC000  }
0x184: {  	v2 =	vld @!p5 [tilespmem:s22+$0x100];
	_ =	sdelay $0x4  }
0x185: {  	v3 =	vshll.u32 @!p5 v2, $0x3  }
0x186: {  	v2 =	vand.u32 @!p5 $0x7, v2;
	v3 =	vand.u32 @!p5 $0xFFFFFFC0, v3  }
0x187: {  	v2 =	vor.u32 @!p5 v2, v3  }
0x188: {  	v3 =	vperm.xlane @!p5 v2, v18;
	_ =	sdelay $0x1  }
0x189: {  	v3 =	vadd.s32 @!p5 v17, v3;
	_ =	sdelay $0x4  }
0x18a: {  	[hbm4b:s14+s30] =	stream.indirect_vreg.scatter @!p5 [tilespmem:s6], [sflag:$0xC], $0x80, v3, vm5, $0xb8;
	[tilespmem:$0x19B00] =	vst v63  }
0x18b: {  	v2 =	vperm.xlane @!p5 v2, v19  }
0x18c: {  	[hbm4b:s10+s30] =	stream.indirect_vreg.scatter @!p5 [tilespmem:s4], [sflag:$0xC], $0x80, v3, vm5, $0xb8;
	[tilespmem:$0x19B00] =	vst v63  }
0x18d: {  	v2 =	vadd.s32 @!p5 v17, v2  }
0x18e: {  	[hbm4b:s11+s30] =	stream.indirect_vreg.scatter @!p5 [tilespmem:s3], [sflag:$0xC], $0x80, v3, vm5, $0xb8;
	[tilespmem:$0x19B00] =	vst v63  }
0x18f: {  	_ = 	snop  }
0x190: {  	[hbm4b:s12+s30] =	stream.indirect_vreg.scatter @!p5 [tilespmem:s1], [sflag:$0xC], $0x80, v3, vm5, $0xb8;
	[tilespmem:$0x19B00] =	vst v63  }
0x191: {  	s20 =	sadd.s32 $0xFFFFFFFF, s20  }
0x192: {  	[hbm4b:s14+s30] =	stream.indirect_vreg.scatter @!p5 [tilespmem:s29], [sflag:$0xC], $0x80, v2, vm5, $0xb8;
	[tilespmem:$0x19B00] =	vst v63  }
0x193: {  	p0 =	sne.s32 s20, $0x0  }
0x194: {  	[hbm4b:s10+s30] =	stream.indirect_vreg.scatter @!p5 [tilespmem:s28], [sflag:$0xC], $0x80, v2, vm5, $0xb8;
	[tilespmem:$0x19B00] =	vst v63  }
.Ltmp5:
0x195: {  	_ = 	snop;
	(pc) =	sbr.rel @p0 .LBB2_7-.Ltmp5, $4  }
0x196: {  	_ = 	snop  }
0x197: {  	[hbm4b:s11+s30] =	stream.indirect_vreg.scatter @!p5 [tilespmem:s26], [sflag:$0xC], $0x80, v2, vm5, $0xb8;
	[tilespmem:$0x19B00] =	vst v63  }
0x198: {  	s21 =	sadd.s32 $0x6, s21;
	s23 =	sadd.s32 $0x60, s23;
	s22 =	sadd.s32 $0x300, s22  }
0x199: {  	[hbm4b:s12+s30] =	stream.indirect_vreg.scatter @!p5 [tilespmem:s25], [sflag:$0xC], $0x80, v2, vm5, $0xb8;
	[tilespmem:$0x19B00] =	vst v63  }
.LBB2_8:
0x19a: {  	p0 =	slt.s32 s19, $0x1  }
.Ltmp6:
0x19b: {  	_ = 	snop;
	(pc) =	sbr.rel @p0 .LBB2_10-.Ltmp6, $2  }
0x19c: {  	_ =	sdelay $0x2  }
0x19d: {  	s1 =	rddreg [dreg:$0x6]  }
0x19e: {  	p0 =	seq.s32 s19, $0x1  }
0x19f: {  	p1 =	slt.u32 @!p0 s19, $0x3  }
0x1a0: {  	s0 =	simm.s32 $0x7;
	p2 =	por p1, p0  }
0x1a1: {  	_ =	swait.ge [sflag:s0], $0x4000;
	p3 =	seq.s32 @!p2 s19, $0x3  }
0x1a2: {  	[sflag:s0] =	ssyncset.done $0x0;
	s2 =	simm.s32 @!p3 $0x0;
	p4 =	por @!p0 p3, p1  }
0x1a3: {  	[sflag:s0] =	ssyncadd.s32 $0xFFFFC000;
	s2 =	simm.s32 @p3 $0x1;
	p4 =	por p4, p0  }
0x1a4: {  	s0 =	simm.s32 @!p0 $0x8;
	[smem:$0x7FD] =	sst s2;
	p5 =	slt.u32 @!p4 s19, $0x5  }
0x1a5: {  	_ =	swait.ge @!p0 [sflag:s0], $0x4000;
	s2 =	simm.s32 @!p5 $0x0  }
0x1a6: {  	[sflag:s0] =	ssyncset.done @!p0 $0x0;
	s2 =	simm.s32 @p5 $0x1  }
0x1a7: {  	[sflag:s0] =	ssyncadd.s32 @!p0 $0xFFFFC000;
	s0 =	simm.s32 @!p2 $0x9;
	[smem:$0x7FC] =	sst s2  }
0x1a8: {  	_ =	swait.ge @!p2 [sflag:s0], $0x4000  }
0x1a9: {  	[sflag:s0] =	ssyncset.done @!p2 $0x0  }
0x1aa: {  	[sflag:s0] =	ssyncadd.s32 @!p2 $0xFFFFC000;
	s0 =	simm.s32 @!p4 $0xA  }
0x1ab: {  	_ =	swait.ge @!p4 [sflag:s0], $0x4000  }
0x1ac: {  	p6 =	por @!p2 p5, p3;
	s30 =	sld [smem:$0x7FC]  }
0x1ad: {  	p6 =	por @!p0 p6, p1;
	s31 =	sld [smem:$0x7FD]  }
0x1ae: {  	p6 =	por p6, p0  }
0x1af: {  	p5 =	seq.s32 @!p6 s19, $0x5;
	p3 =	seq.s32 s30, $0x1  }
0x1b0: {  	[sflag:s0] =	ssyncset.done @!p4 $0x0;
	p5 =	por @!p4 p5, p3;
	p3 =	seq.s32 s31, $0x1  }
0x1b1: {  	[sflag:s0] =	ssyncadd.s32 @!p4 $0xFFFFC000;
	s0 =	simm.s32 @!p6 $0xB;
	p2 =	por @!p2 p5, p3  }
0x1b2: {  	_ =	swait.ge @!p6 [sflag:s0], $0x4000;
	p1 =	por @!p0 p2, p1  }
.Ltmp7:
0x1b3: {  	[sflag:s0] =	ssyncset.done @!p6 $0x0;
	p0 =	por p1, p0;
	(pc) =	sbr.rel .LBB2_10-.Ltmp7, $4  }
0x1b4: {  	[sflag:s0] =	ssyncadd.s32 @!p6 $0xFFFFC000;
	s0 =	simm.s32 @!p0 $0xC  }
0x1b5: {  	_ =	swait.ge @!p0 [sflag:s0], $0x4000  }
0x1b6: {  	[sflag:s0] =	ssyncset.done @!p0 $0x0  }
0x1b7: {  	[sflag:s0] =	ssyncadd.s32 @!p0 $0xFFFFC000  }
.LBB2_11:
0x1b8: {  	_ =	sfence.sel $0x180000  }
0x1b9: {  	[bflag:$0x0] =	sbarrier.arrive $0xFFFF  }
0x1ba: {  	_ =	strace $0x9000004A  }
0x1bb: {  	s0 =	stileid.u32;
	[bflag:$0x2] =	sbarrier.arrive $0xFFFF  }
0x1bc: {  	p0 =	sne.s32 s0, $0x0;
	s0 =	rddreg [dreg:$0x2]  }
0x1bd: {  	s0 =	sadd.s32 @!p0 $0x100000, s0  }
0x1be: {  	[sflag:s0] =	ssyncadd.tile.s32 @!p0 $0x1;
	_ =	shalt  }
.Lfunc_end2:
_tile_overlayer_lowered:
.L_overlay_start_2:
0x1bf: {  	(tag) =	ssettag $0x2  }
0x1c0: {  	s0 =	rddreg [dreg:$0x0];
	s2 =	stileid.u32  }
0x1c1: {  	s1 =	rddreg [dreg:$0x1];
	p0 =	sne.s32 s2, $0x0  }
0x1c2: {  	s3 =	rddreg [dreg:$0x2];
	[bflag:$0x3] =	sbarrier.arrive $0xFFFF;
	s2 =	simm.s32 @!p0 $0x1C0D  }
0x1c3: {  	[timem:s3], [sflag:s2] =	dma.local @!p0 [hbm:s0], s1  }
0x1c4: {  	s0 =	simm.s32 @!p0 $0xD  }
0x1c5: {  	_ =	swait.ge @!p0 [sflag:s0], s1  }
0x1c6: {  	s1 =	ssub.s32 @!p0 $0x0, s1;
	[sflag:s0] =	ssyncset.done @!p0 $0x0  }
0x1c7: {  	[sflag:s0] =	ssyncadd.s32 @!p0 s1  }
0x1c8: {  	[bflag:$0x3] =	sbarrier.arrive $0xFFFF  }
0x1c9: {  	_ =	shalt  }

</sc_bundles>
